<compile_context>
chip_gen: v7x
topology: tpu7x:2x2x1
jax: 0.10.2.dev20260603
libtpu: 0.0.44.dev20260713+nightly
codegen_flags: <defaults>
</compile_context>

<pallas_src>
import functools

import jax
import jax.numpy as jnp
from jax import lax
from jax.experimental import pallas as pl
from jax.experimental.pallas import tpu as pltpu
from jax.experimental.pallas import tpu_sc as plsc

N = 10000
E = 320000
D = 128
LEAKY_SLOPE = 0.01

NC = 2
NS = 16
NW = NC * NS
EP = E // NW
CHUNK = 80
NCHUNK = EP // CHUNK
NROWS = 10240
TRASH = N
RPT = NROWS // NS

_mesh = plsc.VectorSubcoreMesh(core_axis_name="c", subcore_axis_name="s")


@functools.partial(
    pl.kernel,
    out_type=(
        jax.ShapeDtypeStruct((NC * NROWS,), jnp.float32),
        jax.ShapeDtypeStruct((NC * NROWS,), jnp.float32),
    ),
    mesh=_mesh,
    scratch_types=[
        pltpu.VMEM((EP,), jnp.int32),
        pltpu.VMEM((EP,), jnp.int32),
        pltpu.VMEM((CHUNK,), jnp.int32),
        pltpu.VMEM((CHUNK,), jnp.int32),
        pltpu.VMEM((CHUNK,), jnp.float32),
        pltpu.VMEM((RPT,), jnp.float32),
        pltpu.VMEM_SHARED((NROWS,), jnp.float32),
        pltpu.VMEM_SHARED((NROWS,), jnp.float32),
    ],
)
def _deg_kernel(src_hbm, dst_hbm, dout_hbm, din_hbm,
                srcv, dstv, sidx, didx, onesv, zv, sh_out, sh_in):
    cid = lax.axis_index("c")
    sid = lax.axis_index("s")
    wid = sid * NC + cid
    base = wid * EP

    pltpu.sync_copy(src_hbm.at[pl.ds(base, EP)], srcv)
    pltpu.sync_copy(dst_hbm.at[pl.ds(base, EP)], dstv)

    for g in range(RPT // 16):
        zv[pl.ds(g * 16, 16)] = jnp.zeros((16,), jnp.float32)
    pltpu.sync_copy(zv, sh_out.at[pl.ds(sid * RPT, RPT)])
    pltpu.sync_copy(zv, sh_in.at[pl.ds(sid * RPT, RPT)])
    for g in range(CHUNK // 16):
        onesv[pl.ds(g * 16, 16)] = jnp.ones((16,), jnp.float32)
    plsc.subcore_barrier()

    def body(j, carry):
        off = j * CHUNK
        for g in range(CHUNK // 16):
            s16 = srcv[pl.ds(off + g * 16, 16)]
            d16 = dstv[pl.ds(off + g * 16, 16)]
            m = s16 != d16
            sidx[pl.ds(g * 16, 16)] = jnp.where(m, s16, TRASH)
            didx[pl.ds(g * 16, 16)] = jnp.where(m, d16, TRASH)
        pltpu.sync_copy(onesv, sh_out.at[sidx], add=True)
        pltpu.sync_copy(onesv, sh_in.at[didx], add=True)
        return carry

    lax.fori_loop(0, NCHUNK, body, 0)
    plsc.subcore_barrier()

    out_off = cid * NROWS + sid * RPT
    pltpu.sync_copy(sh_out.at[pl.ds(sid * RPT, RPT)],
                    dout_hbm.at[pl.ds(out_off, RPT)])
    pltpu.sync_copy(sh_in.at[pl.ds(sid * RPT, RPT)],
                    din_hbm.at[pl.ds(out_off, RPT)])


@functools.partial(
    pl.kernel,
    out_type=jax.ShapeDtypeStruct((NC * NROWS, D), jnp.float32),
    mesh=_mesh,
    scratch_types=[
        [pltpu.VMEM((CHUNK,), jnp.int32) for _ in range(6)],
        [pltpu.VMEM((CHUNK,), jnp.int32) for _ in range(6)],
        [pltpu.VMEM((CHUNK,), jnp.int32) for _ in range(4)],
        [pltpu.VMEM((CHUNK, D), jnp.float32) for _ in range(4)],
        pltpu.VMEM_SHARED((NROWS, D), jnp.float32),
        [pltpu.SemaphoreType.DMA for _ in range(6)],
        [pltpu.SemaphoreType.DMA for _ in range(4)],
        [pltpu.SemaphoreType.DMA for _ in range(4)],
    ],
)
def _agg_kernel(h_hbm, src_hbm, dst_hbm, zeros_hbm, agg_hbm,
                srcc, dstc, didx, rows, sh_agg, esem, gsem, ssem):
    cid = lax.axis_index("c")
    sid = lax.axis_index("s")
    wid = sid * NC + cid
    base = wid * EP

    pltpu.sync_copy(zeros_hbm.at[pl.ds(sid * RPT, RPT)],
                    sh_agg.at[pl.ds(sid * RPT, RPT)])

    def fire_eload(j, ph):
        m = ph % 6
        off = base + j * CHUNK
        pltpu.async_copy(src_hbm.at[pl.ds(off, CHUNK)], srcc[m], esem[m])
        pltpu.async_copy(dst_hbm.at[pl.ds(off, CHUNK)], dstc[m], esem[m])

    def wait_eload(j, ph):
        m = ph % 6
        off = base + j * CHUNK
        pltpu.make_async_copy(
            src_hbm.at[pl.ds(off, CHUNK)], srcc[m], esem[m]).wait()
        pltpu.make_async_copy(
            dst_hbm.at[pl.ds(off, CHUNK)], dstc[m], esem[m]).wait()

    def fire_gather(j, ph):
        m, r = ph % 6, ph % 4
        pltpu.async_copy(h_hbm.at[srcc[m]], rows[r], gsem[r])

    def wait_gather(j, ph):
        m, r = ph % 6, ph % 4
        pltpu.make_async_copy(h_hbm.at[srcc[m]], rows[r], gsem[r]).wait()

    def fire_scatter(j, ph):
        m, r = ph % 6, ph % 4
        for g in range(CHUNK // 16):
            s16 = srcc[m][pl.ds(g * 16, 16)]
            d16 = dstc[m][pl.ds(g * 16, 16)]
            didx[r][pl.ds(g * 16, 16)] = jnp.where(s16 != d16, d16, TRASH)
        pltpu.async_copy(rows[r], sh_agg.at[didx[r]], ssem[r], add=True)

    def wait_scatter(j, ph):
        m, r = ph % 6, ph % 4
        pltpu.make_async_copy(rows[r], sh_agg.at[didx[r]], ssem[r]).wait()

    plsc.subcore_barrier()

    for j in range(4):
        fire_eload(j, j)
    wait_eload(0, 0)
    fire_gather(0, 0)
    wait_eload(1, 1)
    fire_gather(1, 1)
    fire_eload(4, 4)
    wait_eload(2, 2)
    fire_gather(2, 2)
    wait_gather(0, 0)
    fire_scatter(0, 0)
    fire_eload(5, 5)
    wait_eload(3, 3)
    fire_gather(3, 3)
    wait_gather(1, 1)
    fire_scatter(1, 1)

    def stage(j, ph):
        wait_scatter(j - 2, ph - 2)
        fire_eload(j + 4, ph + 4)
        wait_eload(j + 2, ph + 2)
        fire_gather(j + 2, ph + 2)
        wait_gather(j, ph)
        fire_scatter(j, ph)

    def body(t, carry):
        jb = 2 + t * 12
        for k in range(12):
            stage(jb + k, 2 + k)
        return carry

    lax.fori_loop(0, 9, body, 0)
    for j in range(110, 125):
        wait_scatter(j - 2, j - 2)
        if j + 4 < NCHUNK:
            fire_eload(j + 4, j + 4)
        if j + 2 < NCHUNK:
            wait_eload(j + 2, j + 2)
            fire_gather(j + 2, j + 2)
        wait_gather(j, j)
        fire_scatter(j, j)
    wait_scatter(NCHUNK - 2, NCHUNK - 2)
    wait_scatter(NCHUNK - 1, NCHUNK - 1)
    plsc.subcore_barrier()

    out_off = cid * NROWS + sid * RPT
    pltpu.sync_copy(sh_agg.at[pl.ds(sid * RPT, RPT)],
                    agg_hbm.at[pl.ds(out_off, RPT)])


_BM = 1000
_BMF = 2000


def _mm_scale_body(x_ref, w_ref, dout_ref, h_ref):
    xw = jnp.dot(x_ref[...], w_ref[...], preferred_element_type=jnp.float32)
    deg = dout_ref[0, :, 0] + dout_ref[1, :, 0] + 1.0
    h_ref[...] = xw * lax.rsqrt(deg)[:, None]


def _mm_scale(x, W, dout):
    return pl.pallas_call(
        _mm_scale_body,
        grid=(N // _BM,),
        in_specs=[
            pl.BlockSpec((_BM, D), lambda i: (i, 0)),
            pl.BlockSpec((D, D), lambda i: (0, 0)),
            pl.BlockSpec((NC, _BM, 1), lambda i: (0, i, 0)),
        ],
        out_specs=pl.BlockSpec((_BM, D), lambda i: (i, 0)),
        out_shape=jax.ShapeDtypeStruct((N, D), jnp.float32),
    )(x, W, dout)


def _final_body(agg_ref, h_ref, din_ref, b_ref, o_ref):
    deg = din_ref[0, :, 0] + din_ref[1, :, 0] + 1.0
    s = agg_ref[0] + agg_ref[1] + h_ref[...]
    out = s * lax.rsqrt(deg)[:, None] + b_ref[0, :]
    o_ref[...] = jnp.where(out >= 0, out, LEAKY_SLOPE * out)


def _final(agg, h, din, b):
    return pl.pallas_call(
        _final_body,
        grid=(N // _BMF,),
        in_specs=[
            pl.BlockSpec((NC, _BMF, D), lambda i: (0, i, 0)),
            pl.BlockSpec((_BMF, D), lambda i: (i, 0)),
            pl.BlockSpec((NC, _BMF, 1), lambda i: (0, i, 0)),
            pl.BlockSpec((1, D), lambda i: (0, 0)),
        ],
        out_specs=pl.BlockSpec((_BMF, D), lambda i: (i, 0)),
        out_shape=jax.ShapeDtypeStruct((N, D), jnp.float32),
    )(agg, h, din, b)


def kernel(x, edge_index, W, b):
    src = edge_index[0]
    dst = edge_index[1]
    zeros = jnp.zeros((NROWS, D), jnp.float32)
    dout, din = _deg_kernel(src, dst)
    dout = dout.reshape(NC, NROWS, 1)
    din = din.reshape(NC, NROWS, 1)

    h = _mm_scale(x, W, dout)
    agg = _agg_kernel(h, src, dst, zeros)
    agg = agg.reshape(NC, NROWS, D)
    out = _final(agg, h, din, b.reshape(1, D))
    return out

# --- scband reference (transcript-rebuilt; emitter-appended) ---
"""Pipeline reference for scband-gcn-layer-39453569581648 (READ-ONLY COPY).

The authoritative reference and input builder live on the scoring server;
editing this copy changes nothing except your own understanding.
"""

import jax, jax.numpy as jnp
import numpy as np

N = 10000
E = 320000
D_IN = 128
D_OUT = 128
LEAKY_SLOPE = 0.01


def setup_inputs(seed: int = 0) -> dict:
    key = jax.random.key(seed)
    k1, k2, k3 = jax.random.split(key, 3)
    x = jax.random.normal(k1, (N, D_IN), dtype=jnp.float32)
    edge_index = jax.random.randint(k2, (2, E), 0, N, dtype=jnp.int32)
    # GraphConv weight (glorot) and bias (zeros), per DGL defaults
    limit = float(np.sqrt(6.0 / (D_IN + D_OUT)))
    W = jax.random.uniform(k3, (D_IN, D_OUT), dtype=jnp.float32, minval=-limit, maxval=limit)
    b = jnp.zeros((D_OUT,), dtype=jnp.float32)
    return {"x": x, "edge_index": edge_index, "W": W, "b": b}


def reference(x, edge_index, W, b):
    # DGL semantics: remove_self_loop then add_self_loop => exactly one self loop per node.
    src = edge_index[0]
    dst = edge_index[1]
    not_self = (src != dst).astype(x.dtype)  # mask out pre-existing self loops

    # degrees after self-loop normalization (each node gets +1 from its self loop)
    out_deg = jnp.zeros((N,), x.dtype).at[src].add(not_self) + 1.0
    in_deg = jnp.zeros((N,), x.dtype).at[dst].add(not_self) + 1.0

    # GraphConv norm='both': h = D_in^{-1/2} A_hat D_out^{-1/2} (x W) + b
    xw = x @ W
    h = xw * jax.lax.rsqrt(out_deg)[:, None]

    msg = jnp.take(h, src, axis=0) * not_self[:, None]
    agg = jnp.zeros((N, D_OUT), x.dtype).at[dst].add(msg)
    agg = agg + h  # contribution of the added self loops

    out = agg * jax.lax.rsqrt(in_deg)[:, None] + b

    # is_final_layer=False -> LeakyReLU activation, module returns (g, out); we return out
    out = jnp.where(out >= 0, out, LEAKY_SLOPE * out)
    return out

if __name__ == "__main__":
    import jax
    _d = setup_inputs()
    print(jax.jit(kernel)(*tuple(_d.values())))

</pallas_src>

<mosaic_0001>
#map = affine_map<(d0, d1) -> (0)>
module attributes {stable_mosaic.version = 14 : i64} {
  func.func @_deg_kernel(%arg0: i32, %arg1: i32, %arg2: memref<320000xi32, #tpu.memory_space<hbm>>, %arg3: memref<320000xi32, #tpu.memory_space<hbm>>, %arg4: memref<20480xf32, #tpu.memory_space<hbm>>, %arg5: memref<20480xf32, #tpu.memory_space<hbm>>, %arg6: memref<10000xi32, #tpu.memory_space<vmem>>, %arg7: memref<10000xi32, #tpu.memory_space<vmem>>, %arg8: memref<80xi32, #tpu.memory_space<vmem>>, %arg9: memref<80xi32, #tpu.memory_space<vmem>>, %arg10: memref<80xf32, #tpu.memory_space<vmem>>, %arg11: memref<640xf32, #tpu.memory_space<vmem>>, %arg12: memref<10240xf32, #tpu.memory_space<vmem_shared>>, %arg13: memref<10240xf32, #tpu.memory_space<vmem_shared>>) attributes {dimension_semantics = [#tpu.dimension_semantics<core_parallel>, #tpu.dimension_semantics<subcore_parallel>], iteration_bounds = array<i64: 2, 16>, scalar_prefetch = 0 : i64, scratch_operands = 8 : i64, tpu.core_type = #tpu.core_type<sc_vector_subcore>, window_params = [{transform_indices = #map}, {transform_indices = #map}, {transform_indices = #map}, {transform_indices = #map}]} {
    %mul3A = arith.constant 2 : i32
    %mul3A_0 = arith.muli %arg1, %mul3A : i32
    %add3A = arith.addi %mul3A_0, %arg0 : i32
    %mul3A_1 = arith.constant 10000 : i32
    %mul3A_2 = arith.muli %add3A, %mul3A_1 : i32
    "tpu.region"() ({
      %run_scoped3A = tpu.sem_alloc : memref<!tpu.dma_semaphore, #tpu.memory_space<semaphore_mem>>
      %dma_start3A = tpu.memref_slice %arg2[%mul3A_2] : memref<320000xi32, #tpu.memory_space<hbm>> -> memref<10000xi32, #tpu.memory_space<hbm>>
      %dma_start3A_290 = tpu.memref_slice %arg2[%mul3A_2] : memref<320000xi32, #tpu.memory_space<hbm>> -> memref<10000xi32, #tpu.memory_space<hbm>>
      tpu.enqueue_dma source(%dma_start3A_290 : memref<10000xi32, #tpu.memory_space<hbm>>) target(%arg6 : memref<10000xi32, #tpu.memory_space<vmem>>) target_semaphore(%run_scoped3A : memref<!tpu.dma_semaphore, #tpu.memory_space<semaphore_mem>>)
      %dma_wait3A = tpu.memref_slice %arg2[%mul3A_2] : memref<320000xi32, #tpu.memory_space<hbm>> -> memref<10000xi32, #tpu.memory_space<hbm>>
      %dma_wait3A_291 = tpu.memref_slice %arg2[%mul3A_2] : memref<320000xi32, #tpu.memory_space<hbm>> -> memref<10000xi32, #tpu.memory_space<hbm>>
      tpu.wait_dma2 semaphore(%run_scoped3A : memref<!tpu.dma_semaphore, #tpu.memory_space<semaphore_mem>>) src(%dma_wait3A_291 : memref<10000xi32, #tpu.memory_space<hbm>>) dst(%arg6 : memref<10000xi32, #tpu.memory_space<vmem>>)
      tpu.yield
    }) : () -> ()
    "tpu.region"() ({
      %run_scoped3A = tpu.sem_alloc : memref<!tpu.dma_semaphore, #tpu.memory_space<semaphore_mem>>
      %dma_start3A = tpu.memref_slice %arg3[%mul3A_2] : memref<320000xi32, #tpu.memory_space<hbm>> -> memref<10000xi32, #tpu.memory_space<hbm>>
      %dma_start3A_290 = tpu.memref_slice %arg3[%mul3A_2] : memref<320000xi32, #tpu.memory_space<hbm>> -> memref<10000xi32, #tpu.memory_space<hbm>>
      tpu.enqueue_dma source(%dma_start3A_290 : memref<10000xi32, #tpu.memory_space<hbm>>) target(%arg7 : memref<10000xi32, #tpu.memory_space<vmem>>) target_semaphore(%run_scoped3A : memref<!tpu.dma_semaphore, #tpu.memory_space<semaphore_mem>>)
      %dma_wait3A = tpu.memref_slice %arg3[%mul3A_2] : memref<320000xi32, #tpu.memory_space<hbm>> -> memref<10000xi32, #tpu.memory_space<hbm>>
      %dma_wait3A_291 = tpu.memref_slice %arg3[%mul3A_2] : memref<320000xi32, #tpu.memory_space<hbm>> -> memref<10000xi32, #tpu.memory_space<hbm>>
      tpu.wait_dma2 semaphore(%run_scoped3A : memref<!tpu.dma_semaphore, #tpu.memory_space<semaphore_mem>>) src(%dma_wait3A_291 : memref<10000xi32, #tpu.memory_space<hbm>>) dst(%arg7 : memref<10000xi32, #tpu.memory_space<vmem>>)
      tpu.yield
    }) : () -> ()
    %broadcast_in_dim3A = arith.constant 0.000000e+00 : f32
    %broadcast_in_dim3A_3 = vector.broadcast %broadcast_in_dim3A : f32 to vector<16xf32>
    %swap3A = arith.constant 0 : index
    %swap3A_4 = tpu.vector_load %arg11[%swap3A] {strides = array<i32>} : memref<640xf32, #tpu.memory_space<vmem>>, vector<16xf32>,
    %swap3A_5 = vector.shape_cast %swap3A_4 : vector<16xf32> to vector<16xf32>
    %swap3A_6 = vector.shape_cast %broadcast_in_dim3A_3 : vector<16xf32> to vector<16xf32>
    tpu.vector_store %arg11[%swap3A], %swap3A_6 {strides = array<i32>} : memref<640xf32, #tpu.memory_space<vmem>>, vector<16xf32>,
    %broadcast_in_dim3A_7 = arith.constant 0.000000e+00 : f32
    %broadcast_in_dim3A_8 = vector.broadcast %broadcast_in_dim3A_7 : f32 to vector<16xf32>
    %swap3A_9 = arith.constant 16 : index
    %swap3A_10 = tpu.vector_load %arg11[%swap3A_9] {strides = array<i32>} : memref<640xf32, #tpu.memory_space<vmem>>, vector<16xf32>,
    %swap3A_11 = vector.shape_cast %swap3A_10 : vector<16xf32> to vector<16xf32>
    %swap3A_12 = vector.shape_cast %broadcast_in_dim3A_8 : vector<16xf32> to vector<16xf32>
    tpu.vector_store %arg11[%swap3A_9], %swap3A_12 {strides = array<i32>} : memref<640xf32, #tpu.memory_space<vmem>>, vector<16xf32>,
    %broadcast_in_dim3A_13 = arith.constant 0.000000e+00 : f32
    %broadcast_in_dim3A_14 = vector.broadcast %broadcast_in_dim3A_13 : f32 to vector<16xf32>
    %swap3A_15 = arith.constant 32 : index
    %swap3A_16 = tpu.vector_load %arg11[%swap3A_15] {strides = array<i32>} : memref<640xf32, #tpu.memory_space<vmem>>, vector<16xf32>,
    %swap3A_17 = vector.shape_cast %swap3A_16 : vector<16xf32> to vector<16xf32>
    %swap3A_18 = vector.shape_cast %broadcast_in_dim3A_14 : vector<16xf32> to vector<16xf32>
    tpu.vector_store %arg11[%swap3A_15], %swap3A_18 {strides = array<i32>} : memref<640xf32, #tpu.memory_space<vmem>>, vector<16xf32>,
    %broadcast_in_dim3A_19 = arith.constant 0.000000e+00 : f32
    %broadcast_in_dim3A_20 = vector.broadcast %broadcast_in_dim3A_19 : f32 to vector<16xf32>
    %swap3A_21 = arith.constant 48 : index
    %swap3A_22 = tpu.vector_load %arg11[%swap3A_21] {strides = array<i32>} : memref<640xf32, #tpu.memory_space<vmem>>, vector<16xf32>,
    %swap3A_23 = vector.shape_cast %swap3A_22 : vector<16xf32> to vector<16xf32>
    %swap3A_24 = vector.shape_cast %broadcast_in_dim3A_20 : vector<16xf32> to vector<16xf32>
    tpu.vector_store %arg11[%swap3A_21], %swap3A_24 {strides = array<i32>} : memref<640xf32, #tpu.memory_space<vmem>>, vector<16xf32>,
    %broadcast_in_dim3A_25 = arith.constant 0.000000e+00 : f32
    %broadcast_in_dim3A_26 = vector.broadcast %broadcast_in_dim3A_25 : f32 to vector<16xf32>
    %swap3A_27 = arith.constant 64 : index
    %swap3A_28 = tpu.vector_load %arg11[%swap3A_27] {strides = array<i32>} : memref<640xf32, #tpu.memory_space<vmem>>, vector<16xf32>,
    %swap3A_29 = vector.shape_cast %swap3A_28 : vector<16xf32> to vector<16xf32>
    %swap3A_30 = vector.shape_cast %broadcast_in_dim3A_26 : vector<16xf32> to vector<16xf32>
    tpu.vector_store %arg11[%swap3A_27], %swap3A_30 {strides = array<i32>} : memref<640xf32, #tpu.memory_space<vmem>>, vector<16xf32>,
    %broadcast_in_dim3A_31 = arith.constant 0.000000e+00 : f32
    %broadcast_in_dim3A_32 = vector.broadcast %broadcast_in_dim3A_31 : f32 to vector<16xf32>
    %swap3A_33 = arith.constant 80 : index
    %swap3A_34 = tpu.vector_load %arg11[%swap3A_33] {strides = array<i32>} : memref<640xf32, #tpu.memory_space<vmem>>, vector<16xf32>,
    %swap3A_35 = vector.shape_cast %swap3A_34 : vector<16xf32> to vector<16xf32>
    %swap3A_36 = vector.shape_cast %broadcast_in_dim3A_32 : vector<16xf32> to vector<16xf32>
    tpu.vector_store %arg11[%swap3A_33], %swap3A_36 {strides = array<i32>} : memref<640xf32, #tpu.memory_space<vmem>>, vector<16xf32>,
    %broadcast_in_dim3A_37 = arith.constant 0.000000e+00 : f32
    %broadcast_in_dim3A_38 = vector.broadcast %broadcast_in_dim3A_37 : f32 to vector<16xf32>
    %swap3A_39 = arith.constant 96 : index
    %swap3A_40 = tpu.vector_load %arg11[%swap3A_39] {strides = array<i32>} : memref<640xf32, #tpu.memory_space<vmem>>, vector<16xf32>,
    %swap3A_41 = vector.shape_cast %swap3A_40 : vector<16xf32> to vector<16xf32>
    %swap3A_42 = vector.shape_cast %broadcast_in_dim3A_38 : vector<16xf32> to vector<16xf32>
    tpu.vector_store %arg11[%swap3A_39], %swap3A_42 {strides = array<i32>} : memref<640xf32, #tpu.memory_space<vmem>>, vector<16xf32>,
    %broadcast_in_dim3A_43 = arith.constant 0.000000e+00 : f32
    %broadcast_in_dim3A_44 = vector.broadcast %broadcast_in_dim3A_43 : f32 to vector<16xf32>
    %swap3A_45 = arith.constant 112 : index
    %swap3A_46 = tpu.vector_load %arg11[%swap3A_45] {strides = array<i32>} : memref<640xf32, #tpu.memory_space<vmem>>, vector<16xf32>,
    %swap3A_47 = vector.shape_cast %swap3A_46 : vector<16xf32> to vector<16xf32>
    %swap3A_48 = vector.shape_cast %broadcast_in_dim3A_44 : vector<16xf32> to vector<16xf32>
    tpu.vector_store %arg11[%swap3A_45], %swap3A_48 {strides = array<i32>} : memref<640xf32, #tpu.memory_space<vmem>>, vector<16xf32>,
    %broadcast_in_dim3A_49 = arith.constant 0.000000e+00 : f32
    %broadcast_in_dim3A_50 = vector.broadcast %broadcast_in_dim3A_49 : f32 to vector<16xf32>
    %swap3A_51 = arith.constant 128 : index
    %swap3A_52 = tpu.vector_load %arg11[%swap3A_51] {strides = array<i32>} : memref<640xf32, #tpu.memory_space<vmem>>, vector<16xf32>,
    %swap3A_53 = vector.shape_cast %swap3A_52 : vector<16xf32> to vector<16xf32>
    %swap3A_54 = vector.shape_cast %broadcast_in_dim3A_50 : vector<16xf32> to vector<16xf32>
    tpu.vector_store %arg11[%swap3A_51], %swap3A_54 {strides = array<i32>} : memref<640xf32, #tpu.memory_space<vmem>>, vector<16xf32>,
    %broadcast_in_dim3A_55 = arith.constant 0.000000e+00 : f32
    %broadcast_in_dim3A_56 = vector.broadcast %broadcast_in_dim3A_55 : f32 to vector<16xf32>
    %swap3A_57 = arith.constant 144 : index
    %swap3A_58 = tpu.vector_load %arg11[%swap3A_57] {strides = array<i32>} : memref<640xf32, #tpu.memory_space<vmem>>, vector<16xf32>,
    %swap3A_59 = vector.shape_cast %swap3A_58 : vector<16xf32> to vector<16xf32>
    %swap3A_60 = vector.shape_cast %broadcast_in_dim3A_56 : vector<16xf32> to vector<16xf32>
    tpu.vector_store %arg11[%swap3A_57], %swap3A_60 {strides = array<i32>} : memref<640xf32, #tpu.memory_space<vmem>>, vector<16xf32>,
    %broadcast_in_dim3A_61 = arith.constant 0.000000e+00 : f32
    %broadcast_in_dim3A_62 = vector.broadcast %broadcast_in_dim3A_61 : f32 to vector<16xf32>
    %swap3A_63 = arith.constant 160 : index
    %swap3A_64 = tpu.vector_load %arg11[%swap3A_63] {strides = array<i32>} : memref<640xf32, #tpu.memory_space<vmem>>, vector<16xf32>,
    %swap3A_65 = vector.shape_cast %swap3A_64 : vector<16xf32> to vector<16xf32>
    %swap3A_66 = vector.shape_cast %broadcast_in_dim3A_62 : vector<16xf32> to vector<16xf32>
    tpu.vector_store %arg11[%swap3A_63], %swap3A_66 {strides = array<i32>} : memref<640xf32, #tpu.memory_space<vmem>>, vector<16xf32>,
    %broadcast_in_dim3A_67 = arith.constant 0.000000e+00 : f32
    %broadcast_in_dim3A_68 = vector.broadcast %broadcast_in_dim3A_67 : f32 to vector<16xf32>
    %swap3A_69 = arith.constant 176 : index
    %swap3A_70 = tpu.vector_load %arg11[%swap3A_69] {strides = array<i32>} : memref<640xf32, #tpu.memory_space<vmem>>, vector<16xf32>,
    %swap3A_71 = vector.shape_cast %swap3A_70 : vector<16xf32> to vector<16xf32>
    %swap3A_72 = vector.shape_cast %broadcast_in_dim3A_68 : vector<16xf32> to vector<16xf32>
    tpu.vector_store %arg11[%swap3A_69], %swap3A_72 {strides = array<i32>} : memref<640xf32, #tpu.memory_space<vmem>>, vector<16xf32>,
    %broadcast_in_dim3A_73 = arith.constant 0.000000e+00 : f32
    %broadcast_in_dim3A_74 = vector.broadcast %broadcast_in_dim3A_73 : f32 to vector<16xf32>
    %swap3A_75 = arith.constant 192 : index
    %swap3A_76 = tpu.vector_load %arg11[%swap3A_75] {strides = array<i32>} : memref<640xf32, #tpu.memory_space<vmem>>, vector<16xf32>,
    %swap3A_77 = vector.shape_cast %swap3A_76 : vector<16xf32> to vector<16xf32>
    %swap3A_78 = vector.shape_cast %broadcast_in_dim3A_74 : vector<16xf32> to vector<16xf32>
    tpu.vector_store %arg11[%swap3A_75], %swap3A_78 {strides = array<i32>} : memref<640xf32, #tpu.memory_space<vmem>>, vector<16xf32>,
    %broadcast_in_dim3A_79 = arith.constant 0.000000e+00 : f32
    %broadcast_in_dim3A_80 = vector.broadcast %broadcast_in_dim3A_79 : f32 to vector<16xf32>
    %swap3A_81 = arith.constant 208 : index
    %swap3A_82 = tpu.vector_load %arg11[%swap3A_81] {strides = array<i32>} : memref<640xf32, #tpu.memory_space<vmem>>, vector<16xf32>,
    %swap3A_83 = vector.shape_cast %swap3A_82 : vector<16xf32> to vector<16xf32>
    %swap3A_84 = vector.shape_cast %broadcast_in_dim3A_80 : vector<16xf32> to vector<16xf32>
    tpu.vector_store %arg11[%swap3A_81], %swap3A_84 {strides = array<i32>} : memref<640xf32, #tpu.memory_space<vmem>>, vector<16xf32>,
    %broadcast_in_dim3A_85 = arith.constant 0.000000e+00 : f32
    %broadcast_in_dim3A_86 = vector.broadcast %broadcast_in_dim3A_85 : f32 to vector<16xf32>
    %swap3A_87 = arith.constant 224 : index
    %swap3A_88 = tpu.vector_load %arg11[%swap3A_87] {strides = array<i32>} : memref<640xf32, #tpu.memory_space<vmem>>, vector<16xf32>,
    %swap3A_89 = vector.shape_cast %swap3A_88 : vector<16xf32> to vector<16xf32>
    %swap3A_90 = vector.shape_cast %broadcast_in_dim3A_86 : vector<16xf32> to vector<16xf32>
    tpu.vector_store %arg11[%swap3A_87], %swap3A_90 {strides = array<i32>} : memref<640xf32, #tpu.memory_space<vmem>>, vector<16xf32>,
    %broadcast_in_dim3A_91 = arith.constant 0.000000e+00 : f32
    %broadcast_in_dim3A_92 = vector.broadcast %broadcast_in_dim3A_91 : f32 to vector<16xf32>
    %swap3A_93 = arith.constant 240 : index
    %swap3A_94 = tpu.vector_load %arg11[%swap3A_93] {strides = array<i32>} : memref<640xf32, #tpu.memory_space<vmem>>, vector<16xf32>,
    %swap3A_95 = vector.shape_cast %swap3A_94 : vector<16xf32> to vector<16xf32>
    %swap3A_96 = vector.shape_cast %broadcast_in_dim3A_92 : vector<16xf32> to vector<16xf32>
    tpu.vector_store %arg11[%swap3A_93], %swap3A_96 {strides = array<i32>} : memref<640xf32, #tpu.memory_space<vmem>>, vector<16xf32>,
    %broadcast_in_dim3A_97 = arith.constant 0.000000e+00 : f32
    %broadcast_in_dim3A_98 = vector.broadcast %broadcast_in_dim3A_97 : f32 to vector<16xf32>
    %swap3A_99 = arith.constant 256 : index
    %swap3A_100 = tpu.vector_load %arg11[%swap3A_99] {strides = array<i32>} : memref<640xf32, #tpu.memory_space<vmem>>, vector<16xf32>,
    %swap3A_101 = vector.shape_cast %swap3A_100 : vector<16xf32> to vector<16xf32>
    %swap3A_102 = vector.shape_cast %broadcast_in_dim3A_98 : vector<16xf32> to vector<16xf32>
    tpu.vector_store %arg11[%swap3A_99], %swap3A_102 {strides = array<i32>} : memref<640xf32, #tpu.memory_space<vmem>>, vector<16xf32>,
    %broadcast_in_dim3A_103 = arith.constant 0.000000e+00 : f32
    %broadcast_in_dim3A_104 = vector.broadcast %broadcast_in_dim3A_103 : f32 to vector<16xf32>
    %swap3A_105 = arith.constant 272 : index
    %swap3A_106 = tpu.vector_load %arg11[%swap3A_105] {strides = array<i32>} : memref<640xf32, #tpu.memory_space<vmem>>, vector<16xf32>,
    %swap3A_107 = vector.shape_cast %swap3A_106 : vector<16xf32> to vector<16xf32>
    %swap3A_108 = vector.shape_cast %broadcast_in_dim3A_104 : vector<16xf32> to vector<16xf32>
    tpu.vector_store %arg11[%swap3A_105], %swap3A_108 {strides = array<i32>} : memref<640xf32, #tpu.memory_space<vmem>>, vector<16xf32>,
    %broadcast_in_dim3A_109 = arith.constant 0.000000e+00 : f32
    %broadcast_in_dim3A_110 = vector.broadcast %broadcast_in_dim3A_109 : f32 to vector<16xf32>
    %swap3A_111 = arith.constant 288 : index
    %swap3A_112 = tpu.vector_load %arg11[%swap3A_111] {strides = array<i32>} : memref<640xf32, #tpu.memory_space<vmem>>, vector<16xf32>,
    %swap3A_113 = vector.shape_cast %swap3A_112 : vector<16xf32> to vector<16xf32>
    %swap3A_114 = vector.shape_cast %broadcast_in_dim3A_110 : vector<16xf32> to vector<16xf32>
    tpu.vector_store %arg11[%swap3A_111], %swap3A_114 {strides = array<i32>} : memref<640xf32, #tpu.memory_space<vmem>>, vector<16xf32>,
    %broadcast_in_dim3A_115 = arith.constant 0.000000e+00 : f32
    %broadcast_in_dim3A_116 = vector.broadcast %broadcast_in_dim3A_115 : f32 to vector<16xf32>
    %swap3A_117 = arith.constant 304 : index
    %swap3A_118 = tpu.vector_load %arg11[%swap3A_117] {strides = array<i32>} : memref<640xf32, #tpu.memory_space<vmem>>, vector<16xf32>,
    %swap3A_119 = vector.shape_cast %swap3A_118 : vector<16xf32> to vector<16xf32>
    %swap3A_120 = vector.shape_cast %broadcast_in_dim3A_116 : vector<16xf32> to vector<16xf32>
    tpu.vector_store %arg11[%swap3A_117], %swap3A_120 {strides = array<i32>} : memref<640xf32, #tpu.memory_space<vmem>>, vector<16xf32>,
    %broadcast_in_dim3A_121 = arith.constant 0.000000e+00 : f32
    %broadcast_in_dim3A_122 = vector.broadcast %broadcast_in_dim3A_121 : f32 to vector<16xf32>
    %swap3A_123 = arith.constant 320 : index
    %swap3A_124 = tpu.vector_load %arg11[%swap3A_123] {strides = array<i32>} : memref<640xf32, #tpu.memory_space<vmem>>, vector<16xf32>,
    %swap3A_125 = vector.shape_cast %swap3A_124 : vector<16xf32> to vector<16xf32>
    %swap3A_126 = vector.shape_cast %broadcast_in_dim3A_122 : vector<16xf32> to vector<16xf32>
    tpu.vector_store %arg11[%swap3A_123], %swap3A_126 {strides = array<i32>} : memref<640xf32, #tpu.memory_space<vmem>>, vector<16xf32>,
    %broadcast_in_dim3A_127 = arith.constant 0.000000e+00 : f32
    %broadcast_in_dim3A_128 = vector.broadcast %broadcast_in_dim3A_127 : f32 to vector<16xf32>
    %swap3A_129 = arith.constant 336 : index
    %swap3A_130 = tpu.vector_load %arg11[%swap3A_129] {strides = array<i32>} : memref<640xf32, #tpu.memory_space<vmem>>, vector<16xf32>,
    %swap3A_131 = vector.shape_cast %swap3A_130 : vector<16xf32> to vector<16xf32>
    %swap3A_132 = vector.shape_cast %broadcast_in_dim3A_128 : vector<16xf32> to vector<16xf32>
    tpu.vector_store %arg11[%swap3A_129], %swap3A_132 {strides = array<i32>} : memref<640xf32, #tpu.memory_space<vmem>>, vector<16xf32>,
    %broadcast_in_dim3A_133 = arith.constant 0.000000e+00 : f32
    %broadcast_in_dim3A_134 = vector.broadcast %broadcast_in_dim3A_133 : f32 to vector<16xf32>
    %swap3A_135 = arith.constant 352 : index
    %swap3A_136 = tpu.vector_load %arg11[%swap3A_135] {strides = array<i32>} : memref<640xf32, #tpu.memory_space<vmem>>, vector<16xf32>,
    %swap3A_137 = vector.shape_cast %swap3A_136 : vector<16xf32> to vector<16xf32>
    %swap3A_138 = vector.shape_cast %broadcast_in_dim3A_134 : vector<16xf32> to vector<16xf32>
    tpu.vector_store %arg11[%swap3A_135], %swap3A_138 {strides = array<i32>} : memref<640xf32, #tpu.memory_space<vmem>>, vector<16xf32>,
    %broadcast_in_dim3A_139 = arith.constant 0.000000e+00 : f32
    %broadcast_in_dim3A_140 = vector.broadcast %broadcast_in_dim3A_139 : f32 to vector<16xf32>
    %swap3A_141 = arith.constant 368 : index
    %swap3A_142 = tpu.vector_load %arg11[%swap3A_141] {strides = array<i32>} : memref<640xf32, #tpu.memory_space<vmem>>, vector<16xf32>,
    %swap3A_143 = vector.shape_cast %swap3A_142 : vector<16xf32> to vector<16xf32>
    %swap3A_144 = vector.shape_cast %broadcast_in_dim3A_140 : vector<16xf32> to vector<16xf32>
    tpu.vector_store %arg11[%swap3A_141], %swap3A_144 {strides = array<i32>} : memref<640xf32, #tpu.memory_space<vmem>>, vector<16xf32>,
    %broadcast_in_dim3A_145 = arith.constant 0.000000e+00 : f32
    %broadcast_in_dim3A_146 = vector.broadcast %broadcast_in_dim3A_145 : f32 to vector<16xf32>
    %swap3A_147 = arith.constant 384 : index
    %swap3A_148 = tpu.vector_load %arg11[%swap3A_147] {strides = array<i32>} : memref<640xf32, #tpu.memory_space<vmem>>, vector<16xf32>,
    %swap3A_149 = vector.shape_cast %swap3A_148 : vector<16xf32> to vector<16xf32>
    %swap3A_150 = vector.shape_cast %broadcast_in_dim3A_146 : vector<16xf32> to vector<16xf32>
    tpu.vector_store %arg11[%swap3A_147], %swap3A_150 {strides = array<i32>} : memref<640xf32, #tpu.memory_space<vmem>>, vector<16xf32>,
    %broadcast_in_dim3A_151 = arith.constant 0.000000e+00 : f32
    %broadcast_in_dim3A_152 = vector.broadcast %broadcast_in_dim3A_151 : f32 to vector<16xf32>
    %swap3A_153 = arith.constant 400 : index
    %swap3A_154 = tpu.vector_load %arg11[%swap3A_153] {strides = array<i32>} : memref<640xf32, #tpu.memory_space<vmem>>, vector<16xf32>,
    %swap3A_155 = vector.shape_cast %swap3A_154 : vector<16xf32> to vector<16xf32>
    %swap3A_156 = vector.shape_cast %broadcast_in_dim3A_152 : vector<16xf32> to vector<16xf32>
    tpu.vector_store %arg11[%swap3A_153], %swap3A_156 {strides = array<i32>} : memref<640xf32, #tpu.memory_space<vmem>>, vector<16xf32>,
    %broadcast_in_dim3A_157 = arith.constant 0.000000e+00 : f32
    %broadcast_in_dim3A_158 = vector.broadcast %broadcast_in_dim3A_157 : f32 to vector<16xf32>
    %swap3A_159 = arith.constant 416 : index
    %swap3A_160 = tpu.vector_load %arg11[%swap3A_159] {strides = array<i32>} : memref<640xf32, #tpu.memory_space<vmem>>, vector<16xf32>,
    %swap3A_161 = vector.shape_cast %swap3A_160 : vector<16xf32> to vector<16xf32>
    %swap3A_162 = vector.shape_cast %broadcast_in_dim3A_158 : vector<16xf32> to vector<16xf32>
    tpu.vector_store %arg11[%swap3A_159], %swap3A_162 {strides = array<i32>} : memref<640xf32, #tpu.memory_space<vmem>>, vector<16xf32>,
    %broadcast_in_dim3A_163 = arith.constant 0.000000e+00 : f32
    %broadcast_in_dim3A_164 = vector.broadcast %broadcast_in_dim3A_163 : f32 to vector<16xf32>
    %swap3A_165 = arith.constant 432 : index
    %swap3A_166 = tpu.vector_load %arg11[%swap3A_165] {strides = array<i32>} : memref<640xf32, #tpu.memory_space<vmem>>, vector<16xf32>,
    %swap3A_167 = vector.shape_cast %swap3A_166 : vector<16xf32> to vector<16xf32>
    %swap3A_168 = vector.shape_cast %broadcast_in_dim3A_164 : vector<16xf32> to vector<16xf32>
    tpu.vector_store %arg11[%swap3A_165], %swap3A_168 {strides = array<i32>} : memref<640xf32, #tpu.memory_space<vmem>>, vector<16xf32>,
    %broadcast_in_dim3A_169 = arith.constant 0.000000e+00 : f32
    %broadcast_in_dim3A_170 = vector.broadcast %broadcast_in_dim3A_169 : f32 to vector<16xf32>
    %swap3A_171 = arith.constant 448 : index
    %swap3A_172 = tpu.vector_load %arg11[%swap3A_171] {strides = array<i32>} : memref<640xf32, #tpu.memory_space<vmem>>, vector<16xf32>,
    %swap3A_173 = vector.shape_cast %swap3A_172 : vector<16xf32> to vector<16xf32>
    %swap3A_174 = vector.shape_cast %broadcast_in_dim3A_170 : vector<16xf32> to vector<16xf32>
    tpu.vector_store %arg11[%swap3A_171], %swap3A_174 {strides = array<i32>} : memref<640xf32, #tpu.memory_space<vmem>>, vector<16xf32>,
    %broadcast_in_dim3A_175 = arith.constant 0.000000e+00 : f32
    %broadcast_in_dim3A_176 = vector.broadcast %broadcast_in_dim3A_175 : f32 to vector<16xf32>
    %swap3A_177 = arith.constant 464 : index
    %swap3A_178 = tpu.vector_load %arg11[%swap3A_177] {strides = array<i32>} : memref<640xf32, #tpu.memory_space<vmem>>, vector<16xf32>,
    %swap3A_179 = vector.shape_cast %swap3A_178 : vector<16xf32> to vector<16xf32>
    %swap3A_180 = vector.shape_cast %broadcast_in_dim3A_176 : vector<16xf32> to vector<16xf32>
    tpu.vector_store %arg11[%swap3A_177], %swap3A_180 {strides = array<i32>} : memref<640xf32, #tpu.memory_space<vmem>>, vector<16xf32>,
    %broadcast_in_dim3A_181 = arith.constant 0.000000e+00 : f32
    %broadcast_in_dim3A_182 = vector.broadcast %broadcast_in_dim3A_181 : f32 to vector<16xf32>
    %swap3A_183 = arith.constant 480 : index
    %swap3A_184 = tpu.vector_load %arg11[%swap3A_183] {strides = array<i32>} : memref<640xf32, #tpu.memory_space<vmem>>, vector<16xf32>,
    %swap3A_185 = vector.shape_cast %swap3A_184 : vector<16xf32> to vector<16xf32>
    %swap3A_186 = vector.shape_cast %broadcast_in_dim3A_182 : vector<16xf32> to vector<16xf32>
    tpu.vector_store %arg11[%swap3A_183], %swap3A_186 {strides = array<i32>} : memref<640xf32, #tpu.memory_space<vmem>>, vector<16xf32>,
    %broadcast_in_dim3A_187 = arith.constant 0.000000e+00 : f32
    %broadcast_in_dim3A_188 = vector.broadcast %broadcast_in_dim3A_187 : f32 to vector<16xf32>
    %swap3A_189 = arith.constant 496 : index
    %swap3A_190 = tpu.vector_load %arg11[%swap3A_189] {strides = array<i32>} : memref<640xf32, #tpu.memory_space<vmem>>, vector<16xf32>,
    %swap3A_191 = vector.shape_cast %swap3A_190 : vector<16xf32> to vector<16xf32>
    %swap3A_192 = vector.shape_cast %broadcast_in_dim3A_188 : vector<16xf32> to vector<16xf32>
    tpu.vector_store %arg11[%swap3A_189], %swap3A_192 {strides = array<i32>} : memref<640xf32, #tpu.memory_space<vmem>>, vector<16xf32>,
    %broadcast_in_dim3A_193 = arith.constant 0.000000e+00 : f32
    %broadcast_in_dim3A_194 = vector.broadcast %broadcast_in_dim3A_193 : f32 to vector<16xf32>
    %swap3A_195 = arith.constant 512 : index
    %swap3A_196 = tpu.vector_load %arg11[%swap3A_195] {strides = array<i32>} : memref<640xf32, #tpu.memory_space<vmem>>, vector<16xf32>,
    %swap3A_197 = vector.shape_cast %swap3A_196 : vector<16xf32> to vector<16xf32>
    %swap3A_198 = vector.shape_cast %broadcast_in_dim3A_194 : vector<16xf32> to vector<16xf32>
    tpu.vector_store %arg11[%swap3A_195], %swap3A_198 {strides = array<i32>} : memref<640xf32, #tpu.memory_space<vmem>>, vector<16xf32>,
    %broadcast_in_dim3A_199 = arith.constant 0.000000e+00 : f32
    %broadcast_in_dim3A_200 = vector.broadcast %broadcast_in_dim3A_199 : f32 to vector<16xf32>
    %swap3A_201 = arith.constant 528 : index
    %swap3A_202 = tpu.vector_load %arg11[%swap3A_201] {strides = array<i32>} : memref<640xf32, #tpu.memory_space<vmem>>, vector<16xf32>,
    %swap3A_203 = vector.shape_cast %swap3A_202 : vector<16xf32> to vector<16xf32>
    %swap3A_204 = vector.shape_cast %broadcast_in_dim3A_200 : vector<16xf32> to vector<16xf32>
    tpu.vector_store %arg11[%swap3A_201], %swap3A_204 {strides = array<i32>} : memref<640xf32, #tpu.memory_space<vmem>>, vector<16xf32>,
    %broadcast_in_dim3A_205 = arith.constant 0.000000e+00 : f32
    %broadcast_in_dim3A_206 = vector.broadcast %broadcast_in_dim3A_205 : f32 to vector<16xf32>
    %swap3A_207 = arith.constant 544 : index
    %swap3A_208 = tpu.vector_load %arg11[%swap3A_207] {strides = array<i32>} : memref<640xf32, #tpu.memory_space<vmem>>, vector<16xf32>,
    %swap3A_209 = vector.shape_cast %swap3A_208 : vector<16xf32> to vector<16xf32>
    %swap3A_210 = vector.shape_cast %broadcast_in_dim3A_206 : vector<16xf32> to vector<16xf32>
    tpu.vector_store %arg11[%swap3A_207], %swap3A_210 {strides = array<i32>} : memref<640xf32, #tpu.memory_space<vmem>>, vector<16xf32>,
    %broadcast_in_dim3A_211 = arith.constant 0.000000e+00 : f32
    %broadcast_in_dim3A_212 = vector.broadcast %broadcast_in_dim3A_211 : f32 to vector<16xf32>
    %swap3A_213 = arith.constant 560 : index
    %swap3A_214 = tpu.vector_load %arg11[%swap3A_213] {strides = array<i32>} : memref<640xf32, #tpu.memory_space<vmem>>, vector<16xf32>,
    %swap3A_215 = vector.shape_cast %swap3A_214 : vector<16xf32> to vector<16xf32>
    %swap3A_216 = vector.shape_cast %broadcast_in_dim3A_212 : vector<16xf32> to vector<16xf32>
    tpu.vector_store %arg11[%swap3A_213], %swap3A_216 {strides = array<i32>} : memref<640xf32, #tpu.memory_space<vmem>>, vector<16xf32>,
    %broadcast_in_dim3A_217 = arith.constant 0.000000e+00 : f32
    %broadcast_in_dim3A_218 = vector.broadcast %broadcast_in_dim3A_217 : f32 to vector<16xf32>
    %swap3A_219 = arith.constant 576 : index
    %swap3A_220 = tpu.vector_load %arg11[%swap3A_219] {strides = array<i32>} : memref<640xf32, #tpu.memory_space<vmem>>, vector<16xf32>,
    %swap3A_221 = vector.shape_cast %swap3A_220 : vector<16xf32> to vector<16xf32>
    %swap3A_222 = vector.shape_cast %broadcast_in_dim3A_218 : vector<16xf32> to vector<16xf32>
    tpu.vector_store %arg11[%swap3A_219], %swap3A_222 {strides = array<i32>} : memref<640xf32, #tpu.memory_space<vmem>>, vector<16xf32>,
    %broadcast_in_dim3A_223 = arith.constant 0.000000e+00 : f32
    %broadcast_in_dim3A_224 = vector.broadcast %broadcast_in_dim3A_223 : f32 to vector<16xf32>
    %swap3A_225 = arith.constant 592 : index
    %swap3A_226 = tpu.vector_load %arg11[%swap3A_225] {strides = array<i32>} : memref<640xf32, #tpu.memory_space<vmem>>, vector<16xf32>,
    %swap3A_227 = vector.shape_cast %swap3A_226 : vector<16xf32> to vector<16xf32>
    %swap3A_228 = vector.shape_cast %broadcast_in_dim3A_224 : vector<16xf32> to vector<16xf32>
    tpu.vector_store %arg11[%swap3A_225], %swap3A_228 {strides = array<i32>} : memref<640xf32, #tpu.memory_space<vmem>>, vector<16xf32>,
    %broadcast_in_dim3A_229 = arith.constant 0.000000e+00 : f32
    %broadcast_in_dim3A_230 = vector.broadcast %broadcast_in_dim3A_229 : f32 to vector<16xf32>
    %swap3A_231 = arith.constant 608 : index
    %swap3A_232 = tpu.vector_load %arg11[%swap3A_231] {strides = array<i32>} : memref<640xf32, #tpu.memory_space<vmem>>, vector<16xf32>,
    %swap3A_233 = vector.shape_cast %swap3A_232 : vector<16xf32> to vector<16xf32>
    %swap3A_234 = vector.shape_cast %broadcast_in_dim3A_230 : vector<16xf32> to vector<16xf32>
    tpu.vector_store %arg11[%swap3A_231], %swap3A_234 {strides = array<i32>} : memref<640xf32, #tpu.memory_space<vmem>>, vector<16xf32>,
    %broadcast_in_dim3A_235 = arith.constant 0.000000e+00 : f32
    %broadcast_in_dim3A_236 = vector.broadcast %broadcast_in_dim3A_235 : f32 to vector<16xf32>
    %swap3A_237 = arith.constant 624 : index
    %swap3A_238 = tpu.vector_load %arg11[%swap3A_237] {strides = array<i32>} : memref<640xf32, #tpu.memory_space<vmem>>, vector<16xf32>,
    %swap3A_239 = vector.shape_cast %swap3A_238 : vector<16xf32> to vector<16xf32>
    %swap3A_240 = vector.shape_cast %broadcast_in_dim3A_236 : vector<16xf32> to vector<16xf32>
    tpu.vector_store %arg11[%swap3A_237], %swap3A_240 {strides = array<i32>} : memref<640xf32, #tpu.memory_space<vmem>>, vector<16xf32>,
    %mul3A_241 = arith.constant 640 : i32
    %mul3A_242 = arith.muli %arg1, %mul3A_241 : i32
    "tpu.region"() ({
      %run_scoped3A = tpu.sem_alloc : memref<!tpu.dma_semaphore, #tpu.memory_space<semaphore_mem>>
      %dma_start3A = tpu.memref_slice %arg12[%mul3A_242] : memref<10240xf32, #tpu.memory_space<vmem_shared>> -> memref<640xf32, #tpu.memory_space<vmem_shared>>
      %dma_start3A_290 = tpu.memref_slice %arg12[%mul3A_242] : memref<10240xf32, #tpu.memory_space<vmem_shared>> -> memref<640xf32, #tpu.memory_space<vmem_shared>>
      tpu.enqueue_dma source(%arg11 : memref<640xf32, #tpu.memory_space<vmem>>) target(%dma_start3A_290 : memref<640xf32, #tpu.memory_space<vmem_shared>>) target_semaphore(%run_scoped3A : memref<!tpu.dma_semaphore, #tpu.memory_space<semaphore_mem>>)
      %dma_wait3A = tpu.memref_slice %arg12[%mul3A_242] : memref<10240xf32, #tpu.memory_space<vmem_shared>> -> memref<640xf32, #tpu.memory_space<vmem_shared>>
      %dma_wait3A_291 = tpu.memref_slice %arg12[%mul3A_242] : memref<10240xf32, #tpu.memory_space<vmem_shared>> -> memref<640xf32, #tpu.memory_space<vmem_shared>>
      tpu.wait_dma2 semaphore(%run_scoped3A : memref<!tpu.dma_semaphore, #tpu.memory_space<semaphore_mem>>) src(%arg11 : memref<640xf32, #tpu.memory_space<vmem>>) dst(%dma_wait3A_291 : memref<640xf32, #tpu.memory_space<vmem_shared>>)
      tpu.yield
    }) : () -> ()
    %mul3A_243 = arith.constant 640 : i32
    %mul3A_244 = arith.muli %arg1, %mul3A_243 : i32
    "tpu.region"() ({
      %run_scoped3A = tpu.sem_alloc : memref<!tpu.dma_semaphore, #tpu.memory_space<semaphore_mem>>
      %dma_start3A = tpu.memref_slice %arg13[%mul3A_244] : memref<10240xf32, #tpu.memory_space<vmem_shared>> -> memref<640xf32, #tpu.memory_space<vmem_shared>>
      %dma_start3A_290 = tpu.memref_slice %arg13[%mul3A_244] : memref<10240xf32, #tpu.memory_space<vmem_shared>> -> memref<640xf32, #tpu.memory_space<vmem_shared>>
      tpu.enqueue_dma source(%arg11 : memref<640xf32, #tpu.memory_space<vmem>>) target(%dma_start3A_290 : memref<640xf32, #tpu.memory_space<vmem_shared>>) target_semaphore(%run_scoped3A : memref<!tpu.dma_semaphore, #tpu.memory_space<semaphore_mem>>)
      %dma_wait3A = tpu.memref_slice %arg13[%mul3A_244] : memref<10240xf32, #tpu.memory_space<vmem_shared>> -> memref<640xf32, #tpu.memory_space<vmem_shared>>
      %dma_wait3A_291 = tpu.memref_slice %arg13[%mul3A_244] : memref<10240xf32, #tpu.memory_space<vmem_shared>> -> memref<640xf32, #tpu.memory_space<vmem_shared>>
      tpu.wait_dma2 semaphore(%run_scoped3A : memref<!tpu.dma_semaphore, #tpu.memory_space<semaphore_mem>>) src(%arg11 : memref<640xf32, #tpu.memory_space<vmem>>) dst(%dma_wait3A_291 : memref<640xf32, #tpu.memory_space<vmem_shared>>)
      tpu.yield
    }) : () -> ()
    %broadcast_in_dim3A_245 = arith.constant 1.000000e+00 : f32
    %broadcast_in_dim3A_246 = vector.broadcast %broadcast_in_dim3A_245 : f32 to vector<16xf32>
    %swap3A_247 = arith.constant 0 : index
    %swap3A_248 = tpu.vector_load %arg10[%swap3A_247] {strides = array<i32>} : memref<80xf32, #tpu.memory_space<vmem>>, vector<16xf32>,
    %swap3A_249 = vector.shape_cast %swap3A_248 : vector<16xf32> to vector<16xf32>
    %swap3A_250 = vector.shape_cast %broadcast_in_dim3A_246 : vector<16xf32> to vector<16xf32>
    tpu.vector_store %arg10[%swap3A_247], %swap3A_250 {strides = array<i32>} : memref<80xf32, #tpu.memory_space<vmem>>, vector<16xf32>,
    %broadcast_in_dim3A_251 = arith.constant 1.000000e+00 : f32
    %broadcast_in_dim3A_252 = vector.broadcast %broadcast_in_dim3A_251 : f32 to vector<16xf32>
    %swap3A_253 = arith.constant 16 : index
    %swap3A_254 = tpu.vector_load %arg10[%swap3A_253] {strides = array<i32>} : memref<80xf32, #tpu.memory_space<vmem>>, vector<16xf32>,
    %swap3A_255 = vector.shape_cast %swap3A_254 : vector<16xf32> to vector<16xf32>
    %swap3A_256 = vector.shape_cast %broadcast_in_dim3A_252 : vector<16xf32> to vector<16xf32>
    tpu.vector_store %arg10[%swap3A_253], %swap3A_256 {strides = array<i32>} : memref<80xf32, #tpu.memory_space<vmem>>, vector<16xf32>,
    %broadcast_in_dim3A_257 = arith.constant 1.000000e+00 : f32
    %broadcast_in_dim3A_258 = vector.broadcast %broadcast_in_dim3A_257 : f32 to vector<16xf32>
    %swap3A_259 = arith.constant 32 : index
    %swap3A_260 = tpu.vector_load %arg10[%swap3A_259] {strides = array<i32>} : memref<80xf32, #tpu.memory_space<vmem>>, vector<16xf32>,
    %swap3A_261 = vector.shape_cast %swap3A_260 : vector<16xf32> to vector<16xf32>
    %swap3A_262 = vector.shape_cast %broadcast_in_dim3A_258 : vector<16xf32> to vector<16xf32>
    tpu.vector_store %arg10[%swap3A_259], %swap3A_262 {strides = array<i32>} : memref<80xf32, #tpu.memory_space<vmem>>, vector<16xf32>,
    %broadcast_in_dim3A_263 = arith.constant 1.000000e+00 : f32
    %broadcast_in_dim3A_264 = vector.broadcast %broadcast_in_dim3A_263 : f32 to vector<16xf32>
    %swap3A_265 = arith.constant 48 : index
    %swap3A_266 = tpu.vector_load %arg10[%swap3A_265] {strides = array<i32>} : memref<80xf32, #tpu.memory_space<vmem>>, vector<16xf32>,
    %swap3A_267 = vector.shape_cast %swap3A_266 : vector<16xf32> to vector<16xf32>
    %swap3A_268 = vector.shape_cast %broadcast_in_dim3A_264 : vector<16xf32> to vector<16xf32>
    tpu.vector_store %arg10[%swap3A_265], %swap3A_268 {strides = array<i32>} : memref<80xf32, #tpu.memory_space<vmem>>, vector<16xf32>,
    %broadcast_in_dim3A_269 = arith.constant 1.000000e+00 : f32
    %broadcast_in_dim3A_270 = vector.broadcast %broadcast_in_dim3A_269 : f32 to vector<16xf32>
    %swap3A_271 = arith.constant 64 : index
    %swap3A_272 = tpu.vector_load %arg10[%swap3A_271] {strides = array<i32>} : memref<80xf32, #tpu.memory_space<vmem>>, vector<16xf32>,
    %swap3A_273 = vector.shape_cast %swap3A_272 : vector<16xf32> to vector<16xf32>
    %swap3A_274 = vector.shape_cast %broadcast_in_dim3A_270 : vector<16xf32> to vector<16xf32>
    tpu.vector_store %arg10[%swap3A_271], %swap3A_274 {strides = array<i32>} : memref<80xf32, #tpu.memory_space<vmem>>, vector<16xf32>,
    %barrier3A = arith.constant 0 : index
    tpu.barrier barrier_id(%barrier3A)
    %scan3A = arith.constant 0 : i32
    %scan3A_275 = arith.constant 0 : i32
    %scan3A_276 = arith.constant 125 : i32
    %scan3A_277 = arith.addi %scan3A_275, %scan3A_276 : i32
    %scan3A_278 = arith.constant 1 : i32
    scf.for %scan3A_290 = %scan3A_275 to %scan3A_277 step %scan3A_278  : i32 {
      %mul3A_291 = arith.constant 80 : i32
      %mul3A_292 = arith.muli %scan3A_290, %mul3A_291 : i32
      %add3A_293 = arith.constant 0 : i32
      %add3A_294 = arith.addi %mul3A_292, %add3A_293 : i32
      %get3A = arith.index_cast %add3A_294 : i32 to index
      %get3A_295 = tpu.vector_load %arg6[%get3A] {strides = array<i32>} : memref<10000xi32, #tpu.memory_space<vmem>>, vector<16xi32>,
      %get3A_296 = vector.shape_cast %get3A_295 : vector<16xi32> to vector<16xi32>
      %add3A_297 = arith.constant 0 : i32
      %add3A_298 = arith.addi %mul3A_292, %add3A_297 : i32
      %get3A_299 = arith.index_cast %add3A_298 : i32 to index
      %get3A_300 = tpu.vector_load %arg7[%get3A_299] {strides = array<i32>} : memref<10000xi32, #tpu.memory_space<vmem>>, vector<16xi32>,
      %get3A_301 = vector.shape_cast %get3A_300 : vector<16xi32> to vector<16xi32>
      %ne3A = arith.cmpi ne, %get3A_296, %get3A_301 : vector<16xi32>
      %jit3A = arith.constant 10000 : i32
      %broadcast_in_dim3A_302 = vector.broadcast %jit3A : i32 to vector<16xi32>
      %select_n3A = arith.select %ne3A, %get3A_296, %broadcast_in_dim3A_302 : vector<16xi1>, vector<16xi32>
      %swap3A_303 = arith.constant 0 : index
      %swap3A_304 = tpu.vector_load %arg8[%swap3A_303] {strides = array<i32>} : memref<80xi32, #tpu.memory_space<vmem>>, vector<16xi32>,
      %swap3A_305 = vector.shape_cast %swap3A_304 : vector<16xi32> to vector<16xi32>
      %swap3A_306 = vector.shape_cast %select_n3A : vector<16xi32> to vector<16xi32>
      tpu.vector_store %arg8[%swap3A_303], %swap3A_306 {strides = array<i32>} : memref<80xi32, #tpu.memory_space<vmem>>, vector<16xi32>,
      %jit3A_307 = arith.constant 10000 : i32
      %broadcast_in_dim3A_308 = vector.broadcast %jit3A_307 : i32 to vector<16xi32>
      %select_n3A_309 = arith.select %ne3A, %get3A_301, %broadcast_in_dim3A_308 : vector<16xi1>, vector<16xi32>
      %swap3A_310 = arith.constant 0 : index
      %swap3A_311 = tpu.vector_load %arg9[%swap3A_310] {strides = array<i32>} : memref<80xi32, #tpu.memory_space<vmem>>, vector<16xi32>,
      %swap3A_312 = vector.shape_cast %swap3A_311 : vector<16xi32> to vector<16xi32>
      %swap3A_313 = vector.shape_cast %select_n3A_309 : vector<16xi32> to vector<16xi32>
      tpu.vector_store %arg9[%swap3A_310], %swap3A_313 {strides = array<i32>} : memref<80xi32, #tpu.memory_space<vmem>>, vector<16xi32>,
      %add3A_314 = arith.constant 16 : i32
      %add3A_315 = arith.addi %mul3A_292, %add3A_314 : i32
      %get3A_316 = arith.index_cast %add3A_315 : i32 to index
      %get3A_317 = tpu.vector_load %arg6[%get3A_316] {strides = array<i32>} : memref<10000xi32, #tpu.memory_space<vmem>>, vector<16xi32>,
      %get3A_318 = vector.shape_cast %get3A_317 : vector<16xi32> to vector<16xi32>
      %add3A_319 = arith.constant 16 : i32
      %add3A_320 = arith.addi %mul3A_292, %add3A_319 : i32
      %get3A_321 = arith.index_cast %add3A_320 : i32 to index
      %get3A_322 = tpu.vector_load %arg7[%get3A_321] {strides = array<i32>} : memref<10000xi32, #tpu.memory_space<vmem>>, vector<16xi32>,
      %get3A_323 = vector.shape_cast %get3A_322 : vector<16xi32> to vector<16xi32>
      %ne3A_324 = arith.cmpi ne, %get3A_318, %get3A_323 : vector<16xi32>
      %jit3A_325 = arith.constant 10000 : i32
      %broadcast_in_dim3A_326 = vector.broadcast %jit3A_325 : i32 to vector<16xi32>
      %select_n3A_327 = arith.select %ne3A_324, %get3A_318, %broadcast_in_dim3A_326 : vector<16xi1>, vector<16xi32>
      %swap3A_328 = arith.constant 16 : index
      %swap3A_329 = tpu.vector_load %arg8[%swap3A_328] {strides = array<i32>} : memref<80xi32, #tpu.memory_space<vmem>>, vector<16xi32>,
      %swap3A_330 = vector.shape_cast %swap3A_329 : vector<16xi32> to vector<16xi32>
      %swap3A_331 = vector.shape_cast %select_n3A_327 : vector<16xi32> to vector<16xi32>
      tpu.vector_store %arg8[%swap3A_328], %swap3A_331 {strides = array<i32>} : memref<80xi32, #tpu.memory_space<vmem>>, vector<16xi32>,
      %jit3A_332 = arith.constant 10000 : i32
      %broadcast_in_dim3A_333 = vector.broadcast %jit3A_332 : i32 to vector<16xi32>
      %select_n3A_334 = arith.select %ne3A_324, %get3A_323, %broadcast_in_dim3A_333 : vector<16xi1>, vector<16xi32>
      %swap3A_335 = arith.constant 16 : index
      %swap3A_336 = tpu.vector_load %arg9[%swap3A_335] {strides = array<i32>} : memref<80xi32, #tpu.memory_space<vmem>>, vector<16xi32>,
      %swap3A_337 = vector.shape_cast %swap3A_336 : vector<16xi32> to vector<16xi32>
      %swap3A_338 = vector.shape_cast %select_n3A_334 : vector<16xi32> to vector<16xi32>
      tpu.vector_store %arg9[%swap3A_335], %swap3A_338 {strides = array<i32>} : memref<80xi32, #tpu.memory_space<vmem>>, vector<16xi32>,
      %add3A_339 = arith.constant 32 : i32
      %add3A_340 = arith.addi %mul3A_292, %add3A_339 : i32
      %get3A_341 = arith.index_cast %add3A_340 : i32 to index
      %get3A_342 = tpu.vector_load %arg6[%get3A_341] {strides = array<i32>} : memref<10000xi32, #tpu.memory_space<vmem>>, vector<16xi32>,
      %get3A_343 = vector.shape_cast %get3A_342 : vector<16xi32> to vector<16xi32>
      %add3A_344 = arith.constant 32 : i32
      %add3A_345 = arith.addi %mul3A_292, %add3A_344 : i32
      %get3A_346 = arith.index_cast %add3A_345 : i32 to index
      %get3A_347 = tpu.vector_load %arg7[%get3A_346] {strides = array<i32>} : memref<10000xi32, #tpu.memory_space<vmem>>, vector<16xi32>,
      %get3A_348 = vector.shape_cast %get3A_347 : vector<16xi32> to vector<16xi32>
      %ne3A_349 = arith.cmpi ne, %get3A_343, %get3A_348 : vector<16xi32>
      %jit3A_350 = arith.constant 10000 : i32
      %broadcast_in_dim3A_351 = vector.broadcast %jit3A_350 : i32 to vector<16xi32>
      %select_n3A_352 = arith.select %ne3A_349, %get3A_343, %broadcast_in_dim3A_351 : vector<16xi1>, vector<16xi32>
      %swap3A_353 = arith.constant 32 : index
      %swap3A_354 = tpu.vector_load %arg8[%swap3A_353] {strides = array<i32>} : memref<80xi32, #tpu.memory_space<vmem>>, vector<16xi32>,
      %swap3A_355 = vector.shape_cast %swap3A_354 : vector<16xi32> to vector<16xi32>
      %swap3A_356 = vector.shape_cast %select_n3A_352 : vector<16xi32> to vector<16xi32>
      tpu.vector_store %arg8[%swap3A_353], %swap3A_356 {strides = array<i32>} : memref<80xi32, #tpu.memory_space<vmem>>, vector<16xi32>,
      %jit3A_357 = arith.constant 10000 : i32
      %broadcast_in_dim3A_358 = vector.broadcast %jit3A_357 : i32 to vector<16xi32>
      %select_n3A_359 = arith.select %ne3A_349, %get3A_348, %broadcast_in_dim3A_358 : vector<16xi1>, vector<16xi32>
      %swap3A_360 = arith.constant 32 : index
      %swap3A_361 = tpu.vector_load %arg9[%swap3A_360] {strides = array<i32>} : memref<80xi32, #tpu.memory_space<vmem>>, vector<16xi32>,
      %swap3A_362 = vector.shape_cast %swap3A_361 : vector<16xi32> to vector<16xi32>
      %swap3A_363 = vector.shape_cast %select_n3A_359 : vector<16xi32> to vector<16xi32>
      tpu.vector_store %arg9[%swap3A_360], %swap3A_363 {strides = array<i32>} : memref<80xi32, #tpu.memory_space<vmem>>, vector<16xi32>,
      %add3A_364 = arith.constant 48 : i32
      %add3A_365 = arith.addi %mul3A_292, %add3A_364 : i32
      %get3A_366 = arith.index_cast %add3A_365 : i32 to index
      %get3A_367 = tpu.vector_load %arg6[%get3A_366] {strides = array<i32>} : memref<10000xi32, #tpu.memory_space<vmem>>, vector<16xi32>,
      %get3A_368 = vector.shape_cast %get3A_367 : vector<16xi32> to vector<16xi32>
      %add3A_369 = arith.constant 48 : i32
      %add3A_370 = arith.addi %mul3A_292, %add3A_369 : i32
      %get3A_371 = arith.index_cast %add3A_370 : i32 to index
      %get3A_372 = tpu.vector_load %arg7[%get3A_371] {strides = array<i32>} : memref<10000xi32, #tpu.memory_space<vmem>>, vector<16xi32>,
      %get3A_373 = vector.shape_cast %get3A_372 : vector<16xi32> to vector<16xi32>
      %ne3A_374 = arith.cmpi ne, %get3A_368, %get3A_373 : vector<16xi32>
      %jit3A_375 = arith.constant 10000 : i32
      %broadcast_in_dim3A_376 = vector.broadcast %jit3A_375 : i32 to vector<16xi32>
      %select_n3A_377 = arith.select %ne3A_374, %get3A_368, %broadcast_in_dim3A_376 : vector<16xi1>, vector<16xi32>
      %swap3A_378 = arith.constant 48 : index
      %swap3A_379 = tpu.vector_load %arg8[%swap3A_378] {strides = array<i32>} : memref<80xi32, #tpu.memory_space<vmem>>, vector<16xi32>,
      %swap3A_380 = vector.shape_cast %swap3A_379 : vector<16xi32> to vector<16xi32>
      %swap3A_381 = vector.shape_cast %select_n3A_377 : vector<16xi32> to vector<16xi32>
      tpu.vector_store %arg8[%swap3A_378], %swap3A_381 {strides = array<i32>} : memref<80xi32, #tpu.memory_space<vmem>>, vector<16xi32>,
      %jit3A_382 = arith.constant 10000 : i32
      %broadcast_in_dim3A_383 = vector.broadcast %jit3A_382 : i32 to vector<16xi32>
      %select_n3A_384 = arith.select %ne3A_374, %get3A_373, %broadcast_in_dim3A_383 : vector<16xi1>, vector<16xi32>
      %swap3A_385 = arith.constant 48 : index
      %swap3A_386 = tpu.vector_load %arg9[%swap3A_385] {strides = array<i32>} : memref<80xi32, #tpu.memory_space<vmem>>, vector<16xi32>,
      %swap3A_387 = vector.shape_cast %swap3A_386 : vector<16xi32> to vector<16xi32>
      %swap3A_388 = vector.shape_cast %select_n3A_384 : vector<16xi32> to vector<16xi32>
      tpu.vector_store %arg9[%swap3A_385], %swap3A_388 {strides = array<i32>} : memref<80xi32, #tpu.memory_space<vmem>>, vector<16xi32>,
      %add3A_389 = arith.constant 64 : i32
      %add3A_390 = arith.addi %mul3A_292, %add3A_389 : i32
      %get3A_391 = arith.index_cast %add3A_390 : i32 to index
      %get3A_392 = tpu.vector_load %arg6[%get3A_391] {strides = array<i32>} : memref<10000xi32, #tpu.memory_space<vmem>>, vector<16xi32>,
      %get3A_393 = vector.shape_cast %get3A_392 : vector<16xi32> to vector<16xi32>
      %add3A_394 = arith.constant 64 : i32
      %add3A_395 = arith.addi %mul3A_292, %add3A_394 : i32
      %get3A_396 = arith.index_cast %add3A_395 : i32 to index
      %get3A_397 = tpu.vector_load %arg7[%get3A_396] {strides = array<i32>} : memref<10000xi32, #tpu.memory_space<vmem>>, vector<16xi32>,
      %get3A_398 = vector.shape_cast %get3A_397 : vector<16xi32> to vector<16xi32>
      %ne3A_399 = arith.cmpi ne, %get3A_393, %get3A_398 : vector<16xi32>
      %jit3A_400 = arith.constant 10000 : i32
      %broadcast_in_dim3A_401 = vector.broadcast %jit3A_400 : i32 to vector<16xi32>
      %select_n3A_402 = arith.select %ne3A_399, %get3A_393, %broadcast_in_dim3A_401 : vector<16xi1>, vector<16xi32>
      %swap3A_403 = arith.constant 64 : index
      %swap3A_404 = tpu.vector_load %arg8[%swap3A_403] {strides = array<i32>} : memref<80xi32, #tpu.memory_space<vmem>>, vector<16xi32>,
      %swap3A_405 = vector.shape_cast %swap3A_404 : vector<16xi32> to vector<16xi32>
      %swap3A_406 = vector.shape_cast %select_n3A_402 : vector<16xi32> to vector<16xi32>
      tpu.vector_store %arg8[%swap3A_403], %swap3A_406 {strides = array<i32>} : memref<80xi32, #tpu.memory_space<vmem>>, vector<16xi32>,
      %jit3A_407 = arith.constant 10000 : i32
      %broadcast_in_dim3A_408 = vector.broadcast %jit3A_407 : i32 to vector<16xi32>
      %select_n3A_409 = arith.select %ne3A_399, %get3A_398, %broadcast_in_dim3A_408 : vector<16xi1>, vector<16xi32>
      %swap3A_410 = arith.constant 64 : index
      %swap3A_411 = tpu.vector_load %arg9[%swap3A_410] {strides = array<i32>} : memref<80xi32, #tpu.memory_space<vmem>>, vector<16xi32>,
      %swap3A_412 = vector.shape_cast %swap3A_411 : vector<16xi32> to vector<16xi32>
      %swap3A_413 = vector.shape_cast %select_n3A_409 : vector<16xi32> to vector<16xi32>
      tpu.vector_store %arg9[%swap3A_410], %swap3A_413 {strides = array<i32>} : memref<80xi32, #tpu.memory_space<vmem>>, vector<16xi32>,
      "tpu.region"() ({
        %run_scoped3A = tpu.sem_alloc : memref<!tpu.dma_semaphore, #tpu.memory_space<semaphore_mem>>
        %dma_start3A = arith.constant 0 : i32
        %dma_start3A_414 = tpu.memref_slice %arg12[%dma_start3A] : memref<10240xf32, #tpu.memory_space<vmem_shared>> -> memref<10240xf32, #tpu.memory_space<vmem_shared>>
        tpu.enqueue_indirect_dma source(%arg10 : memref<80xf32, #tpu.memory_space<vmem>>) target(%dma_start3A_414 : memref<10240xf32, #tpu.memory_space<vmem_shared>>) offsets(%arg8 : memref<80xi32, #tpu.memory_space<vmem>>) semaphore(%run_scoped3A : memref<!tpu.dma_semaphore, #tpu.memory_space<semaphore_mem>>) {add = true}
        %dma_wait3A = arith.constant 0 : i32
        %dma_wait3A_415 = tpu.memref_slice %arg12[%dma_wait3A] : memref<10240xf32, #tpu.memory_space<vmem_shared>> -> memref<10240xf32, #tpu.memory_space<vmem_shared>>
        tpu.wait_indirect_dma semaphore(%run_scoped3A : memref<!tpu.dma_semaphore, #tpu.memory_space<semaphore_mem>>) src(%arg10 : memref<80xf32, #tpu.memory_space<vmem>>) dst(%dma_wait3A_415 : memref<10240xf32, #tpu.memory_space<vmem_shared>>)
        tpu.yield
      }) : () -> ()
      "tpu.region"() ({
        %run_scoped3A = tpu.sem_alloc : memref<!tpu.dma_semaphore, #tpu.memory_space<semaphore_mem>>
        %dma_start3A = arith.constant 0 : i32
        %dma_start3A_414 = tpu.memref_slice %arg13[%dma_start3A] : memref<10240xf32, #tpu.memory_space<vmem_shared>> -> memref<10240xf32, #tpu.memory_space<vmem_shared>>
        tpu.enqueue_indirect_dma source(%arg10 : memref<80xf32, #tpu.memory_space<vmem>>) target(%dma_start3A_414 : memref<10240xf32, #tpu.memory_space<vmem_shared>>) offsets(%arg9 : memref<80xi32, #tpu.memory_space<vmem>>) semaphore(%run_scoped3A : memref<!tpu.dma_semaphore, #tpu.memory_space<semaphore_mem>>) {add = true}
        %dma_wait3A = arith.constant 0 : i32
        %dma_wait3A_415 = tpu.memref_slice %arg13[%dma_wait3A] : memref<10240xf32, #tpu.memory_space<vmem_shared>> -> memref<10240xf32, #tpu.memory_space<vmem_shared>>
        tpu.wait_indirect_dma semaphore(%run_scoped3A : memref<!tpu.dma_semaphore, #tpu.memory_space<semaphore_mem>>) src(%arg10 : memref<80xf32, #tpu.memory_space<vmem>>) dst(%dma_wait3A_415 : memref<10240xf32, #tpu.memory_space<vmem_shared>>)
        tpu.yield
      }) : () -> ()
    }
    %scan3A_279 = arith.constant 125 : i32
    %barrier3A_280 = arith.constant 0 : index
    tpu.barrier barrier_id(%barrier3A_280)
    %mul3A_281 = arith.constant 10240 : i32
    %mul3A_282 = arith.muli %arg0, %mul3A_281 : i32
    %mul3A_283 = arith.constant 640 : i32
    %mul3A_284 = arith.muli %arg1, %mul3A_283 : i32
    %add3A_285 = arith.addi %mul3A_282, %mul3A_284 : i32
    %mul3A_286 = arith.constant 640 : i32
    %mul3A_287 = arith.muli %arg1, %mul3A_286 : i32
    "tpu.region"() ({
      %run_scoped3A = tpu.sem_alloc : memref<!tpu.dma_semaphore, #tpu.memory_space<semaphore_mem>>
      %dma_start3A = tpu.memref_slice %arg4[%add3A_285] : memref<20480xf32, #tpu.memory_space<hbm>> -> memref<640xf32, #tpu.memory_space<hbm>>
      %dma_start3A_290 = tpu.memref_slice %arg12[%mul3A_287] : memref<10240xf32, #tpu.memory_space<vmem_shared>> -> memref<640xf32, #tpu.memory_space<vmem_shared>>
      tpu.enqueue_dma source(%dma_start3A_290 : memref<640xf32, #tpu.memory_space<vmem_shared>>) target(%dma_start3A : memref<640xf32, #tpu.memory_space<hbm>>) target_semaphore(%run_scoped3A : memref<!tpu.dma_semaphore, #tpu.memory_space<semaphore_mem>>)
      %dma_wait3A = tpu.memref_slice %arg4[%add3A_285] : memref<20480xf32, #tpu.memory_space<hbm>> -> memref<640xf32, #tpu.memory_space<hbm>>
      %dma_wait3A_291 = tpu.memref_slice %arg12[%mul3A_287] : memref<10240xf32, #tpu.memory_space<vmem_shared>> -> memref<640xf32, #tpu.memory_space<vmem_shared>>
      tpu.wait_dma2 semaphore(%run_scoped3A : memref<!tpu.dma_semaphore, #tpu.memory_space<semaphore_mem>>) src(%dma_wait3A_291 : memref<640xf32, #tpu.memory_space<vmem_shared>>) dst(%dma_wait3A : memref<640xf32, #tpu.memory_space<hbm>>)
      tpu.yield
    }) : () -> ()
    %mul3A_288 = arith.constant 640 : i32
    %mul3A_289 = arith.muli %arg1, %mul3A_288 : i32
    "tpu.region"() ({
      %run_scoped3A = tpu.sem_alloc : memref<!tpu.dma_semaphore, #tpu.memory_space<semaphore_mem>>
      %dma_start3A = tpu.memref_slice %arg5[%add3A_285] : memref<20480xf32, #tpu.memory_space<hbm>> -> memref<640xf32, #tpu.memory_space<hbm>>
      %dma_start3A_290 = tpu.memref_slice %arg13[%mul3A_289] : memref<10240xf32, #tpu.memory_space<vmem_shared>> -> memref<640xf32, #tpu.memory_space<vmem_shared>>
      tpu.enqueue_dma source(%dma_start3A_290 : memref<640xf32, #tpu.memory_space<vmem_shared>>) target(%dma_start3A : memref<640xf32, #tpu.memory_space<hbm>>) target_semaphore(%run_scoped3A : memref<!tpu.dma_semaphore, #tpu.memory_space<semaphore_mem>>)
      %dma_wait3A = tpu.memref_slice %arg5[%add3A_285] : memref<20480xf32, #tpu.memory_space<hbm>> -> memref<640xf32, #tpu.memory_space<hbm>>
      %dma_wait3A_291 = tpu.memref_slice %arg13[%mul3A_289] : memref<10240xf32, #tpu.memory_space<vmem_shared>> -> memref<640xf32, #tpu.memory_space<vmem_shared>>
      tpu.wait_dma2 semaphore(%run_scoped3A : memref<!tpu.dma_semaphore, #tpu.memory_space<semaphore_mem>>) src(%dma_wait3A_291 : memref<640xf32, #tpu.memory_space<vmem_shared>>) dst(%dma_wait3A : memref<640xf32, #tpu.memory_space<hbm>>)
      tpu.yield
    }) : () -> ()
    return
  }
}

#map = affine_map<(d0, d1) -> (0, 0)>
#map1 = affine_map<(d0, d1) -> (0)>
module attributes {stable_mosaic.version = 14 : i64} {
  func.func @_agg_kernel(%arg0: i32, %arg1: i32, %arg2: memref<10000x128xf32, #tpu.memory_space<hbm>>, %arg3: memref<320000xi32, #tpu.memory_space<hbm>>, %arg4: memref<320000xi32, #tpu.memory_space<hbm>>, %arg5: memref<10240x128xf32, #tpu.memory_space<hbm>>, %arg6: memref<20480x128xf32, #tpu.memory_space<hbm>>, %arg7: memref<80xi32, #tpu.memory_space<vmem>>, %arg8: memref<80xi32, #tpu.memory_space<vmem>>, %arg9: memref<80xi32, #tpu.memory_space<vmem>>, %arg10: memref<80xi32, #tpu.memory_space<vmem>>, %arg11: memref<80xi32, #tpu.memory_space<vmem>>, %arg12: memref<80xi32, #tpu.memory_space<vmem>>, %arg13: memref<80xi32, #tpu.memory_space<vmem>>, %arg14: memref<80xi32, #tpu.memory_space<vmem>>, %arg15: memref<80xi32, #tpu.memory_space<vmem>>, %arg16: memref<80xi32, #tpu.memory_space<vmem>>, %arg17: memref<80xi32, #tpu.memory_space<vmem>>, %arg18: memref<80xi32, #tpu.memory_space<vmem>>, %arg19: memref<80xi32, #tpu.memory_space<vmem>>, %arg20: memref<80xi32, #tpu.memory_space<vmem>>, %arg21: memref<80xi32, #tpu.memory_space<vmem>>, %arg22: memref<80xi32, #tpu.memory_space<vmem>>, %arg23: memref<80x128xf32, #tpu.memory_space<vmem>>, %arg24: memref<80x128xf32, #tpu.memory_space<vmem>>, %arg25: memref<80x128xf32, #tpu.memory_space<vmem>>, %arg26: memref<80x128xf32, #tpu.memory_space<vmem>>, %arg27: memref<10240x128xf32, #tpu.memory_space<vmem_shared>>, %arg28: memref<!tpu.dma_semaphore, #tpu.memory_space<semaphore_mem>>, %arg29: memref<!tpu.dma_semaphore, #tpu.memory_space<semaphore_mem>>, %arg30: memref<!tpu.dma_semaphore, #tpu.memory_space<semaphore_mem>>, %arg31: memref<!tpu.dma_semaphore, #tpu.memory_space<semaphore_mem>>, %arg32: memref<!tpu.dma_semaphore, #tpu.memory_space<semaphore_mem>>, %arg33: memref<!tpu.dma_semaphore, #tpu.memory_space<semaphore_mem>>, %arg34: memref<!tpu.dma_semaphore, #tpu.memory_space<semaphore_mem>>, %arg35: memref<!tpu.dma_semaphore, #tpu.memory_space<semaphore_mem>>, %arg36: memref<!tpu.dma_semaphore, #tpu.memory_space<semaphore_mem>>, %arg37: memref<!tpu.dma_semaphore, #tpu.memory_space<semaphore_mem>>, %arg38: memref<!tpu.dma_semaphore, #tpu.memory_space<semaphore_mem>>, %arg39: memref<!tpu.dma_semaphore, #tpu.memory_space<semaphore_mem>>, %arg40: memref<!tpu.dma_semaphore, #tpu.memory_space<semaphore_mem>>, %arg41: memref<!tpu.dma_semaphore, #tpu.memory_space<semaphore_mem>>) attributes {dimension_semantics = [#tpu.dimension_semantics<core_parallel>, #tpu.dimension_semantics<subcore_parallel>], iteration_bounds = array<i64: 2, 16>, scalar_prefetch = 0 : i64, scratch_operands = 35 : i64, tpu.core_type = #tpu.core_type<sc_vector_subcore>, window_params = [{transform_indices = #map}, {transform_indices = #map1}, {transform_indices = #map1}, {transform_indices = #map}, {transform_indices = #map}]} {
    %mul3A = arith.constant 2 : i32
    %mul3A_0 = arith.muli %arg1, %mul3A : i32
    %add3A = arith.addi %mul3A_0, %arg0 : i32
    %mul3A_1 = arith.constant 10000 : i32
    %mul3A_2 = arith.muli %add3A, %mul3A_1 : i32
    %mul3A_3 = arith.constant 640 : i32
    %mul3A_4 = arith.muli %arg1, %mul3A_3 : i32
    %mul3A_5 = arith.constant 640 : i32
    %mul3A_6 = arith.muli %arg1, %mul3A_5 : i32
    "tpu.region"() ({
      %run_scoped3A = tpu.sem_alloc : memref<!tpu.dma_semaphore, #tpu.memory_space<semaphore_mem>>
      %dma_start3A_1610 = arith.constant 0 : i32
      %dma_start3A_1611 = tpu.memref_slice %arg27[%mul3A_6, %dma_start3A_1610] : memref<10240x128xf32, #tpu.memory_space<vmem_shared>> -> memref<640x128xf32, #tpu.memory_space<vmem_shared>>
      %dma_start3A_1612 = arith.constant 0 : i32
      %dma_start3A_1613 = tpu.memref_slice %arg5[%mul3A_4, %dma_start3A_1612] : memref<10240x128xf32, #tpu.memory_space<hbm>> -> memref<640x128xf32, #tpu.memory_space<hbm>>
      tpu.enqueue_dma source(%dma_start3A_1613 : memref<640x128xf32, #tpu.memory_space<hbm>>) target(%dma_start3A_1611 : memref<640x128xf32, #tpu.memory_space<vmem_shared>>) target_semaphore(%run_scoped3A : memref<!tpu.dma_semaphore, #tpu.memory_space<semaphore_mem>>)
      %dma_wait3A_1614 = arith.constant 0 : i32
      %dma_wait3A_1615 = tpu.memref_slice %arg27[%mul3A_6, %dma_wait3A_1614] : memref<10240x128xf32, #tpu.memory_space<vmem_shared>> -> memref<640x128xf32, #tpu.memory_space<vmem_shared>>
      %dma_wait3A_1616 = arith.constant 0 : i32
      %dma_wait3A_1617 = tpu.memref_slice %arg5[%mul3A_4, %dma_wait3A_1616] : memref<10240x128xf32, #tpu.memory_space<hbm>> -> memref<640x128xf32, #tpu.memory_space<hbm>>
      tpu.wait_dma2 semaphore(%run_scoped3A : memref<!tpu.dma_semaphore, #tpu.memory_space<semaphore_mem>>) src(%dma_wait3A_1617 : memref<640x128xf32, #tpu.memory_space<hbm>>) dst(%dma_wait3A_1615 : memref<640x128xf32, #tpu.memory_space<vmem_shared>>)
      tpu.yield
    }) : () -> ()
    %barrier3A = arith.constant 0 : index
    tpu.barrier barrier_id(%barrier3A)
    %add3A_7 = arith.constant 0 : i32
    %add3A_8 = arith.addi %mul3A_2, %add3A_7 : i32
    %dma_start3A = tpu.memref_slice %arg3[%add3A_8] : memref<320000xi32, #tpu.memory_space<hbm>> -> memref<80xi32, #tpu.memory_space<hbm>>
    %dma_start3A_9 = tpu.memref_slice %arg3[%add3A_8] : memref<320000xi32, #tpu.memory_space<hbm>> -> memref<80xi32, #tpu.memory_space<hbm>>
    tpu.enqueue_dma source(%dma_start3A_9 : memref<80xi32, #tpu.memory_space<hbm>>) target(%arg7 : memref<80xi32, #tpu.memory_space<vmem>>) target_semaphore(%arg28 : memref<!tpu.dma_semaphore, #tpu.memory_space<semaphore_mem>>)
    %dma_start3A_10 = tpu.memref_slice %arg4[%add3A_8] : memref<320000xi32, #tpu.memory_space<hbm>> -> memref<80xi32, #tpu.memory_space<hbm>>
    %dma_start3A_11 = tpu.memref_slice %arg4[%add3A_8] : memref<320000xi32, #tpu.memory_space<hbm>> -> memref<80xi32, #tpu.memory_space<hbm>>
    tpu.enqueue_dma source(%dma_start3A_11 : memref<80xi32, #tpu.memory_space<hbm>>) target(%arg13 : memref<80xi32, #tpu.memory_space<vmem>>) target_semaphore(%arg28 : memref<!tpu.dma_semaphore, #tpu.memory_space<semaphore_mem>>)
    %add3A_12 = arith.constant 80 : i32
    %add3A_13 = arith.addi %mul3A_2, %add3A_12 : i32
    %dma_start3A_14 = tpu.memref_slice %arg3[%add3A_13] : memref<320000xi32, #tpu.memory_space<hbm>> -> memref<80xi32, #tpu.memory_space<hbm>>
    %dma_start3A_15 = tpu.memref_slice %arg3[%add3A_13] : memref<320000xi32, #tpu.memory_space<hbm>> -> memref<80xi32, #tpu.memory_space<hbm>>
    tpu.enqueue_dma source(%dma_start3A_15 : memref<80xi32, #tpu.memory_space<hbm>>) target(%arg8 : memref<80xi32, #tpu.memory_space<vmem>>) target_semaphore(%arg29 : memref<!tpu.dma_semaphore, #tpu.memory_space<semaphore_mem>>)
    %dma_start3A_16 = tpu.memref_slice %arg4[%add3A_13] : memref<320000xi32, #tpu.memory_space<hbm>> -> memref<80xi32, #tpu.memory_space<hbm>>
    %dma_start3A_17 = tpu.memref_slice %arg4[%add3A_13] : memref<320000xi32, #tpu.memory_space<hbm>> -> memref<80xi32, #tpu.memory_space<hbm>>
    tpu.enqueue_dma source(%dma_start3A_17 : memref<80xi32, #tpu.memory_space<hbm>>) target(%arg14 : memref<80xi32, #tpu.memory_space<vmem>>) target_semaphore(%arg29 : memref<!tpu.dma_semaphore, #tpu.memory_space<semaphore_mem>>)
    %add3A_18 = arith.constant 160 : i32
    %add3A_19 = arith.addi %mul3A_2, %add3A_18 : i32
    %dma_start3A_20 = tpu.memref_slice %arg3[%add3A_19] : memref<320000xi32, #tpu.memory_space<hbm>> -> memref<80xi32, #tpu.memory_space<hbm>>
    %dma_start3A_21 = tpu.memref_slice %arg3[%add3A_19] : memref<320000xi32, #tpu.memory_space<hbm>> -> memref<80xi32, #tpu.memory_space<hbm>>
    tpu.enqueue_dma source(%dma_start3A_21 : memref<80xi32, #tpu.memory_space<hbm>>) target(%arg9 : memref<80xi32, #tpu.memory_space<vmem>>) target_semaphore(%arg30 : memref<!tpu.dma_semaphore, #tpu.memory_space<semaphore_mem>>)
    %dma_start3A_22 = tpu.memref_slice %arg4[%add3A_19] : memref<320000xi32, #tpu.memory_space<hbm>> -> memref<80xi32, #tpu.memory_space<hbm>>
    %dma_start3A_23 = tpu.memref_slice %arg4[%add3A_19] : memref<320000xi32, #tpu.memory_space<hbm>> -> memref<80xi32, #tpu.memory_space<hbm>>
    tpu.enqueue_dma source(%dma_start3A_23 : memref<80xi32, #tpu.memory_space<hbm>>) target(%arg15 : memref<80xi32, #tpu.memory_space<vmem>>) target_semaphore(%arg30 : memref<!tpu.dma_semaphore, #tpu.memory_space<semaphore_mem>>)
    %add3A_24 = arith.constant 240 : i32
    %add3A_25 = arith.addi %mul3A_2, %add3A_24 : i32
    %dma_start3A_26 = tpu.memref_slice %arg3[%add3A_25] : memref<320000xi32, #tpu.memory_space<hbm>> -> memref<80xi32, #tpu.memory_space<hbm>>
    %dma_start3A_27 = tpu.memref_slice %arg3[%add3A_25] : memref<320000xi32, #tpu.memory_space<hbm>> -> memref<80xi32, #tpu.memory_space<hbm>>
    tpu.enqueue_dma source(%dma_start3A_27 : memref<80xi32, #tpu.memory_space<hbm>>) target(%arg10 : memref<80xi32, #tpu.memory_space<vmem>>) target_semaphore(%arg31 : memref<!tpu.dma_semaphore, #tpu.memory_space<semaphore_mem>>)
    %dma_start3A_28 = tpu.memref_slice %arg4[%add3A_25] : memref<320000xi32, #tpu.memory_space<hbm>> -> memref<80xi32, #tpu.memory_space<hbm>>
    %dma_start3A_29 = tpu.memref_slice %arg4[%add3A_25] : memref<320000xi32, #tpu.memory_space<hbm>> -> memref<80xi32, #tpu.memory_space<hbm>>
    tpu.enqueue_dma source(%dma_start3A_29 : memref<80xi32, #tpu.memory_space<hbm>>) target(%arg16 : memref<80xi32, #tpu.memory_space<vmem>>) target_semaphore(%arg31 : memref<!tpu.dma_semaphore, #tpu.memory_space<semaphore_mem>>)
    %add3A_30 = arith.constant 0 : i32
    %add3A_31 = arith.addi %mul3A_2, %add3A_30 : i32
    %dma_wait3A = tpu.memref_slice %arg3[%add3A_31] : memref<320000xi32, #tpu.memory_space<hbm>> -> memref<80xi32, #tpu.memory_space<hbm>>
    %dma_wait3A_32 = tpu.memref_slice %arg3[%add3A_31] : memref<320000xi32, #tpu.memory_space<hbm>> -> memref<80xi32, #tpu.memory_space<hbm>>
    tpu.wait_dma2 semaphore(%arg28 : memref<!tpu.dma_semaphore, #tpu.memory_space<semaphore_mem>>) src(%dma_wait3A_32 : memref<80xi32, #tpu.memory_space<hbm>>) dst(%arg7 : memref<80xi32, #tpu.memory_space<vmem>>)
    %dma_wait3A_33 = tpu.memref_slice %arg4[%add3A_31] : memref<320000xi32, #tpu.memory_space<hbm>> -> memref<80xi32, #tpu.memory_space<hbm>>
    %dma_wait3A_34 = tpu.memref_slice %arg4[%add3A_31] : memref<320000xi32, #tpu.memory_space<hbm>> -> memref<80xi32, #tpu.memory_space<hbm>>
    tpu.wait_dma2 semaphore(%arg28 : memref<!tpu.dma_semaphore, #tpu.memory_space<semaphore_mem>>) src(%dma_wait3A_34 : memref<80xi32, #tpu.memory_space<hbm>>) dst(%arg13 : memref<80xi32, #tpu.memory_space<vmem>>)
    %dma_start3A_35 = arith.constant 0 : i32
    %dma_start3A_36 = arith.constant 0 : i32
    %dma_start3A_37 = tpu.memref_slice %arg2[%dma_start3A_35, %dma_start3A_36] : memref<10000x128xf32, #tpu.memory_space<hbm>> -> memref<10000x128xf32, #tpu.memory_space<hbm>>
    tpu.enqueue_indirect_dma source(%dma_start3A_37 : memref<10000x128xf32, #tpu.memory_space<hbm>>) target(%arg23 : memref<80x128xf32, #tpu.memory_space<vmem>>) offsets(%arg7 : memref<80xi32, #tpu.memory_space<vmem>>) semaphore(%arg34 : memref<!tpu.dma_semaphore, #tpu.memory_space<semaphore_mem>>)
    %add3A_38 = arith.constant 80 : i32
    %add3A_39 = arith.addi %mul3A_2, %add3A_38 : i32
    %dma_wait3A_40 = tpu.memref_slice %arg3[%add3A_39] : memref<320000xi32, #tpu.memory_space<hbm>> -> memref<80xi32, #tpu.memory_space<hbm>>
    %dma_wait3A_41 = tpu.memref_slice %arg3[%add3A_39] : memref<320000xi32, #tpu.memory_space<hbm>> -> memref<80xi32, #tpu.memory_space<hbm>>
    tpu.wait_dma2 semaphore(%arg29 : memref<!tpu.dma_semaphore, #tpu.memory_space<semaphore_mem>>) src(%dma_wait3A_41 : memref<80xi32, #tpu.memory_space<hbm>>) dst(%arg8 : memref<80xi32, #tpu.memory_space<vmem>>)
    %dma_wait3A_42 = tpu.memref_slice %arg4[%add3A_39] : memref<320000xi32, #tpu.memory_space<hbm>> -> memref<80xi32, #tpu.memory_space<hbm>>
    %dma_wait3A_43 = tpu.memref_slice %arg4[%add3A_39] : memref<320000xi32, #tpu.memory_space<hbm>> -> memref<80xi32, #tpu.memory_space<hbm>>
    tpu.wait_dma2 semaphore(%arg29 : memref<!tpu.dma_semaphore, #tpu.memory_space<semaphore_mem>>) src(%dma_wait3A_43 : memref<80xi32, #tpu.memory_space<hbm>>) dst(%arg14 : memref<80xi32, #tpu.memory_space<vmem>>)
    %dma_start3A_44 = arith.constant 0 : i32
    %dma_start3A_45 = arith.constant 0 : i32
    %dma_start3A_46 = tpu.memref_slice %arg2[%dma_start3A_44, %dma_start3A_45] : memref<10000x128xf32, #tpu.memory_space<hbm>> -> memref<10000x128xf32, #tpu.memory_space<hbm>>
    tpu.enqueue_indirect_dma source(%dma_start3A_46 : memref<10000x128xf32, #tpu.memory_space<hbm>>) target(%arg24 : memref<80x128xf32, #tpu.memory_space<vmem>>) offsets(%arg8 : memref<80xi32, #tpu.memory_space<vmem>>) semaphore(%arg35 : memref<!tpu.dma_semaphore, #tpu.memory_space<semaphore_mem>>)
    %add3A_47 = arith.constant 320 : i32
    %add3A_48 = arith.addi %mul3A_2, %add3A_47 : i32
    %dma_start3A_49 = tpu.memref_slice %arg3[%add3A_48] : memref<320000xi32, #tpu.memory_space<hbm>> -> memref<80xi32, #tpu.memory_space<hbm>>
    %dma_start3A_50 = tpu.memref_slice %arg3[%add3A_48] : memref<320000xi32, #tpu.memory_space<hbm>> -> memref<80xi32, #tpu.memory_space<hbm>>
    tpu.enqueue_dma source(%dma_start3A_50 : memref<80xi32, #tpu.memory_space<hbm>>) target(%arg11 : memref<80xi32, #tpu.memory_space<vmem>>) target_semaphore(%arg32 : memref<!tpu.dma_semaphore, #tpu.memory_space<semaphore_mem>>)
    %dma_start3A_51 = tpu.memref_slice %arg4[%add3A_48] : memref<320000xi32, #tpu.memory_space<hbm>> -> memref<80xi32, #tpu.memory_space<hbm>>
    %dma_start3A_52 = tpu.memref_slice %arg4[%add3A_48] : memref<320000xi32, #tpu.memory_space<hbm>> -> memref<80xi32, #tpu.memory_space<hbm>>
    tpu.enqueue_dma source(%dma_start3A_52 : memref<80xi32, #tpu.memory_space<hbm>>) target(%arg17 : memref<80xi32, #tpu.memory_space<vmem>>) target_semaphore(%arg32 : memref<!tpu.dma_semaphore, #tpu.memory_space<semaphore_mem>>)
    %add3A_53 = arith.constant 160 : i32
    %add3A_54 = arith.addi %mul3A_2, %add3A_53 : i32
    %dma_wait3A_55 = tpu.memref_slice %arg3[%add3A_54] : memref<320000xi32, #tpu.memory_space<hbm>> -> memref<80xi32, #tpu.memory_space<hbm>>
    %dma_wait3A_56 = tpu.memref_slice %arg3[%add3A_54] : memref<320000xi32, #tpu.memory_space<hbm>> -> memref<80xi32, #tpu.memory_space<hbm>>
    tpu.wait_dma2 semaphore(%arg30 : memref<!tpu.dma_semaphore, #tpu.memory_space<semaphore_mem>>) src(%dma_wait3A_56 : memref<80xi32, #tpu.memory_space<hbm>>) dst(%arg9 : memref<80xi32, #tpu.memory_space<vmem>>)
    %dma_wait3A_57 = tpu.memref_slice %arg4[%add3A_54] : memref<320000xi32, #tpu.memory_space<hbm>> -> memref<80xi32, #tpu.memory_space<hbm>>
    %dma_wait3A_58 = tpu.memref_slice %arg4[%add3A_54] : memref<320000xi32, #tpu.memory_space<hbm>> -> memref<80xi32, #tpu.memory_space<hbm>>
    tpu.wait_dma2 semaphore(%arg30 : memref<!tpu.dma_semaphore, #tpu.memory_space<semaphore_mem>>) src(%dma_wait3A_58 : memref<80xi32, #tpu.memory_space<hbm>>) dst(%arg15 : memref<80xi32, #tpu.memory_space<vmem>>)
    %dma_start3A_59 = arith.constant 0 : i32
    %dma_start3A_60 = arith.constant 0 : i32
    %dma_start3A_61 = tpu.memref_slice %arg2[%dma_start3A_59, %dma_start3A_60] : memref<10000x128xf32, #tpu.memory_space<hbm>> -> memref<10000x128xf32, #tpu.memory_space<hbm>>
    tpu.enqueue_indirect_dma source(%dma_start3A_61 : memref<10000x128xf32, #tpu.memory_space<hbm>>) target(%arg25 : memref<80x128xf32, #tpu.memory_space<vmem>>) offsets(%arg9 : memref<80xi32, #tpu.memory_space<vmem>>) semaphore(%arg36 : memref<!tpu.dma_semaphore, #tpu.memory_space<semaphore_mem>>)
    %dma_wait3A_62 = arith.constant 0 : i32
    %dma_wait3A_63 = arith.constant 0 : i32
    %dma_wait3A_64 = tpu.memref_slice %arg2[%dma_wait3A_62, %dma_wait3A_63] : memref<10000x128xf32, #tpu.memory_space<hbm>> -> memref<10000x128xf32, #tpu.memory_space<hbm>>
    tpu.wait_indirect_dma semaphore(%arg34 : memref<!tpu.dma_semaphore, #tpu.memory_space<semaphore_mem>>) src(%dma_wait3A_64 : memref<10000x128xf32, #tpu.memory_space<hbm>>) dst(%arg23 : memref<80x128xf32, #tpu.memory_space<vmem>>)
    %get3A = arith.constant 0 : index
    %get3A_65 = tpu.vector_load %arg7[%get3A] {strides = array<i32>} : memref<80xi32, #tpu.memory_space<vmem>>, vector<16xi32>,
    %get3A_66 = vector.shape_cast %get3A_65 : vector<16xi32> to vector<16xi32>
    %get3A_67 = arith.constant 0 : index
    %get3A_68 = tpu.vector_load %arg13[%get3A_67] {strides = array<i32>} : memref<80xi32, #tpu.memory_space<vmem>>, vector<16xi32>,
    %get3A_69 = vector.shape_cast %get3A_68 : vector<16xi32> to vector<16xi32>
    %ne3A = arith.cmpi ne, %get3A_66, %get3A_69 : vector<16xi32>
    %jit3A = arith.constant 10000 : i32
    %broadcast_in_dim3A = vector.broadcast %jit3A : i32 to vector<16xi32>
    %select_n3A = arith.select %ne3A, %get3A_69, %broadcast_in_dim3A : vector<16xi1>, vector<16xi32>
    %swap3A = arith.constant 0 : index
    %swap3A_70 = tpu.vector_load %arg19[%swap3A] {strides = array<i32>} : memref<80xi32, #tpu.memory_space<vmem>>, vector<16xi32>,
    %swap3A_71 = vector.shape_cast %swap3A_70 : vector<16xi32> to vector<16xi32>
    %swap3A_72 = vector.shape_cast %select_n3A : vector<16xi32> to vector<16xi32>
    tpu.vector_store %arg19[%swap3A], %swap3A_72 {strides = array<i32>} : memref<80xi32, #tpu.memory_space<vmem>>, vector<16xi32>,
    %get3A_73 = arith.constant 16 : index
    %get3A_74 = tpu.vector_load %arg7[%get3A_73] {strides = array<i32>} : memref<80xi32, #tpu.memory_space<vmem>>, vector<16xi32>,
    %get3A_75 = vector.shape_cast %get3A_74 : vector<16xi32> to vector<16xi32>
    %get3A_76 = arith.constant 16 : index
    %get3A_77 = tpu.vector_load %arg13[%get3A_76] {strides = array<i32>} : memref<80xi32, #tpu.memory_space<vmem>>, vector<16xi32>,
    %get3A_78 = vector.shape_cast %get3A_77 : vector<16xi32> to vector<16xi32>
    %ne3A_79 = arith.cmpi ne, %get3A_75, %get3A_78 : vector<16xi32>
    %jit3A_80 = arith.constant 10000 : i32
    %broadcast_in_dim3A_81 = vector.broadcast %jit3A_80 : i32 to vector<16xi32>
    %select_n3A_82 = arith.select %ne3A_79, %get3A_78, %broadcast_in_dim3A_81 : vector<16xi1>, vector<16xi32>
    %swap3A_83 = arith.constant 16 : index
    %swap3A_84 = tpu.vector_load %arg19[%swap3A_83] {strides = array<i32>} : memref<80xi32, #tpu.memory_space<vmem>>, vector<16xi32>,
    %swap3A_85 = vector.shape_cast %swap3A_84 : vector<16xi32> to vector<16xi32>
    %swap3A_86 = vector.shape_cast %select_n3A_82 : vector<16xi32> to vector<16xi32>
    tpu.vector_store %arg19[%swap3A_83], %swap3A_86 {strides = array<i32>} : memref<80xi32, #tpu.memory_space<vmem>>, vector<16xi32>,
    %get3A_87 = arith.constant 32 : index
    %get3A_88 = tpu.vector_load %arg7[%get3A_87] {strides = array<i32>} : memref<80xi32, #tpu.memory_space<vmem>>, vector<16xi32>,
    %get3A_89 = vector.shape_cast %get3A_88 : vector<16xi32> to vector<16xi32>
    %get3A_90 = arith.constant 32 : index
    %get3A_91 = tpu.vector_load %arg13[%get3A_90] {strides = array<i32>} : memref<80xi32, #tpu.memory_space<vmem>>, vector<16xi32>,
    %get3A_92 = vector.shape_cast %get3A_91 : vector<16xi32> to vector<16xi32>
    %ne3A_93 = arith.cmpi ne, %get3A_89, %get3A_92 : vector<16xi32>
    %jit3A_94 = arith.constant 10000 : i32
    %broadcast_in_dim3A_95 = vector.broadcast %jit3A_94 : i32 to vector<16xi32>
    %select_n3A_96 = arith.select %ne3A_93, %get3A_92, %broadcast_in_dim3A_95 : vector<16xi1>, vector<16xi32>
    %swap3A_97 = arith.constant 32 : index
    %swap3A_98 = tpu.vector_load %arg19[%swap3A_97] {strides = array<i32>} : memref<80xi32, #tpu.memory_space<vmem>>, vector<16xi32>,
    %swap3A_99 = vector.shape_cast %swap3A_98 : vector<16xi32> to vector<16xi32>
    %swap3A_100 = vector.shape_cast %select_n3A_96 : vector<16xi32> to vector<16xi32>
    tpu.vector_store %arg19[%swap3A_97], %swap3A_100 {strides = array<i32>} : memref<80xi32, #tpu.memory_space<vmem>>, vector<16xi32>,
    %get3A_101 = arith.constant 48 : index
    %get3A_102 = tpu.vector_load %arg7[%get3A_101] {strides = array<i32>} : memref<80xi32, #tpu.memory_space<vmem>>, vector<16xi32>,
    %get3A_103 = vector.shape_cast %get3A_102 : vector<16xi32> to vector<16xi32>
    %get3A_104 = arith.constant 48 : index
    %get3A_105 = tpu.vector_load %arg13[%get3A_104] {strides = array<i32>} : memref<80xi32, #tpu.memory_space<vmem>>, vector<16xi32>,
    %get3A_106 = vector.shape_cast %get3A_105 : vector<16xi32> to vector<16xi32>
    %ne3A_107 = arith.cmpi ne, %get3A_103, %get3A_106 : vector<16xi32>
    %jit3A_108 = arith.constant 10000 : i32
    %broadcast_in_dim3A_109 = vector.broadcast %jit3A_108 : i32 to vector<16xi32>
    %select_n3A_110 = arith.select %ne3A_107, %get3A_106, %broadcast_in_dim3A_109 : vector<16xi1>, vector<16xi32>
    %swap3A_111 = arith.constant 48 : index
    %swap3A_112 = tpu.vector_load %arg19[%swap3A_111] {strides = array<i32>} : memref<80xi32, #tpu.memory_space<vmem>>, vector<16xi32>,
    %swap3A_113 = vector.shape_cast %swap3A_112 : vector<16xi32> to vector<16xi32>
    %swap3A_114 = vector.shape_cast %select_n3A_110 : vector<16xi32> to vector<16xi32>
    tpu.vector_store %arg19[%swap3A_111], %swap3A_114 {strides = array<i32>} : memref<80xi32, #tpu.memory_space<vmem>>, vector<16xi32>,
    %get3A_115 = arith.constant 64 : index
    %get3A_116 = tpu.vector_load %arg7[%get3A_115] {strides = array<i32>} : memref<80xi32, #tpu.memory_space<vmem>>, vector<16xi32>,
    %get3A_117 = vector.shape_cast %get3A_116 : vector<16xi32> to vector<16xi32>
    %get3A_118 = arith.constant 64 : index
    %get3A_119 = tpu.vector_load %arg13[%get3A_118] {strides = array<i32>} : memref<80xi32, #tpu.memory_space<vmem>>, vector<16xi32>,
    %get3A_120 = vector.shape_cast %get3A_119 : vector<16xi32> to vector<16xi32>
    %ne3A_121 = arith.cmpi ne, %get3A_117, %get3A_120 : vector<16xi32>
    %jit3A_122 = arith.constant 10000 : i32
    %broadcast_in_dim3A_123 = vector.broadcast %jit3A_122 : i32 to vector<16xi32>
    %select_n3A_124 = arith.select %ne3A_121, %get3A_120, %broadcast_in_dim3A_123 : vector<16xi1>, vector<16xi32>
    %swap3A_125 = arith.constant 64 : index
    %swap3A_126 = tpu.vector_load %arg19[%swap3A_125] {strides = array<i32>} : memref<80xi32, #tpu.memory_space<vmem>>, vector<16xi32>,
    %swap3A_127 = vector.shape_cast %swap3A_126 : vector<16xi32> to vector<16xi32>
    %swap3A_128 = vector.shape_cast %select_n3A_124 : vector<16xi32> to vector<16xi32>
    tpu.vector_store %arg19[%swap3A_125], %swap3A_128 {strides = array<i32>} : memref<80xi32, #tpu.memory_space<vmem>>, vector<16xi32>,
    %dma_start3A_129 = arith.constant 0 : i32
    %dma_start3A_130 = arith.constant 0 : i32
    %dma_start3A_131 = tpu.memref_slice %arg27[%dma_start3A_129, %dma_start3A_130] : memref<10240x128xf32, #tpu.memory_space<vmem_shared>> -> memref<10240x128xf32, #tpu.memory_space<vmem_shared>>
    tpu.enqueue_indirect_dma source(%arg23 : memref<80x128xf32, #tpu.memory_space<vmem>>) target(%dma_start3A_131 : memref<10240x128xf32, #tpu.memory_space<vmem_shared>>) offsets(%arg19 : memref<80xi32, #tpu.memory_space<vmem>>) semaphore(%arg38 : memref<!tpu.dma_semaphore, #tpu.memory_space<semaphore_mem>>) {add = true}
    %add3A_132 = arith.constant 400 : i32
    %add3A_133 = arith.addi %mul3A_2, %add3A_132 : i32
    %dma_start3A_134 = tpu.memref_slice %arg3[%add3A_133] : memref<320000xi32, #tpu.memory_space<hbm>> -> memref<80xi32, #tpu.memory_space<hbm>>
    %dma_start3A_135 = tpu.memref_slice %arg3[%add3A_133] : memref<320000xi32, #tpu.memory_space<hbm>> -> memref<80xi32, #tpu.memory_space<hbm>>
    tpu.enqueue_dma source(%dma_start3A_135 : memref<80xi32, #tpu.memory_space<hbm>>) target(%arg12 : memref<80xi32, #tpu.memory_space<vmem>>) target_semaphore(%arg33 : memref<!tpu.dma_semaphore, #tpu.memory_space<semaphore_mem>>)
    %dma_start3A_136 = tpu.memref_slice %arg4[%add3A_133] : memref<320000xi32, #tpu.memory_space<hbm>> -> memref<80xi32, #tpu.memory_space<hbm>>
    %dma_start3A_137 = tpu.memref_slice %arg4[%add3A_133] : memref<320000xi32, #tpu.memory_space<hbm>> -> memref<80xi32, #tpu.memory_space<hbm>>
    tpu.enqueue_dma source(%dma_start3A_137 : memref<80xi32, #tpu.memory_space<hbm>>) target(%arg18 : memref<80xi32, #tpu.memory_space<vmem>>) target_semaphore(%arg33 : memref<!tpu.dma_semaphore, #tpu.memory_space<semaphore_mem>>)
    %add3A_138 = arith.constant 240 : i32
    %add3A_139 = arith.addi %mul3A_2, %add3A_138 : i32
    %dma_wait3A_140 = tpu.memref_slice %arg3[%add3A_139] : memref<320000xi32, #tpu.memory_space<hbm>> -> memref<80xi32, #tpu.memory_space<hbm>>
    %dma_wait3A_141 = tpu.memref_slice %arg3[%add3A_139] : memref<320000xi32, #tpu.memory_space<hbm>> -> memref<80xi32, #tpu.memory_space<hbm>>
    tpu.wait_dma2 semaphore(%arg31 : memref<!tpu.dma_semaphore, #tpu.memory_space<semaphore_mem>>) src(%dma_wait3A_141 : memref<80xi32, #tpu.memory_space<hbm>>) dst(%arg10 : memref<80xi32, #tpu.memory_space<vmem>>)
    %dma_wait3A_142 = tpu.memref_slice %arg4[%add3A_139] : memref<320000xi32, #tpu.memory_space<hbm>> -> memref<80xi32, #tpu.memory_space<hbm>>
    %dma_wait3A_143 = tpu.memref_slice %arg4[%add3A_139] : memref<320000xi32, #tpu.memory_space<hbm>> -> memref<80xi32, #tpu.memory_space<hbm>>
    tpu.wait_dma2 semaphore(%arg31 : memref<!tpu.dma_semaphore, #tpu.memory_space<semaphore_mem>>) src(%dma_wait3A_143 : memref<80xi32, #tpu.memory_space<hbm>>) dst(%arg16 : memref<80xi32, #tpu.memory_space<vmem>>)
    %dma_start3A_144 = arith.constant 0 : i32
    %dma_start3A_145 = arith.constant 0 : i32
    %dma_start3A_146 = tpu.memref_slice %arg2[%dma_start3A_144, %dma_start3A_145] : memref<10000x128xf32, #tpu.memory_space<hbm>> -> memref<10000x128xf32, #tpu.memory_space<hbm>>
    tpu.enqueue_indirect_dma source(%dma_start3A_146 : memref<10000x128xf32, #tpu.memory_space<hbm>>) target(%arg26 : memref<80x128xf32, #tpu.memory_space<vmem>>) offsets(%arg10 : memref<80xi32, #tpu.memory_space<vmem>>) semaphore(%arg37 : memref<!tpu.dma_semaphore, #tpu.memory_space<semaphore_mem>>)
    %dma_wait3A_147 = arith.constant 0 : i32
    %dma_wait3A_148 = arith.constant 0 : i32
    %dma_wait3A_149 = tpu.memref_slice %arg2[%dma_wait3A_147, %dma_wait3A_148] : memref<10000x128xf32, #tpu.memory_space<hbm>> -> memref<10000x128xf32, #tpu.memory_space<hbm>>
    tpu.wait_indirect_dma semaphore(%arg35 : memref<!tpu.dma_semaphore, #tpu.memory_space<semaphore_mem>>) src(%dma_wait3A_149 : memref<10000x128xf32, #tpu.memory_space<hbm>>) dst(%arg24 : memref<80x128xf32, #tpu.memory_space<vmem>>)
    %get3A_150 = arith.constant 0 : index
    %get3A_151 = tpu.vector_load %arg8[%get3A_150] {strides = array<i32>} : memref<80xi32, #tpu.memory_space<vmem>>, vector<16xi32>,
    %get3A_152 = vector.shape_cast %get3A_151 : vector<16xi32> to vector<16xi32>
    %get3A_153 = arith.constant 0 : index
    %get3A_154 = tpu.vector_load %arg14[%get3A_153] {strides = array<i32>} : memref<80xi32, #tpu.memory_space<vmem>>, vector<16xi32>,
    %get3A_155 = vector.shape_cast %get3A_154 : vector<16xi32> to vector<16xi32>
    %ne3A_156 = arith.cmpi ne, %get3A_152, %get3A_155 : vector<16xi32>
    %jit3A_157 = arith.constant 10000 : i32
    %broadcast_in_dim3A_158 = vector.broadcast %jit3A_157 : i32 to vector<16xi32>
    %select_n3A_159 = arith.select %ne3A_156, %get3A_155, %broadcast_in_dim3A_158 : vector<16xi1>, vector<16xi32>
    %swap3A_160 = arith.constant 0 : index
    %swap3A_161 = tpu.vector_load %arg20[%swap3A_160] {strides = array<i32>} : memref<80xi32, #tpu.memory_space<vmem>>, vector<16xi32>,
    %swap3A_162 = vector.shape_cast %swap3A_161 : vector<16xi32> to vector<16xi32>
    %swap3A_163 = vector.shape_cast %select_n3A_159 : vector<16xi32> to vector<16xi32>
    tpu.vector_store %arg20[%swap3A_160], %swap3A_163 {strides = array<i32>} : memref<80xi32, #tpu.memory_space<vmem>>, vector<16xi32>,
    %get3A_164 = arith.constant 16 : index
    %get3A_165 = tpu.vector_load %arg8[%get3A_164] {strides = array<i32>} : memref<80xi32, #tpu.memory_space<vmem>>, vector<16xi32>,
    %get3A_166 = vector.shape_cast %get3A_165 : vector<16xi32> to vector<16xi32>
    %get3A_167 = arith.constant 16 : index
    %get3A_168 = tpu.vector_load %arg14[%get3A_167] {strides = array<i32>} : memref<80xi32, #tpu.memory_space<vmem>>, vector<16xi32>,
    %get3A_169 = vector.shape_cast %get3A_168 : vector<16xi32> to vector<16xi32>
    %ne3A_170 = arith.cmpi ne, %get3A_166, %get3A_169 : vector<16xi32>
    %jit3A_171 = arith.constant 10000 : i32
    %broadcast_in_dim3A_172 = vector.broadcast %jit3A_171 : i32 to vector<16xi32>
    %select_n3A_173 = arith.select %ne3A_170, %get3A_169, %broadcast_in_dim3A_172 : vector<16xi1>, vector<16xi32>
    %swap3A_174 = arith.constant 16 : index
    %swap3A_175 = tpu.vector_load %arg20[%swap3A_174] {strides = array<i32>} : memref<80xi32, #tpu.memory_space<vmem>>, vector<16xi32>,
    %swap3A_176 = vector.shape_cast %swap3A_175 : vector<16xi32> to vector<16xi32>
    %swap3A_177 = vector.shape_cast %select_n3A_173 : vector<16xi32> to vector<16xi32>
    tpu.vector_store %arg20[%swap3A_174], %swap3A_177 {strides = array<i32>} : memref<80xi32, #tpu.memory_space<vmem>>, vector<16xi32>,
    %get3A_178 = arith.constant 32 : index
    %get3A_179 = tpu.vector_load %arg8[%get3A_178] {strides = array<i32>} : memref<80xi32, #tpu.memory_space<vmem>>, vector<16xi32>,
    %get3A_180 = vector.shape_cast %get3A_179 : vector<16xi32> to vector<16xi32>
    %get3A_181 = arith.constant 32 : index
    %get3A_182 = tpu.vector_load %arg14[%get3A_181] {strides = array<i32>} : memref<80xi32, #tpu.memory_space<vmem>>, vector<16xi32>,
    %get3A_183 = vector.shape_cast %get3A_182 : vector<16xi32> to vector<16xi32>
    %ne3A_184 = arith.cmpi ne, %get3A_180, %get3A_183 : vector<16xi32>
    %jit3A_185 = arith.constant 10000 : i32
    %broadcast_in_dim3A_186 = vector.broadcast %jit3A_185 : i32 to vector<16xi32>
    %select_n3A_187 = arith.select %ne3A_184, %get3A_183, %broadcast_in_dim3A_186 : vector<16xi1>, vector<16xi32>
    %swap3A_188 = arith.constant 32 : index
    %swap3A_189 = tpu.vector_load %arg20[%swap3A_188] {strides = array<i32>} : memref<80xi32, #tpu.memory_space<vmem>>, vector<16xi32>,
    %swap3A_190 = vector.shape_cast %swap3A_189 : vector<16xi32> to vector<16xi32>
    %swap3A_191 = vector.shape_cast %select_n3A_187 : vector<16xi32> to vector<16xi32>
    tpu.vector_store %arg20[%swap3A_188], %swap3A_191 {strides = array<i32>} : memref<80xi32, #tpu.memory_space<vmem>>, vector<16xi32>,
    %get3A_192 = arith.constant 48 : index
    %get3A_193 = tpu.vector_load %arg8[%get3A_192] {strides = array<i32>} : memref<80xi32, #tpu.memory_space<vmem>>, vector<16xi32>,
    %get3A_194 = vector.shape_cast %get3A_193 : vector<16xi32> to vector<16xi32>
    %get3A_195 = arith.constant 48 : index
    %get3A_196 = tpu.vector_load %arg14[%get3A_195] {strides = array<i32>} : memref<80xi32, #tpu.memory_space<vmem>>, vector<16xi32>,
    %get3A_197 = vector.shape_cast %get3A_196 : vector<16xi32> to vector<16xi32>
    %ne3A_198 = arith.cmpi ne, %get3A_194, %get3A_197 : vector<16xi32>
    %jit3A_199 = arith.constant 10000 : i32
    %broadcast_in_dim3A_200 = vector.broadcast %jit3A_199 : i32 to vector<16xi32>
    %select_n3A_201 = arith.select %ne3A_198, %get3A_197, %broadcast_in_dim3A_200 : vector<16xi1>, vector<16xi32>
    %swap3A_202 = arith.constant 48 : index
    %swap3A_203 = tpu.vector_load %arg20[%swap3A_202] {strides = array<i32>} : memref<80xi32, #tpu.memory_space<vmem>>, vector<16xi32>,
    %swap3A_204 = vector.shape_cast %swap3A_203 : vector<16xi32> to vector<16xi32>
    %swap3A_205 = vector.shape_cast %select_n3A_201 : vector<16xi32> to vector<16xi32>
    tpu.vector_store %arg20[%swap3A_202], %swap3A_205 {strides = array<i32>} : memref<80xi32, #tpu.memory_space<vmem>>, vector<16xi32>,
    %get3A_206 = arith.constant 64 : index
    %get3A_207 = tpu.vector_load %arg8[%get3A_206] {strides = array<i32>} : memref<80xi32, #tpu.memory_space<vmem>>, vector<16xi32>,
    %get3A_208 = vector.shape_cast %get3A_207 : vector<16xi32> to vector<16xi32>
    %get3A_209 = arith.constant 64 : index
    %get3A_210 = tpu.vector_load %arg14[%get3A_209] {strides = array<i32>} : memref<80xi32, #tpu.memory_space<vmem>>, vector<16xi32>,
    %get3A_211 = vector.shape_cast %get3A_210 : vector<16xi32> to vector<16xi32>
    %ne3A_212 = arith.cmpi ne, %get3A_208, %get3A_211 : vector<16xi32>
    %jit3A_213 = arith.constant 10000 : i32
    %broadcast_in_dim3A_214 = vector.broadcast %jit3A_213 : i32 to vector<16xi32>
    %select_n3A_215 = arith.select %ne3A_212, %get3A_211, %broadcast_in_dim3A_214 : vector<16xi1>, vector<16xi32>
    %swap3A_216 = arith.constant 64 : index
    %swap3A_217 = tpu.vector_load %arg20[%swap3A_216] {strides = array<i32>} : memref<80xi32, #tpu.memory_space<vmem>>, vector<16xi32>,
    %swap3A_218 = vector.shape_cast %swap3A_217 : vector<16xi32> to vector<16xi32>
    %swap3A_219 = vector.shape_cast %select_n3A_215 : vector<16xi32> to vector<16xi32>
    tpu.vector_store %arg20[%swap3A_216], %swap3A_219 {strides = array<i32>} : memref<80xi32, #tpu.memory_space<vmem>>, vector<16xi32>,
    %dma_start3A_220 = arith.constant 0 : i32
    %dma_start3A_221 = arith.constant 0 : i32
    %dma_start3A_222 = tpu.memref_slice %arg27[%dma_start3A_220, %dma_start3A_221] : memref<10240x128xf32, #tpu.memory_space<vmem_shared>> -> memref<10240x128xf32, #tpu.memory_space<vmem_shared>>
    tpu.enqueue_indirect_dma source(%arg24 : memref<80x128xf32, #tpu.memory_space<vmem>>) target(%dma_start3A_222 : memref<10240x128xf32, #tpu.memory_space<vmem_shared>>) offsets(%arg20 : memref<80xi32, #tpu.memory_space<vmem>>) semaphore(%arg39 : memref<!tpu.dma_semaphore, #tpu.memory_space<semaphore_mem>>) {add = true}
    %scan3A = arith.constant 0 : i32
    %scan3A_223 = arith.constant 0 : i32
    %scan3A_224 = arith.constant 9 : i32
    %scan3A_225 = arith.addi %scan3A_223, %scan3A_224 : i32
    %scan3A_226 = arith.constant 1 : i32
    scf.for %scan3A_1610 = %scan3A_223 to %scan3A_225 step %scan3A_226  : i32 {
      %mul3A_1611 = arith.constant 12 : i32
      %mul3A_1612 = arith.muli %scan3A_1610, %mul3A_1611 : i32
      %add3A_1613 = arith.constant 2 : i32
      %add3A_1614 = arith.addi %add3A_1613, %mul3A_1612 : i32
      %add3A_1615 = arith.constant 0 : i32
      %add3A_1616 = arith.addi %add3A_1614, %add3A_1615 : i32
      %sub3A = arith.constant 2 : i32
      %sub3A_1617 = arith.subi %add3A_1616, %sub3A : i32
      %dma_wait3A_1618 = arith.constant 0 : i32
      %dma_wait3A_1619 = arith.constant 0 : i32
      %dma_wait3A_1620 = tpu.memref_slice %arg27[%dma_wait3A_1618, %dma_wait3A_1619] : memref<10240x128xf32, #tpu.memory_space<vmem_shared>> -> memref<10240x128xf32, #tpu.memory_space<vmem_shared>>
      tpu.wait_indirect_dma semaphore(%arg38 : memref<!tpu.dma_semaphore, #tpu.memory_space<semaphore_mem>>) src(%arg23 : memref<80x128xf32, #tpu.memory_space<vmem>>) dst(%dma_wait3A_1620 : memref<10240x128xf32, #tpu.memory_space<vmem_shared>>)
      %add3A_1621 = arith.constant 4 : i32
      %add3A_1622 = arith.addi %add3A_1616, %add3A_1621 : i32
      %mul3A_1623 = arith.constant 80 : i32
      %mul3A_1624 = arith.muli %add3A_1622, %mul3A_1623 : i32
      %add3A_1625 = arith.addi %mul3A_2, %mul3A_1624 : i32
      %dma_start3A_1626 = tpu.memref_slice %arg3[%add3A_1625] : memref<320000xi32, #tpu.memory_space<hbm>> -> memref<80xi32, #tpu.memory_space<hbm>>
      %dma_start3A_1627 = tpu.memref_slice %arg3[%add3A_1625] : memref<320000xi32, #tpu.memory_space<hbm>> -> memref<80xi32, #tpu.memory_space<hbm>>
      tpu.enqueue_dma source(%dma_start3A_1627 : memref<80xi32, #tpu.memory_space<hbm>>) target(%arg7 : memref<80xi32, #tpu.memory_space<vmem>>) target_semaphore(%arg28 : memref<!tpu.dma_semaphore, #tpu.memory_space<semaphore_mem>>)
      %dma_start3A_1628 = tpu.memref_slice %arg4[%add3A_1625] : memref<320000xi32, #tpu.memory_space<hbm>> -> memref<80xi32, #tpu.memory_space<hbm>>
      %dma_start3A_1629 = tpu.memref_slice %arg4[%add3A_1625] : memref<320000xi32, #tpu.memory_space<hbm>> -> memref<80xi32, #tpu.memory_space<hbm>>
      tpu.enqueue_dma source(%dma_start3A_1629 : memref<80xi32, #tpu.memory_space<hbm>>) target(%arg13 : memref<80xi32, #tpu.memory_space<vmem>>) target_semaphore(%arg28 : memref<!tpu.dma_semaphore, #tpu.memory_space<semaphore_mem>>)
      %add3A_1630 = arith.constant 2 : i32
      %add3A_1631 = arith.addi %add3A_1616, %add3A_1630 : i32
      %mul3A_1632 = arith.constant 80 : i32
      %mul3A_1633 = arith.muli %add3A_1631, %mul3A_1632 : i32
      %add3A_1634 = arith.addi %mul3A_2, %mul3A_1633 : i32
      %dma_wait3A_1635 = tpu.memref_slice %arg3[%add3A_1634] : memref<320000xi32, #tpu.memory_space<hbm>> -> memref<80xi32, #tpu.memory_space<hbm>>
      %dma_wait3A_1636 = tpu.memref_slice %arg3[%add3A_1634] : memref<320000xi32, #tpu.memory_space<hbm>> -> memref<80xi32, #tpu.memory_space<hbm>>
      tpu.wait_dma2 semaphore(%arg32 : memref<!tpu.dma_semaphore, #tpu.memory_space<semaphore_mem>>) src(%dma_wait3A_1636 : memref<80xi32, #tpu.memory_space<hbm>>) dst(%arg11 : memref<80xi32, #tpu.memory_space<vmem>>)
      %dma_wait3A_1637 = tpu.memref_slice %arg4[%add3A_1634] : memref<320000xi32, #tpu.memory_space<hbm>> -> memref<80xi32, #tpu.memory_space<hbm>>
      %dma_wait3A_1638 = tpu.memref_slice %arg4[%add3A_1634] : memref<320000xi32, #tpu.memory_space<hbm>> -> memref<80xi32, #tpu.memory_space<hbm>>
      tpu.wait_dma2 semaphore(%arg32 : memref<!tpu.dma_semaphore, #tpu.memory_space<semaphore_mem>>) src(%dma_wait3A_1638 : memref<80xi32, #tpu.memory_space<hbm>>) dst(%arg17 : memref<80xi32, #tpu.memory_space<vmem>>)
      %add3A_1639 = arith.constant 2 : i32
      %add3A_1640 = arith.addi %add3A_1616, %add3A_1639 : i32
      %dma_start3A_1641 = arith.constant 0 : i32
      %dma_start3A_1642 = arith.constant 0 : i32
      %dma_start3A_1643 = tpu.memref_slice %arg2[%dma_start3A_1641, %dma_start3A_1642] : memref<10000x128xf32, #tpu.memory_space<hbm>> -> memref<10000x128xf32, #tpu.memory_space<hbm>>
      tpu.enqueue_indirect_dma source(%dma_start3A_1643 : memref<10000x128xf32, #tpu.memory_space<hbm>>) target(%arg23 : memref<80x128xf32, #tpu.memory_space<vmem>>) offsets(%arg11 : memref<80xi32, #tpu.memory_space<vmem>>) semaphore(%arg34 : memref<!tpu.dma_semaphore, #tpu.memory_space<semaphore_mem>>)
      %dma_wait3A_1644 = arith.constant 0 : i32
      %dma_wait3A_1645 = arith.constant 0 : i32
      %dma_wait3A_1646 = tpu.memref_slice %arg2[%dma_wait3A_1644, %dma_wait3A_1645] : memref<10000x128xf32, #tpu.memory_space<hbm>> -> memref<10000x128xf32, #tpu.memory_space<hbm>>
      tpu.wait_indirect_dma semaphore(%arg36 : memref<!tpu.dma_semaphore, #tpu.memory_space<semaphore_mem>>) src(%dma_wait3A_1646 : memref<10000x128xf32, #tpu.memory_space<hbm>>) dst(%arg25 : memref<80x128xf32, #tpu.memory_space<vmem>>)
      %get3A_1647 = arith.constant 0 : index
      %get3A_1648 = tpu.vector_load %arg9[%get3A_1647] {strides = array<i32>} : memref<80xi32, #tpu.memory_space<vmem>>, vector<16xi32>,
      %get3A_1649 = vector.shape_cast %get3A_1648 : vector<16xi32> to vector<16xi32>
      %get3A_1650 = arith.constant 0 : index
      %get3A_1651 = tpu.vector_load %arg15[%get3A_1650] {strides = array<i32>} : memref<80xi32, #tpu.memory_space<vmem>>, vector<16xi32>,
      %get3A_1652 = vector.shape_cast %get3A_1651 : vector<16xi32> to vector<16xi32>
      %ne3A_1653 = arith.cmpi ne, %get3A_1649, %get3A_1652 : vector<16xi32>
      %jit3A_1654 = arith.constant 10000 : i32
      %broadcast_in_dim3A_1655 = vector.broadcast %jit3A_1654 : i32 to vector<16xi32>
      %select_n3A_1656 = arith.select %ne3A_1653, %get3A_1652, %broadcast_in_dim3A_1655 : vector<16xi1>, vector<16xi32>
      %swap3A_1657 = arith.constant 0 : index
      %swap3A_1658 = tpu.vector_load %arg21[%swap3A_1657] {strides = array<i32>} : memref<80xi32, #tpu.memory_space<vmem>>, vector<16xi32>,
      %swap3A_1659 = vector.shape_cast %swap3A_1658 : vector<16xi32> to vector<16xi32>
      %swap3A_1660 = vector.shape_cast %select_n3A_1656 : vector<16xi32> to vector<16xi32>
      tpu.vector_store %arg21[%swap3A_1657], %swap3A_1660 {strides = array<i32>} : memref<80xi32, #tpu.memory_space<vmem>>, vector<16xi32>,
      %get3A_1661 = arith.constant 16 : index
      %get3A_1662 = tpu.vector_load %arg9[%get3A_1661] {strides = array<i32>} : memref<80xi32, #tpu.memory_space<vmem>>, vector<16xi32>,
      %get3A_1663 = vector.shape_cast %get3A_1662 : vector<16xi32> to vector<16xi32>
      %get3A_1664 = arith.constant 16 : index
      %get3A_1665 = tpu.vector_load %arg15[%get3A_1664] {strides = array<i32>} : memref<80xi32, #tpu.memory_space<vmem>>, vector<16xi32>,
      %get3A_1666 = vector.shape_cast %get3A_1665 : vector<16xi32> to vector<16xi32>
      %ne3A_1667 = arith.cmpi ne, %get3A_1663, %get3A_1666 : vector<16xi32>
      %jit3A_1668 = arith.constant 10000 : i32
      %broadcast_in_dim3A_1669 = vector.broadcast %jit3A_1668 : i32 to vector<16xi32>
      %select_n3A_1670 = arith.select %ne3A_1667, %get3A_1666, %broadcast_in_dim3A_1669 : vector<16xi1>, vector<16xi32>
      %swap3A_1671 = arith.constant 16 : index
      %swap3A_1672 = tpu.vector_load %arg21[%swap3A_1671] {strides = array<i32>} : memref<80xi32, #tpu.memory_space<vmem>>, vector<16xi32>,
      %swap3A_1673 = vector.shape_cast %swap3A_1672 : vector<16xi32> to vector<16xi32>
      %swap3A_1674 = vector.shape_cast %select_n3A_1670 : vector<16xi32> to vector<16xi32>
      tpu.vector_store %arg21[%swap3A_1671], %swap3A_1674 {strides = array<i32>} : memref<80xi32, #tpu.memory_space<vmem>>, vector<16xi32>,
      %get3A_1675 = arith.constant 32 : index
      %get3A_1676 = tpu.vector_load %arg9[%get3A_1675] {strides = array<i32>} : memref<80xi32, #tpu.memory_space<vmem>>, vector<16xi32>,
      %get3A_1677 = vector.shape_cast %get3A_1676 : vector<16xi32> to vector<16xi32>
      %get3A_1678 = arith.constant 32 : index
      %get3A_1679 = tpu.vector_load %arg15[%get3A_1678] {strides = array<i32>} : memref<80xi32, #tpu.memory_space<vmem>>, vector<16xi32>,
      %get3A_1680 = vector.shape_cast %get3A_1679 : vector<16xi32> to vector<16xi32>
      %ne3A_1681 = arith.cmpi ne, %get3A_1677, %get3A_1680 : vector<16xi32>
      %jit3A_1682 = arith.constant 10000 : i32
      %broadcast_in_dim3A_1683 = vector.broadcast %jit3A_1682 : i32 to vector<16xi32>
      %select_n3A_1684 = arith.select %ne3A_1681, %get3A_1680, %broadcast_in_dim3A_1683 : vector<16xi1>, vector<16xi32>
      %swap3A_1685 = arith.constant 32 : index
      %swap3A_1686 = tpu.vector_load %arg21[%swap3A_1685] {strides = array<i32>} : memref<80xi32, #tpu.memory_space<vmem>>, vector<16xi32>,
      %swap3A_1687 = vector.shape_cast %swap3A_1686 : vector<16xi32> to vector<16xi32>
      %swap3A_1688 = vector.shape_cast %select_n3A_1684 : vector<16xi32> to vector<16xi32>
      tpu.vector_store %arg21[%swap3A_1685], %swap3A_1688 {strides = array<i32>} : memref<80xi32, #tpu.memory_space<vmem>>, vector<16xi32>,
      %get3A_1689 = arith.constant 48 : index
      %get3A_1690 = tpu.vector_load %arg9[%get3A_1689] {strides = array<i32>} : memref<80xi32, #tpu.memory_space<vmem>>, vector<16xi32>,
      %get3A_1691 = vector.shape_cast %get3A_1690 : vector<16xi32> to vector<16xi32>
      %get3A_1692 = arith.constant 48 : index
      %get3A_1693 = tpu.vector_load %arg15[%get3A_1692] {strides = array<i32>} : memref<80xi32, #tpu.memory_space<vmem>>, vector<16xi32>,
      %get3A_1694 = vector.shape_cast %get3A_1693 : vector<16xi32> to vector<16xi32>
      %ne3A_1695 = arith.cmpi ne, %get3A_1691, %get3A_1694 : vector<16xi32>
      %jit3A_1696 = arith.constant 10000 : i32
      %broadcast_in_dim3A_1697 = vector.broadcast %jit3A_1696 : i32 to vector<16xi32>
      %select_n3A_1698 = arith.select %ne3A_1695, %get3A_1694, %broadcast_in_dim3A_1697 : vector<16xi1>, vector<16xi32>
      %swap3A_1699 = arith.constant 48 : index
      %swap3A_1700 = tpu.vector_load %arg21[%swap3A_1699] {strides = array<i32>} : memref<80xi32, #tpu.memory_space<vmem>>, vector<16xi32>,
      %swap3A_1701 = vector.shape_cast %swap3A_1700 : vector<16xi32> to vector<16xi32>
      %swap3A_1702 = vector.shape_cast %select_n3A_1698 : vector<16xi32> to vector<16xi32>
      tpu.vector_store %arg21[%swap3A_1699], %swap3A_1702 {strides = array<i32>} : memref<80xi32, #tpu.memory_space<vmem>>, vector<16xi32>,
      %get3A_1703 = arith.constant 64 : index
      %get3A_1704 = tpu.vector_load %arg9[%get3A_1703] {strides = array<i32>} : memref<80xi32, #tpu.memory_space<vmem>>, vector<16xi32>,
      %get3A_1705 = vector.shape_cast %get3A_1704 : vector<16xi32> to vector<16xi32>
      %get3A_1706 = arith.constant 64 : index
      %get3A_1707 = tpu.vector_load %arg15[%get3A_1706] {strides = array<i32>} : memref<80xi32, #tpu.memory_space<vmem>>, vector<16xi32>,
      %get3A_1708 = vector.shape_cast %get3A_1707 : vector<16xi32> to vector<16xi32>
      %ne3A_1709 = arith.cmpi ne, %get3A_1705, %get3A_1708 : vector<16xi32>
      %jit3A_1710 = arith.constant 10000 : i32
      %broadcast_in_dim3A_1711 = vector.broadcast %jit3A_1710 : i32 to vector<16xi32>
      %select_n3A_1712 = arith.select %ne3A_1709, %get3A_1708, %broadcast_in_dim3A_1711 : vector<16xi1>, vector<16xi32>
      %swap3A_1713 = arith.constant 64 : index
      %swap3A_1714 = tpu.vector_load %arg21[%swap3A_1713] {strides = array<i32>} : memref<80xi32, #tpu.memory_space<vmem>>, vector<16xi32>,
      %swap3A_1715 = vector.shape_cast %swap3A_1714 : vector<16xi32> to vector<16xi32>
      %swap3A_1716 = vector.shape_cast %select_n3A_1712 : vector<16xi32> to vector<16xi32>
      tpu.vector_store %arg21[%swap3A_1713], %swap3A_1716 {strides = array<i32>} : memref<80xi32, #tpu.memory_space<vmem>>, vector<16xi32>,
      %dma_start3A_1717 = arith.constant 0 : i32
      %dma_start3A_1718 = arith.constant 0 : i32
      %dma_start3A_1719 = tpu.memref_slice %arg27[%dma_start3A_1717, %dma_start3A_1718] : memref<10240x128xf32, #tpu.memory_space<vmem_shared>> -> memref<10240x128xf32, #tpu.memory_space<vmem_shared>>
      tpu.enqueue_indirect_dma source(%arg25 : memref<80x128xf32, #tpu.memory_space<vmem>>) target(%dma_start3A_1719 : memref<10240x128xf32, #tpu.memory_space<vmem_shared>>) offsets(%arg21 : memref<80xi32, #tpu.memory_space<vmem>>) semaphore(%arg40 : memref<!tpu.dma_semaphore, #tpu.memory_space<semaphore_mem>>) {add = true}
      %add3A_1720 = arith.constant 1 : i32
      %add3A_1721 = arith.addi %add3A_1614, %add3A_1720 : i32
      %sub3A_1722 = arith.constant 2 : i32
      %sub3A_1723 = arith.subi %add3A_1721, %sub3A_1722 : i32
      %dma_wait3A_1724 = arith.constant 0 : i32
      %dma_wait3A_1725 = arith.constant 0 : i32
      %dma_wait3A_1726 = tpu.memref_slice %arg27[%dma_wait3A_1724, %dma_wait3A_1725] : memref<10240x128xf32, #tpu.memory_space<vmem_shared>> -> memref<10240x128xf32, #tpu.memory_space<vmem_shared>>
      tpu.wait_indirect_dma semaphore(%arg39 : memref<!tpu.dma_semaphore, #tpu.memory_space<semaphore_mem>>) src(%arg24 : memref<80x128xf32, #tpu.memory_space<vmem>>) dst(%dma_wait3A_1726 : memref<10240x128xf32, #tpu.memory_space<vmem_shared>>)
      %add3A_1727 = arith.constant 4 : i32
      %add3A_1728 = arith.addi %add3A_1721, %add3A_1727 : i32
      %mul3A_1729 = arith.constant 80 : i32
      %mul3A_1730 = arith.muli %add3A_1728, %mul3A_1729 : i32
      %add3A_1731 = arith.addi %mul3A_2, %mul3A_1730 : i32
      %dma_start3A_1732 = tpu.memref_slice %arg3[%add3A_1731] : memref<320000xi32, #tpu.memory_space<hbm>> -> memref<80xi32, #tpu.memory_space<hbm>>
      %dma_start3A_1733 = tpu.memref_slice %arg3[%add3A_1731] : memref<320000xi32, #tpu.memory_space<hbm>> -> memref<80xi32, #tpu.memory_space<hbm>>
      tpu.enqueue_dma source(%dma_start3A_1733 : memref<80xi32, #tpu.memory_space<hbm>>) target(%arg8 : memref<80xi32, #tpu.memory_space<vmem>>) target_semaphore(%arg29 : memref<!tpu.dma_semaphore, #tpu.memory_space<semaphore_mem>>)
      %dma_start3A_1734 = tpu.memref_slice %arg4[%add3A_1731] : memref<320000xi32, #tpu.memory_space<hbm>> -> memref<80xi32, #tpu.memory_space<hbm>>
      %dma_start3A_1735 = tpu.memref_slice %arg4[%add3A_1731] : memref<320000xi32, #tpu.memory_space<hbm>> -> memref<80xi32, #tpu.memory_space<hbm>>
      tpu.enqueue_dma source(%dma_start3A_1735 : memref<80xi32, #tpu.memory_space<hbm>>) target(%arg14 : memref<80xi32, #tpu.memory_space<vmem>>) target_semaphore(%arg29 : memref<!tpu.dma_semaphore, #tpu.memory_space<semaphore_mem>>)
      %add3A_1736 = arith.constant 2 : i32
      %add3A_1737 = arith.addi %add3A_1721, %add3A_1736 : i32
      %mul3A_1738 = arith.constant 80 : i32
      %mul3A_1739 = arith.muli %add3A_1737, %mul3A_1738 : i32
      %add3A_1740 = arith.addi %mul3A_2, %mul3A_1739 : i32
      %dma_wait3A_1741 = tpu.memref_slice %arg3[%add3A_1740] : memref<320000xi32, #tpu.memory_space<hbm>> -> memref<80xi32, #tpu.memory_space<hbm>>
      %dma_wait3A_1742 = tpu.memref_slice %arg3[%add3A_1740] : memref<320000xi32, #tpu.memory_space<hbm>> -> memref<80xi32, #tpu.memory_space<hbm>>
      tpu.wait_dma2 semaphore(%arg33 : memref<!tpu.dma_semaphore, #tpu.memory_space<semaphore_mem>>) src(%dma_wait3A_1742 : memref<80xi32, #tpu.memory_space<hbm>>) dst(%arg12 : memref<80xi32, #tpu.memory_space<vmem>>)
      %dma_wait3A_1743 = tpu.memref_slice %arg4[%add3A_1740] : memref<320000xi32, #tpu.memory_space<hbm>> -> memref<80xi32, #tpu.memory_space<hbm>>
      %dma_wait3A_1744 = tpu.memref_slice %arg4[%add3A_1740] : memref<320000xi32, #tpu.memory_space<hbm>> -> memref<80xi32, #tpu.memory_space<hbm>>
      tpu.wait_dma2 semaphore(%arg33 : memref<!tpu.dma_semaphore, #tpu.memory_space<semaphore_mem>>) src(%dma_wait3A_1744 : memref<80xi32, #tpu.memory_space<hbm>>) dst(%arg18 : memref<80xi32, #tpu.memory_space<vmem>>)
      %add3A_1745 = arith.constant 2 : i32
      %add3A_1746 = arith.addi %add3A_1721, %add3A_1745 : i32
      %dma_start3A_1747 = arith.constant 0 : i32
      %dma_start3A_1748 = arith.constant 0 : i32
      %dma_start3A_1749 = tpu.memref_slice %arg2[%dma_start3A_1747, %dma_start3A_1748] : memref<10000x128xf32, #tpu.memory_space<hbm>> -> memref<10000x128xf32, #tpu.memory_space<hbm>>
      tpu.enqueue_indirect_dma source(%dma_start3A_1749 : memref<10000x128xf32, #tpu.memory_space<hbm>>) target(%arg24 : memref<80x128xf32, #tpu.memory_space<vmem>>) offsets(%arg12 : memref<80xi32, #tpu.memory_space<vmem>>) semaphore(%arg35 : memref<!tpu.dma_semaphore, #tpu.memory_space<semaphore_mem>>)
      %dma_wait3A_1750 = arith.constant 0 : i32
      %dma_wait3A_1751 = arith.constant 0 : i32
      %dma_wait3A_1752 = tpu.memref_slice %arg2[%dma_wait3A_1750, %dma_wait3A_1751] : memref<10000x128xf32, #tpu.memory_space<hbm>> -> memref<10000x128xf32, #tpu.memory_space<hbm>>
      tpu.wait_indirect_dma semaphore(%arg37 : memref<!tpu.dma_semaphore, #tpu.memory_space<semaphore_mem>>) src(%dma_wait3A_1752 : memref<10000x128xf32, #tpu.memory_space<hbm>>) dst(%arg26 : memref<80x128xf32, #tpu.memory_space<vmem>>)
      %get3A_1753 = arith.constant 0 : index
      %get3A_1754 = tpu.vector_load %arg10[%get3A_1753] {strides = array<i32>} : memref<80xi32, #tpu.memory_space<vmem>>, vector<16xi32>,
      %get3A_1755 = vector.shape_cast %get3A_1754 : vector<16xi32> to vector<16xi32>
      %get3A_1756 = arith.constant 0 : index
      %get3A_1757 = tpu.vector_load %arg16[%get3A_1756] {strides = array<i32>} : memref<80xi32, #tpu.memory_space<vmem>>, vector<16xi32>,
      %get3A_1758 = vector.shape_cast %get3A_1757 : vector<16xi32> to vector<16xi32>
      %ne3A_1759 = arith.cmpi ne, %get3A_1755, %get3A_1758 : vector<16xi32>
      %jit3A_1760 = arith.constant 10000 : i32
      %broadcast_in_dim3A_1761 = vector.broadcast %jit3A_1760 : i32 to vector<16xi32>
      %select_n3A_1762 = arith.select %ne3A_1759, %get3A_1758, %broadcast_in_dim3A_1761 : vector<16xi1>, vector<16xi32>
      %swap3A_1763 = arith.constant 0 : index
      %swap3A_1764 = tpu.vector_load %arg22[%swap3A_1763] {strides = array<i32>} : memref<80xi32, #tpu.memory_space<vmem>>, vector<16xi32>,
      %swap3A_1765 = vector.shape_cast %swap3A_1764 : vector<16xi32> to vector<16xi32>
      %swap3A_1766 = vector.shape_cast %select_n3A_1762 : vector<16xi32> to vector<16xi32>
      tpu.vector_store %arg22[%swap3A_1763], %swap3A_1766 {strides = array<i32>} : memref<80xi32, #tpu.memory_space<vmem>>, vector<16xi32>,
      %get3A_1767 = arith.constant 16 : index
      %get3A_1768 = tpu.vector_load %arg10[%get3A_1767] {strides = array<i32>} : memref<80xi32, #tpu.memory_space<vmem>>, vector<16xi32>,
      %get3A_1769 = vector.shape_cast %get3A_1768 : vector<16xi32> to vector<16xi32>
      %get3A_1770 = arith.constant 16 : index
      %get3A_1771 = tpu.vector_load %arg16[%get3A_1770] {strides = array<i32>} : memref<80xi32, #tpu.memory_space<vmem>>, vector<16xi32>,
      %get3A_1772 = vector.shape_cast %get3A_1771 : vector<16xi32> to vector<16xi32>
      %ne3A_1773 = arith.cmpi ne, %get3A_1769, %get3A_1772 : vector<16xi32>
      %jit3A_1774 = arith.constant 10000 : i32
      %broadcast_in_dim3A_1775 = vector.broadcast %jit3A_1774 : i32 to vector<16xi32>
      %select_n3A_1776 = arith.select %ne3A_1773, %get3A_1772, %broadcast_in_dim3A_1775 : vector<16xi1>, vector<16xi32>
      %swap3A_1777 = arith.constant 16 : index
      %swap3A_1778 = tpu.vector_load %arg22[%swap3A_1777] {strides = array<i32>} : memref<80xi32, #tpu.memory_space<vmem>>, vector<16xi32>,
      %swap3A_1779 = vector.shape_cast %swap3A_1778 : vector<16xi32> to vector<16xi32>
      %swap3A_1780 = vector.shape_cast %select_n3A_1776 : vector<16xi32> to vector<16xi32>
      tpu.vector_store %arg22[%swap3A_1777], %swap3A_1780 {strides = array<i32>} : memref<80xi32, #tpu.memory_space<vmem>>, vector<16xi32>,
      %get3A_1781 = arith.constant 32 : index
      %get3A_1782 = tpu.vector_load %arg10[%get3A_1781] {strides = array<i32>} : memref<80xi32, #tpu.memory_space<vmem>>, vector<16xi32>,
      %get3A_1783 = vector.shape_cast %get3A_1782 : vector<16xi32> to vector<16xi32>
      %get3A_1784 = arith.constant 32 : index
      %get3A_1785 = tpu.vector_load %arg16[%get3A_1784] {strides = array<i32>} : memref<80xi32, #tpu.memory_space<vmem>>, vector<16xi32>,
      %get3A_1786 = vector.shape_cast %get3A_1785 : vector<16xi32> to vector<16xi32>
      %ne3A_1787 = arith.cmpi ne, %get3A_1783, %get3A_1786 : vector<16xi32>
      %jit3A_1788 = arith.constant 10000 : i32
      %broadcast_in_dim3A_1789 = vector.broadcast %jit3A_1788 : i32 to vector<16xi32>
      %select_n3A_1790 = arith.select %ne3A_1787, %get3A_1786, %broadcast_in_dim3A_1789 : vector<16xi1>, vector<16xi32>
      %swap3A_1791 = arith.constant 32 : index
      %swap3A_1792 = tpu.vector_load %arg22[%swap3A_1791] {strides = array<i32>} : memref<80xi32, #tpu.memory_space<vmem>>, vector<16xi32>,
      %swap3A_1793 = vector.shape_cast %swap3A_1792 : vector<16xi32> to vector<16xi32>
      %swap3A_1794 = vector.shape_cast %select_n3A_1790 : vector<16xi32> to vector<16xi32>
      tpu.vector_store %arg22[%swap3A_1791], %swap3A_1794 {strides = array<i32>} : memref<80xi32, #tpu.memory_space<vmem>>, vector<16xi32>,
      %get3A_1795 = arith.constant 48 : index
      %get3A_1796 = tpu.vector_load %arg10[%get3A_1795] {strides = array<i32>} : memref<80xi32, #tpu.memory_space<vmem>>, vector<16xi32>,
      %get3A_1797 = vector.shape_cast %get3A_1796 : vector<16xi32> to vector<16xi32>
      %get3A_1798 = arith.constant 48 : index
      %get3A_1799 = tpu.vector_load %arg16[%get3A_1798] {strides = array<i32>} : memref<80xi32, #tpu.memory_space<vmem>>, vector<16xi32>,
      %get3A_1800 = vector.shape_cast %get3A_1799 : vector<16xi32> to vector<16xi32>
      %ne3A_1801 = arith.cmpi ne, %get3A_1797, %get3A_1800 : vector<16xi32>
      %jit3A_1802 = arith.constant 10000 : i32
      %broadcast_in_dim3A_1803 = vector.broadcast %jit3A_1802 : i32 to vector<16xi32>
      %select_n3A_1804 = arith.select %ne3A_1801, %get3A_1800, %broadcast_in_dim3A_1803 : vector<16xi1>, vector<16xi32>
      %swap3A_1805 = arith.constant 48 : index
      %swap3A_1806 = tpu.vector_load %arg22[%swap3A_1805] {strides = array<i32>} : memref<80xi32, #tpu.memory_space<vmem>>, vector<16xi32>,
      %swap3A_1807 = vector.shape_cast %swap3A_1806 : vector<16xi32> to vector<16xi32>
      %swap3A_1808 = vector.shape_cast %select_n3A_1804 : vector<16xi32> to vector<16xi32>
      tpu.vector_store %arg22[%swap3A_1805], %swap3A_1808 {strides = array<i32>} : memref<80xi32, #tpu.memory_space<vmem>>, vector<16xi32>,
      %get3A_1809 = arith.constant 64 : index
      %get3A_1810 = tpu.vector_load %arg10[%get3A_1809] {strides = array<i32>} : memref<80xi32, #tpu.memory_space<vmem>>, vector<16xi32>,
      %get3A_1811 = vector.shape_cast %get3A_1810 : vector<16xi32> to vector<16xi32>
      %get3A_1812 = arith.constant 64 : index
      %get3A_1813 = tpu.vector_load %arg16[%get3A_1812] {strides = array<i32>} : memref<80xi32, #tpu.memory_space<vmem>>, vector<16xi32>,
      %get3A_1814 = vector.shape_cast %get3A_1813 : vector<16xi32> to vector<16xi32>
      %ne3A_1815 = arith.cmpi ne, %get3A_1811, %get3A_1814 : vector<16xi32>
      %jit3A_1816 = arith.constant 10000 : i32
      %broadcast_in_dim3A_1817 = vector.broadcast %jit3A_1816 : i32 to vector<16xi32>
      %select_n3A_1818 = arith.select %ne3A_1815, %get3A_1814, %broadcast_in_dim3A_1817 : vector<16xi1>, vector<16xi32>
      %swap3A_1819 = arith.constant 64 : index
      %swap3A_1820 = tpu.vector_load %arg22[%swap3A_1819] {strides = array<i32>} : memref<80xi32, #tpu.memory_space<vmem>>, vector<16xi32>,
      %swap3A_1821 = vector.shape_cast %swap3A_1820 : vector<16xi32> to vector<16xi32>
      %swap3A_1822 = vector.shape_cast %select_n3A_1818 : vector<16xi32> to vector<16xi32>
      tpu.vector_store %arg22[%swap3A_1819], %swap3A_1822 {strides = array<i32>} : memref<80xi32, #tpu.memory_space<vmem>>, vector<16xi32>,
      %dma_start3A_1823 = arith.constant 0 : i32
      %dma_start3A_1824 = arith.constant 0 : i32
      %dma_start3A_1825 = tpu.memref_slice %arg27[%dma_start3A_1823, %dma_start3A_1824] : memref<10240x128xf32, #tpu.memory_space<vmem_shared>> -> memref<10240x128xf32, #tpu.memory_space<vmem_shared>>
      tpu.enqueue_indirect_dma source(%arg26 : memref<80x128xf32, #tpu.memory_space<vmem>>) target(%dma_start3A_1825 : memref<10240x128xf32, #tpu.memory_space<vmem_shared>>) offsets(%arg22 : memref<80xi32, #tpu.memory_space<vmem>>) semaphore(%arg41 : memref<!tpu.dma_semaphore, #tpu.memory_space<semaphore_mem>>) {add = true}
      %add3A_1826 = arith.constant 2 : i32
      %add3A_1827 = arith.addi %add3A_1614, %add3A_1826 : i32
      %sub3A_1828 = arith.constant 2 : i32
      %sub3A_1829 = arith.subi %add3A_1827, %sub3A_1828 : i32
      %dma_wait3A_1830 = arith.constant 0 : i32
      %dma_wait3A_1831 = arith.constant 0 : i32
      %dma_wait3A_1832 = tpu.memref_slice %arg27[%dma_wait3A_1830, %dma_wait3A_1831] : memref<10240x128xf32, #tpu.memory_space<vmem_shared>> -> memref<10240x128xf32, #tpu.memory_space<vmem_shared>>
      tpu.wait_indirect_dma semaphore(%arg40 : memref<!tpu.dma_semaphore, #tpu.memory_space<semaphore_mem>>) src(%arg25 : memref<80x128xf32, #tpu.memory_space<vmem>>) dst(%dma_wait3A_1832 : memref<10240x128xf32, #tpu.memory_space<vmem_shared>>)
      %add3A_1833 = arith.constant 4 : i32
      %add3A_1834 = arith.addi %add3A_1827, %add3A_1833 : i32
      %mul3A_1835 = arith.constant 80 : i32
      %mul3A_1836 = arith.muli %add3A_1834, %mul3A_1835 : i32
      %add3A_1837 = arith.addi %mul3A_2, %mul3A_1836 : i32
      %dma_start3A_1838 = tpu.memref_slice %arg3[%add3A_1837] : memref<320000xi32, #tpu.memory_space<hbm>> -> memref<80xi32, #tpu.memory_space<hbm>>
      %dma_start3A_1839 = tpu.memref_slice %arg3[%add3A_1837] : memref<320000xi32, #tpu.memory_space<hbm>> -> memref<80xi32, #tpu.memory_space<hbm>>
      tpu.enqueue_dma source(%dma_start3A_1839 : memref<80xi32, #tpu.memory_space<hbm>>) target(%arg9 : memref<80xi32, #tpu.memory_space<vmem>>) target_semaphore(%arg30 : memref<!tpu.dma_semaphore, #tpu.memory_space<semaphore_mem>>)
      %dma_start3A_1840 = tpu.memref_slice %arg4[%add3A_1837] : memref<320000xi32, #tpu.memory_space<hbm>> -> memref<80xi32, #tpu.memory_space<hbm>>
      %dma_start3A_1841 = tpu.memref_slice %arg4[%add3A_1837] : memref<320000xi32, #tpu.memory_space<hbm>> -> memref<80xi32, #tpu.memory_space<hbm>>
      tpu.enqueue_dma source(%dma_start3A_1841 : memref<80xi32, #tpu.memory_space<hbm>>) target(%arg15 : memref<80xi32, #tpu.memory_space<vmem>>) target_semaphore(%arg30 : memref<!tpu.dma_semaphore, #tpu.memory_space<semaphore_mem>>)
      %add3A_1842 = arith.constant 2 : i32
      %add3A_1843 = arith.addi %add3A_1827, %add3A_1842 : i32
      %mul3A_1844 = arith.constant 80 : i32
      %mul3A_1845 = arith.muli %add3A_1843, %mul3A_1844 : i32
      %add3A_1846 = arith.addi %mul3A_2, %mul3A_1845 : i32
      %dma_wait3A_1847 = tpu.memref_slice %arg3[%add3A_1846] : memref<320000xi32, #tpu.memory_space<hbm>> -> memref<80xi32, #tpu.memory_space<hbm>>
      %dma_wait3A_1848 = tpu.memref_slice %arg3[%add3A_1846] : memref<320000xi32, #tpu.memory_space<hbm>> -> memref<80xi32, #tpu.memory_space<hbm>>
      tpu.wait_dma2 semaphore(%arg28 : memref<!tpu.dma_semaphore, #tpu.memory_space<semaphore_mem>>) src(%dma_wait3A_1848 : memref<80xi32, #tpu.memory_space<hbm>>) dst(%arg7 : memref<80xi32, #tpu.memory_space<vmem>>)
      %dma_wait3A_1849 = tpu.memref_slice %arg4[%add3A_1846] : memref<320000xi32, #tpu.memory_space<hbm>> -> memref<80xi32, #tpu.memory_space<hbm>>
      %dma_wait3A_1850 = tpu.memref_slice %arg4[%add3A_1846] : memref<320000xi32, #tpu.memory_space<hbm>> -> memref<80xi32, #tpu.memory_space<hbm>>
      tpu.wait_dma2 semaphore(%arg28 : memref<!tpu.dma_semaphore, #tpu.memory_space<semaphore_mem>>) src(%dma_wait3A_1850 : memref<80xi32, #tpu.memory_space<hbm>>) dst(%arg13 : memref<80xi32, #tpu.memory_space<vmem>>)
      %add3A_1851 = arith.constant 2 : i32
      %add3A_1852 = arith.addi %add3A_1827, %add3A_1851 : i32
      %dma_start3A_1853 = arith.constant 0 : i32
      %dma_start3A_1854 = arith.constant 0 : i32
      %dma_start3A_1855 = tpu.memref_slice %arg2[%dma_start3A_1853, %dma_start3A_1854] : memref<10000x128xf32, #tpu.memory_space<hbm>> -> memref<10000x128xf32, #tpu.memory_space<hbm>>
      tpu.enqueue_indirect_dma source(%dma_start3A_1855 : memref<10000x128xf32, #tpu.memory_space<hbm>>) target(%arg25 : memref<80x128xf32, #tpu.memory_space<vmem>>) offsets(%arg7 : memref<80xi32, #tpu.memory_space<vmem>>) semaphore(%arg36 : memref<!tpu.dma_semaphore, #tpu.memory_space<semaphore_mem>>)
      %dma_wait3A_1856 = arith.constant 0 : i32
      %dma_wait3A_1857 = arith.constant 0 : i32
      %dma_wait3A_1858 = tpu.memref_slice %arg2[%dma_wait3A_1856, %dma_wait3A_1857] : memref<10000x128xf32, #tpu.memory_space<hbm>> -> memref<10000x128xf32, #tpu.memory_space<hbm>>
      tpu.wait_indirect_dma semaphore(%arg34 : memref<!tpu.dma_semaphore, #tpu.memory_space<semaphore_mem>>) src(%dma_wait3A_1858 : memref<10000x128xf32, #tpu.memory_space<hbm>>) dst(%arg23 : memref<80x128xf32, #tpu.memory_space<vmem>>)
      %get3A_1859 = arith.constant 0 : index
      %get3A_1860 = tpu.vector_load %arg11[%get3A_1859] {strides = array<i32>} : memref<80xi32, #tpu.memory_space<vmem>>, vector<16xi32>,
      %get3A_1861 = vector.shape_cast %get3A_1860 : vector<16xi32> to vector<16xi32>
      %get3A_1862 = arith.constant 0 : index
      %get3A_1863 = tpu.vector_load %arg17[%get3A_1862] {strides = array<i32>} : memref<80xi32, #tpu.memory_space<vmem>>, vector<16xi32>,
      %get3A_1864 = vector.shape_cast %get3A_1863 : vector<16xi32> to vector<16xi32>
      %ne3A_1865 = arith.cmpi ne, %get3A_1861, %get3A_1864 : vector<16xi32>
      %jit3A_1866 = arith.constant 10000 : i32
      %broadcast_in_dim3A_1867 = vector.broadcast %jit3A_1866 : i32 to vector<16xi32>
      %select_n3A_1868 = arith.select %ne3A_1865, %get3A_1864, %broadcast_in_dim3A_1867 : vector<16xi1>, vector<16xi32>
      %swap3A_1869 = arith.constant 0 : index
      %swap3A_1870 = tpu.vector_load %arg19[%swap3A_1869] {strides = array<i32>} : memref<80xi32, #tpu.memory_space<vmem>>, vector<16xi32>,
      %swap3A_1871 = vector.shape_cast %swap3A_1870 : vector<16xi32> to vector<16xi32>
      %swap3A_1872 = vector.shape_cast %select_n3A_1868 : vector<16xi32> to vector<16xi32>
      tpu.vector_store %arg19[%swap3A_1869], %swap3A_1872 {strides = array<i32>} : memref<80xi32, #tpu.memory_space<vmem>>, vector<16xi32>,
      %get3A_1873 = arith.constant 16 : index
      %get3A_1874 = tpu.vector_load %arg11[%get3A_1873] {strides = array<i32>} : memref<80xi32, #tpu.memory_space<vmem>>, vector<16xi32>,
      %get3A_1875 = vector.shape_cast %get3A_1874 : vector<16xi32> to vector<16xi32>
      %get3A_1876 = arith.constant 16 : index
      %get3A_1877 = tpu.vector_load %arg17[%get3A_1876] {strides = array<i32>} : memref<80xi32, #tpu.memory_space<vmem>>, vector<16xi32>,
      %get3A_1878 = vector.shape_cast %get3A_1877 : vector<16xi32> to vector<16xi32>
      %ne3A_1879 = arith.cmpi ne, %get3A_1875, %get3A_1878 : vector<16xi32>
      %jit3A_1880 = arith.constant 10000 : i32
      %broadcast_in_dim3A_1881 = vector.broadcast %jit3A_1880 : i32 to vector<16xi32>
      %select_n3A_1882 = arith.select %ne3A_1879, %get3A_1878, %broadcast_in_dim3A_1881 : vector<16xi1>, vector<16xi32>
      %swap3A_1883 = arith.constant 16 : index
      %swap3A_1884 = tpu.vector_load %arg19[%swap3A_1883] {strides = array<i32>} : memref<80xi32, #tpu.memory_space<vmem>>, vector<16xi32>,
      %swap3A_1885 = vector.shape_cast %swap3A_1884 : vector<16xi32> to vector<16xi32>
      %swap3A_1886 = vector.shape_cast %select_n3A_1882 : vector<16xi32> to vector<16xi32>
      tpu.vector_store %arg19[%swap3A_1883], %swap3A_1886 {strides = array<i32>} : memref<80xi32, #tpu.memory_space<vmem>>, vector<16xi32>,
      %get3A_1887 = arith.constant 32 : index
      %get3A_1888 = tpu.vector_load %arg11[%get3A_1887] {strides = array<i32>} : memref<80xi32, #tpu.memory_space<vmem>>, vector<16xi32>,
      %get3A_1889 = vector.shape_cast %get3A_1888 : vector<16xi32> to vector<16xi32>
      %get3A_1890 = arith.constant 32 : index
      %get3A_1891 = tpu.vector_load %arg17[%get3A_1890] {strides = array<i32>} : memref<80xi32, #tpu.memory_space<vmem>>, vector<16xi32>,
      %get3A_1892 = vector.shape_cast %get3A_1891 : vector<16xi32> to vector<16xi32>
      %ne3A_1893 = arith.cmpi ne, %get3A_1889, %get3A_1892 : vector<16xi32>
      %jit3A_1894 = arith.constant 10000 : i32
      %broadcast_in_dim3A_1895 = vector.broadcast %jit3A_1894 : i32 to vector<16xi32>
      %select_n3A_1896 = arith.select %ne3A_1893, %get3A_1892, %broadcast_in_dim3A_1895 : vector<16xi1>, vector<16xi32>
      %swap3A_1897 = arith.constant 32 : index
      %swap3A_1898 = tpu.vector_load %arg19[%swap3A_1897] {strides = array<i32>} : memref<80xi32, #tpu.memory_space<vmem>>, vector<16xi32>,
      %swap3A_1899 = vector.shape_cast %swap3A_1898 : vector<16xi32> to vector<16xi32>
      %swap3A_1900 = vector.shape_cast %select_n3A_1896 : vector<16xi32> to vector<16xi32>
      tpu.vector_store %arg19[%swap3A_1897], %swap3A_1900 {strides = array<i32>} : memref<80xi32, #tpu.memory_space<vmem>>, vector<16xi32>,
      %get3A_1901 = arith.constant 48 : index
      %get3A_1902 = tpu.vector_load %arg11[%get3A_1901] {strides = array<i32>} : memref<80xi32, #tpu.memory_space<vmem>>, vector<16xi32>,
      %get3A_1903 = vector.shape_cast %get3A_1902 : vector<16xi32> to vector<16xi32>
      %get3A_1904 = arith.constant 48 : index
      %get3A_1905 = tpu.vector_load %arg17[%get3A_1904] {strides = array<i32>} : memref<80xi32, #tpu.memory_space<vmem>>, vector<16xi32>,
      %get3A_1906 = vector.shape_cast %get3A_1905 : vector<16xi32> to vector<16xi32>
      %ne3A_1907 = arith.cmpi ne, %get3A_1903, %get3A_1906 : vector<16xi32>
      %jit3A_1908 = arith.constant 10000 : i32
      %broadcast_in_dim3A_1909 = vector.broadcast %jit3A_1908 : i32 to vector<16xi32>
      %select_n3A_1910 = arith.select %ne3A_1907, %get3A_1906, %broadcast_in_dim3A_1909 : vector<16xi1>, vector<16xi32>
      %swap3A_1911 = arith.constant 48 : index
      %swap3A_1912 = tpu.vector_load %arg19[%swap3A_1911] {strides = array<i32>} : memref<80xi32, #tpu.memory_space<vmem>>, vector<16xi32>,
      %swap3A_1913 = vector.shape_cast %swap3A_1912 : vector<16xi32> to vector<16xi32>
      %swap3A_1914 = vector.shape_cast %select_n3A_1910 : vector<16xi32> to vector<16xi32>
      tpu.vector_store %arg19[%swap3A_1911], %swap3A_1914 {strides = array<i32>} : memref<80xi32, #tpu.memory_space<vmem>>, vector<16xi32>,
      %get3A_1915 = arith.constant 64 : index
      %get3A_1916 = tpu.vector_load %arg11[%get3A_1915] {strides = array<i32>} : memref<80xi32, #tpu.memory_space<vmem>>, vector<16xi32>,
      %get3A_1917 = vector.shape_cast %get3A_1916 : vector<16xi32> to vector<16xi32>
      %get3A_1918 = arith.constant 64 : index
      %get3A_1919 = tpu.vector_load %arg17[%get3A_1918] {strides = array<i32>} : memref<80xi32, #tpu.memory_space<vmem>>, vector<16xi32>,
      %get3A_1920 = vector.shape_cast %get3A_1919 : vector<16xi32> to vector<16xi32>
      %ne3A_1921 = arith.cmpi ne, %get3A_1917, %get3A_1920 : vector<16xi32>
      %jit3A_1922 = arith.constant 10000 : i32
      %broadcast_in_dim3A_1923 = vector.broadcast %jit3A_1922 : i32 to vector<16xi32>
      %select_n3A_1924 = arith.select %ne3A_1921, %get3A_1920, %broadcast_in_dim3A_1923 : vector<16xi1>, vector<16xi32>
      %swap3A_1925 = arith.constant 64 : index
      %swap3A_1926 = tpu.vector_load %arg19[%swap3A_1925] {strides = array<i32>} : memref<80xi32, #tpu.memory_space<vmem>>, vector<16xi32>,
      %swap3A_1927 = vector.shape_cast %swap3A_1926 : vector<16xi32> to vector<16xi32>
      %swap3A_1928 = vector.shape_cast %select_n3A_1924 : vector<16xi32> to vector<16xi32>
      tpu.vector_store %arg19[%swap3A_1925], %swap3A_1928 {strides = array<i32>} : memref<80xi32, #tpu.memory_space<vmem>>, vector<16xi32>,
      %dma_start3A_1929 = arith.constant 0 : i32
      %dma_start3A_1930 = arith.constant 0 : i32
      %dma_start3A_1931 = tpu.memref_slice %arg27[%dma_start3A_1929, %dma_start3A_1930] : memref<10240x128xf32, #tpu.memory_space<vmem_shared>> -> memref<10240x128xf32, #tpu.memory_space<vmem_shared>>
      tpu.enqueue_indirect_dma source(%arg23 : memref<80x128xf32, #tpu.memory_space<vmem>>) target(%dma_start3A_1931 : memref<10240x128xf32, #tpu.memory_space<vmem_shared>>) offsets(%arg19 : memref<80xi32, #tpu.memory_space<vmem>>) semaphore(%arg38 : memref<!tpu.dma_semaphore, #tpu.memory_space<semaphore_mem>>) {add = true}
      %add3A_1932 = arith.constant 3 : i32
      %add3A_1933 = arith.addi %add3A_1614, %add3A_1932 : i32
      %sub3A_1934 = arith.constant 2 : i32
      %sub3A_1935 = arith.subi %add3A_1933, %sub3A_1934 : i32
      %dma_wait3A_1936 = arith.constant 0 : i32
      %dma_wait3A_1937 = arith.constant 0 : i32
      %dma_wait3A_1938 = tpu.memref_slice %arg27[%dma_wait3A_1936, %dma_wait3A_1937] : memref<10240x128xf32, #tpu.memory_space<vmem_shared>> -> memref<10240x128xf32, #tpu.memory_space<vmem_shared>>
      tpu.wait_indirect_dma semaphore(%arg41 : memref<!tpu.dma_semaphore, #tpu.memory_space<semaphore_mem>>) src(%arg26 : memref<80x128xf32, #tpu.memory_space<vmem>>) dst(%dma_wait3A_1938 : memref<10240x128xf32, #tpu.memory_space<vmem_shared>>)
      %add3A_1939 = arith.constant 4 : i32
      %add3A_1940 = arith.addi %add3A_1933, %add3A_1939 : i32
      %mul3A_1941 = arith.constant 80 : i32
      %mul3A_1942 = arith.muli %add3A_1940, %mul3A_1941 : i32
      %add3A_1943 = arith.addi %mul3A_2, %mul3A_1942 : i32
      %dma_start3A_1944 = tpu.memref_slice %arg3[%add3A_1943] : memref<320000xi32, #tpu.memory_space<hbm>> -> memref<80xi32, #tpu.memory_space<hbm>>
      %dma_start3A_1945 = tpu.memref_slice %arg3[%add3A_1943] : memref<320000xi32, #tpu.memory_space<hbm>> -> memref<80xi32, #tpu.memory_space<hbm>>
      tpu.enqueue_dma source(%dma_start3A_1945 : memref<80xi32, #tpu.memory_space<hbm>>) target(%arg10 : memref<80xi32, #tpu.memory_space<vmem>>) target_semaphore(%arg31 : memref<!tpu.dma_semaphore, #tpu.memory_space<semaphore_mem>>)
      %dma_start3A_1946 = tpu.memref_slice %arg4[%add3A_1943] : memref<320000xi32, #tpu.memory_space<hbm>> -> memref<80xi32, #tpu.memory_space<hbm>>
      %dma_start3A_1947 = tpu.memref_slice %arg4[%add3A_1943] : memref<320000xi32, #tpu.memory_space<hbm>> -> memref<80xi32, #tpu.memory_space<hbm>>
      tpu.enqueue_dma source(%dma_start3A_1947 : memref<80xi32, #tpu.memory_space<hbm>>) target(%arg16 : memref<80xi32, #tpu.memory_space<vmem>>) target_semaphore(%arg31 : memref<!tpu.dma_semaphore, #tpu.memory_space<semaphore_mem>>)
      %add3A_1948 = arith.constant 2 : i32
      %add3A_1949 = arith.addi %add3A_1933, %add3A_1948 : i32
      %mul3A_1950 = arith.constant 80 : i32
      %mul3A_1951 = arith.muli %add3A_1949, %mul3A_1950 : i32
      %add3A_1952 = arith.addi %mul3A_2, %mul3A_1951 : i32
      %dma_wait3A_1953 = tpu.memref_slice %arg3[%add3A_1952] : memref<320000xi32, #tpu.memory_space<hbm>> -> memref<80xi32, #tpu.memory_space<hbm>>
      %dma_wait3A_1954 = tpu.memref_slice %arg3[%add3A_1952] : memref<320000xi32, #tpu.memory_space<hbm>> -> memref<80xi32, #tpu.memory_space<hbm>>
      tpu.wait_dma2 semaphore(%arg29 : memref<!tpu.dma_semaphore, #tpu.memory_space<semaphore_mem>>) src(%dma_wait3A_1954 : memref<80xi32, #tpu.memory_space<hbm>>) dst(%arg8 : memref<80xi32, #tpu.memory_space<vmem>>)
      %dma_wait3A_1955 = tpu.memref_slice %arg4[%add3A_1952] : memref<320000xi32, #tpu.memory_space<hbm>> -> memref<80xi32, #tpu.memory_space<hbm>>
      %dma_wait3A_1956 = tpu.memref_slice %arg4[%add3A_1952] : memref<320000xi32, #tpu.memory_space<hbm>> -> memref<80xi32, #tpu.memory_space<hbm>>
      tpu.wait_dma2 semaphore(%arg29 : memref<!tpu.dma_semaphore, #tpu.memory_space<semaphore_mem>>) src(%dma_wait3A_1956 : memref<80xi32, #tpu.memory_space<hbm>>) dst(%arg14 : memref<80xi32, #tpu.memory_space<vmem>>)
      %add3A_1957 = arith.constant 2 : i32
      %add3A_1958 = arith.addi %add3A_1933, %add3A_1957 : i32
      %dma_start3A_1959 = arith.constant 0 : i32
      %dma_start3A_1960 = arith.constant 0 : i32
      %dma_start3A_1961 = tpu.memref_slice %arg2[%dma_start3A_1959, %dma_start3A_1960] : memref<10000x128xf32, #tpu.memory_space<hbm>> -> memref<10000x128xf32, #tpu.memory_space<hbm>>
      tpu.enqueue_indirect_dma source(%dma_start3A_1961 : memref<10000x128xf32, #tpu.memory_space<hbm>>) target(%arg26 : memref<80x128xf32, #tpu.memory_space<vmem>>) offsets(%arg8 : memref<80xi32, #tpu.memory_space<vmem>>) semaphore(%arg37 : memref<!tpu.dma_semaphore, #tpu.memory_space<semaphore_mem>>)
      %dma_wait3A_1962 = arith.constant 0 : i32
      %dma_wait3A_1963 = arith.constant 0 : i32
      %dma_wait3A_1964 = tpu.memref_slice %arg2[%dma_wait3A_1962, %dma_wait3A_1963] : memref<10000x128xf32, #tpu.memory_space<hbm>> -> memref<10000x128xf32, #tpu.memory_space<hbm>>
      tpu.wait_indirect_dma semaphore(%arg35 : memref<!tpu.dma_semaphore, #tpu.memory_space<semaphore_mem>>) src(%dma_wait3A_1964 : memref<10000x128xf32, #tpu.memory_space<hbm>>) dst(%arg24 : memref<80x128xf32, #tpu.memory_space<vmem>>)
      %get3A_1965 = arith.constant 0 : index
      %get3A_1966 = tpu.vector_load %arg12[%get3A_1965] {strides = array<i32>} : memref<80xi32, #tpu.memory_space<vmem>>, vector<16xi32>,
      %get3A_1967 = vector.shape_cast %get3A_1966 : vector<16xi32> to vector<16xi32>
      %get3A_1968 = arith.constant 0 : index
      %get3A_1969 = tpu.vector_load %arg18[%get3A_1968] {strides = array<i32>} : memref<80xi32, #tpu.memory_space<vmem>>, vector<16xi32>,
      %get3A_1970 = vector.shape_cast %get3A_1969 : vector<16xi32> to vector<16xi32>
      %ne3A_1971 = arith.cmpi ne, %get3A_1967, %get3A_1970 : vector<16xi32>
      %jit3A_1972 = arith.constant 10000 : i32
      %broadcast_in_dim3A_1973 = vector.broadcast %jit3A_1972 : i32 to vector<16xi32>
      %select_n3A_1974 = arith.select %ne3A_1971, %get3A_1970, %broadcast_in_dim3A_1973 : vector<16xi1>, vector<16xi32>
      %swap3A_1975 = arith.constant 0 : index
      %swap3A_1976 = tpu.vector_load %arg20[%swap3A_1975] {strides = array<i32>} : memref<80xi32, #tpu.memory_space<vmem>>, vector<16xi32>,
      %swap3A_1977 = vector.shape_cast %swap3A_1976 : vector<16xi32> to vector<16xi32>
      %swap3A_1978 = vector.shape_cast %select_n3A_1974 : vector<16xi32> to vector<16xi32>
      tpu.vector_store %arg20[%swap3A_1975], %swap3A_1978 {strides = array<i32>} : memref<80xi32, #tpu.memory_space<vmem>>, vector<16xi32>,
      %get3A_1979 = arith.constant 16 : index
      %get3A_1980 = tpu.vector_load %arg12[%get3A_1979] {strides = array<i32>} : memref<80xi32, #tpu.memory_space<vmem>>, vector<16xi32>,
      %get3A_1981 = vector.shape_cast %get3A_1980 : vector<16xi32> to vector<16xi32>
      %get3A_1982 = arith.constant 16 : index
      %get3A_1983 = tpu.vector_load %arg18[%get3A_1982] {strides = array<i32>} : memref<80xi32, #tpu.memory_space<vmem>>, vector<16xi32>,
      %get3A_1984 = vector.shape_cast %get3A_1983 : vector<16xi32> to vector<16xi32>
      %ne3A_1985 = arith.cmpi ne, %get3A_1981, %get3A_1984 : vector<16xi32>
      %jit3A_1986 = arith.constant 10000 : i32
      %broadcast_in_dim3A_1987 = vector.broadcast %jit3A_1986 : i32 to vector<16xi32>
      %select_n3A_1988 = arith.select %ne3A_1985, %get3A_1984, %broadcast_in_dim3A_1987 : vector<16xi1>, vector<16xi32>
      %swap3A_1989 = arith.constant 16 : index
      %swap3A_1990 = tpu.vector_load %arg20[%swap3A_1989] {strides = array<i32>} : memref<80xi32, #tpu.memory_space<vmem>>, vector<16xi32>,
      %swap3A_1991 = vector.shape_cast %swap3A_1990 : vector<16xi32> to vector<16xi32>
      %swap3A_1992 = vector.shape_cast %select_n3A_1988 : vector<16xi32> to vector<16xi32>
      tpu.vector_store %arg20[%swap3A_1989], %swap3A_1992 {strides = array<i32>} : memref<80xi32, #tpu.memory_space<vmem>>, vector<16xi32>,
      %get3A_1993 = arith.constant 32 : index
      %get3A_1994 = tpu.vector_load %arg12[%get3A_1993] {strides = array<i32>} : memref<80xi32, #tpu.memory_space<vmem>>, vector<16xi32>,
      %get3A_1995 = vector.shape_cast %get3A_1994 : vector<16xi32> to vector<16xi32>
      %get3A_1996 = arith.constant 32 : index
      %get3A_1997 = tpu.vector_load %arg18[%get3A_1996] {strides = array<i32>} : memref<80xi32, #tpu.memory_space<vmem>>, vector<16xi32>,
      %get3A_1998 = vector.shape_cast %get3A_1997 : vector<16xi32> to vector<16xi32>
      %ne3A_1999 = arith.cmpi ne, %get3A_1995, %get3A_1998 : vector<16xi32>
      %jit3A_2000 = arith.constant 10000 : i32
      %broadcast_in_dim3A_2001 = vector.broadcast %jit3A_2000 : i32 to vector<16xi32>
      %select_n3A_2002 = arith.select %ne3A_1999, %get3A_1998, %broadcast_in_dim3A_2001 : vector<16xi1>, vector<16xi32>
      %swap3A_2003 = arith.constant 32 : index
      %swap3A_2004 = tpu.vector_load %arg20[%swap3A_2003] {strides = array<i32>} : memref<80xi32, #tpu.memory_space<vmem>>, vector<16xi32>,
      %swap3A_2005 = vector.shape_cast %swap3A_2004 : vector<16xi32> to vector<16xi32>
      %swap3A_2006 = vector.shape_cast %select_n3A_2002 : vector<16xi32> to vector<16xi32>
      tpu.vector_store %arg20[%swap3A_2003], %swap3A_2006 {strides = array<i32>} : memref<80xi32, #tpu.memory_space<vmem>>, vector<16xi32>,
      %get3A_2007 = arith.constant 48 : index
      %get3A_2008 = tpu.vector_load %arg12[%get3A_2007] {strides = array<i32>} : memref<80xi32, #tpu.memory_space<vmem>>, vector<16xi32>,
      %get3A_2009 = vector.shape_cast %get3A_2008 : vector<16xi32> to vector<16xi32>
      %get3A_2010 = arith.constant 48 : index
      %get3A_2011 = tpu.vector_load %arg18[%get3A_2010] {strides = array<i32>} : memref<80xi32, #tpu.memory_space<vmem>>, vector<16xi32>,
      %get3A_2012 = vector.shape_cast %get3A_2011 : vector<16xi32> to vector<16xi32>
      %ne3A_2013 = arith.cmpi ne, %get3A_2009, %get3A_2012 : vector<16xi32>
      %jit3A_2014 = arith.constant 10000 : i32
      %broadcast_in_dim3A_2015 = vector.broadcast %jit3A_2014 : i32 to vector<16xi32>
      %select_n3A_2016 = arith.select %ne3A_2013, %get3A_2012, %broadcast_in_dim3A_2015 : vector<16xi1>, vector<16xi32>
      %swap3A_2017 = arith.constant 48 : index
      %swap3A_2018 = tpu.vector_load %arg20[%swap3A_2017] {strides = array<i32>} : memref<80xi32, #tpu.memory_space<vmem>>, vector<16xi32>,
      %swap3A_2019 = vector.shape_cast %swap3A_2018 : vector<16xi32> to vector<16xi32>
      %swap3A_2020 = vector.shape_cast %select_n3A_2016 : vector<16xi32> to vector<16xi32>
      tpu.vector_store %arg20[%swap3A_2017], %swap3A_2020 {strides = array<i32>} : memref<80xi32, #tpu.memory_space<vmem>>, vector<16xi32>,
      %get3A_2021 = arith.constant 64 : index
      %get3A_2022 = tpu.vector_load %arg12[%get3A_2021] {strides = array<i32>} : memref<80xi32, #tpu.memory_space<vmem>>, vector<16xi32>,
      %get3A_2023 = vector.shape_cast %get3A_2022 : vector<16xi32> to vector<16xi32>
      %get3A_2024 = arith.constant 64 : index
      %get3A_2025 = tpu.vector_load %arg18[%get3A_2024] {strides = array<i32>} : memref<80xi32, #tpu.memory_space<vmem>>, vector<16xi32>,
      %get3A_2026 = vector.shape_cast %get3A_2025 : vector<16xi32> to vector<16xi32>
      %ne3A_2027 = arith.cmpi ne, %get3A_2023, %get3A_2026 : vector<16xi32>
      %jit3A_2028 = arith.constant 10000 : i32
      %broadcast_in_dim3A_2029 = vector.broadcast %jit3A_2028 : i32 to vector<16xi32>
      %select_n3A_2030 = arith.select %ne3A_2027, %get3A_2026, %broadcast_in_dim3A_2029 : vector<16xi1>, vector<16xi32>
      %swap3A_2031 = arith.constant 64 : index
      %swap3A_2032 = tpu.vector_load %arg20[%swap3A_2031] {strides = array<i32>} : memref<80xi32, #tpu.memory_space<vmem>>, vector<16xi32>,
      %swap3A_2033 = vector.shape_cast %swap3A_2032 : vector<16xi32> to vector<16xi32>
      %swap3A_2034 = vector.shape_cast %select_n3A_2030 : vector<16xi32> to vector<16xi32>
      tpu.vector_store %arg20[%swap3A_2031], %swap3A_2034 {strides = array<i32>} : memref<80xi32, #tpu.memory_space<vmem>>, vector<16xi32>,
      %dma_start3A_2035 = arith.constant 0 : i32
      %dma_start3A_2036 = arith.constant 0 : i32
      %dma_start3A_2037 = tpu.memref_slice %arg27[%dma_start3A_2035, %dma_start3A_2036] : memref<10240x128xf32, #tpu.memory_space<vmem_shared>> -> memref<10240x128xf32, #tpu.memory_space<vmem_shared>>
      tpu.enqueue_indirect_dma source(%arg24 : memref<80x128xf32, #tpu.memory_space<vmem>>) target(%dma_start3A_2037 : memref<10240x128xf32, #tpu.memory_space<vmem_shared>>) offsets(%arg20 : memref<80xi32, #tpu.memory_space<vmem>>) semaphore(%arg39 : memref<!tpu.dma_semaphore, #tpu.memory_space<semaphore_mem>>) {add = true}
      %add3A_2038 = arith.constant 4 : i32
      %add3A_2039 = arith.addi %add3A_1614, %add3A_2038 : i32
      %sub3A_2040 = arith.constant 2 : i32
      %sub3A_2041 = arith.subi %add3A_2039, %sub3A_2040 : i32
      %dma_wait3A_2042 = arith.constant 0 : i32
      %dma_wait3A_2043 = arith.constant 0 : i32
      %dma_wait3A_2044 = tpu.memref_slice %arg27[%dma_wait3A_2042, %dma_wait3A_2043] : memref<10240x128xf32, #tpu.memory_space<vmem_shared>> -> memref<10240x128xf32, #tpu.memory_space<vmem_shared>>
      tpu.wait_indirect_dma semaphore(%arg38 : memref<!tpu.dma_semaphore, #tpu.memory_space<semaphore_mem>>) src(%arg23 : memref<80x128xf32, #tpu.memory_space<vmem>>) dst(%dma_wait3A_2044 : memref<10240x128xf32, #tpu.memory_space<vmem_shared>>)
      %add3A_2045 = arith.constant 4 : i32
      %add3A_2046 = arith.addi %add3A_2039, %add3A_2045 : i32
      %mul3A_2047 = arith.constant 80 : i32
      %mul3A_2048 = arith.muli %add3A_2046, %mul3A_2047 : i32
      %add3A_2049 = arith.addi %mul3A_2, %mul3A_2048 : i32
      %dma_start3A_2050 = tpu.memref_slice %arg3[%add3A_2049] : memref<320000xi32, #tpu.memory_space<hbm>> -> memref<80xi32, #tpu.memory_space<hbm>>
      %dma_start3A_2051 = tpu.memref_slice %arg3[%add3A_2049] : memref<320000xi32, #tpu.memory_space<hbm>> -> memref<80xi32, #tpu.memory_space<hbm>>
      tpu.enqueue_dma source(%dma_start3A_2051 : memref<80xi32, #tpu.memory_space<hbm>>) target(%arg11 : memref<80xi32, #tpu.memory_space<vmem>>) target_semaphore(%arg32 : memref<!tpu.dma_semaphore, #tpu.memory_space<semaphore_mem>>)
      %dma_start3A_2052 = tpu.memref_slice %arg4[%add3A_2049] : memref<320000xi32, #tpu.memory_space<hbm>> -> memref<80xi32, #tpu.memory_space<hbm>>
      %dma_start3A_2053 = tpu.memref_slice %arg4[%add3A_2049] : memref<320000xi32, #tpu.memory_space<hbm>> -> memref<80xi32, #tpu.memory_space<hbm>>
      tpu.enqueue_dma source(%dma_start3A_2053 : memref<80xi32, #tpu.memory_space<hbm>>) target(%arg17 : memref<80xi32, #tpu.memory_space<vmem>>) target_semaphore(%arg32 : memref<!tpu.dma_semaphore, #tpu.memory_space<semaphore_mem>>)
      %add3A_2054 = arith.constant 2 : i32
      %add3A_2055 = arith.addi %add3A_2039, %add3A_2054 : i32
      %mul3A_2056 = arith.constant 80 : i32
      %mul3A_2057 = arith.muli %add3A_2055, %mul3A_2056 : i32
      %add3A_2058 = arith.addi %mul3A_2, %mul3A_2057 : i32
      %dma_wait3A_2059 = tpu.memref_slice %arg3[%add3A_2058] : memref<320000xi32, #tpu.memory_space<hbm>> -> memref<80xi32, #tpu.memory_space<hbm>>
      %dma_wait3A_2060 = tpu.memref_slice %arg3[%add3A_2058] : memref<320000xi32, #tpu.memory_space<hbm>> -> memref<80xi32, #tpu.memory_space<hbm>>
      tpu.wait_dma2 semaphore(%arg30 : memref<!tpu.dma_semaphore, #tpu.memory_space<semaphore_mem>>) src(%dma_wait3A_2060 : memref<80xi32, #tpu.memory_space<hbm>>) dst(%arg9 : memref<80xi32, #tpu.memory_space<vmem>>)
      %dma_wait3A_2061 = tpu.memref_slice %arg4[%add3A_2058] : memref<320000xi32, #tpu.memory_space<hbm>> -> memref<80xi32, #tpu.memory_space<hbm>>
      %dma_wait3A_2062 = tpu.memref_slice %arg4[%add3A_2058] : memref<320000xi32, #tpu.memory_space<hbm>> -> memref<80xi32, #tpu.memory_space<hbm>>
      tpu.wait_dma2 semaphore(%arg30 : memref<!tpu.dma_semaphore, #tpu.memory_space<semaphore_mem>>) src(%dma_wait3A_2062 : memref<80xi32, #tpu.memory_space<hbm>>) dst(%arg15 : memref<80xi32, #tpu.memory_space<vmem>>)
      %add3A_2063 = arith.constant 2 : i32
      %add3A_2064 = arith.addi %add3A_2039, %add3A_2063 : i32
      %dma_start3A_2065 = arith.constant 0 : i32
      %dma_start3A_2066 = arith.constant 0 : i32
      %dma_start3A_2067 = tpu.memref_slice %arg2[%dma_start3A_2065, %dma_start3A_2066] : memref<10000x128xf32, #tpu.memory_space<hbm>> -> memref<10000x128xf32, #tpu.memory_space<hbm>>
      tpu.enqueue_indirect_dma source(%dma_start3A_2067 : memref<10000x128xf32, #tpu.memory_space<hbm>>) target(%arg23 : memref<80x128xf32, #tpu.memory_space<vmem>>) offsets(%arg9 : memref<80xi32, #tpu.memory_space<vmem>>) semaphore(%arg34 : memref<!tpu.dma_semaphore, #tpu.memory_space<semaphore_mem>>)
      %dma_wait3A_2068 = arith.constant 0 : i32
      %dma_wait3A_2069 = arith.constant 0 : i32
      %dma_wait3A_2070 = tpu.memref_slice %arg2[%dma_wait3A_2068, %dma_wait3A_2069] : memref<10000x128xf32, #tpu.memory_space<hbm>> -> memref<10000x128xf32, #tpu.memory_space<hbm>>
      tpu.wait_indirect_dma semaphore(%arg36 : memref<!tpu.dma_semaphore, #tpu.memory_space<semaphore_mem>>) src(%dma_wait3A_2070 : memref<10000x128xf32, #tpu.memory_space<hbm>>) dst(%arg25 : memref<80x128xf32, #tpu.memory_space<vmem>>)
      %get3A_2071 = arith.constant 0 : index
      %get3A_2072 = tpu.vector_load %arg7[%get3A_2071] {strides = array<i32>} : memref<80xi32, #tpu.memory_space<vmem>>, vector<16xi32>,
      %get3A_2073 = vector.shape_cast %get3A_2072 : vector<16xi32> to vector<16xi32>
      %get3A_2074 = arith.constant 0 : index
      %get3A_2075 = tpu.vector_load %arg13[%get3A_2074] {strides = array<i32>} : memref<80xi32, #tpu.memory_space<vmem>>, vector<16xi32>,
      %get3A_2076 = vector.shape_cast %get3A_2075 : vector<16xi32> to vector<16xi32>
      %ne3A_2077 = arith.cmpi ne, %get3A_2073, %get3A_2076 : vector<16xi32>
      %jit3A_2078 = arith.constant 10000 : i32
      %broadcast_in_dim3A_2079 = vector.broadcast %jit3A_2078 : i32 to vector<16xi32>
      %select_n3A_2080 = arith.select %ne3A_2077, %get3A_2076, %broadcast_in_dim3A_2079 : vector<16xi1>, vector<16xi32>
      %swap3A_2081 = arith.constant 0 : index
      %swap3A_2082 = tpu.vector_load %arg21[%swap3A_2081] {strides = array<i32>} : memref<80xi32, #tpu.memory_space<vmem>>, vector<16xi32>,
      %swap3A_2083 = vector.shape_cast %swap3A_2082 : vector<16xi32> to vector<16xi32>
      %swap3A_2084 = vector.shape_cast %select_n3A_2080 : vector<16xi32> to vector<16xi32>
      tpu.vector_store %arg21[%swap3A_2081], %swap3A_2084 {strides = array<i32>} : memref<80xi32, #tpu.memory_space<vmem>>, vector<16xi32>,
      %get3A_2085 = arith.constant 16 : index
      %get3A_2086 = tpu.vector_load %arg7[%get3A_2085] {strides = array<i32>} : memref<80xi32, #tpu.memory_space<vmem>>, vector<16xi32>,
      %get3A_2087 = vector.shape_cast %get3A_2086 : vector<16xi32> to vector<16xi32>
      %get3A_2088 = arith.constant 16 : index
      %get3A_2089 = tpu.vector_load %arg13[%get3A_2088] {strides = array<i32>} : memref<80xi32, #tpu.memory_space<vmem>>, vector<16xi32>,
      %get3A_2090 = vector.shape_cast %get3A_2089 : vector<16xi32> to vector<16xi32>
      %ne3A_2091 = arith.cmpi ne, %get3A_2087, %get3A_2090 : vector<16xi32>
      %jit3A_2092 = arith.constant 10000 : i32
      %broadcast_in_dim3A_2093 = vector.broadcast %jit3A_2092 : i32 to vector<16xi32>
      %select_n3A_2094 = arith.select %ne3A_2091, %get3A_2090, %broadcast_in_dim3A_2093 : vector<16xi1>, vector<16xi32>
      %swap3A_2095 = arith.constant 16 : index
      %swap3A_2096 = tpu.vector_load %arg21[%swap3A_2095] {strides = array<i32>} : memref<80xi32, #tpu.memory_space<vmem>>, vector<16xi32>,
      %swap3A_2097 = vector.shape_cast %swap3A_2096 : vector<16xi32> to vector<16xi32>
      %swap3A_2098 = vector.shape_cast %select_n3A_2094 : vector<16xi32> to vector<16xi32>
      tpu.vector_store %arg21[%swap3A_2095], %swap3A_2098 {strides = array<i32>} : memref<80xi32, #tpu.memory_space<vmem>>, vector<16xi32>,
      %get3A_2099 = arith.constant 32 : index
      %get3A_2100 = tpu.vector_load %arg7[%get3A_2099] {strides = array<i32>} : memref<80xi32, #tpu.memory_space<vmem>>, vector<16xi32>,
      %get3A_2101 = vector.shape_cast %get3A_2100 : vector<16xi32> to vector<16xi32>
      %get3A_2102 = arith.constant 32 : index
      %get3A_2103 = tpu.vector_load %arg13[%get3A_2102] {strides = array<i32>} : memref<80xi32, #tpu.memory_space<vmem>>, vector<16xi32>,
      %get3A_2104 = vector.shape_cast %get3A_2103 : vector<16xi32> to vector<16xi32>
      %ne3A_2105 = arith.cmpi ne, %get3A_2101, %get3A_2104 : vector<16xi32>
      %jit3A_2106 = arith.constant 10000 : i32
      %broadcast_in_dim3A_2107 = vector.broadcast %jit3A_2106 : i32 to vector<16xi32>
      %select_n3A_2108 = arith.select %ne3A_2105, %get3A_2104, %broadcast_in_dim3A_2107 : vector<16xi1>, vector<16xi32>
      %swap3A_2109 = arith.constant 32 : index
      %swap3A_2110 = tpu.vector_load %arg21[%swap3A_2109] {strides = array<i32>} : memref<80xi32, #tpu.memory_space<vmem>>, vector<16xi32>,
      %swap3A_2111 = vector.shape_cast %swap3A_2110 : vector<16xi32> to vector<16xi32>
      %swap3A_2112 = vector.shape_cast %select_n3A_2108 : vector<16xi32> to vector<16xi32>
      tpu.vector_store %arg21[%swap3A_2109], %swap3A_2112 {strides = array<i32>} : memref<80xi32, #tpu.memory_space<vmem>>, vector<16xi32>,
      %get3A_2113 = arith.constant 48 : index
      %get3A_2114 = tpu.vector_load %arg7[%get3A_2113] {strides = array<i32>} : memref<80xi32, #tpu.memory_space<vmem>>, vector<16xi32>,
      %get3A_2115 = vector.shape_cast %get3A_2114 : vector<16xi32> to vector<16xi32>
      %get3A_2116 = arith.constant 48 : index
      %get3A_2117 = tpu.vector_load %arg13[%get3A_2116] {strides = array<i32>} : memref<80xi32, #tpu.memory_space<vmem>>, vector<16xi32>,
      %get3A_2118 = vector.shape_cast %get3A_2117 : vector<16xi32> to vector<16xi32>
      %ne3A_2119 = arith.cmpi ne, %get3A_2115, %get3A_2118 : vector<16xi32>
      %jit3A_2120 = arith.constant 10000 : i32
      %broadcast_in_dim3A_2121 = vector.broadcast %jit3A_2120 : i32 to vector<16xi32>
      %select_n3A_2122 = arith.select %ne3A_2119, %get3A_2118, %broadcast_in_dim3A_2121 : vector<16xi1>, vector<16xi32>
      %swap3A_2123 = arith.constant 48 : index
      %swap3A_2124 = tpu.vector_load %arg21[%swap3A_2123] {strides = array<i32>} : memref<80xi32, #tpu.memory_space<vmem>>, vector<16xi32>,
      %swap3A_2125 = vector.shape_cast %swap3A_2124 : vector<16xi32> to vector<16xi32>
      %swap3A_2126 = vector.shape_cast %select_n3A_2122 : vector<16xi32> to vector<16xi32>
      tpu.vector_store %arg21[%swap3A_2123], %swap3A_2126 {strides = array<i32>} : memref<80xi32, #tpu.memory_space<vmem>>, vector<16xi32>,
      %get3A_2127 = arith.constant 64 : index
      %get3A_2128 = tpu.vector_load %arg7[%get3A_2127] {strides = array<i32>} : memref<80xi32, #tpu.memory_space<vmem>>, vector<16xi32>,
      %get3A_2129 = vector.shape_cast %get3A_2128 : vector<16xi32> to vector<16xi32>
      %get3A_2130 = arith.constant 64 : index
      %get3A_2131 = tpu.vector_load %arg13[%get3A_2130] {strides = array<i32>} : memref<80xi32, #tpu.memory_space<vmem>>, vector<16xi32>,
      %get3A_2132 = vector.shape_cast %get3A_2131 : vector<16xi32> to vector<16xi32>
      %ne3A_2133 = arith.cmpi ne, %get3A_2129, %get3A_2132 : vector<16xi32>
      %jit3A_2134 = arith.constant 10000 : i32
      %broadcast_in_dim3A_2135 = vector.broadcast %jit3A_2134 : i32 to vector<16xi32>
      %select_n3A_2136 = arith.select %ne3A_2133, %get3A_2132, %broadcast_in_dim3A_2135 : vector<16xi1>, vector<16xi32>
      %swap3A_2137 = arith.constant 64 : index
      %swap3A_2138 = tpu.vector_load %arg21[%swap3A_2137] {strides = array<i32>} : memref<80xi32, #tpu.memory_space<vmem>>, vector<16xi32>,
      %swap3A_2139 = vector.shape_cast %swap3A_2138 : vector<16xi32> to vector<16xi32>
      %swap3A_2140 = vector.shape_cast %select_n3A_2136 : vector<16xi32> to vector<16xi32>
      tpu.vector_store %arg21[%swap3A_2137], %swap3A_2140 {strides = array<i32>} : memref<80xi32, #tpu.memory_space<vmem>>, vector<16xi32>,
      %dma_start3A_2141 = arith.constant 0 : i32
      %dma_start3A_2142 = arith.constant 0 : i32
      %dma_start3A_2143 = tpu.memref_slice %arg27[%dma_start3A_2141, %dma_start3A_2142] : memref<10240x128xf32, #tpu.memory_space<vmem_shared>> -> memref<10240x128xf32, #tpu.memory_space<vmem_shared>>
      tpu.enqueue_indirect_dma source(%arg25 : memref<80x128xf32, #tpu.memory_space<vmem>>) target(%dma_start3A_2143 : memref<10240x128xf32, #tpu.memory_space<vmem_shared>>) offsets(%arg21 : memref<80xi32, #tpu.memory_space<vmem>>) semaphore(%arg40 : memref<!tpu.dma_semaphore, #tpu.memory_space<semaphore_mem>>) {add = true}
      %add3A_2144 = arith.constant 5 : i32
      %add3A_2145 = arith.addi %add3A_1614, %add3A_2144 : i32
      %sub3A_2146 = arith.constant 2 : i32
      %sub3A_2147 = arith.subi %add3A_2145, %sub3A_2146 : i32
      %dma_wait3A_2148 = arith.constant 0 : i32
      %dma_wait3A_2149 = arith.constant 0 : i32
      %dma_wait3A_2150 = tpu.memref_slice %arg27[%dma_wait3A_2148, %dma_wait3A_2149] : memref<10240x128xf32, #tpu.memory_space<vmem_shared>> -> memref<10240x128xf32, #tpu.memory_space<vmem_shared>>
      tpu.wait_indirect_dma semaphore(%arg39 : memref<!tpu.dma_semaphore, #tpu.memory_space<semaphore_mem>>) src(%arg24 : memref<80x128xf32, #tpu.memory_space<vmem>>) dst(%dma_wait3A_2150 : memref<10240x128xf32, #tpu.memory_space<vmem_shared>>)
      %add3A_2151 = arith.constant 4 : i32
      %add3A_2152 = arith.addi %add3A_2145, %add3A_2151 : i32
      %mul3A_2153 = arith.constant 80 : i32
      %mul3A_2154 = arith.muli %add3A_2152, %mul3A_2153 : i32
      %add3A_2155 = arith.addi %mul3A_2, %mul3A_2154 : i32
      %dma_start3A_2156 = tpu.memref_slice %arg3[%add3A_2155] : memref<320000xi32, #tpu.memory_space<hbm>> -> memref<80xi32, #tpu.memory_space<hbm>>
      %dma_start3A_2157 = tpu.memref_slice %arg3[%add3A_2155] : memref<320000xi32, #tpu.memory_space<hbm>> -> memref<80xi32, #tpu.memory_space<hbm>>
      tpu.enqueue_dma source(%dma_start3A_2157 : memref<80xi32, #tpu.memory_space<hbm>>) target(%arg12 : memref<80xi32, #tpu.memory_space<vmem>>) target_semaphore(%arg33 : memref<!tpu.dma_semaphore, #tpu.memory_space<semaphore_mem>>)
      %dma_start3A_2158 = tpu.memref_slice %arg4[%add3A_2155] : memref<320000xi32, #tpu.memory_space<hbm>> -> memref<80xi32, #tpu.memory_space<hbm>>
      %dma_start3A_2159 = tpu.memref_slice %arg4[%add3A_2155] : memref<320000xi32, #tpu.memory_space<hbm>> -> memref<80xi32, #tpu.memory_space<hbm>>
      tpu.enqueue_dma source(%dma_start3A_2159 : memref<80xi32, #tpu.memory_space<hbm>>) target(%arg18 : memref<80xi32, #tpu.memory_space<vmem>>) target_semaphore(%arg33 : memref<!tpu.dma_semaphore, #tpu.memory_space<semaphore_mem>>)
      %add3A_2160 = arith.constant 2 : i32
      %add3A_2161 = arith.addi %add3A_2145, %add3A_2160 : i32
      %mul3A_2162 = arith.constant 80 : i32
      %mul3A_2163 = arith.muli %add3A_2161, %mul3A_2162 : i32
      %add3A_2164 = arith.addi %mul3A_2, %mul3A_2163 : i32
      %dma_wait3A_2165 = tpu.memref_slice %arg3[%add3A_2164] : memref<320000xi32, #tpu.memory_space<hbm>> -> memref<80xi32, #tpu.memory_space<hbm>>
      %dma_wait3A_2166 = tpu.memref_slice %arg3[%add3A_2164] : memref<320000xi32, #tpu.memory_space<hbm>> -> memref<80xi32, #tpu.memory_space<hbm>>
      tpu.wait_dma2 semaphore(%arg31 : memref<!tpu.dma_semaphore, #tpu.memory_space<semaphore_mem>>) src(%dma_wait3A_2166 : memref<80xi32, #tpu.memory_space<hbm>>) dst(%arg10 : memref<80xi32, #tpu.memory_space<vmem>>)
      %dma_wait3A_2167 = tpu.memref_slice %arg4[%add3A_2164] : memref<320000xi32, #tpu.memory_space<hbm>> -> memref<80xi32, #tpu.memory_space<hbm>>
      %dma_wait3A_2168 = tpu.memref_slice %arg4[%add3A_2164] : memref<320000xi32, #tpu.memory_space<hbm>> -> memref<80xi32, #tpu.memory_space<hbm>>
      tpu.wait_dma2 semaphore(%arg31 : memref<!tpu.dma_semaphore, #tpu.memory_space<semaphore_mem>>) src(%dma_wait3A_2168 : memref<80xi32, #tpu.memory_space<hbm>>) dst(%arg16 : memref<80xi32, #tpu.memory_space<vmem>>)
      %add3A_2169 = arith.constant 2 : i32
      %add3A_2170 = arith.addi %add3A_2145, %add3A_2169 : i32
      %dma_start3A_2171 = arith.constant 0 : i32
      %dma_start3A_2172 = arith.constant 0 : i32
      %dma_start3A_2173 = tpu.memref_slice %arg2[%dma_start3A_2171, %dma_start3A_2172] : memref<10000x128xf32, #tpu.memory_space<hbm>> -> memref<10000x128xf32, #tpu.memory_space<hbm>>
      tpu.enqueue_indirect_dma source(%dma_start3A_2173 : memref<10000x128xf32, #tpu.memory_space<hbm>>) target(%arg24 : memref<80x128xf32, #tpu.memory_space<vmem>>) offsets(%arg10 : memref<80xi32, #tpu.memory_space<vmem>>) semaphore(%arg35 : memref<!tpu.dma_semaphore, #tpu.memory_space<semaphore_mem>>)
      %dma_wait3A_2174 = arith.constant 0 : i32
      %dma_wait3A_2175 = arith.constant 0 : i32
      %dma_wait3A_2176 = tpu.memref_slice %arg2[%dma_wait3A_2174, %dma_wait3A_2175] : memref<10000x128xf32, #tpu.memory_space<hbm>> -> memref<10000x128xf32, #tpu.memory_space<hbm>>
      tpu.wait_indirect_dma semaphore(%arg37 : memref<!tpu.dma_semaphore, #tpu.memory_space<semaphore_mem>>) src(%dma_wait3A_2176 : memref<10000x128xf32, #tpu.memory_space<hbm>>) dst(%arg26 : memref<80x128xf32, #tpu.memory_space<vmem>>)
      %get3A_2177 = arith.constant 0 : index
      %get3A_2178 = tpu.vector_load %arg8[%get3A_2177] {strides = array<i32>} : memref<80xi32, #tpu.memory_space<vmem>>, vector<16xi32>,
      %get3A_2179 = vector.shape_cast %get3A_2178 : vector<16xi32> to vector<16xi32>
      %get3A_2180 = arith.constant 0 : index
      %get3A_2181 = tpu.vector_load %arg14[%get3A_2180] {strides = array<i32>} : memref<80xi32, #tpu.memory_space<vmem>>, vector<16xi32>,
      %get3A_2182 = vector.shape_cast %get3A_2181 : vector<16xi32> to vector<16xi32>
      %ne3A_2183 = arith.cmpi ne, %get3A_2179, %get3A_2182 : vector<16xi32>
      %jit3A_2184 = arith.constant 10000 : i32
      %broadcast_in_dim3A_2185 = vector.broadcast %jit3A_2184 : i32 to vector<16xi32>
      %select_n3A_2186 = arith.select %ne3A_2183, %get3A_2182, %broadcast_in_dim3A_2185 : vector<16xi1>, vector<16xi32>
      %swap3A_2187 = arith.constant 0 : index
      %swap3A_2188 = tpu.vector_load %arg22[%swap3A_2187] {strides = array<i32>} : memref<80xi32, #tpu.memory_space<vmem>>, vector<16xi32>,
      %swap3A_2189 = vector.shape_cast %swap3A_2188 : vector<16xi32> to vector<16xi32>
      %swap3A_2190 = vector.shape_cast %select_n3A_2186 : vector<16xi32> to vector<16xi32>
      tpu.vector_store %arg22[%swap3A_2187], %swap3A_2190 {strides = array<i32>} : memref<80xi32, #tpu.memory_space<vmem>>, vector<16xi32>,
      %get3A_2191 = arith.constant 16 : index
      %get3A_2192 = tpu.vector_load %arg8[%get3A_2191] {strides = array<i32>} : memref<80xi32, #tpu.memory_space<vmem>>, vector<16xi32>,
      %get3A_2193 = vector.shape_cast %get3A_2192 : vector<16xi32> to vector<16xi32>
      %get3A_2194 = arith.constant 16 : index
      %get3A_2195 = tpu.vector_load %arg14[%get3A_2194] {strides = array<i32>} : memref<80xi32, #tpu.memory_space<vmem>>, vector<16xi32>,
      %get3A_2196 = vector.shape_cast %get3A_2195 : vector<16xi32> to vector<16xi32>
      %ne3A_2197 = arith.cmpi ne, %get3A_2193, %get3A_2196 : vector<16xi32>
      %jit3A_2198 = arith.constant 10000 : i32
      %broadcast_in_dim3A_2199 = vector.broadcast %jit3A_2198 : i32 to vector<16xi32>
      %select_n3A_2200 = arith.select %ne3A_2197, %get3A_2196, %broadcast_in_dim3A_2199 : vector<16xi1>, vector<16xi32>
      %swap3A_2201 = arith.constant 16 : index
      %swap3A_2202 = tpu.vector_load %arg22[%swap3A_2201] {strides = array<i32>} : memref<80xi32, #tpu.memory_space<vmem>>, vector<16xi32>,
      %swap3A_2203 = vector.shape_cast %swap3A_2202 : vector<16xi32> to vector<16xi32>
      %swap3A_2204 = vector.shape_cast %select_n3A_2200 : vector<16xi32> to vector<16xi32>
      tpu.vector_store %arg22[%swap3A_2201], %swap3A_2204 {strides = array<i32>} : memref<80xi32, #tpu.memory_space<vmem>>, vector<16xi32>,
      %get3A_2205 = arith.constant 32 : index
      %get3A_2206 = tpu.vector_load %arg8[%get3A_2205] {strides = array<i32>} : memref<80xi32, #tpu.memory_space<vmem>>, vector<16xi32>,
      %get3A_2207 = vector.shape_cast %get3A_2206 : vector<16xi32> to vector<16xi32>
      %get3A_2208 = arith.constant 32 : index
      %get3A_2209 = tpu.vector_load %arg14[%get3A_2208] {strides = array<i32>} : memref<80xi32, #tpu.memory_space<vmem>>, vector<16xi32>,
      %get3A_2210 = vector.shape_cast %get3A_2209 : vector<16xi32> to vector<16xi32>
      %ne3A_2211 = arith.cmpi ne, %get3A_2207, %get3A_2210 : vector<16xi32>
      %jit3A_2212 = arith.constant 10000 : i32
      %broadcast_in_dim3A_2213 = vector.broadcast %jit3A_2212 : i32 to vector<16xi32>
      %select_n3A_2214 = arith.select %ne3A_2211, %get3A_2210, %broadcast_in_dim3A_2213 : vector<16xi1>, vector<16xi32>
      %swap3A_2215 = arith.constant 32 : index
      %swap3A_2216 = tpu.vector_load %arg22[%swap3A_2215] {strides = array<i32>} : memref<80xi32, #tpu.memory_space<vmem>>, vector<16xi32>,
      %swap3A_2217 = vector.shape_cast %swap3A_2216 : vector<16xi32> to vector<16xi32>
      %swap3A_2218 = vector.shape_cast %select_n3A_2214 : vector<16xi32> to vector<16xi32>
      tpu.vector_store %arg22[%swap3A_2215], %swap3A_2218 {strides = array<i32>} : memref<80xi32, #tpu.memory_space<vmem>>, vector<16xi32>,
      %get3A_2219 = arith.constant 48 : index
      %get3A_2220 = tpu.vector_load %arg8[%get3A_2219] {strides = array<i32>} : memref<80xi32, #tpu.memory_space<vmem>>, vector<16xi32>,
      %get3A_2221 = vector.shape_cast %get3A_2220 : vector<16xi32> to vector<16xi32>
      %get3A_2222 = arith.constant 48 : index
      %get3A_2223 = tpu.vector_load %arg14[%get3A_2222] {strides = array<i32>} : memref<80xi32, #tpu.memory_space<vmem>>, vector<16xi32>,
      %get3A_2224 = vector.shape_cast %get3A_2223 : vector<16xi32> to vector<16xi32>
      %ne3A_2225 = arith.cmpi ne, %get3A_2221, %get3A_2224 : vector<16xi32>
      %jit3A_2226 = arith.constant 10000 : i32
      %broadcast_in_dim3A_2227 = vector.broadcast %jit3A_2226 : i32 to vector<16xi32>
      %select_n3A_2228 = arith.select %ne3A_2225, %get3A_2224, %broadcast_in_dim3A_2227 : vector<16xi1>, vector<16xi32>
      %swap3A_2229 = arith.constant 48 : index
      %swap3A_2230 = tpu.vector_load %arg22[%swap3A_2229] {strides = array<i32>} : memref<80xi32, #tpu.memory_space<vmem>>, vector<16xi32>,
      %swap3A_2231 = vector.shape_cast %swap3A_2230 : vector<16xi32> to vector<16xi32>
      %swap3A_2232 = vector.shape_cast %select_n3A_2228 : vector<16xi32> to vector<16xi32>
      tpu.vector_store %arg22[%swap3A_2229], %swap3A_2232 {strides = array<i32>} : memref<80xi32, #tpu.memory_space<vmem>>, vector<16xi32>,
      %get3A_2233 = arith.constant 64 : index
      %get3A_2234 = tpu.vector_load %arg8[%get3A_2233] {strides = array<i32>} : memref<80xi32, #tpu.memory_space<vmem>>, vector<16xi32>,
      %get3A_2235 = vector.shape_cast %get3A_2234 : vector<16xi32> to vector<16xi32>
      %get3A_2236 = arith.constant 64 : index
      %get3A_2237 = tpu.vector_load %arg14[%get3A_2236] {strides = array<i32>} : memref<80xi32, #tpu.memory_space<vmem>>, vector<16xi32>,
      %get3A_2238 = vector.shape_cast %get3A_2237 : vector<16xi32> to vector<16xi32>
      %ne3A_2239 = arith.cmpi ne, %get3A_2235, %get3A_2238 : vector<16xi32>
      %jit3A_2240 = arith.constant 10000 : i32
      %broadcast_in_dim3A_2241 = vector.broadcast %jit3A_2240 : i32 to vector<16xi32>
      %select_n3A_2242 = arith.select %ne3A_2239, %get3A_2238, %broadcast_in_dim3A_2241 : vector<16xi1>, vector<16xi32>
      %swap3A_2243 = arith.constant 64 : index
      %swap3A_2244 = tpu.vector_load %arg22[%swap3A_2243] {strides = array<i32>} : memref<80xi32, #tpu.memory_space<vmem>>, vector<16xi32>,
      %swap3A_2245 = vector.shape_cast %swap3A_2244 : vector<16xi32> to vector<16xi32>
      %swap3A_2246 = vector.shape_cast %select_n3A_2242 : vector<16xi32> to vector<16xi32>
      tpu.vector_store %arg22[%swap3A_2243], %swap3A_2246 {strides = array<i32>} : memref<80xi32, #tpu.memory_space<vmem>>, vector<16xi32>,
      %dma_start3A_2247 = arith.constant 0 : i32
      %dma_start3A_2248 = arith.constant 0 : i32
      %dma_start3A_2249 = tpu.memref_slice %arg27[%dma_start3A_2247, %dma_start3A_2248] : memref<10240x128xf32, #tpu.memory_space<vmem_shared>> -> memref<10240x128xf32, #tpu.memory_space<vmem_shared>>
      tpu.enqueue_indirect_dma source(%arg26 : memref<80x128xf32, #tpu.memory_space<vmem>>) target(%dma_start3A_2249 : memref<10240x128xf32, #tpu.memory_space<vmem_shared>>) offsets(%arg22 : memref<80xi32, #tpu.memory_space<vmem>>) semaphore(%arg41 : memref<!tpu.dma_semaphore, #tpu.memory_space<semaphore_mem>>) {add = true}
      %add3A_2250 = arith.constant 6 : i32
      %add3A_2251 = arith.addi %add3A_1614, %add3A_2250 : i32
      %sub3A_2252 = arith.constant 2 : i32
      %sub3A_2253 = arith.subi %add3A_2251, %sub3A_2252 : i32
      %dma_wait3A_2254 = arith.constant 0 : i32
      %dma_wait3A_2255 = arith.constant 0 : i32
      %dma_wait3A_2256 = tpu.memref_slice %arg27[%dma_wait3A_2254, %dma_wait3A_2255] : memref<10240x128xf32, #tpu.memory_space<vmem_shared>> -> memref<10240x128xf32, #tpu.memory_space<vmem_shared>>
      tpu.wait_indirect_dma semaphore(%arg40 : memref<!tpu.dma_semaphore, #tpu.memory_space<semaphore_mem>>) src(%arg25 : memref<80x128xf32, #tpu.memory_space<vmem>>) dst(%dma_wait3A_2256 : memref<10240x128xf32, #tpu.memory_space<vmem_shared>>)
      %add3A_2257 = arith.constant 4 : i32
      %add3A_2258 = arith.addi %add3A_2251, %add3A_2257 : i32
      %mul3A_2259 = arith.constant 80 : i32
      %mul3A_2260 = arith.muli %add3A_2258, %mul3A_2259 : i32
      %add3A_2261 = arith.addi %mul3A_2, %mul3A_2260 : i32
      %dma_start3A_2262 = tpu.memref_slice %arg3[%add3A_2261] : memref<320000xi32, #tpu.memory_space<hbm>> -> memref<80xi32, #tpu.memory_space<hbm>>
      %dma_start3A_2263 = tpu.memref_slice %arg3[%add3A_2261] : memref<320000xi32, #tpu.memory_space<hbm>> -> memref<80xi32, #tpu.memory_space<hbm>>
      tpu.enqueue_dma source(%dma_start3A_2263 : memref<80xi32, #tpu.memory_space<hbm>>) target(%arg7 : memref<80xi32, #tpu.memory_space<vmem>>) target_semaphore(%arg28 : memref<!tpu.dma_semaphore, #tpu.memory_space<semaphore_mem>>)
      %dma_start3A_2264 = tpu.memref_slice %arg4[%add3A_2261] : memref<320000xi32, #tpu.memory_space<hbm>> -> memref<80xi32, #tpu.memory_space<hbm>>
      %dma_start3A_2265 = tpu.memref_slice %arg4[%add3A_2261] : memref<320000xi32, #tpu.memory_space<hbm>> -> memref<80xi32, #tpu.memory_space<hbm>>
      tpu.enqueue_dma source(%dma_start3A_2265 : memref<80xi32, #tpu.memory_space<hbm>>) target(%arg13 : memref<80xi32, #tpu.memory_space<vmem>>) target_semaphore(%arg28 : memref<!tpu.dma_semaphore, #tpu.memory_space<semaphore_mem>>)
      %add3A_2266 = arith.constant 2 : i32
      %add3A_2267 = arith.addi %add3A_2251, %add3A_2266 : i32
      %mul3A_2268 = arith.constant 80 : i32
      %mul3A_2269 = arith.muli %add3A_2267, %mul3A_2268 : i32
      %add3A_2270 = arith.addi %mul3A_2, %mul3A_2269 : i32
      %dma_wait3A_2271 = tpu.memref_slice %arg3[%add3A_2270] : memref<320000xi32, #tpu.memory_space<hbm>> -> memref<80xi32, #tpu.memory_space<hbm>>
      %dma_wait3A_2272 = tpu.memref_slice %arg3[%add3A_2270] : memref<320000xi32, #tpu.memory_space<hbm>> -> memref<80xi32, #tpu.memory_space<hbm>>
      tpu.wait_dma2 semaphore(%arg32 : memref<!tpu.dma_semaphore, #tpu.memory_space<semaphore_mem>>) src(%dma_wait3A_2272 : memref<80xi32, #tpu.memory_space<hbm>>) dst(%arg11 : memref<80xi32, #tpu.memory_space<vmem>>)
      %dma_wait3A_2273 = tpu.memref_slice %arg4[%add3A_2270] : memref<320000xi32, #tpu.memory_space<hbm>> -> memref<80xi32, #tpu.memory_space<hbm>>
      %dma_wait3A_2274 = tpu.memref_slice %arg4[%add3A_2270] : memref<320000xi32, #tpu.memory_space<hbm>> -> memref<80xi32, #tpu.memory_space<hbm>>
      tpu.wait_dma2 semaphore(%arg32 : memref<!tpu.dma_semaphore, #tpu.memory_space<semaphore_mem>>) src(%dma_wait3A_2274 : memref<80xi32, #tpu.memory_space<hbm>>) dst(%arg17 : memref<80xi32, #tpu.memory_space<vmem>>)
      %add3A_2275 = arith.constant 2 : i32
      %add3A_2276 = arith.addi %add3A_2251, %add3A_2275 : i32
      %dma_start3A_2277 = arith.constant 0 : i32
      %dma_start3A_2278 = arith.constant 0 : i32
      %dma_start3A_2279 = tpu.memref_slice %arg2[%dma_start3A_2277, %dma_start3A_2278] : memref<10000x128xf32, #tpu.memory_space<hbm>> -> memref<10000x128xf32, #tpu.memory_space<hbm>>
      tpu.enqueue_indirect_dma source(%dma_start3A_2279 : memref<10000x128xf32, #tpu.memory_space<hbm>>) target(%arg25 : memref<80x128xf32, #tpu.memory_space<vmem>>) offsets(%arg11 : memref<80xi32, #tpu.memory_space<vmem>>) semaphore(%arg36 : memref<!tpu.dma_semaphore, #tpu.memory_space<semaphore_mem>>)
      %dma_wait3A_2280 = arith.constant 0 : i32
      %dma_wait3A_2281 = arith.constant 0 : i32
      %dma_wait3A_2282 = tpu.memref_slice %arg2[%dma_wait3A_2280, %dma_wait3A_2281] : memref<10000x128xf32, #tpu.memory_space<hbm>> -> memref<10000x128xf32, #tpu.memory_space<hbm>>
      tpu.wait_indirect_dma semaphore(%arg34 : memref<!tpu.dma_semaphore, #tpu.memory_space<semaphore_mem>>) src(%dma_wait3A_2282 : memref<10000x128xf32, #tpu.memory_space<hbm>>) dst(%arg23 : memref<80x128xf32, #tpu.memory_space<vmem>>)
      %get3A_2283 = arith.constant 0 : index
      %get3A_2284 = tpu.vector_load %arg9[%get3A_2283] {strides = array<i32>} : memref<80xi32, #tpu.memory_space<vmem>>, vector<16xi32>,
      %get3A_2285 = vector.shape_cast %get3A_2284 : vector<16xi32> to vector<16xi32>
      %get3A_2286 = arith.constant 0 : index
      %get3A_2287 = tpu.vector_load %arg15[%get3A_2286] {strides = array<i32>} : memref<80xi32, #tpu.memory_space<vmem>>, vector<16xi32>,
      %get3A_2288 = vector.shape_cast %get3A_2287 : vector<16xi32> to vector<16xi32>
      %ne3A_2289 = arith.cmpi ne, %get3A_2285, %get3A_2288 : vector<16xi32>
      %jit3A_2290 = arith.constant 10000 : i32
      %broadcast_in_dim3A_2291 = vector.broadcast %jit3A_2290 : i32 to vector<16xi32>
      %select_n3A_2292 = arith.select %ne3A_2289, %get3A_2288, %broadcast_in_dim3A_2291 : vector<16xi1>, vector<16xi32>
      %swap3A_2293 = arith.constant 0 : index
      %swap3A_2294 = tpu.vector_load %arg19[%swap3A_2293] {strides = array<i32>} : memref<80xi32, #tpu.memory_space<vmem>>, vector<16xi32>,
      %swap3A_2295 = vector.shape_cast %swap3A_2294 : vector<16xi32> to vector<16xi32>
      %swap3A_2296 = vector.shape_cast %select_n3A_2292 : vector<16xi32> to vector<16xi32>
      tpu.vector_store %arg19[%swap3A_2293], %swap3A_2296 {strides = array<i32>} : memref<80xi32, #tpu.memory_space<vmem>>, vector<16xi32>,
      %get3A_2297 = arith.constant 16 : index
      %get3A_2298 = tpu.vector_load %arg9[%get3A_2297] {strides = array<i32>} : memref<80xi32, #tpu.memory_space<vmem>>, vector<16xi32>,
      %get3A_2299 = vector.shape_cast %get3A_2298 : vector<16xi32> to vector<16xi32>
      %get3A_2300 = arith.constant 16 : index
      %get3A_2301 = tpu.vector_load %arg15[%get3A_2300] {strides = array<i32>} : memref<80xi32, #tpu.memory_space<vmem>>, vector<16xi32>,
      %get3A_2302 = vector.shape_cast %get3A_2301 : vector<16xi32> to vector<16xi32>
      %ne3A_2303 = arith.cmpi ne, %get3A_2299, %get3A_2302 : vector<16xi32>
      %jit3A_2304 = arith.constant 10000 : i32
      %broadcast_in_dim3A_2305 = vector.broadcast %jit3A_2304 : i32 to vector<16xi32>
      %select_n3A_2306 = arith.select %ne3A_2303, %get3A_2302, %broadcast_in_dim3A_2305 : vector<16xi1>, vector<16xi32>
      %swap3A_2307 = arith.constant 16 : index
      %swap3A_2308 = tpu.vector_load %arg19[%swap3A_2307] {strides = array<i32>} : memref<80xi32, #tpu.memory_space<vmem>>, vector<16xi32>,
      %swap3A_2309 = vector.shape_cast %swap3A_2308 : vector<16xi32> to vector<16xi32>
      %swap3A_2310 = vector.shape_cast %select_n3A_2306 : vector<16xi32> to vector<16xi32>
      tpu.vector_store %arg19[%swap3A_2307], %swap3A_2310 {strides = array<i32>} : memref<80xi32, #tpu.memory_space<vmem>>, vector<16xi32>,
      %get3A_2311 = arith.constant 32 : index
      %get3A_2312 = tpu.vector_load %arg9[%get3A_2311] {strides = array<i32>} : memref<80xi32, #tpu.memory_space<vmem>>, vector<16xi32>,
      %get3A_2313 = vector.shape_cast %get3A_2312 : vector<16xi32> to vector<16xi32>
      %get3A_2314 = arith.constant 32 : index
      %get3A_2315 = tpu.vector_load %arg15[%get3A_2314] {strides = array<i32>} : memref<80xi32, #tpu.memory_space<vmem>>, vector<16xi32>,
      %get3A_2316 = vector.shape_cast %get3A_2315 : vector<16xi32> to vector<16xi32>
      %ne3A_2317 = arith.cmpi ne, %get3A_2313, %get3A_2316 : vector<16xi32>
      %jit3A_2318 = arith.constant 10000 : i32
      %broadcast_in_dim3A_2319 = vector.broadcast %jit3A_2318 : i32 to vector<16xi32>
      %select_n3A_2320 = arith.select %ne3A_2317, %get3A_2316, %broadcast_in_dim3A_2319 : vector<16xi1>, vector<16xi32>
      %swap3A_2321 = arith.constant 32 : index
      %swap3A_2322 = tpu.vector_load %arg19[%swap3A_2321] {strides = array<i32>} : memref<80xi32, #tpu.memory_space<vmem>>, vector<16xi32>,
      %swap3A_2323 = vector.shape_cast %swap3A_2322 : vector<16xi32> to vector<16xi32>
      %swap3A_2324 = vector.shape_cast %select_n3A_2320 : vector<16xi32> to vector<16xi32>
      tpu.vector_store %arg19[%swap3A_2321], %swap3A_2324 {strides = array<i32>} : memref<80xi32, #tpu.memory_space<vmem>>, vector<16xi32>,
      %get3A_2325 = arith.constant 48 : index
      %get3A_2326 = tpu.vector_load %arg9[%get3A_2325] {strides = array<i32>} : memref<80xi32, #tpu.memory_space<vmem>>, vector<16xi32>,
      %get3A_2327 = vector.shape_cast %get3A_2326 : vector<16xi32> to vector<16xi32>
      %get3A_2328 = arith.constant 48 : index
      %get3A_2329 = tpu.vector_load %arg15[%get3A_2328] {strides = array<i32>} : memref<80xi32, #tpu.memory_space<vmem>>, vector<16xi32>,
      %get3A_2330 = vector.shape_cast %get3A_2329 : vector<16xi32> to vector<16xi32>
      %ne3A_2331 = arith.cmpi ne, %get3A_2327, %get3A_2330 : vector<16xi32>
      %jit3A_2332 = arith.constant 10000 : i32
      %broadcast_in_dim3A_2333 = vector.broadcast %jit3A_2332 : i32 to vector<16xi32>
      %select_n3A_2334 = arith.select %ne3A_2331, %get3A_2330, %broadcast_in_dim3A_2333 : vector<16xi1>, vector<16xi32>
      %swap3A_2335 = arith.constant 48 : index
      %swap3A_2336 = tpu.vector_load %arg19[%swap3A_2335] {strides = array<i32>} : memref<80xi32, #tpu.memory_space<vmem>>, vector<16xi32>,
      %swap3A_2337 = vector.shape_cast %swap3A_2336 : vector<16xi32> to vector<16xi32>
      %swap3A_2338 = vector.shape_cast %select_n3A_2334 : vector<16xi32> to vector<16xi32>
      tpu.vector_store %arg19[%swap3A_2335], %swap3A_2338 {strides = array<i32>} : memref<80xi32, #tpu.memory_space<vmem>>, vector<16xi32>,
      %get3A_2339 = arith.constant 64 : index
      %get3A_2340 = tpu.vector_load %arg9[%get3A_2339] {strides = array<i32>} : memref<80xi32, #tpu.memory_space<vmem>>, vector<16xi32>,
      %get3A_2341 = vector.shape_cast %get3A_2340 : vector<16xi32> to vector<16xi32>
      %get3A_2342 = arith.constant 64 : index
      %get3A_2343 = tpu.vector_load %arg15[%get3A_2342] {strides = array<i32>} : memref<80xi32, #tpu.memory_space<vmem>>, vector<16xi32>,
      %get3A_2344 = vector.shape_cast %get3A_2343 : vector<16xi32> to vector<16xi32>
      %ne3A_2345 = arith.cmpi ne, %get3A_2341, %get3A_2344 : vector<16xi32>
      %jit3A_2346 = arith.constant 10000 : i32
      %broadcast_in_dim3A_2347 = vector.broadcast %jit3A_2346 : i32 to vector<16xi32>
      %select_n3A_2348 = arith.select %ne3A_2345, %get3A_2344, %broadcast_in_dim3A_2347 : vector<16xi1>, vector<16xi32>
      %swap3A_2349 = arith.constant 64 : index
      %swap3A_2350 = tpu.vector_load %arg19[%swap3A_2349] {strides = array<i32>} : memref<80xi32, #tpu.memory_space<vmem>>, vector<16xi32>,
      %swap3A_2351 = vector.shape_cast %swap3A_2350 : vector<16xi32> to vector<16xi32>
      %swap3A_2352 = vector.shape_cast %select_n3A_2348 : vector<16xi32> to vector<16xi32>
      tpu.vector_store %arg19[%swap3A_2349], %swap3A_2352 {strides = array<i32>} : memref<80xi32, #tpu.memory_space<vmem>>, vector<16xi32>,
      %dma_start3A_2353 = arith.constant 0 : i32
      %dma_start3A_2354 = arith.constant 0 : i32
      %dma_start3A_2355 = tpu.memref_slice %arg27[%dma_start3A_2353, %dma_start3A_2354] : memref<10240x128xf32, #tpu.memory_space<vmem_shared>> -> memref<10240x128xf32, #tpu.memory_space<vmem_shared>>
      tpu.enqueue_indirect_dma source(%arg23 : memref<80x128xf32, #tpu.memory_space<vmem>>) target(%dma_start3A_2355 : memref<10240x128xf32, #tpu.memory_space<vmem_shared>>) offsets(%arg19 : memref<80xi32, #tpu.memory_space<vmem>>) semaphore(%arg38 : memref<!tpu.dma_semaphore, #tpu.memory_space<semaphore_mem>>) {add = true}
      %add3A_2356 = arith.constant 7 : i32
      %add3A_2357 = arith.addi %add3A_1614, %add3A_2356 : i32
      %sub3A_2358 = arith.constant 2 : i32
      %sub3A_2359 = arith.subi %add3A_2357, %sub3A_2358 : i32
      %dma_wait3A_2360 = arith.constant 0 : i32
      %dma_wait3A_2361 = arith.constant 0 : i32
      %dma_wait3A_2362 = tpu.memref_slice %arg27[%dma_wait3A_2360, %dma_wait3A_2361] : memref<10240x128xf32, #tpu.memory_space<vmem_shared>> -> memref<10240x128xf32, #tpu.memory_space<vmem_shared>>
      tpu.wait_indirect_dma semaphore(%arg41 : memref<!tpu.dma_semaphore, #tpu.memory_space<semaphore_mem>>) src(%arg26 : memref<80x128xf32, #tpu.memory_space<vmem>>) dst(%dma_wait3A_2362 : memref<10240x128xf32, #tpu.memory_space<vmem_shared>>)
      %add3A_2363 = arith.constant 4 : i32
      %add3A_2364 = arith.addi %add3A_2357, %add3A_2363 : i32
      %mul3A_2365 = arith.constant 80 : i32
      %mul3A_2366 = arith.muli %add3A_2364, %mul3A_2365 : i32
      %add3A_2367 = arith.addi %mul3A_2, %mul3A_2366 : i32
      %dma_start3A_2368 = tpu.memref_slice %arg3[%add3A_2367] : memref<320000xi32, #tpu.memory_space<hbm>> -> memref<80xi32, #tpu.memory_space<hbm>>
      %dma_start3A_2369 = tpu.memref_slice %arg3[%add3A_2367] : memref<320000xi32, #tpu.memory_space<hbm>> -> memref<80xi32, #tpu.memory_space<hbm>>
      tpu.enqueue_dma source(%dma_start3A_2369 : memref<80xi32, #tpu.memory_space<hbm>>) target(%arg8 : memref<80xi32, #tpu.memory_space<vmem>>) target_semaphore(%arg29 : memref<!tpu.dma_semaphore, #tpu.memory_space<semaphore_mem>>)
      %dma_start3A_2370 = tpu.memref_slice %arg4[%add3A_2367] : memref<320000xi32, #tpu.memory_space<hbm>> -> memref<80xi32, #tpu.memory_space<hbm>>
      %dma_start3A_2371 = tpu.memref_slice %arg4[%add3A_2367] : memref<320000xi32, #tpu.memory_space<hbm>> -> memref<80xi32, #tpu.memory_space<hbm>>
      tpu.enqueue_dma source(%dma_start3A_2371 : memref<80xi32, #tpu.memory_space<hbm>>) target(%arg14 : memref<80xi32, #tpu.memory_space<vmem>>) target_semaphore(%arg29 : memref<!tpu.dma_semaphore, #tpu.memory_space<semaphore_mem>>)
      %add3A_2372 = arith.constant 2 : i32
      %add3A_2373 = arith.addi %add3A_2357, %add3A_2372 : i32
      %mul3A_2374 = arith.constant 80 : i32
      %mul3A_2375 = arith.muli %add3A_2373, %mul3A_2374 : i32
      %add3A_2376 = arith.addi %mul3A_2, %mul3A_2375 : i32
      %dma_wait3A_2377 = tpu.memref_slice %arg3[%add3A_2376] : memref<320000xi32, #tpu.memory_space<hbm>> -> memref<80xi32, #tpu.memory_space<hbm>>
      %dma_wait3A_2378 = tpu.memref_slice %arg3[%add3A_2376] : memref<320000xi32, #tpu.memory_space<hbm>> -> memref<80xi32, #tpu.memory_space<hbm>>
      tpu.wait_dma2 semaphore(%arg33 : memref<!tpu.dma_semaphore, #tpu.memory_space<semaphore_mem>>) src(%dma_wait3A_2378 : memref<80xi32, #tpu.memory_space<hbm>>) dst(%arg12 : memref<80xi32, #tpu.memory_space<vmem>>)
      %dma_wait3A_2379 = tpu.memref_slice %arg4[%add3A_2376] : memref<320000xi32, #tpu.memory_space<hbm>> -> memref<80xi32, #tpu.memory_space<hbm>>
      %dma_wait3A_2380 = tpu.memref_slice %arg4[%add3A_2376] : memref<320000xi32, #tpu.memory_space<hbm>> -> memref<80xi32, #tpu.memory_space<hbm>>
      tpu.wait_dma2 semaphore(%arg33 : memref<!tpu.dma_semaphore, #tpu.memory_space<semaphore_mem>>) src(%dma_wait3A_2380 : memref<80xi32, #tpu.memory_space<hbm>>) dst(%arg18 : memref<80xi32, #tpu.memory_space<vmem>>)
      %add3A_2381 = arith.constant 2 : i32
      %add3A_2382 = arith.addi %add3A_2357, %add3A_2381 : i32
      %dma_start3A_2383 = arith.constant 0 : i32
      %dma_start3A_2384 = arith.constant 0 : i32
      %dma_start3A_2385 = tpu.memref_slice %arg2[%dma_start3A_2383, %dma_start3A_2384] : memref<10000x128xf32, #tpu.memory_space<hbm>> -> memref<10000x128xf32, #tpu.memory_space<hbm>>
      tpu.enqueue_indirect_dma source(%dma_start3A_2385 : memref<10000x128xf32, #tpu.memory_space<hbm>>) target(%arg26 : memref<80x128xf32, #tpu.memory_space<vmem>>) offsets(%arg12 : memref<80xi32, #tpu.memory_space<vmem>>) semaphore(%arg37 : memref<!tpu.dma_semaphore, #tpu.memory_space<semaphore_mem>>)
      %dma_wait3A_2386 = arith.constant 0 : i32
      %dma_wait3A_2387 = arith.constant 0 : i32
      %dma_wait3A_2388 = tpu.memref_slice %arg2[%dma_wait3A_2386, %dma_wait3A_2387] : memref<10000x128xf32, #tpu.memory_space<hbm>> -> memref<10000x128xf32, #tpu.memory_space<hbm>>
      tpu.wait_indirect_dma semaphore(%arg35 : memref<!tpu.dma_semaphore, #tpu.memory_space<semaphore_mem>>) src(%dma_wait3A_2388 : memref<10000x128xf32, #tpu.memory_space<hbm>>) dst(%arg24 : memref<80x128xf32, #tpu.memory_space<vmem>>)
      %get3A_2389 = arith.constant 0 : index
      %get3A_2390 = tpu.vector_load %arg10[%get3A_2389] {strides = array<i32>} : memref<80xi32, #tpu.memory_space<vmem>>, vector<16xi32>,
      %get3A_2391 = vector.shape_cast %get3A_2390 : vector<16xi32> to vector<16xi32>
      %get3A_2392 = arith.constant 0 : index
      %get3A_2393 = tpu.vector_load %arg16[%get3A_2392] {strides = array<i32>} : memref<80xi32, #tpu.memory_space<vmem>>, vector<16xi32>,
      %get3A_2394 = vector.shape_cast %get3A_2393 : vector<16xi32> to vector<16xi32>
      %ne3A_2395 = arith.cmpi ne, %get3A_2391, %get3A_2394 : vector<16xi32>
      %jit3A_2396 = arith.constant 10000 : i32
      %broadcast_in_dim3A_2397 = vector.broadcast %jit3A_2396 : i32 to vector<16xi32>
      %select_n3A_2398 = arith.select %ne3A_2395, %get3A_2394, %broadcast_in_dim3A_2397 : vector<16xi1>, vector<16xi32>
      %swap3A_2399 = arith.constant 0 : index
      %swap3A_2400 = tpu.vector_load %arg20[%swap3A_2399] {strides = array<i32>} : memref<80xi32, #tpu.memory_space<vmem>>, vector<16xi32>,
      %swap3A_2401 = vector.shape_cast %swap3A_2400 : vector<16xi32> to vector<16xi32>
      %swap3A_2402 = vector.shape_cast %select_n3A_2398 : vector<16xi32> to vector<16xi32>
      tpu.vector_store %arg20[%swap3A_2399], %swap3A_2402 {strides = array<i32>} : memref<80xi32, #tpu.memory_space<vmem>>, vector<16xi32>,
      %get3A_2403 = arith.constant 16 : index
      %get3A_2404 = tpu.vector_load %arg10[%get3A_2403] {strides = array<i32>} : memref<80xi32, #tpu.memory_space<vmem>>, vector<16xi32>,
      %get3A_2405 = vector.shape_cast %get3A_2404 : vector<16xi32> to vector<16xi32>
      %get3A_2406 = arith.constant 16 : index
      %get3A_2407 = tpu.vector_load %arg16[%get3A_2406] {strides = array<i32>} : memref<80xi32, #tpu.memory_space<vmem>>, vector<16xi32>,
      %get3A_2408 = vector.shape_cast %get3A_2407 : vector<16xi32> to vector<16xi32>
      %ne3A_2409 = arith.cmpi ne, %get3A_2405, %get3A_2408 : vector<16xi32>
      %jit3A_2410 = arith.constant 10000 : i32
      %broadcast_in_dim3A_2411 = vector.broadcast %jit3A_2410 : i32 to vector<16xi32>
      %select_n3A_2412 = arith.select %ne3A_2409, %get3A_2408, %broadcast_in_dim3A_2411 : vector<16xi1>, vector<16xi32>
      %swap3A_2413 = arith.constant 16 : index
      %swap3A_2414 = tpu.vector_load %arg20[%swap3A_2413] {strides = array<i32>} : memref<80xi32, #tpu.memory_space<vmem>>, vector<16xi32>,
      %swap3A_2415 = vector.shape_cast %swap3A_2414 : vector<16xi32> to vector<16xi32>
      %swap3A_2416 = vector.shape_cast %select_n3A_2412 : vector<16xi32> to vector<16xi32>
      tpu.vector_store %arg20[%swap3A_2413], %swap3A_2416 {strides = array<i32>} : memref<80xi32, #tpu.memory_space<vmem>>, vector<16xi32>,
      %get3A_2417 = arith.constant 32 : index
      %get3A_2418 = tpu.vector_load %arg10[%get3A_2417] {strides = array<i32>} : memref<80xi32, #tpu.memory_space<vmem>>, vector<16xi32>,
      %get3A_2419 = vector.shape_cast %get3A_2418 : vector<16xi32> to vector<16xi32>
      %get3A_2420 = arith.constant 32 : index
      %get3A_2421 = tpu.vector_load %arg16[%get3A_2420] {strides = array<i32>} : memref<80xi32, #tpu.memory_space<vmem>>, vector<16xi32>,
      %get3A_2422 = vector.shape_cast %get3A_2421 : vector<16xi32> to vector<16xi32>
      %ne3A_2423 = arith.cmpi ne, %get3A_2419, %get3A_2422 : vector<16xi32>
      %jit3A_2424 = arith.constant 10000 : i32
      %broadcast_in_dim3A_2425 = vector.broadcast %jit3A_2424 : i32 to vector<16xi32>
      %select_n3A_2426 = arith.select %ne3A_2423, %get3A_2422, %broadcast_in_dim3A_2425 : vector<16xi1>, vector<16xi32>
      %swap3A_2427 = arith.constant 32 : index
      %swap3A_2428 = tpu.vector_load %arg20[%swap3A_2427] {strides = array<i32>} : memref<80xi32, #tpu.memory_space<vmem>>, vector<16xi32>,
      %swap3A_2429 = vector.shape_cast %swap3A_2428 : vector<16xi32> to vector<16xi32>
      %swap3A_2430 = vector.shape_cast %select_n3A_2426 : vector<16xi32> to vector<16xi32>
      tpu.vector_store %arg20[%swap3A_2427], %swap3A_2430 {strides = array<i32>} : memref<80xi32, #tpu.memory_space<vmem>>, vector<16xi32>,
      %get3A_2431 = arith.constant 48 : index
      %get3A_2432 = tpu.vector_load %arg10[%get3A_2431] {strides = array<i32>} : memref<80xi32, #tpu.memory_space<vmem>>, vector<16xi32>,
      %get3A_2433 = vector.shape_cast %get3A_2432 : vector<16xi32> to vector<16xi32>
      %get3A_2434 = arith.constant 48 : index
      %get3A_2435 = tpu.vector_load %arg16[%get3A_2434] {strides = array<i32>} : memref<80xi32, #tpu.memory_space<vmem>>, vector<16xi32>,
      %get3A_2436 = vector.shape_cast %get3A_2435 : vector<16xi32> to vector<16xi32>
      %ne3A_2437 = arith.cmpi ne, %get3A_2433, %get3A_2436 : vector<16xi32>
      %jit3A_2438 = arith.constant 10000 : i32
      %broadcast_in_dim3A_2439 = vector.broadcast %jit3A_2438 : i32 to vector<16xi32>
      %select_n3A_2440 = arith.select %ne3A_2437, %get3A_2436, %broadcast_in_dim3A_2439 : vector<16xi1>, vector<16xi32>
      %swap3A_2441 = arith.constant 48 : index
      %swap3A_2442 = tpu.vector_load %arg20[%swap3A_2441] {strides = array<i32>} : memref<80xi32, #tpu.memory_space<vmem>>, vector<16xi32>,
      %swap3A_2443 = vector.shape_cast %swap3A_2442 : vector<16xi32> to vector<16xi32>
      %swap3A_2444 = vector.shape_cast %select_n3A_2440 : vector<16xi32> to vector<16xi32>
      tpu.vector_store %arg20[%swap3A_2441], %swap3A_2444 {strides = array<i32>} : memref<80xi32, #tpu.memory_space<vmem>>, vector<16xi32>,
      %get3A_2445 = arith.constant 64 : index
      %get3A_2446 = tpu.vector_load %arg10[%get3A_2445] {strides = array<i32>} : memref<80xi32, #tpu.memory_space<vmem>>, vector<16xi32>,
      %get3A_2447 = vector.shape_cast %get3A_2446 : vector<16xi32> to vector<16xi32>
      %get3A_2448 = arith.constant 64 : index
      %get3A_2449 = tpu.vector_load %arg16[%get3A_2448] {strides = array<i32>} : memref<80xi32, #tpu.memory_space<vmem>>, vector<16xi32>,
      %get3A_2450 = vector.shape_cast %get3A_2449 : vector<16xi32> to vector<16xi32>
      %ne3A_2451 = arith.cmpi ne, %get3A_2447, %get3A_2450 : vector<16xi32>
      %jit3A_2452 = arith.constant 10000 : i32
      %broadcast_in_dim3A_2453 = vector.broadcast %jit3A_2452 : i32 to vector<16xi32>
      %select_n3A_2454 = arith.select %ne3A_2451, %get3A_2450, %broadcast_in_dim3A_2453 : vector<16xi1>, vector<16xi32>
      %swap3A_2455 = arith.constant 64 : index
      %swap3A_2456 = tpu.vector_load %arg20[%swap3A_2455] {strides = array<i32>} : memref<80xi32, #tpu.memory_space<vmem>>, vector<16xi32>,
      %swap3A_2457 = vector.shape_cast %swap3A_2456 : vector<16xi32> to vector<16xi32>
      %swap3A_2458 = vector.shape_cast %select_n3A_2454 : vector<16xi32> to vector<16xi32>
      tpu.vector_store %arg20[%swap3A_2455], %swap3A_2458 {strides = array<i32>} : memref<80xi32, #tpu.memory_space<vmem>>, vector<16xi32>,
      %dma_start3A_2459 = arith.constant 0 : i32
      %dma_start3A_2460 = arith.constant 0 : i32
      %dma_start3A_2461 = tpu.memref_slice %arg27[%dma_start3A_2459, %dma_start3A_2460] : memref<10240x128xf32, #tpu.memory_space<vmem_shared>> -> memref<10240x128xf32, #tpu.memory_space<vmem_shared>>
      tpu.enqueue_indirect_dma source(%arg24 : memref<80x128xf32, #tpu.memory_space<vmem>>) target(%dma_start3A_2461 : memref<10240x128xf32, #tpu.memory_space<vmem_shared>>) offsets(%arg20 : memref<80xi32, #tpu.memory_space<vmem>>) semaphore(%arg39 : memref<!tpu.dma_semaphore, #tpu.memory_space<semaphore_mem>>) {add = true}
      %add3A_2462 = arith.constant 8 : i32
      %add3A_2463 = arith.addi %add3A_1614, %add3A_2462 : i32
      %sub3A_2464 = arith.constant 2 : i32
      %sub3A_2465 = arith.subi %add3A_2463, %sub3A_2464 : i32
      %dma_wait3A_2466 = arith.constant 0 : i32
      %dma_wait3A_2467 = arith.constant 0 : i32
      %dma_wait3A_2468 = tpu.memref_slice %arg27[%dma_wait3A_2466, %dma_wait3A_2467] : memref<10240x128xf32, #tpu.memory_space<vmem_shared>> -> memref<10240x128xf32, #tpu.memory_space<vmem_shared>>
      tpu.wait_indirect_dma semaphore(%arg38 : memref<!tpu.dma_semaphore, #tpu.memory_space<semaphore_mem>>) src(%arg23 : memref<80x128xf32, #tpu.memory_space<vmem>>) dst(%dma_wait3A_2468 : memref<10240x128xf32, #tpu.memory_space<vmem_shared>>)
      %add3A_2469 = arith.constant 4 : i32
      %add3A_2470 = arith.addi %add3A_2463, %add3A_2469 : i32
      %mul3A_2471 = arith.constant 80 : i32
      %mul3A_2472 = arith.muli %add3A_2470, %mul3A_2471 : i32
      %add3A_2473 = arith.addi %mul3A_2, %mul3A_2472 : i32
      %dma_start3A_2474 = tpu.memref_slice %arg3[%add3A_2473] : memref<320000xi32, #tpu.memory_space<hbm>> -> memref<80xi32, #tpu.memory_space<hbm>>
      %dma_start3A_2475 = tpu.memref_slice %arg3[%add3A_2473] : memref<320000xi32, #tpu.memory_space<hbm>> -> memref<80xi32, #tpu.memory_space<hbm>>
      tpu.enqueue_dma source(%dma_start3A_2475 : memref<80xi32, #tpu.memory_space<hbm>>) target(%arg9 : memref<80xi32, #tpu.memory_space<vmem>>) target_semaphore(%arg30 : memref<!tpu.dma_semaphore, #tpu.memory_space<semaphore_mem>>)
      %dma_start3A_2476 = tpu.memref_slice %arg4[%add3A_2473] : memref<320000xi32, #tpu.memory_space<hbm>> -> memref<80xi32, #tpu.memory_space<hbm>>
      %dma_start3A_2477 = tpu.memref_slice %arg4[%add3A_2473] : memref<320000xi32, #tpu.memory_space<hbm>> -> memref<80xi32, #tpu.memory_space<hbm>>
      tpu.enqueue_dma source(%dma_start3A_2477 : memref<80xi32, #tpu.memory_space<hbm>>) target(%arg15 : memref<80xi32, #tpu.memory_space<vmem>>) target_semaphore(%arg30 : memref<!tpu.dma_semaphore, #tpu.memory_space<semaphore_mem>>)
      %add3A_2478 = arith.constant 2 : i32
      %add3A_2479 = arith.addi %add3A_2463, %add3A_2478 : i32
      %mul3A_2480 = arith.constant 80 : i32
      %mul3A_2481 = arith.muli %add3A_2479, %mul3A_2480 : i32
      %add3A_2482 = arith.addi %mul3A_2, %mul3A_2481 : i32
      %dma_wait3A_2483 = tpu.memref_slice %arg3[%add3A_2482] : memref<320000xi32, #tpu.memory_space<hbm>> -> memref<80xi32, #tpu.memory_space<hbm>>
      %dma_wait3A_2484 = tpu.memref_slice %arg3[%add3A_2482] : memref<320000xi32, #tpu.memory_space<hbm>> -> memref<80xi32, #tpu.memory_space<hbm>>
      tpu.wait_dma2 semaphore(%arg28 : memref<!tpu.dma_semaphore, #tpu.memory_space<semaphore_mem>>) src(%dma_wait3A_2484 : memref<80xi32, #tpu.memory_space<hbm>>) dst(%arg7 : memref<80xi32, #tpu.memory_space<vmem>>)
      %dma_wait3A_2485 = tpu.memref_slice %arg4[%add3A_2482] : memref<320000xi32, #tpu.memory_space<hbm>> -> memref<80xi32, #tpu.memory_space<hbm>>
      %dma_wait3A_2486 = tpu.memref_slice %arg4[%add3A_2482] : memref<320000xi32, #tpu.memory_space<hbm>> -> memref<80xi32, #tpu.memory_space<hbm>>
      tpu.wait_dma2 semaphore(%arg28 : memref<!tpu.dma_semaphore, #tpu.memory_space<semaphore_mem>>) src(%dma_wait3A_2486 : memref<80xi32, #tpu.memory_space<hbm>>) dst(%arg13 : memref<80xi32, #tpu.memory_space<vmem>>)
      %add3A_2487 = arith.constant 2 : i32
      %add3A_2488 = arith.addi %add3A_2463, %add3A_2487 : i32
      %dma_start3A_2489 = arith.constant 0 : i32
      %dma_start3A_2490 = arith.constant 0 : i32
      %dma_start3A_2491 = tpu.memref_slice %arg2[%dma_start3A_2489, %dma_start3A_2490] : memref<10000x128xf32, #tpu.memory_space<hbm>> -> memref<10000x128xf32, #tpu.memory_space<hbm>>
      tpu.enqueue_indirect_dma source(%dma_start3A_2491 : memref<10000x128xf32, #tpu.memory_space<hbm>>) target(%arg23 : memref<80x128xf32, #tpu.memory_space<vmem>>) offsets(%arg7 : memref<80xi32, #tpu.memory_space<vmem>>) semaphore(%arg34 : memref<!tpu.dma_semaphore, #tpu.memory_space<semaphore_mem>>)
      %dma_wait3A_2492 = arith.constant 0 : i32
      %dma_wait3A_2493 = arith.constant 0 : i32
      %dma_wait3A_2494 = tpu.memref_slice %arg2[%dma_wait3A_2492, %dma_wait3A_2493] : memref<10000x128xf32, #tpu.memory_space<hbm>> -> memref<10000x128xf32, #tpu.memory_space<hbm>>
      tpu.wait_indirect_dma semaphore(%arg36 : memref<!tpu.dma_semaphore, #tpu.memory_space<semaphore_mem>>) src(%dma_wait3A_2494 : memref<10000x128xf32, #tpu.memory_space<hbm>>) dst(%arg25 : memref<80x128xf32, #tpu.memory_space<vmem>>)
      %get3A_2495 = arith.constant 0 : index
      %get3A_2496 = tpu.vector_load %arg11[%get3A_2495] {strides = array<i32>} : memref<80xi32, #tpu.memory_space<vmem>>, vector<16xi32>,
      %get3A_2497 = vector.shape_cast %get3A_2496 : vector<16xi32> to vector<16xi32>
      %get3A_2498 = arith.constant 0 : index
      %get3A_2499 = tpu.vector_load %arg17[%get3A_2498] {strides = array<i32>} : memref<80xi32, #tpu.memory_space<vmem>>, vector<16xi32>,
      %get3A_2500 = vector.shape_cast %get3A_2499 : vector<16xi32> to vector<16xi32>
      %ne3A_2501 = arith.cmpi ne, %get3A_2497, %get3A_2500 : vector<16xi32>
      %jit3A_2502 = arith.constant 10000 : i32
      %broadcast_in_dim3A_2503 = vector.broadcast %jit3A_2502 : i32 to vector<16xi32>
      %select_n3A_2504 = arith.select %ne3A_2501, %get3A_2500, %broadcast_in_dim3A_2503 : vector<16xi1>, vector<16xi32>
      %swap3A_2505 = arith.constant 0 : index
      %swap3A_2506 = tpu.vector_load %arg21[%swap3A_2505] {strides = array<i32>} : memref<80xi32, #tpu.memory_space<vmem>>, vector<16xi32>,
      %swap3A_2507 = vector.shape_cast %swap3A_2506 : vector<16xi32> to vector<16xi32>
      %swap3A_2508 = vector.shape_cast %select_n3A_2504 : vector<16xi32> to vector<16xi32>
      tpu.vector_store %arg21[%swap3A_2505], %swap3A_2508 {strides = array<i32>} : memref<80xi32, #tpu.memory_space<vmem>>, vector<16xi32>,
      %get3A_2509 = arith.constant 16 : index
      %get3A_2510 = tpu.vector_load %arg11[%get3A_2509] {strides = array<i32>} : memref<80xi32, #tpu.memory_space<vmem>>, vector<16xi32>,
      %get3A_2511 = vector.shape_cast %get3A_2510 : vector<16xi32> to vector<16xi32>
      %get3A_2512 = arith.constant 16 : index
      %get3A_2513 = tpu.vector_load %arg17[%get3A_2512] {strides = array<i32>} : memref<80xi32, #tpu.memory_space<vmem>>, vector<16xi32>,
      %get3A_2514 = vector.shape_cast %get3A_2513 : vector<16xi32> to vector<16xi32>
      %ne3A_2515 = arith.cmpi ne, %get3A_2511, %get3A_2514 : vector<16xi32>
      %jit3A_2516 = arith.constant 10000 : i32
      %broadcast_in_dim3A_2517 = vector.broadcast %jit3A_2516 : i32 to vector<16xi32>
      %select_n3A_2518 = arith.select %ne3A_2515, %get3A_2514, %broadcast_in_dim3A_2517 : vector<16xi1>, vector<16xi32>
      %swap3A_2519 = arith.constant 16 : index
      %swap3A_2520 = tpu.vector_load %arg21[%swap3A_2519] {strides = array<i32>} : memref<80xi32, #tpu.memory_space<vmem>>, vector<16xi32>,
      %swap3A_2521 = vector.shape_cast %swap3A_2520 : vector<16xi32> to vector<16xi32>
      %swap3A_2522 = vector.shape_cast %select_n3A_2518 : vector<16xi32> to vector<16xi32>
      tpu.vector_store %arg21[%swap3A_2519], %swap3A_2522 {strides = array<i32>} : memref<80xi32, #tpu.memory_space<vmem>>, vector<16xi32>,
      %get3A_2523 = arith.constant 32 : index
      %get3A_2524 = tpu.vector_load %arg11[%get3A_2523] {strides = array<i32>} : memref<80xi32, #tpu.memory_space<vmem>>, vector<16xi32>,
      %get3A_2525 = vector.shape_cast %get3A_2524 : vector<16xi32> to vector<16xi32>
      %get3A_2526 = arith.constant 32 : index
      %get3A_2527 = tpu.vector_load %arg17[%get3A_2526] {strides = array<i32>} : memref<80xi32, #tpu.memory_space<vmem>>, vector<16xi32>,
      %get3A_2528 = vector.shape_cast %get3A_2527 : vector<16xi32> to vector<16xi32>
      %ne3A_2529 = arith.cmpi ne, %get3A_2525, %get3A_2528 : vector<16xi32>
      %jit3A_2530 = arith.constant 10000 : i32
      %broadcast_in_dim3A_2531 = vector.broadcast %jit3A_2530 : i32 to vector<16xi32>
      %select_n3A_2532 = arith.select %ne3A_2529, %get3A_2528, %broadcast_in_dim3A_2531 : vector<16xi1>, vector<16xi32>
      %swap3A_2533 = arith.constant 32 : index
      %swap3A_2534 = tpu.vector_load %arg21[%swap3A_2533] {strides = array<i32>} : memref<80xi32, #tpu.memory_space<vmem>>, vector<16xi32>,
      %swap3A_2535 = vector.shape_cast %swap3A_2534 : vector<16xi32> to vector<16xi32>
      %swap3A_2536 = vector.shape_cast %select_n3A_2532 : vector<16xi32> to vector<16xi32>
      tpu.vector_store %arg21[%swap3A_2533], %swap3A_2536 {strides = array<i32>} : memref<80xi32, #tpu.memory_space<vmem>>, vector<16xi32>,
      %get3A_2537 = arith.constant 48 : index
      %get3A_2538 = tpu.vector_load %arg11[%get3A_2537] {strides = array<i32>} : memref<80xi32, #tpu.memory_space<vmem>>, vector<16xi32>,
      %get3A_2539 = vector.shape_cast %get3A_2538 : vector<16xi32> to vector<16xi32>
      %get3A_2540 = arith.constant 48 : index
      %get3A_2541 = tpu.vector_load %arg17[%get3A_2540] {strides = array<i32>} : memref<80xi32, #tpu.memory_space<vmem>>, vector<16xi32>,
      %get3A_2542 = vector.shape_cast %get3A_2541 : vector<16xi32> to vector<16xi32>
      %ne3A_2543 = arith.cmpi ne, %get3A_2539, %get3A_2542 : vector<16xi32>
      %jit3A_2544 = arith.constant 10000 : i32
      %broadcast_in_dim3A_2545 = vector.broadcast %jit3A_2544 : i32 to vector<16xi32>
      %select_n3A_2546 = arith.select %ne3A_2543, %get3A_2542, %broadcast_in_dim3A_2545 : vector<16xi1>, vector<16xi32>
      %swap3A_2547 = arith.constant 48 : index
      %swap3A_2548 = tpu.vector_load %arg21[%swap3A_2547] {strides = array<i32>} : memref<80xi32, #tpu.memory_space<vmem>>, vector<16xi32>,
      %swap3A_2549 = vector.shape_cast %swap3A_2548 : vector<16xi32> to vector<16xi32>
      %swap3A_2550 = vector.shape_cast %select_n3A_2546 : vector<16xi32> to vector<16xi32>
      tpu.vector_store %arg21[%swap3A_2547], %swap3A_2550 {strides = array<i32>} : memref<80xi32, #tpu.memory_space<vmem>>, vector<16xi32>,
      %get3A_2551 = arith.constant 64 : index
      %get3A_2552 = tpu.vector_load %arg11[%get3A_2551] {strides = array<i32>} : memref<80xi32, #tpu.memory_space<vmem>>, vector<16xi32>,
      %get3A_2553 = vector.shape_cast %get3A_2552 : vector<16xi32> to vector<16xi32>
      %get3A_2554 = arith.constant 64 : index
      %get3A_2555 = tpu.vector_load %arg17[%get3A_2554] {strides = array<i32>} : memref<80xi32, #tpu.memory_space<vmem>>, vector<16xi32>,
      %get3A_2556 = vector.shape_cast %get3A_2555 : vector<16xi32> to vector<16xi32>
      %ne3A_2557 = arith.cmpi ne, %get3A_2553, %get3A_2556 : vector<16xi32>
      %jit3A_2558 = arith.constant 10000 : i32
      %broadcast_in_dim3A_2559 = vector.broadcast %jit3A_2558 : i32 to vector<16xi32>
      %select_n3A_2560 = arith.select %ne3A_2557, %get3A_2556, %broadcast_in_dim3A_2559 : vector<16xi1>, vector<16xi32>
      %swap3A_2561 = arith.constant 64 : index
      %swap3A_2562 = tpu.vector_load %arg21[%swap3A_2561] {strides = array<i32>} : memref<80xi32, #tpu.memory_space<vmem>>, vector<16xi32>,
      %swap3A_2563 = vector.shape_cast %swap3A_2562 : vector<16xi32> to vector<16xi32>
      %swap3A_2564 = vector.shape_cast %select_n3A_2560 : vector<16xi32> to vector<16xi32>
      tpu.vector_store %arg21[%swap3A_2561], %swap3A_2564 {strides = array<i32>} : memref<80xi32, #tpu.memory_space<vmem>>, vector<16xi32>,
      %dma_start3A_2565 = arith.constant 0 : i32
      %dma_start3A_2566 = arith.constant 0 : i32
      %dma_start3A_2567 = tpu.memref_slice %arg27[%dma_start3A_2565, %dma_start3A_2566] : memref<10240x128xf32, #tpu.memory_space<vmem_shared>> -> memref<10240x128xf32, #tpu.memory_space<vmem_shared>>
      tpu.enqueue_indirect_dma source(%arg25 : memref<80x128xf32, #tpu.memory_space<vmem>>) target(%dma_start3A_2567 : memref<10240x128xf32, #tpu.memory_space<vmem_shared>>) offsets(%arg21 : memref<80xi32, #tpu.memory_space<vmem>>) semaphore(%arg40 : memref<!tpu.dma_semaphore, #tpu.memory_space<semaphore_mem>>) {add = true}
      %add3A_2568 = arith.constant 9 : i32
      %add3A_2569 = arith.addi %add3A_1614, %add3A_2568 : i32
      %sub3A_2570 = arith.constant 2 : i32
      %sub3A_2571 = arith.subi %add3A_2569, %sub3A_2570 : i32
      %dma_wait3A_2572 = arith.constant 0 : i32
      %dma_wait3A_2573 = arith.constant 0 : i32
      %dma_wait3A_2574 = tpu.memref_slice %arg27[%dma_wait3A_2572, %dma_wait3A_2573] : memref<10240x128xf32, #tpu.memory_space<vmem_shared>> -> memref<10240x128xf32, #tpu.memory_space<vmem_shared>>
      tpu.wait_indirect_dma semaphore(%arg39 : memref<!tpu.dma_semaphore, #tpu.memory_space<semaphore_mem>>) src(%arg24 : memref<80x128xf32, #tpu.memory_space<vmem>>) dst(%dma_wait3A_2574 : memref<10240x128xf32, #tpu.memory_space<vmem_shared>>)
      %add3A_2575 = arith.constant 4 : i32
      %add3A_2576 = arith.addi %add3A_2569, %add3A_2575 : i32
      %mul3A_2577 = arith.constant 80 : i32
      %mul3A_2578 = arith.muli %add3A_2576, %mul3A_2577 : i32
      %add3A_2579 = arith.addi %mul3A_2, %mul3A_2578 : i32
      %dma_start3A_2580 = tpu.memref_slice %arg3[%add3A_2579] : memref<320000xi32, #tpu.memory_space<hbm>> -> memref<80xi32, #tpu.memory_space<hbm>>
      %dma_start3A_2581 = tpu.memref_slice %arg3[%add3A_2579] : memref<320000xi32, #tpu.memory_space<hbm>> -> memref<80xi32, #tpu.memory_space<hbm>>
      tpu.enqueue_dma source(%dma_start3A_2581 : memref<80xi32, #tpu.memory_space<hbm>>) target(%arg10 : memref<80xi32, #tpu.memory_space<vmem>>) target_semaphore(%arg31 : memref<!tpu.dma_semaphore, #tpu.memory_space<semaphore_mem>>)
      %dma_start3A_2582 = tpu.memref_slice %arg4[%add3A_2579] : memref<320000xi32, #tpu.memory_space<hbm>> -> memref<80xi32, #tpu.memory_space<hbm>>
      %dma_start3A_2583 = tpu.memref_slice %arg4[%add3A_2579] : memref<320000xi32, #tpu.memory_space<hbm>> -> memref<80xi32, #tpu.memory_space<hbm>>
      tpu.enqueue_dma source(%dma_start3A_2583 : memref<80xi32, #tpu.memory_space<hbm>>) target(%arg16 : memref<80xi32, #tpu.memory_space<vmem>>) target_semaphore(%arg31 : memref<!tpu.dma_semaphore, #tpu.memory_space<semaphore_mem>>)
      %add3A_2584 = arith.constant 2 : i32
      %add3A_2585 = arith.addi %add3A_2569, %add3A_2584 : i32
      %mul3A_2586 = arith.constant 80 : i32
      %mul3A_2587 = arith.muli %add3A_2585, %mul3A_2586 : i32
      %add3A_2588 = arith.addi %mul3A_2, %mul3A_2587 : i32
      %dma_wait3A_2589 = tpu.memref_slice %arg3[%add3A_2588] : memref<320000xi32, #tpu.memory_space<hbm>> -> memref<80xi32, #tpu.memory_space<hbm>>
      %dma_wait3A_2590 = tpu.memref_slice %arg3[%add3A_2588] : memref<320000xi32, #tpu.memory_space<hbm>> -> memref<80xi32, #tpu.memory_space<hbm>>
      tpu.wait_dma2 semaphore(%arg29 : memref<!tpu.dma_semaphore, #tpu.memory_space<semaphore_mem>>) src(%dma_wait3A_2590 : memref<80xi32, #tpu.memory_space<hbm>>) dst(%arg8 : memref<80xi32, #tpu.memory_space<vmem>>)
      %dma_wait3A_2591 = tpu.memref_slice %arg4[%add3A_2588] : memref<320000xi32, #tpu.memory_space<hbm>> -> memref<80xi32, #tpu.memory_space<hbm>>
      %dma_wait3A_2592 = tpu.memref_slice %arg4[%add3A_2588] : memref<320000xi32, #tpu.memory_space<hbm>> -> memref<80xi32, #tpu.memory_space<hbm>>
      tpu.wait_dma2 semaphore(%arg29 : memref<!tpu.dma_semaphore, #tpu.memory_space<semaphore_mem>>) src(%dma_wait3A_2592 : memref<80xi32, #tpu.memory_space<hbm>>) dst(%arg14 : memref<80xi32, #tpu.memory_space<vmem>>)
      %add3A_2593 = arith.constant 2 : i32
      %add3A_2594 = arith.addi %add3A_2569, %add3A_2593 : i32
      %dma_start3A_2595 = arith.constant 0 : i32
      %dma_start3A_2596 = arith.constant 0 : i32
      %dma_start3A_2597 = tpu.memref_slice %arg2[%dma_start3A_2595, %dma_start3A_2596] : memref<10000x128xf32, #tpu.memory_space<hbm>> -> memref<10000x128xf32, #tpu.memory_space<hbm>>
      tpu.enqueue_indirect_dma source(%dma_start3A_2597 : memref<10000x128xf32, #tpu.memory_space<hbm>>) target(%arg24 : memref<80x128xf32, #tpu.memory_space<vmem>>) offsets(%arg8 : memref<80xi32, #tpu.memory_space<vmem>>) semaphore(%arg35 : memref<!tpu.dma_semaphore, #tpu.memory_space<semaphore_mem>>)
      %dma_wait3A_2598 = arith.constant 0 : i32
      %dma_wait3A_2599 = arith.constant 0 : i32
      %dma_wait3A_2600 = tpu.memref_slice %arg2[%dma_wait3A_2598, %dma_wait3A_2599] : memref<10000x128xf32, #tpu.memory_space<hbm>> -> memref<10000x128xf32, #tpu.memory_space<hbm>>
      tpu.wait_indirect_dma semaphore(%arg37 : memref<!tpu.dma_semaphore, #tpu.memory_space<semaphore_mem>>) src(%dma_wait3A_2600 : memref<10000x128xf32, #tpu.memory_space<hbm>>) dst(%arg26 : memref<80x128xf32, #tpu.memory_space<vmem>>)
      %get3A_2601 = arith.constant 0 : index
      %get3A_2602 = tpu.vector_load %arg12[%get3A_2601] {strides = array<i32>} : memref<80xi32, #tpu.memory_space<vmem>>, vector<16xi32>,
      %get3A_2603 = vector.shape_cast %get3A_2602 : vector<16xi32> to vector<16xi32>
      %get3A_2604 = arith.constant 0 : index
      %get3A_2605 = tpu.vector_load %arg18[%get3A_2604] {strides = array<i32>} : memref<80xi32, #tpu.memory_space<vmem>>, vector<16xi32>,
      %get3A_2606 = vector.shape_cast %get3A_2605 : vector<16xi32> to vector<16xi32>
      %ne3A_2607 = arith.cmpi ne, %get3A_2603, %get3A_2606 : vector<16xi32>
      %jit3A_2608 = arith.constant 10000 : i32
      %broadcast_in_dim3A_2609 = vector.broadcast %jit3A_2608 : i32 to vector<16xi32>
      %select_n3A_2610 = arith.select %ne3A_2607, %get3A_2606, %broadcast_in_dim3A_2609 : vector<16xi1>, vector<16xi32>
      %swap3A_2611 = arith.constant 0 : index
      %swap3A_2612 = tpu.vector_load %arg22[%swap3A_2611] {strides = array<i32>} : memref<80xi32, #tpu.memory_space<vmem>>, vector<16xi32>,
      %swap3A_2613 = vector.shape_cast %swap3A_2612 : vector<16xi32> to vector<16xi32>
      %swap3A_2614 = vector.shape_cast %select_n3A_2610 : vector<16xi32> to vector<16xi32>
      tpu.vector_store %arg22[%swap3A_2611], %swap3A_2614 {strides = array<i32>} : memref<80xi32, #tpu.memory_space<vmem>>, vector<16xi32>,
      %get3A_2615 = arith.constant 16 : index
      %get3A_2616 = tpu.vector_load %arg12[%get3A_2615] {strides = array<i32>} : memref<80xi32, #tpu.memory_space<vmem>>, vector<16xi32>,
      %get3A_2617 = vector.shape_cast %get3A_2616 : vector<16xi32> to vector<16xi32>
      %get3A_2618 = arith.constant 16 : index
      %get3A_2619 = tpu.vector_load %arg18[%get3A_2618] {strides = array<i32>} : memref<80xi32, #tpu.memory_space<vmem>>, vector<16xi32>,
      %get3A_2620 = vector.shape_cast %get3A_2619 : vector<16xi32> to vector<16xi32>
      %ne3A_2621 = arith.cmpi ne, %get3A_2617, %get3A_2620 : vector<16xi32>
      %jit3A_2622 = arith.constant 10000 : i32
      %broadcast_in_dim3A_2623 = vector.broadcast %jit3A_2622 : i32 to vector<16xi32>
      %select_n3A_2624 = arith.select %ne3A_2621, %get3A_2620, %broadcast_in_dim3A_2623 : vector<16xi1>, vector<16xi32>
      %swap3A_2625 = arith.constant 16 : index
      %swap3A_2626 = tpu.vector_load %arg22[%swap3A_2625] {strides = array<i32>} : memref<80xi32, #tpu.memory_space<vmem>>, vector<16xi32>,
      %swap3A_2627 = vector.shape_cast %swap3A_2626 : vector<16xi32> to vector<16xi32>
      %swap3A_2628 = vector.shape_cast %select_n3A_2624 : vector<16xi32> to vector<16xi32>
      tpu.vector_store %arg22[%swap3A_2625], %swap3A_2628 {strides = array<i32>} : memref<80xi32, #tpu.memory_space<vmem>>, vector<16xi32>,
      %get3A_2629 = arith.constant 32 : index
      %get3A_2630 = tpu.vector_load %arg12[%get3A_2629] {strides = array<i32>} : memref<80xi32, #tpu.memory_space<vmem>>, vector<16xi32>,
      %get3A_2631 = vector.shape_cast %get3A_2630 : vector<16xi32> to vector<16xi32>
      %get3A_2632 = arith.constant 32 : index
      %get3A_2633 = tpu.vector_load %arg18[%get3A_2632] {strides = array<i32>} : memref<80xi32, #tpu.memory_space<vmem>>, vector<16xi32>,
      %get3A_2634 = vector.shape_cast %get3A_2633 : vector<16xi32> to vector<16xi32>
      %ne3A_2635 = arith.cmpi ne, %get3A_2631, %get3A_2634 : vector<16xi32>
      %jit3A_2636 = arith.constant 10000 : i32
      %broadcast_in_dim3A_2637 = vector.broadcast %jit3A_2636 : i32 to vector<16xi32>
      %select_n3A_2638 = arith.select %ne3A_2635, %get3A_2634, %broadcast_in_dim3A_2637 : vector<16xi1>, vector<16xi32>
      %swap3A_2639 = arith.constant 32 : index
      %swap3A_2640 = tpu.vector_load %arg22[%swap3A_2639] {strides = array<i32>} : memref<80xi32, #tpu.memory_space<vmem>>, vector<16xi32>,
      %swap3A_2641 = vector.shape_cast %swap3A_2640 : vector<16xi32> to vector<16xi32>
      %swap3A_2642 = vector.shape_cast %select_n3A_2638 : vector<16xi32> to vector<16xi32>
      tpu.vector_store %arg22[%swap3A_2639], %swap3A_2642 {strides = array<i32>} : memref<80xi32, #tpu.memory_space<vmem>>, vector<16xi32>,
      %get3A_2643 = arith.constant 48 : index
      %get3A_2644 = tpu.vector_load %arg12[%get3A_2643] {strides = array<i32>} : memref<80xi32, #tpu.memory_space<vmem>>, vector<16xi32>,
      %get3A_2645 = vector.shape_cast %get3A_2644 : vector<16xi32> to vector<16xi32>
      %get3A_2646 = arith.constant 48 : index
      %get3A_2647 = tpu.vector_load %arg18[%get3A_2646] {strides = array<i32>} : memref<80xi32, #tpu.memory_space<vmem>>, vector<16xi32>,
      %get3A_2648 = vector.shape_cast %get3A_2647 : vector<16xi32> to vector<16xi32>
      %ne3A_2649 = arith.cmpi ne, %get3A_2645, %get3A_2648 : vector<16xi32>
      %jit3A_2650 = arith.constant 10000 : i32
      %broadcast_in_dim3A_2651 = vector.broadcast %jit3A_2650 : i32 to vector<16xi32>
      %select_n3A_2652 = arith.select %ne3A_2649, %get3A_2648, %broadcast_in_dim3A_2651 : vector<16xi1>, vector<16xi32>
      %swap3A_2653 = arith.constant 48 : index
      %swap3A_2654 = tpu.vector_load %arg22[%swap3A_2653] {strides = array<i32>} : memref<80xi32, #tpu.memory_space<vmem>>, vector<16xi32>,
      %swap3A_2655 = vector.shape_cast %swap3A_2654 : vector<16xi32> to vector<16xi32>
      %swap3A_2656 = vector.shape_cast %select_n3A_2652 : vector<16xi32> to vector<16xi32>
      tpu.vector_store %arg22[%swap3A_2653], %swap3A_2656 {strides = array<i32>} : memref<80xi32, #tpu.memory_space<vmem>>, vector<16xi32>,
      %get3A_2657 = arith.constant 64 : index
      %get3A_2658 = tpu.vector_load %arg12[%get3A_2657] {strides = array<i32>} : memref<80xi32, #tpu.memory_space<vmem>>, vector<16xi32>,
      %get3A_2659 = vector.shape_cast %get3A_2658 : vector<16xi32> to vector<16xi32>
      %get3A_2660 = arith.constant 64 : index
      %get3A_2661 = tpu.vector_load %arg18[%get3A_2660] {strides = array<i32>} : memref<80xi32, #tpu.memory_space<vmem>>, vector<16xi32>,
      %get3A_2662 = vector.shape_cast %get3A_2661 : vector<16xi32> to vector<16xi32>
      %ne3A_2663 = arith.cmpi ne, %get3A_2659, %get3A_2662 : vector<16xi32>
      %jit3A_2664 = arith.constant 10000 : i32
      %broadcast_in_dim3A_2665 = vector.broadcast %jit3A_2664 : i32 to vector<16xi32>
      %select_n3A_2666 = arith.select %ne3A_2663, %get3A_2662, %broadcast_in_dim3A_2665 : vector<16xi1>, vector<16xi32>
      %swap3A_2667 = arith.constant 64 : index
      %swap3A_2668 = tpu.vector_load %arg22[%swap3A_2667] {strides = array<i32>} : memref<80xi32, #tpu.memory_space<vmem>>, vector<16xi32>,
      %swap3A_2669 = vector.shape_cast %swap3A_2668 : vector<16xi32> to vector<16xi32>
      %swap3A_2670 = vector.shape_cast %select_n3A_2666 : vector<16xi32> to vector<16xi32>
      tpu.vector_store %arg22[%swap3A_2667], %swap3A_2670 {strides = array<i32>} : memref<80xi32, #tpu.memory_space<vmem>>, vector<16xi32>,
      %dma_start3A_2671 = arith.constant 0 : i32
      %dma_start3A_2672 = arith.constant 0 : i32
      %dma_start3A_2673 = tpu.memref_slice %arg27[%dma_start3A_2671, %dma_start3A_2672] : memref<10240x128xf32, #tpu.memory_space<vmem_shared>> -> memref<10240x128xf32, #tpu.memory_space<vmem_shared>>
      tpu.enqueue_indirect_dma source(%arg26 : memref<80x128xf32, #tpu.memory_space<vmem>>) target(%dma_start3A_2673 : memref<10240x128xf32, #tpu.memory_space<vmem_shared>>) offsets(%arg22 : memref<80xi32, #tpu.memory_space<vmem>>) semaphore(%arg41 : memref<!tpu.dma_semaphore, #tpu.memory_space<semaphore_mem>>) {add = true}
      %add3A_2674 = arith.constant 10 : i32
      %add3A_2675 = arith.addi %add3A_1614, %add3A_2674 : i32
      %sub3A_2676 = arith.constant 2 : i32
      %sub3A_2677 = arith.subi %add3A_2675, %sub3A_2676 : i32
      %dma_wait3A_2678 = arith.constant 0 : i32
      %dma_wait3A_2679 = arith.constant 0 : i32
      %dma_wait3A_2680 = tpu.memref_slice %arg27[%dma_wait3A_2678, %dma_wait3A_2679] : memref<10240x128xf32, #tpu.memory_space<vmem_shared>> -> memref<10240x128xf32, #tpu.memory_space<vmem_shared>>
      tpu.wait_indirect_dma semaphore(%arg40 : memref<!tpu.dma_semaphore, #tpu.memory_space<semaphore_mem>>) src(%arg25 : memref<80x128xf32, #tpu.memory_space<vmem>>) dst(%dma_wait3A_2680 : memref<10240x128xf32, #tpu.memory_space<vmem_shared>>)
      %add3A_2681 = arith.constant 4 : i32
      %add3A_2682 = arith.addi %add3A_2675, %add3A_2681 : i32
      %mul3A_2683 = arith.constant 80 : i32
      %mul3A_2684 = arith.muli %add3A_2682, %mul3A_2683 : i32
      %add3A_2685 = arith.addi %mul3A_2, %mul3A_2684 : i32
      %dma_start3A_2686 = tpu.memref_slice %arg3[%add3A_2685] : memref<320000xi32, #tpu.memory_space<hbm>> -> memref<80xi32, #tpu.memory_space<hbm>>
      %dma_start3A_2687 = tpu.memref_slice %arg3[%add3A_2685] : memref<320000xi32, #tpu.memory_space<hbm>> -> memref<80xi32, #tpu.memory_space<hbm>>
      tpu.enqueue_dma source(%dma_start3A_2687 : memref<80xi32, #tpu.memory_space<hbm>>) target(%arg11 : memref<80xi32, #tpu.memory_space<vmem>>) target_semaphore(%arg32 : memref<!tpu.dma_semaphore, #tpu.memory_space<semaphore_mem>>)
      %dma_start3A_2688 = tpu.memref_slice %arg4[%add3A_2685] : memref<320000xi32, #tpu.memory_space<hbm>> -> memref<80xi32, #tpu.memory_space<hbm>>
      %dma_start3A_2689 = tpu.memref_slice %arg4[%add3A_2685] : memref<320000xi32, #tpu.memory_space<hbm>> -> memref<80xi32, #tpu.memory_space<hbm>>
      tpu.enqueue_dma source(%dma_start3A_2689 : memref<80xi32, #tpu.memory_space<hbm>>) target(%arg17 : memref<80xi32, #tpu.memory_space<vmem>>) target_semaphore(%arg32 : memref<!tpu.dma_semaphore, #tpu.memory_space<semaphore_mem>>)
      %add3A_2690 = arith.constant 2 : i32
      %add3A_2691 = arith.addi %add3A_2675, %add3A_2690 : i32
      %mul3A_2692 = arith.constant 80 : i32
      %mul3A_2693 = arith.muli %add3A_2691, %mul3A_2692 : i32
      %add3A_2694 = arith.addi %mul3A_2, %mul3A_2693 : i32
      %dma_wait3A_2695 = tpu.memref_slice %arg3[%add3A_2694] : memref<320000xi32, #tpu.memory_space<hbm>> -> memref<80xi32, #tpu.memory_space<hbm>>
      %dma_wait3A_2696 = tpu.memref_slice %arg3[%add3A_2694] : memref<320000xi32, #tpu.memory_space<hbm>> -> memref<80xi32, #tpu.memory_space<hbm>>
      tpu.wait_dma2 semaphore(%arg30 : memref<!tpu.dma_semaphore, #tpu.memory_space<semaphore_mem>>) src(%dma_wait3A_2696 : memref<80xi32, #tpu.memory_space<hbm>>) dst(%arg9 : memref<80xi32, #tpu.memory_space<vmem>>)
      %dma_wait3A_2697 = tpu.memref_slice %arg4[%add3A_2694] : memref<320000xi32, #tpu.memory_space<hbm>> -> memref<80xi32, #tpu.memory_space<hbm>>
      %dma_wait3A_2698 = tpu.memref_slice %arg4[%add3A_2694] : memref<320000xi32, #tpu.memory_space<hbm>> -> memref<80xi32, #tpu.memory_space<hbm>>
      tpu.wait_dma2 semaphore(%arg30 : memref<!tpu.dma_semaphore, #tpu.memory_space<semaphore_mem>>) src(%dma_wait3A_2698 : memref<80xi32, #tpu.memory_space<hbm>>) dst(%arg15 : memref<80xi32, #tpu.memory_space<vmem>>)
      %add3A_2699 = arith.constant 2 : i32
      %add3A_2700 = arith.addi %add3A_2675, %add3A_2699 : i32
      %dma_start3A_2701 = arith.constant 0 : i32
      %dma_start3A_2702 = arith.constant 0 : i32
      %dma_start3A_2703 = tpu.memref_slice %arg2[%dma_start3A_2701, %dma_start3A_2702] : memref<10000x128xf32, #tpu.memory_space<hbm>> -> memref<10000x128xf32, #tpu.memory_space<hbm>>
      tpu.enqueue_indirect_dma source(%dma_start3A_2703 : memref<10000x128xf32, #tpu.memory_space<hbm>>) target(%arg25 : memref<80x128xf32, #tpu.memory_space<vmem>>) offsets(%arg9 : memref<80xi32, #tpu.memory_space<vmem>>) semaphore(%arg36 : memref<!tpu.dma_semaphore, #tpu.memory_space<semaphore_mem>>)
      %dma_wait3A_2704 = arith.constant 0 : i32
      %dma_wait3A_2705 = arith.constant 0 : i32
      %dma_wait3A_2706 = tpu.memref_slice %arg2[%dma_wait3A_2704, %dma_wait3A_2705] : memref<10000x128xf32, #tpu.memory_space<hbm>> -> memref<10000x128xf32, #tpu.memory_space<hbm>>
      tpu.wait_indirect_dma semaphore(%arg34 : memref<!tpu.dma_semaphore, #tpu.memory_space<semaphore_mem>>) src(%dma_wait3A_2706 : memref<10000x128xf32, #tpu.memory_space<hbm>>) dst(%arg23 : memref<80x128xf32, #tpu.memory_space<vmem>>)
      %get3A_2707 = arith.constant 0 : index
      %get3A_2708 = tpu.vector_load %arg7[%get3A_2707] {strides = array<i32>} : memref<80xi32, #tpu.memory_space<vmem>>, vector<16xi32>,
      %get3A_2709 = vector.shape_cast %get3A_2708 : vector<16xi32> to vector<16xi32>
      %get3A_2710 = arith.constant 0 : index
      %get3A_2711 = tpu.vector_load %arg13[%get3A_2710] {strides = array<i32>} : memref<80xi32, #tpu.memory_space<vmem>>, vector<16xi32>,
      %get3A_2712 = vector.shape_cast %get3A_2711 : vector<16xi32> to vector<16xi32>
      %ne3A_2713 = arith.cmpi ne, %get3A_2709, %get3A_2712 : vector<16xi32>
      %jit3A_2714 = arith.constant 10000 : i32
      %broadcast_in_dim3A_2715 = vector.broadcast %jit3A_2714 : i32 to vector<16xi32>
      %select_n3A_2716 = arith.select %ne3A_2713, %get3A_2712, %broadcast_in_dim3A_2715 : vector<16xi1>, vector<16xi32>
      %swap3A_2717 = arith.constant 0 : index
      %swap3A_2718 = tpu.vector_load %arg19[%swap3A_2717] {strides = array<i32>} : memref<80xi32, #tpu.memory_space<vmem>>, vector<16xi32>,
      %swap3A_2719 = vector.shape_cast %swap3A_2718 : vector<16xi32> to vector<16xi32>
      %swap3A_2720 = vector.shape_cast %select_n3A_2716 : vector<16xi32> to vector<16xi32>
      tpu.vector_store %arg19[%swap3A_2717], %swap3A_2720 {strides = array<i32>} : memref<80xi32, #tpu.memory_space<vmem>>, vector<16xi32>,
      %get3A_2721 = arith.constant 16 : index
      %get3A_2722 = tpu.vector_load %arg7[%get3A_2721] {strides = array<i32>} : memref<80xi32, #tpu.memory_space<vmem>>, vector<16xi32>,
      %get3A_2723 = vector.shape_cast %get3A_2722 : vector<16xi32> to vector<16xi32>
      %get3A_2724 = arith.constant 16 : index
      %get3A_2725 = tpu.vector_load %arg13[%get3A_2724] {strides = array<i32>} : memref<80xi32, #tpu.memory_space<vmem>>, vector<16xi32>,
      %get3A_2726 = vector.shape_cast %get3A_2725 : vector<16xi32> to vector<16xi32>
      %ne3A_2727 = arith.cmpi ne, %get3A_2723, %get3A_2726 : vector<16xi32>
      %jit3A_2728 = arith.constant 10000 : i32
      %broadcast_in_dim3A_2729 = vector.broadcast %jit3A_2728 : i32 to vector<16xi32>
      %select_n3A_2730 = arith.select %ne3A_2727, %get3A_2726, %broadcast_in_dim3A_2729 : vector<16xi1>, vector<16xi32>
      %swap3A_2731 = arith.constant 16 : index
      %swap3A_2732 = tpu.vector_load %arg19[%swap3A_2731] {strides = array<i32>} : memref<80xi32, #tpu.memory_space<vmem>>, vector<16xi32>,
      %swap3A_2733 = vector.shape_cast %swap3A_2732 : vector<16xi32> to vector<16xi32>
      %swap3A_2734 = vector.shape_cast %select_n3A_2730 : vector<16xi32> to vector<16xi32>
      tpu.vector_store %arg19[%swap3A_2731], %swap3A_2734 {strides = array<i32>} : memref<80xi32, #tpu.memory_space<vmem>>, vector<16xi32>,
      %get3A_2735 = arith.constant 32 : index
      %get3A_2736 = tpu.vector_load %arg7[%get3A_2735] {strides = array<i32>} : memref<80xi32, #tpu.memory_space<vmem>>, vector<16xi32>,
      %get3A_2737 = vector.shape_cast %get3A_2736 : vector<16xi32> to vector<16xi32>
      %get3A_2738 = arith.constant 32 : index
      %get3A_2739 = tpu.vector_load %arg13[%get3A_2738] {strides = array<i32>} : memref<80xi32, #tpu.memory_space<vmem>>, vector<16xi32>,
      %get3A_2740 = vector.shape_cast %get3A_2739 : vector<16xi32> to vector<16xi32>
      %ne3A_2741 = arith.cmpi ne, %get3A_2737, %get3A_2740 : vector<16xi32>
      %jit3A_2742 = arith.constant 10000 : i32
      %broadcast_in_dim3A_2743 = vector.broadcast %jit3A_2742 : i32 to vector<16xi32>
      %select_n3A_2744 = arith.select %ne3A_2741, %get3A_2740, %broadcast_in_dim3A_2743 : vector<16xi1>, vector<16xi32>
      %swap3A_2745 = arith.constant 32 : index
      %swap3A_2746 = tpu.vector_load %arg19[%swap3A_2745] {strides = array<i32>} : memref<80xi32, #tpu.memory_space<vmem>>, vector<16xi32>,
      %swap3A_2747 = vector.shape_cast %swap3A_2746 : vector<16xi32> to vector<16xi32>
      %swap3A_2748 = vector.shape_cast %select_n3A_2744 : vector<16xi32> to vector<16xi32>
      tpu.vector_store %arg19[%swap3A_2745], %swap3A_2748 {strides = array<i32>} : memref<80xi32, #tpu.memory_space<vmem>>, vector<16xi32>,
      %get3A_2749 = arith.constant 48 : index
      %get3A_2750 = tpu.vector_load %arg7[%get3A_2749] {strides = array<i32>} : memref<80xi32, #tpu.memory_space<vmem>>, vector<16xi32>,
      %get3A_2751 = vector.shape_cast %get3A_2750 : vector<16xi32> to vector<16xi32>
      %get3A_2752 = arith.constant 48 : index
      %get3A_2753 = tpu.vector_load %arg13[%get3A_2752] {strides = array<i32>} : memref<80xi32, #tpu.memory_space<vmem>>, vector<16xi32>,
      %get3A_2754 = vector.shape_cast %get3A_2753 : vector<16xi32> to vector<16xi32>
      %ne3A_2755 = arith.cmpi ne, %get3A_2751, %get3A_2754 : vector<16xi32>
      %jit3A_2756 = arith.constant 10000 : i32
      %broadcast_in_dim3A_2757 = vector.broadcast %jit3A_2756 : i32 to vector<16xi32>
      %select_n3A_2758 = arith.select %ne3A_2755, %get3A_2754, %broadcast_in_dim3A_2757 : vector<16xi1>, vector<16xi32>
      %swap3A_2759 = arith.constant 48 : index
      %swap3A_2760 = tpu.vector_load %arg19[%swap3A_2759] {strides = array<i32>} : memref<80xi32, #tpu.memory_space<vmem>>, vector<16xi32>,
      %swap3A_2761 = vector.shape_cast %swap3A_2760 : vector<16xi32> to vector<16xi32>
      %swap3A_2762 = vector.shape_cast %select_n3A_2758 : vector<16xi32> to vector<16xi32>
      tpu.vector_store %arg19[%swap3A_2759], %swap3A_2762 {strides = array<i32>} : memref<80xi32, #tpu.memory_space<vmem>>, vector<16xi32>,
      %get3A_2763 = arith.constant 64 : index
      %get3A_2764 = tpu.vector_load %arg7[%get3A_2763] {strides = array<i32>} : memref<80xi32, #tpu.memory_space<vmem>>, vector<16xi32>,
      %get3A_2765 = vector.shape_cast %get3A_2764 : vector<16xi32> to vector<16xi32>
      %get3A_2766 = arith.constant 64 : index
      %get3A_2767 = tpu.vector_load %arg13[%get3A_2766] {strides = array<i32>} : memref<80xi32, #tpu.memory_space<vmem>>, vector<16xi32>,
      %get3A_2768 = vector.shape_cast %get3A_2767 : vector<16xi32> to vector<16xi32>
      %ne3A_2769 = arith.cmpi ne, %get3A_2765, %get3A_2768 : vector<16xi32>
      %jit3A_2770 = arith.constant 10000 : i32
      %broadcast_in_dim3A_2771 = vector.broadcast %jit3A_2770 : i32 to vector<16xi32>
      %select_n3A_2772 = arith.select %ne3A_2769, %get3A_2768, %broadcast_in_dim3A_2771 : vector<16xi1>, vector<16xi32>
      %swap3A_2773 = arith.constant 64 : index
      %swap3A_2774 = tpu.vector_load %arg19[%swap3A_2773] {strides = array<i32>} : memref<80xi32, #tpu.memory_space<vmem>>, vector<16xi32>,
      %swap3A_2775 = vector.shape_cast %swap3A_2774 : vector<16xi32> to vector<16xi32>
      %swap3A_2776 = vector.shape_cast %select_n3A_2772 : vector<16xi32> to vector<16xi32>
      tpu.vector_store %arg19[%swap3A_2773], %swap3A_2776 {strides = array<i32>} : memref<80xi32, #tpu.memory_space<vmem>>, vector<16xi32>,
      %dma_start3A_2777 = arith.constant 0 : i32
      %dma_start3A_2778 = arith.constant 0 : i32
      %dma_start3A_2779 = tpu.memref_slice %arg27[%dma_start3A_2777, %dma_start3A_2778] : memref<10240x128xf32, #tpu.memory_space<vmem_shared>> -> memref<10240x128xf32, #tpu.memory_space<vmem_shared>>
      tpu.enqueue_indirect_dma source(%arg23 : memref<80x128xf32, #tpu.memory_space<vmem>>) target(%dma_start3A_2779 : memref<10240x128xf32, #tpu.memory_space<vmem_shared>>) offsets(%arg19 : memref<80xi32, #tpu.memory_space<vmem>>) semaphore(%arg38 : memref<!tpu.dma_semaphore, #tpu.memory_space<semaphore_mem>>) {add = true}
      %add3A_2780 = arith.constant 11 : i32
      %add3A_2781 = arith.addi %add3A_1614, %add3A_2780 : i32
      %sub3A_2782 = arith.constant 2 : i32
      %sub3A_2783 = arith.subi %add3A_2781, %sub3A_2782 : i32
      %dma_wait3A_2784 = arith.constant 0 : i32
      %dma_wait3A_2785 = arith.constant 0 : i32
      %dma_wait3A_2786 = tpu.memref_slice %arg27[%dma_wait3A_2784, %dma_wait3A_2785] : memref<10240x128xf32, #tpu.memory_space<vmem_shared>> -> memref<10240x128xf32, #tpu.memory_space<vmem_shared>>
      tpu.wait_indirect_dma semaphore(%arg41 : memref<!tpu.dma_semaphore, #tpu.memory_space<semaphore_mem>>) src(%arg26 : memref<80x128xf32, #tpu.memory_space<vmem>>) dst(%dma_wait3A_2786 : memref<10240x128xf32, #tpu.memory_space<vmem_shared>>)
      %add3A_2787 = arith.constant 4 : i32
      %add3A_2788 = arith.addi %add3A_2781, %add3A_2787 : i32
      %mul3A_2789 = arith.constant 80 : i32
      %mul3A_2790 = arith.muli %add3A_2788, %mul3A_2789 : i32
      %add3A_2791 = arith.addi %mul3A_2, %mul3A_2790 : i32
      %dma_start3A_2792 = tpu.memref_slice %arg3[%add3A_2791] : memref<320000xi32, #tpu.memory_space<hbm>> -> memref<80xi32, #tpu.memory_space<hbm>>
      %dma_start3A_2793 = tpu.memref_slice %arg3[%add3A_2791] : memref<320000xi32, #tpu.memory_space<hbm>> -> memref<80xi32, #tpu.memory_space<hbm>>
      tpu.enqueue_dma source(%dma_start3A_2793 : memref<80xi32, #tpu.memory_space<hbm>>) target(%arg12 : memref<80xi32, #tpu.memory_space<vmem>>) target_semaphore(%arg33 : memref<!tpu.dma_semaphore, #tpu.memory_space<semaphore_mem>>)
      %dma_start3A_2794 = tpu.memref_slice %arg4[%add3A_2791] : memref<320000xi32, #tpu.memory_space<hbm>> -> memref<80xi32, #tpu.memory_space<hbm>>
      %dma_start3A_2795 = tpu.memref_slice %arg4[%add3A_2791] : memref<320000xi32, #tpu.memory_space<hbm>> -> memref<80xi32, #tpu.memory_space<hbm>>
      tpu.enqueue_dma source(%dma_start3A_2795 : memref<80xi32, #tpu.memory_space<hbm>>) target(%arg18 : memref<80xi32, #tpu.memory_space<vmem>>) target_semaphore(%arg33 : memref<!tpu.dma_semaphore, #tpu.memory_space<semaphore_mem>>)
      %add3A_2796 = arith.constant 2 : i32
      %add3A_2797 = arith.addi %add3A_2781, %add3A_2796 : i32
      %mul3A_2798 = arith.constant 80 : i32
      %mul3A_2799 = arith.muli %add3A_2797, %mul3A_2798 : i32
      %add3A_2800 = arith.addi %mul3A_2, %mul3A_2799 : i32
      %dma_wait3A_2801 = tpu.memref_slice %arg3[%add3A_2800] : memref<320000xi32, #tpu.memory_space<hbm>> -> memref<80xi32, #tpu.memory_space<hbm>>
      %dma_wait3A_2802 = tpu.memref_slice %arg3[%add3A_2800] : memref<320000xi32, #tpu.memory_space<hbm>> -> memref<80xi32, #tpu.memory_space<hbm>>
      tpu.wait_dma2 semaphore(%arg31 : memref<!tpu.dma_semaphore, #tpu.memory_space<semaphore_mem>>) src(%dma_wait3A_2802 : memref<80xi32, #tpu.memory_space<hbm>>) dst(%arg10 : memref<80xi32, #tpu.memory_space<vmem>>)
      %dma_wait3A_2803 = tpu.memref_slice %arg4[%add3A_2800] : memref<320000xi32, #tpu.memory_space<hbm>> -> memref<80xi32, #tpu.memory_space<hbm>>
      %dma_wait3A_2804 = tpu.memref_slice %arg4[%add3A_2800] : memref<320000xi32, #tpu.memory_space<hbm>> -> memref<80xi32, #tpu.memory_space<hbm>>
      tpu.wait_dma2 semaphore(%arg31 : memref<!tpu.dma_semaphore, #tpu.memory_space<semaphore_mem>>) src(%dma_wait3A_2804 : memref<80xi32, #tpu.memory_space<hbm>>) dst(%arg16 : memref<80xi32, #tpu.memory_space<vmem>>)
      %add3A_2805 = arith.constant 2 : i32
      %add3A_2806 = arith.addi %add3A_2781, %add3A_2805 : i32
      %dma_start3A_2807 = arith.constant 0 : i32
      %dma_start3A_2808 = arith.constant 0 : i32
      %dma_start3A_2809 = tpu.memref_slice %arg2[%dma_start3A_2807, %dma_start3A_2808] : memref<10000x128xf32, #tpu.memory_space<hbm>> -> memref<10000x128xf32, #tpu.memory_space<hbm>>
      tpu.enqueue_indirect_dma source(%dma_start3A_2809 : memref<10000x128xf32, #tpu.memory_space<hbm>>) target(%arg26 : memref<80x128xf32, #tpu.memory_space<vmem>>) offsets(%arg10 : memref<80xi32, #tpu.memory_space<vmem>>) semaphore(%arg37 : memref<!tpu.dma_semaphore, #tpu.memory_space<semaphore_mem>>)
      %dma_wait3A_2810 = arith.constant 0 : i32
      %dma_wait3A_2811 = arith.constant 0 : i32
      %dma_wait3A_2812 = tpu.memref_slice %arg2[%dma_wait3A_2810, %dma_wait3A_2811] : memref<10000x128xf32, #tpu.memory_space<hbm>> -> memref<10000x128xf32, #tpu.memory_space<hbm>>
      tpu.wait_indirect_dma semaphore(%arg35 : memref<!tpu.dma_semaphore, #tpu.memory_space<semaphore_mem>>) src(%dma_wait3A_2812 : memref<10000x128xf32, #tpu.memory_space<hbm>>) dst(%arg24 : memref<80x128xf32, #tpu.memory_space<vmem>>)
      %get3A_2813 = arith.constant 0 : index
      %get3A_2814 = tpu.vector_load %arg8[%get3A_2813] {strides = array<i32>} : memref<80xi32, #tpu.memory_space<vmem>>, vector<16xi32>,
      %get3A_2815 = vector.shape_cast %get3A_2814 : vector<16xi32> to vector<16xi32>
      %get3A_2816 = arith.constant 0 : index
      %get3A_2817 = tpu.vector_load %arg14[%get3A_2816] {strides = array<i32>} : memref<80xi32, #tpu.memory_space<vmem>>, vector<16xi32>,
      %get3A_2818 = vector.shape_cast %get3A_2817 : vector<16xi32> to vector<16xi32>
      %ne3A_2819 = arith.cmpi ne, %get3A_2815, %get3A_2818 : vector<16xi32>
      %jit3A_2820 = arith.constant 10000 : i32
      %broadcast_in_dim3A_2821 = vector.broadcast %jit3A_2820 : i32 to vector<16xi32>
      %select_n3A_2822 = arith.select %ne3A_2819, %get3A_2818, %broadcast_in_dim3A_2821 : vector<16xi1>, vector<16xi32>
      %swap3A_2823 = arith.constant 0 : index
      %swap3A_2824 = tpu.vector_load %arg20[%swap3A_2823] {strides = array<i32>} : memref<80xi32, #tpu.memory_space<vmem>>, vector<16xi32>,
      %swap3A_2825 = vector.shape_cast %swap3A_2824 : vector<16xi32> to vector<16xi32>
      %swap3A_2826 = vector.shape_cast %select_n3A_2822 : vector<16xi32> to vector<16xi32>
      tpu.vector_store %arg20[%swap3A_2823], %swap3A_2826 {strides = array<i32>} : memref<80xi32, #tpu.memory_space<vmem>>, vector<16xi32>,
      %get3A_2827 = arith.constant 16 : index
      %get3A_2828 = tpu.vector_load %arg8[%get3A_2827] {strides = array<i32>} : memref<80xi32, #tpu.memory_space<vmem>>, vector<16xi32>,
      %get3A_2829 = vector.shape_cast %get3A_2828 : vector<16xi32> to vector<16xi32>
      %get3A_2830 = arith.constant 16 : index
      %get3A_2831 = tpu.vector_load %arg14[%get3A_2830] {strides = array<i32>} : memref<80xi32, #tpu.memory_space<vmem>>, vector<16xi32>,
      %get3A_2832 = vector.shape_cast %get3A_2831 : vector<16xi32> to vector<16xi32>
      %ne3A_2833 = arith.cmpi ne, %get3A_2829, %get3A_2832 : vector<16xi32>
      %jit3A_2834 = arith.constant 10000 : i32
      %broadcast_in_dim3A_2835 = vector.broadcast %jit3A_2834 : i32 to vector<16xi32>
      %select_n3A_2836 = arith.select %ne3A_2833, %get3A_2832, %broadcast_in_dim3A_2835 : vector<16xi1>, vector<16xi32>
      %swap3A_2837 = arith.constant 16 : index
      %swap3A_2838 = tpu.vector_load %arg20[%swap3A_2837] {strides = array<i32>} : memref<80xi32, #tpu.memory_space<vmem>>, vector<16xi32>,
      %swap3A_2839 = vector.shape_cast %swap3A_2838 : vector<16xi32> to vector<16xi32>
      %swap3A_2840 = vector.shape_cast %select_n3A_2836 : vector<16xi32> to vector<16xi32>
      tpu.vector_store %arg20[%swap3A_2837], %swap3A_2840 {strides = array<i32>} : memref<80xi32, #tpu.memory_space<vmem>>, vector<16xi32>,
      %get3A_2841 = arith.constant 32 : index
      %get3A_2842 = tpu.vector_load %arg8[%get3A_2841] {strides = array<i32>} : memref<80xi32, #tpu.memory_space<vmem>>, vector<16xi32>,
      %get3A_2843 = vector.shape_cast %get3A_2842 : vector<16xi32> to vector<16xi32>
      %get3A_2844 = arith.constant 32 : index
      %get3A_2845 = tpu.vector_load %arg14[%get3A_2844] {strides = array<i32>} : memref<80xi32, #tpu.memory_space<vmem>>, vector<16xi32>,
      %get3A_2846 = vector.shape_cast %get3A_2845 : vector<16xi32> to vector<16xi32>
      %ne3A_2847 = arith.cmpi ne, %get3A_2843, %get3A_2846 : vector<16xi32>
      %jit3A_2848 = arith.constant 10000 : i32
      %broadcast_in_dim3A_2849 = vector.broadcast %jit3A_2848 : i32 to vector<16xi32>
      %select_n3A_2850 = arith.select %ne3A_2847, %get3A_2846, %broadcast_in_dim3A_2849 : vector<16xi1>, vector<16xi32>
      %swap3A_2851 = arith.constant 32 : index
      %swap3A_2852 = tpu.vector_load %arg20[%swap3A_2851] {strides = array<i32>} : memref<80xi32, #tpu.memory_space<vmem>>, vector<16xi32>,
      %swap3A_2853 = vector.shape_cast %swap3A_2852 : vector<16xi32> to vector<16xi32>
      %swap3A_2854 = vector.shape_cast %select_n3A_2850 : vector<16xi32> to vector<16xi32>
      tpu.vector_store %arg20[%swap3A_2851], %swap3A_2854 {strides = array<i32>} : memref<80xi32, #tpu.memory_space<vmem>>, vector<16xi32>,
      %get3A_2855 = arith.constant 48 : index
      %get3A_2856 = tpu.vector_load %arg8[%get3A_2855] {strides = array<i32>} : memref<80xi32, #tpu.memory_space<vmem>>, vector<16xi32>,
      %get3A_2857 = vector.shape_cast %get3A_2856 : vector<16xi32> to vector<16xi32>
      %get3A_2858 = arith.constant 48 : index
      %get3A_2859 = tpu.vector_load %arg14[%get3A_2858] {strides = array<i32>} : memref<80xi32, #tpu.memory_space<vmem>>, vector<16xi32>,
      %get3A_2860 = vector.shape_cast %get3A_2859 : vector<16xi32> to vector<16xi32>
      %ne3A_2861 = arith.cmpi ne, %get3A_2857, %get3A_2860 : vector<16xi32>
      %jit3A_2862 = arith.constant 10000 : i32
      %broadcast_in_dim3A_2863 = vector.broadcast %jit3A_2862 : i32 to vector<16xi32>
      %select_n3A_2864 = arith.select %ne3A_2861, %get3A_2860, %broadcast_in_dim3A_2863 : vector<16xi1>, vector<16xi32>
      %swap3A_2865 = arith.constant 48 : index
      %swap3A_2866 = tpu.vector_load %arg20[%swap3A_2865] {strides = array<i32>} : memref<80xi32, #tpu.memory_space<vmem>>, vector<16xi32>,
      %swap3A_2867 = vector.shape_cast %swap3A_2866 : vector<16xi32> to vector<16xi32>
      %swap3A_2868 = vector.shape_cast %select_n3A_2864 : vector<16xi32> to vector<16xi32>
      tpu.vector_store %arg20[%swap3A_2865], %swap3A_2868 {strides = array<i32>} : memref<80xi32, #tpu.memory_space<vmem>>, vector<16xi32>,
      %get3A_2869 = arith.constant 64 : index
      %get3A_2870 = tpu.vector_load %arg8[%get3A_2869] {strides = array<i32>} : memref<80xi32, #tpu.memory_space<vmem>>, vector<16xi32>,
      %get3A_2871 = vector.shape_cast %get3A_2870 : vector<16xi32> to vector<16xi32>
      %get3A_2872 = arith.constant 64 : index
      %get3A_2873 = tpu.vector_load %arg14[%get3A_2872] {strides = array<i32>} : memref<80xi32, #tpu.memory_space<vmem>>, vector<16xi32>,
      %get3A_2874 = vector.shape_cast %get3A_2873 : vector<16xi32> to vector<16xi32>
      %ne3A_2875 = arith.cmpi ne, %get3A_2871, %get3A_2874 : vector<16xi32>
      %jit3A_2876 = arith.constant 10000 : i32
      %broadcast_in_dim3A_2877 = vector.broadcast %jit3A_2876 : i32 to vector<16xi32>
      %select_n3A_2878 = arith.select %ne3A_2875, %get3A_2874, %broadcast_in_dim3A_2877 : vector<16xi1>, vector<16xi32>
      %swap3A_2879 = arith.constant 64 : index
      %swap3A_2880 = tpu.vector_load %arg20[%swap3A_2879] {strides = array<i32>} : memref<80xi32, #tpu.memory_space<vmem>>, vector<16xi32>,
      %swap3A_2881 = vector.shape_cast %swap3A_2880 : vector<16xi32> to vector<16xi32>
      %swap3A_2882 = vector.shape_cast %select_n3A_2878 : vector<16xi32> to vector<16xi32>
      tpu.vector_store %arg20[%swap3A_2879], %swap3A_2882 {strides = array<i32>} : memref<80xi32, #tpu.memory_space<vmem>>, vector<16xi32>,
      %dma_start3A_2883 = arith.constant 0 : i32
      %dma_start3A_2884 = arith.constant 0 : i32
      %dma_start3A_2885 = tpu.memref_slice %arg27[%dma_start3A_2883, %dma_start3A_2884] : memref<10240x128xf32, #tpu.memory_space<vmem_shared>> -> memref<10240x128xf32, #tpu.memory_space<vmem_shared>>
      tpu.enqueue_indirect_dma source(%arg24 : memref<80x128xf32, #tpu.memory_space<vmem>>) target(%dma_start3A_2885 : memref<10240x128xf32, #tpu.memory_space<vmem_shared>>) offsets(%arg20 : memref<80xi32, #tpu.memory_space<vmem>>) semaphore(%arg39 : memref<!tpu.dma_semaphore, #tpu.memory_space<semaphore_mem>>) {add = true}
    }
    %scan3A_227 = arith.constant 9 : i32
    %dma_wait3A_228 = arith.constant 0 : i32
    %dma_wait3A_229 = arith.constant 0 : i32
    %dma_wait3A_230 = tpu.memref_slice %arg27[%dma_wait3A_228, %dma_wait3A_229] : memref<10240x128xf32, #tpu.memory_space<vmem_shared>> -> memref<10240x128xf32, #tpu.memory_space<vmem_shared>>
    tpu.wait_indirect_dma semaphore(%arg38 : memref<!tpu.dma_semaphore, #tpu.memory_space<semaphore_mem>>) src(%arg23 : memref<80x128xf32, #tpu.memory_space<vmem>>) dst(%dma_wait3A_230 : memref<10240x128xf32, #tpu.memory_space<vmem_shared>>)
    %add3A_231 = arith.constant 9120 : i32
    %add3A_232 = arith.addi %mul3A_2, %add3A_231 : i32
    %dma_start3A_233 = tpu.memref_slice %arg3[%add3A_232] : memref<320000xi32, #tpu.memory_space<hbm>> -> memref<80xi32, #tpu.memory_space<hbm>>
    %dma_start3A_234 = tpu.memref_slice %arg3[%add3A_232] : memref<320000xi32, #tpu.memory_space<hbm>> -> memref<80xi32, #tpu.memory_space<hbm>>
    tpu.enqueue_dma source(%dma_start3A_234 : memref<80xi32, #tpu.memory_space<hbm>>) target(%arg7 : memref<80xi32, #tpu.memory_space<vmem>>) target_semaphore(%arg28 : memref<!tpu.dma_semaphore, #tpu.memory_space<semaphore_mem>>)
    %dma_start3A_235 = tpu.memref_slice %arg4[%add3A_232] : memref<320000xi32, #tpu.memory_space<hbm>> -> memref<80xi32, #tpu.memory_space<hbm>>
    %dma_start3A_236 = tpu.memref_slice %arg4[%add3A_232] : memref<320000xi32, #tpu.memory_space<hbm>> -> memref<80xi32, #tpu.memory_space<hbm>>
    tpu.enqueue_dma source(%dma_start3A_236 : memref<80xi32, #tpu.memory_space<hbm>>) target(%arg13 : memref<80xi32, #tpu.memory_space<vmem>>) target_semaphore(%arg28 : memref<!tpu.dma_semaphore, #tpu.memory_space<semaphore_mem>>)
    %add3A_237 = arith.constant 8960 : i32
    %add3A_238 = arith.addi %mul3A_2, %add3A_237 : i32
    %dma_wait3A_239 = tpu.memref_slice %arg3[%add3A_238] : memref<320000xi32, #tpu.memory_space<hbm>> -> memref<80xi32, #tpu.memory_space<hbm>>
    %dma_wait3A_240 = tpu.memref_slice %arg3[%add3A_238] : memref<320000xi32, #tpu.memory_space<hbm>> -> memref<80xi32, #tpu.memory_space<hbm>>
    tpu.wait_dma2 semaphore(%arg32 : memref<!tpu.dma_semaphore, #tpu.memory_space<semaphore_mem>>) src(%dma_wait3A_240 : memref<80xi32, #tpu.memory_space<hbm>>) dst(%arg11 : memref<80xi32, #tpu.memory_space<vmem>>)
    %dma_wait3A_241 = tpu.memref_slice %arg4[%add3A_238] : memref<320000xi32, #tpu.memory_space<hbm>> -> memref<80xi32, #tpu.memory_space<hbm>>
    %dma_wait3A_242 = tpu.memref_slice %arg4[%add3A_238] : memref<320000xi32, #tpu.memory_space<hbm>> -> memref<80xi32, #tpu.memory_space<hbm>>
    tpu.wait_dma2 semaphore(%arg32 : memref<!tpu.dma_semaphore, #tpu.memory_space<semaphore_mem>>) src(%dma_wait3A_242 : memref<80xi32, #tpu.memory_space<hbm>>) dst(%arg17 : memref<80xi32, #tpu.memory_space<vmem>>)
    %dma_start3A_243 = arith.constant 0 : i32
    %dma_start3A_244 = arith.constant 0 : i32
    %dma_start3A_245 = tpu.memref_slice %arg2[%dma_start3A_243, %dma_start3A_244] : memref<10000x128xf32, #tpu.memory_space<hbm>> -> memref<10000x128xf32, #tpu.memory_space<hbm>>
    tpu.enqueue_indirect_dma source(%dma_start3A_245 : memref<10000x128xf32, #tpu.memory_space<hbm>>) target(%arg23 : memref<80x128xf32, #tpu.memory_space<vmem>>) offsets(%arg11 : memref<80xi32, #tpu.memory_space<vmem>>) semaphore(%arg34 : memref<!tpu.dma_semaphore, #tpu.memory_space<semaphore_mem>>)
    %dma_wait3A_246 = arith.constant 0 : i32
    %dma_wait3A_247 = arith.constant 0 : i32
    %dma_wait3A_248 = tpu.memref_slice %arg2[%dma_wait3A_246, %dma_wait3A_247] : memref<10000x128xf32, #tpu.memory_space<hbm>> -> memref<10000x128xf32, #tpu.memory_space<hbm>>
    tpu.wait_indirect_dma semaphore(%arg36 : memref<!tpu.dma_semaphore, #tpu.memory_space<semaphore_mem>>) src(%dma_wait3A_248 : memref<10000x128xf32, #tpu.memory_space<hbm>>) dst(%arg25 : memref<80x128xf32, #tpu.memory_space<vmem>>)
    %get3A_249 = arith.constant 0 : index
    %get3A_250 = tpu.vector_load %arg9[%get3A_249] {strides = array<i32>} : memref<80xi32, #tpu.memory_space<vmem>>, vector<16xi32>,
    %get3A_251 = vector.shape_cast %get3A_250 : vector<16xi32> to vector<16xi32>
    %get3A_252 = arith.constant 0 : index
    %get3A_253 = tpu.vector_load %arg15[%get3A_252] {strides = array<i32>} : memref<80xi32, #tpu.memory_space<vmem>>, vector<16xi32>,
    %get3A_254 = vector.shape_cast %get3A_253 : vector<16xi32> to vector<16xi32>
    %ne3A_255 = arith.cmpi ne, %get3A_251, %get3A_254 : vector<16xi32>
    %jit3A_256 = arith.constant 10000 : i32
    %broadcast_in_dim3A_257 = vector.broadcast %jit3A_256 : i32 to vector<16xi32>
    %select_n3A_258 = arith.select %ne3A_255, %get3A_254, %broadcast_in_dim3A_257 : vector<16xi1>, vector<16xi32>
    %swap3A_259 = arith.constant 0 : index
    %swap3A_260 = tpu.vector_load %arg21[%swap3A_259] {strides = array<i32>} : memref<80xi32, #tpu.memory_space<vmem>>, vector<16xi32>,
    %swap3A_261 = vector.shape_cast %swap3A_260 : vector<16xi32> to vector<16xi32>
    %swap3A_262 = vector.shape_cast %select_n3A_258 : vector<16xi32> to vector<16xi32>
    tpu.vector_store %arg21[%swap3A_259], %swap3A_262 {strides = array<i32>} : memref<80xi32, #tpu.memory_space<vmem>>, vector<16xi32>,
    %get3A_263 = arith.constant 16 : index
    %get3A_264 = tpu.vector_load %arg9[%get3A_263] {strides = array<i32>} : memref<80xi32, #tpu.memory_space<vmem>>, vector<16xi32>,
    %get3A_265 = vector.shape_cast %get3A_264 : vector<16xi32> to vector<16xi32>
    %get3A_266 = arith.constant 16 : index
    %get3A_267 = tpu.vector_load %arg15[%get3A_266] {strides = array<i32>} : memref<80xi32, #tpu.memory_space<vmem>>, vector<16xi32>,
    %get3A_268 = vector.shape_cast %get3A_267 : vector<16xi32> to vector<16xi32>
    %ne3A_269 = arith.cmpi ne, %get3A_265, %get3A_268 : vector<16xi32>
    %jit3A_270 = arith.constant 10000 : i32
    %broadcast_in_dim3A_271 = vector.broadcast %jit3A_270 : i32 to vector<16xi32>
    %select_n3A_272 = arith.select %ne3A_269, %get3A_268, %broadcast_in_dim3A_271 : vector<16xi1>, vector<16xi32>
    %swap3A_273 = arith.constant 16 : index
    %swap3A_274 = tpu.vector_load %arg21[%swap3A_273] {strides = array<i32>} : memref<80xi32, #tpu.memory_space<vmem>>, vector<16xi32>,
    %swap3A_275 = vector.shape_cast %swap3A_274 : vector<16xi32> to vector<16xi32>
    %swap3A_276 = vector.shape_cast %select_n3A_272 : vector<16xi32> to vector<16xi32>
    tpu.vector_store %arg21[%swap3A_273], %swap3A_276 {strides = array<i32>} : memref<80xi32, #tpu.memory_space<vmem>>, vector<16xi32>,
    %get3A_277 = arith.constant 32 : index
    %get3A_278 = tpu.vector_load %arg9[%get3A_277] {strides = array<i32>} : memref<80xi32, #tpu.memory_space<vmem>>, vector<16xi32>,
    %get3A_279 = vector.shape_cast %get3A_278 : vector<16xi32> to vector<16xi32>
    %get3A_280 = arith.constant 32 : index
    %get3A_281 = tpu.vector_load %arg15[%get3A_280] {strides = array<i32>} : memref<80xi32, #tpu.memory_space<vmem>>, vector<16xi32>,
    %get3A_282 = vector.shape_cast %get3A_281 : vector<16xi32> to vector<16xi32>
    %ne3A_283 = arith.cmpi ne, %get3A_279, %get3A_282 : vector<16xi32>
    %jit3A_284 = arith.constant 10000 : i32
    %broadcast_in_dim3A_285 = vector.broadcast %jit3A_284 : i32 to vector<16xi32>
    %select_n3A_286 = arith.select %ne3A_283, %get3A_282, %broadcast_in_dim3A_285 : vector<16xi1>, vector<16xi32>
    %swap3A_287 = arith.constant 32 : index
    %swap3A_288 = tpu.vector_load %arg21[%swap3A_287] {strides = array<i32>} : memref<80xi32, #tpu.memory_space<vmem>>, vector<16xi32>,
    %swap3A_289 = vector.shape_cast %swap3A_288 : vector<16xi32> to vector<16xi32>
    %swap3A_290 = vector.shape_cast %select_n3A_286 : vector<16xi32> to vector<16xi32>
    tpu.vector_store %arg21[%swap3A_287], %swap3A_290 {strides = array<i32>} : memref<80xi32, #tpu.memory_space<vmem>>, vector<16xi32>,
    %get3A_291 = arith.constant 48 : index
    %get3A_292 = tpu.vector_load %arg9[%get3A_291] {strides = array<i32>} : memref<80xi32, #tpu.memory_space<vmem>>, vector<16xi32>,
    %get3A_293 = vector.shape_cast %get3A_292 : vector<16xi32> to vector<16xi32>
    %get3A_294 = arith.constant 48 : index
    %get3A_295 = tpu.vector_load %arg15[%get3A_294] {strides = array<i32>} : memref<80xi32, #tpu.memory_space<vmem>>, vector<16xi32>,
    %get3A_296 = vector.shape_cast %get3A_295 : vector<16xi32> to vector<16xi32>
    %ne3A_297 = arith.cmpi ne, %get3A_293, %get3A_296 : vector<16xi32>
    %jit3A_298 = arith.constant 10000 : i32
    %broadcast_in_dim3A_299 = vector.broadcast %jit3A_298 : i32 to vector<16xi32>
    %select_n3A_300 = arith.select %ne3A_297, %get3A_296, %broadcast_in_dim3A_299 : vector<16xi1>, vector<16xi32>
    %swap3A_301 = arith.constant 48 : index
    %swap3A_302 = tpu.vector_load %arg21[%swap3A_301] {strides = array<i32>} : memref<80xi32, #tpu.memory_space<vmem>>, vector<16xi32>,
    %swap3A_303 = vector.shape_cast %swap3A_302 : vector<16xi32> to vector<16xi32>
    %swap3A_304 = vector.shape_cast %select_n3A_300 : vector<16xi32> to vector<16xi32>
    tpu.vector_store %arg21[%swap3A_301], %swap3A_304 {strides = array<i32>} : memref<80xi32, #tpu.memory_space<vmem>>, vector<16xi32>,
    %get3A_305 = arith.constant 64 : index
    %get3A_306 = tpu.vector_load %arg9[%get3A_305] {strides = array<i32>} : memref<80xi32, #tpu.memory_space<vmem>>, vector<16xi32>,
    %get3A_307 = vector.shape_cast %get3A_306 : vector<16xi32> to vector<16xi32>
    %get3A_308 = arith.constant 64 : index
    %get3A_309 = tpu.vector_load %arg15[%get3A_308] {strides = array<i32>} : memref<80xi32, #tpu.memory_space<vmem>>, vector<16xi32>,
    %get3A_310 = vector.shape_cast %get3A_309 : vector<16xi32> to vector<16xi32>
    %ne3A_311 = arith.cmpi ne, %get3A_307, %get3A_310 : vector<16xi32>
    %jit3A_312 = arith.constant 10000 : i32
    %broadcast_in_dim3A_313 = vector.broadcast %jit3A_312 : i32 to vector<16xi32>
    %select_n3A_314 = arith.select %ne3A_311, %get3A_310, %broadcast_in_dim3A_313 : vector<16xi1>, vector<16xi32>
    %swap3A_315 = arith.constant 64 : index
    %swap3A_316 = tpu.vector_load %arg21[%swap3A_315] {strides = array<i32>} : memref<80xi32, #tpu.memory_space<vmem>>, vector<16xi32>,
    %swap3A_317 = vector.shape_cast %swap3A_316 : vector<16xi32> to vector<16xi32>
    %swap3A_318 = vector.shape_cast %select_n3A_314 : vector<16xi32> to vector<16xi32>
    tpu.vector_store %arg21[%swap3A_315], %swap3A_318 {strides = array<i32>} : memref<80xi32, #tpu.memory_space<vmem>>, vector<16xi32>,
    %dma_start3A_319 = arith.constant 0 : i32
    %dma_start3A_320 = arith.constant 0 : i32
    %dma_start3A_321 = tpu.memref_slice %arg27[%dma_start3A_319, %dma_start3A_320] : memref<10240x128xf32, #tpu.memory_space<vmem_shared>> -> memref<10240x128xf32, #tpu.memory_space<vmem_shared>>
    tpu.enqueue_indirect_dma source(%arg25 : memref<80x128xf32, #tpu.memory_space<vmem>>) target(%dma_start3A_321 : memref<10240x128xf32, #tpu.memory_space<vmem_shared>>) offsets(%arg21 : memref<80xi32, #tpu.memory_space<vmem>>) semaphore(%arg40 : memref<!tpu.dma_semaphore, #tpu.memory_space<semaphore_mem>>) {add = true}
    %dma_wait3A_322 = arith.constant 0 : i32
    %dma_wait3A_323 = arith.constant 0 : i32
    %dma_wait3A_324 = tpu.memref_slice %arg27[%dma_wait3A_322, %dma_wait3A_323] : memref<10240x128xf32, #tpu.memory_space<vmem_shared>> -> memref<10240x128xf32, #tpu.memory_space<vmem_shared>>
    tpu.wait_indirect_dma semaphore(%arg39 : memref<!tpu.dma_semaphore, #tpu.memory_space<semaphore_mem>>) src(%arg24 : memref<80x128xf32, #tpu.memory_space<vmem>>) dst(%dma_wait3A_324 : memref<10240x128xf32, #tpu.memory_space<vmem_shared>>)
    %add3A_325 = arith.constant 9200 : i32
    %add3A_326 = arith.addi %mul3A_2, %add3A_325 : i32
    %dma_start3A_327 = tpu.memref_slice %arg3[%add3A_326] : memref<320000xi32, #tpu.memory_space<hbm>> -> memref<80xi32, #tpu.memory_space<hbm>>
    %dma_start3A_328 = tpu.memref_slice %arg3[%add3A_326] : memref<320000xi32, #tpu.memory_space<hbm>> -> memref<80xi32, #tpu.memory_space<hbm>>
    tpu.enqueue_dma source(%dma_start3A_328 : memref<80xi32, #tpu.memory_space<hbm>>) target(%arg8 : memref<80xi32, #tpu.memory_space<vmem>>) target_semaphore(%arg29 : memref<!tpu.dma_semaphore, #tpu.memory_space<semaphore_mem>>)
    %dma_start3A_329 = tpu.memref_slice %arg4[%add3A_326] : memref<320000xi32, #tpu.memory_space<hbm>> -> memref<80xi32, #tpu.memory_space<hbm>>
    %dma_start3A_330 = tpu.memref_slice %arg4[%add3A_326] : memref<320000xi32, #tpu.memory_space<hbm>> -> memref<80xi32, #tpu.memory_space<hbm>>
    tpu.enqueue_dma source(%dma_start3A_330 : memref<80xi32, #tpu.memory_space<hbm>>) target(%arg14 : memref<80xi32, #tpu.memory_space<vmem>>) target_semaphore(%arg29 : memref<!tpu.dma_semaphore, #tpu.memory_space<semaphore_mem>>)
    %add3A_331 = arith.constant 9040 : i32
    %add3A_332 = arith.addi %mul3A_2, %add3A_331 : i32
    %dma_wait3A_333 = tpu.memref_slice %arg3[%add3A_332] : memref<320000xi32, #tpu.memory_space<hbm>> -> memref<80xi32, #tpu.memory_space<hbm>>
    %dma_wait3A_334 = tpu.memref_slice %arg3[%add3A_332] : memref<320000xi32, #tpu.memory_space<hbm>> -> memref<80xi32, #tpu.memory_space<hbm>>
    tpu.wait_dma2 semaphore(%arg33 : memref<!tpu.dma_semaphore, #tpu.memory_space<semaphore_mem>>) src(%dma_wait3A_334 : memref<80xi32, #tpu.memory_space<hbm>>) dst(%arg12 : memref<80xi32, #tpu.memory_space<vmem>>)
    %dma_wait3A_335 = tpu.memref_slice %arg4[%add3A_332] : memref<320000xi32, #tpu.memory_space<hbm>> -> memref<80xi32, #tpu.memory_space<hbm>>
    %dma_wait3A_336 = tpu.memref_slice %arg4[%add3A_332] : memref<320000xi32, #tpu.memory_space<hbm>> -> memref<80xi32, #tpu.memory_space<hbm>>
    tpu.wait_dma2 semaphore(%arg33 : memref<!tpu.dma_semaphore, #tpu.memory_space<semaphore_mem>>) src(%dma_wait3A_336 : memref<80xi32, #tpu.memory_space<hbm>>) dst(%arg18 : memref<80xi32, #tpu.memory_space<vmem>>)
    %dma_start3A_337 = arith.constant 0 : i32
    %dma_start3A_338 = arith.constant 0 : i32
    %dma_start3A_339 = tpu.memref_slice %arg2[%dma_start3A_337, %dma_start3A_338] : memref<10000x128xf32, #tpu.memory_space<hbm>> -> memref<10000x128xf32, #tpu.memory_space<hbm>>
    tpu.enqueue_indirect_dma source(%dma_start3A_339 : memref<10000x128xf32, #tpu.memory_space<hbm>>) target(%arg24 : memref<80x128xf32, #tpu.memory_space<vmem>>) offsets(%arg12 : memref<80xi32, #tpu.memory_space<vmem>>) semaphore(%arg35 : memref<!tpu.dma_semaphore, #tpu.memory_space<semaphore_mem>>)
    %dma_wait3A_340 = arith.constant 0 : i32
    %dma_wait3A_341 = arith.constant 0 : i32
    %dma_wait3A_342 = tpu.memref_slice %arg2[%dma_wait3A_340, %dma_wait3A_341] : memref<10000x128xf32, #tpu.memory_space<hbm>> -> memref<10000x128xf32, #tpu.memory_space<hbm>>
    tpu.wait_indirect_dma semaphore(%arg37 : memref<!tpu.dma_semaphore, #tpu.memory_space<semaphore_mem>>) src(%dma_wait3A_342 : memref<10000x128xf32, #tpu.memory_space<hbm>>) dst(%arg26 : memref<80x128xf32, #tpu.memory_space<vmem>>)
    %get3A_343 = arith.constant 0 : index
    %get3A_344 = tpu.vector_load %arg10[%get3A_343] {strides = array<i32>} : memref<80xi32, #tpu.memory_space<vmem>>, vector<16xi32>,
    %get3A_345 = vector.shape_cast %get3A_344 : vector<16xi32> to vector<16xi32>
    %get3A_346 = arith.constant 0 : index
    %get3A_347 = tpu.vector_load %arg16[%get3A_346] {strides = array<i32>} : memref<80xi32, #tpu.memory_space<vmem>>, vector<16xi32>,
    %get3A_348 = vector.shape_cast %get3A_347 : vector<16xi32> to vector<16xi32>
    %ne3A_349 = arith.cmpi ne, %get3A_345, %get3A_348 : vector<16xi32>
    %jit3A_350 = arith.constant 10000 : i32
    %broadcast_in_dim3A_351 = vector.broadcast %jit3A_350 : i32 to vector<16xi32>
    %select_n3A_352 = arith.select %ne3A_349, %get3A_348, %broadcast_in_dim3A_351 : vector<16xi1>, vector<16xi32>
    %swap3A_353 = arith.constant 0 : index
    %swap3A_354 = tpu.vector_load %arg22[%swap3A_353] {strides = array<i32>} : memref<80xi32, #tpu.memory_space<vmem>>, vector<16xi32>,
    %swap3A_355 = vector.shape_cast %swap3A_354 : vector<16xi32> to vector<16xi32>
    %swap3A_356 = vector.shape_cast %select_n3A_352 : vector<16xi32> to vector<16xi32>
    tpu.vector_store %arg22[%swap3A_353], %swap3A_356 {strides = array<i32>} : memref<80xi32, #tpu.memory_space<vmem>>, vector<16xi32>,
    %get3A_357 = arith.constant 16 : index
    %get3A_358 = tpu.vector_load %arg10[%get3A_357] {strides = array<i32>} : memref<80xi32, #tpu.memory_space<vmem>>, vector<16xi32>,
    %get3A_359 = vector.shape_cast %get3A_358 : vector<16xi32> to vector<16xi32>
    %get3A_360 = arith.constant 16 : index
    %get3A_361 = tpu.vector_load %arg16[%get3A_360] {strides = array<i32>} : memref<80xi32, #tpu.memory_space<vmem>>, vector<16xi32>,
    %get3A_362 = vector.shape_cast %get3A_361 : vector<16xi32> to vector<16xi32>
    %ne3A_363 = arith.cmpi ne, %get3A_359, %get3A_362 : vector<16xi32>
    %jit3A_364 = arith.constant 10000 : i32
    %broadcast_in_dim3A_365 = vector.broadcast %jit3A_364 : i32 to vector<16xi32>
    %select_n3A_366 = arith.select %ne3A_363, %get3A_362, %broadcast_in_dim3A_365 : vector<16xi1>, vector<16xi32>
    %swap3A_367 = arith.constant 16 : index
    %swap3A_368 = tpu.vector_load %arg22[%swap3A_367] {strides = array<i32>} : memref<80xi32, #tpu.memory_space<vmem>>, vector<16xi32>,
    %swap3A_369 = vector.shape_cast %swap3A_368 : vector<16xi32> to vector<16xi32>
    %swap3A_370 = vector.shape_cast %select_n3A_366 : vector<16xi32> to vector<16xi32>
    tpu.vector_store %arg22[%swap3A_367], %swap3A_370 {strides = array<i32>} : memref<80xi32, #tpu.memory_space<vmem>>, vector<16xi32>,
    %get3A_371 = arith.constant 32 : index
    %get3A_372 = tpu.vector_load %arg10[%get3A_371] {strides = array<i32>} : memref<80xi32, #tpu.memory_space<vmem>>, vector<16xi32>,
    %get3A_373 = vector.shape_cast %get3A_372 : vector<16xi32> to vector<16xi32>
    %get3A_374 = arith.constant 32 : index
    %get3A_375 = tpu.vector_load %arg16[%get3A_374] {strides = array<i32>} : memref<80xi32, #tpu.memory_space<vmem>>, vector<16xi32>,
    %get3A_376 = vector.shape_cast %get3A_375 : vector<16xi32> to vector<16xi32>
    %ne3A_377 = arith.cmpi ne, %get3A_373, %get3A_376 : vector<16xi32>
    %jit3A_378 = arith.constant 10000 : i32
    %broadcast_in_dim3A_379 = vector.broadcast %jit3A_378 : i32 to vector<16xi32>
    %select_n3A_380 = arith.select %ne3A_377, %get3A_376, %broadcast_in_dim3A_379 : vector<16xi1>, vector<16xi32>
    %swap3A_381 = arith.constant 32 : index
    %swap3A_382 = tpu.vector_load %arg22[%swap3A_381] {strides = array<i32>} : memref<80xi32, #tpu.memory_space<vmem>>, vector<16xi32>,
    %swap3A_383 = vector.shape_cast %swap3A_382 : vector<16xi32> to vector<16xi32>
    %swap3A_384 = vector.shape_cast %select_n3A_380 : vector<16xi32> to vector<16xi32>
    tpu.vector_store %arg22[%swap3A_381], %swap3A_384 {strides = array<i32>} : memref<80xi32, #tpu.memory_space<vmem>>, vector<16xi32>,
    %get3A_385 = arith.constant 48 : index
    %get3A_386 = tpu.vector_load %arg10[%get3A_385] {strides = array<i32>} : memref<80xi32, #tpu.memory_space<vmem>>, vector<16xi32>,
    %get3A_387 = vector.shape_cast %get3A_386 : vector<16xi32> to vector<16xi32>
    %get3A_388 = arith.constant 48 : index
    %get3A_389 = tpu.vector_load %arg16[%get3A_388] {strides = array<i32>} : memref<80xi32, #tpu.memory_space<vmem>>, vector<16xi32>,
    %get3A_390 = vector.shape_cast %get3A_389 : vector<16xi32> to vector<16xi32>
    %ne3A_391 = arith.cmpi ne, %get3A_387, %get3A_390 : vector<16xi32>
    %jit3A_392 = arith.constant 10000 : i32
    %broadcast_in_dim3A_393 = vector.broadcast %jit3A_392 : i32 to vector<16xi32>
    %select_n3A_394 = arith.select %ne3A_391, %get3A_390, %broadcast_in_dim3A_393 : vector<16xi1>, vector<16xi32>
    %swap3A_395 = arith.constant 48 : index
    %swap3A_396 = tpu.vector_load %arg22[%swap3A_395] {strides = array<i32>} : memref<80xi32, #tpu.memory_space<vmem>>, vector<16xi32>,
    %swap3A_397 = vector.shape_cast %swap3A_396 : vector<16xi32> to vector<16xi32>
    %swap3A_398 = vector.shape_cast %select_n3A_394 : vector<16xi32> to vector<16xi32>
    tpu.vector_store %arg22[%swap3A_395], %swap3A_398 {strides = array<i32>} : memref<80xi32, #tpu.memory_space<vmem>>, vector<16xi32>,
    %get3A_399 = arith.constant 64 : index
    %get3A_400 = tpu.vector_load %arg10[%get3A_399] {strides = array<i32>} : memref<80xi32, #tpu.memory_space<vmem>>, vector<16xi32>,
    %get3A_401 = vector.shape_cast %get3A_400 : vector<16xi32> to vector<16xi32>
    %get3A_402 = arith.constant 64 : index
    %get3A_403 = tpu.vector_load %arg16[%get3A_402] {strides = array<i32>} : memref<80xi32, #tpu.memory_space<vmem>>, vector<16xi32>,
    %get3A_404 = vector.shape_cast %get3A_403 : vector<16xi32> to vector<16xi32>
    %ne3A_405 = arith.cmpi ne, %get3A_401, %get3A_404 : vector<16xi32>
    %jit3A_406 = arith.constant 10000 : i32
    %broadcast_in_dim3A_407 = vector.broadcast %jit3A_406 : i32 to vector<16xi32>
    %select_n3A_408 = arith.select %ne3A_405, %get3A_404, %broadcast_in_dim3A_407 : vector<16xi1>, vector<16xi32>
    %swap3A_409 = arith.constant 64 : index
    %swap3A_410 = tpu.vector_load %arg22[%swap3A_409] {strides = array<i32>} : memref<80xi32, #tpu.memory_space<vmem>>, vector<16xi32>,
    %swap3A_411 = vector.shape_cast %swap3A_410 : vector<16xi32> to vector<16xi32>
    %swap3A_412 = vector.shape_cast %select_n3A_408 : vector<16xi32> to vector<16xi32>
    tpu.vector_store %arg22[%swap3A_409], %swap3A_412 {strides = array<i32>} : memref<80xi32, #tpu.memory_space<vmem>>, vector<16xi32>,
    %dma_start3A_413 = arith.constant 0 : i32
    %dma_start3A_414 = arith.constant 0 : i32
    %dma_start3A_415 = tpu.memref_slice %arg27[%dma_start3A_413, %dma_start3A_414] : memref<10240x128xf32, #tpu.memory_space<vmem_shared>> -> memref<10240x128xf32, #tpu.memory_space<vmem_shared>>
    tpu.enqueue_indirect_dma source(%arg26 : memref<80x128xf32, #tpu.memory_space<vmem>>) target(%dma_start3A_415 : memref<10240x128xf32, #tpu.memory_space<vmem_shared>>) offsets(%arg22 : memref<80xi32, #tpu.memory_space<vmem>>) semaphore(%arg41 : memref<!tpu.dma_semaphore, #tpu.memory_space<semaphore_mem>>) {add = true}
    %dma_wait3A_416 = arith.constant 0 : i32
    %dma_wait3A_417 = arith.constant 0 : i32
    %dma_wait3A_418 = tpu.memref_slice %arg27[%dma_wait3A_416, %dma_wait3A_417] : memref<10240x128xf32, #tpu.memory_space<vmem_shared>> -> memref<10240x128xf32, #tpu.memory_space<vmem_shared>>
    tpu.wait_indirect_dma semaphore(%arg40 : memref<!tpu.dma_semaphore, #tpu.memory_space<semaphore_mem>>) src(%arg25 : memref<80x128xf32, #tpu.memory_space<vmem>>) dst(%dma_wait3A_418 : memref<10240x128xf32, #tpu.memory_space<vmem_shared>>)
    %add3A_419 = arith.constant 9280 : i32
    %add3A_420 = arith.addi %mul3A_2, %add3A_419 : i32
    %dma_start3A_421 = tpu.memref_slice %arg3[%add3A_420] : memref<320000xi32, #tpu.memory_space<hbm>> -> memref<80xi32, #tpu.memory_space<hbm>>
    %dma_start3A_422 = tpu.memref_slice %arg3[%add3A_420] : memref<320000xi32, #tpu.memory_space<hbm>> -> memref<80xi32, #tpu.memory_space<hbm>>
    tpu.enqueue_dma source(%dma_start3A_422 : memref<80xi32, #tpu.memory_space<hbm>>) target(%arg9 : memref<80xi32, #tpu.memory_space<vmem>>) target_semaphore(%arg30 : memref<!tpu.dma_semaphore, #tpu.memory_space<semaphore_mem>>)
    %dma_start3A_423 = tpu.memref_slice %arg4[%add3A_420] : memref<320000xi32, #tpu.memory_space<hbm>> -> memref<80xi32, #tpu.memory_space<hbm>>
    %dma_start3A_424 = tpu.memref_slice %arg4[%add3A_420] : memref<320000xi32, #tpu.memory_space<hbm>> -> memref<80xi32, #tpu.memory_space<hbm>>
    tpu.enqueue_dma source(%dma_start3A_424 : memref<80xi32, #tpu.memory_space<hbm>>) target(%arg15 : memref<80xi32, #tpu.memory_space<vmem>>) target_semaphore(%arg30 : memref<!tpu.dma_semaphore, #tpu.memory_space<semaphore_mem>>)
    %add3A_425 = arith.constant 9120 : i32
    %add3A_426 = arith.addi %mul3A_2, %add3A_425 : i32
    %dma_wait3A_427 = tpu.memref_slice %arg3[%add3A_426] : memref<320000xi32, #tpu.memory_space<hbm>> -> memref<80xi32, #tpu.memory_space<hbm>>
    %dma_wait3A_428 = tpu.memref_slice %arg3[%add3A_426] : memref<320000xi32, #tpu.memory_space<hbm>> -> memref<80xi32, #tpu.memory_space<hbm>>
    tpu.wait_dma2 semaphore(%arg28 : memref<!tpu.dma_semaphore, #tpu.memory_space<semaphore_mem>>) src(%dma_wait3A_428 : memref<80xi32, #tpu.memory_space<hbm>>) dst(%arg7 : memref<80xi32, #tpu.memory_space<vmem>>)
    %dma_wait3A_429 = tpu.memref_slice %arg4[%add3A_426] : memref<320000xi32, #tpu.memory_space<hbm>> -> memref<80xi32, #tpu.memory_space<hbm>>
    %dma_wait3A_430 = tpu.memref_slice %arg4[%add3A_426] : memref<320000xi32, #tpu.memory_space<hbm>> -> memref<80xi32, #tpu.memory_space<hbm>>
    tpu.wait_dma2 semaphore(%arg28 : memref<!tpu.dma_semaphore, #tpu.memory_space<semaphore_mem>>) src(%dma_wait3A_430 : memref<80xi32, #tpu.memory_space<hbm>>) dst(%arg13 : memref<80xi32, #tpu.memory_space<vmem>>)
    %dma_start3A_431 = arith.constant 0 : i32
    %dma_start3A_432 = arith.constant 0 : i32
    %dma_start3A_433 = tpu.memref_slice %arg2[%dma_start3A_431, %dma_start3A_432] : memref<10000x128xf32, #tpu.memory_space<hbm>> -> memref<10000x128xf32, #tpu.memory_space<hbm>>
    tpu.enqueue_indirect_dma source(%dma_start3A_433 : memref<10000x128xf32, #tpu.memory_space<hbm>>) target(%arg25 : memref<80x128xf32, #tpu.memory_space<vmem>>) offsets(%arg7 : memref<80xi32, #tpu.memory_space<vmem>>) semaphore(%arg36 : memref<!tpu.dma_semaphore, #tpu.memory_space<semaphore_mem>>)
    %dma_wait3A_434 = arith.constant 0 : i32
    %dma_wait3A_435 = arith.constant 0 : i32
    %dma_wait3A_436 = tpu.memref_slice %arg2[%dma_wait3A_434, %dma_wait3A_435] : memref<10000x128xf32, #tpu.memory_space<hbm>> -> memref<10000x128xf32, #tpu.memory_space<hbm>>
    tpu.wait_indirect_dma semaphore(%arg34 : memref<!tpu.dma_semaphore, #tpu.memory_space<semaphore_mem>>) src(%dma_wait3A_436 : memref<10000x128xf32, #tpu.memory_space<hbm>>) dst(%arg23 : memref<80x128xf32, #tpu.memory_space<vmem>>)
    %get3A_437 = arith.constant 0 : index
    %get3A_438 = tpu.vector_load %arg11[%get3A_437] {strides = array<i32>} : memref<80xi32, #tpu.memory_space<vmem>>, vector<16xi32>,
    %get3A_439 = vector.shape_cast %get3A_438 : vector<16xi32> to vector<16xi32>
    %get3A_440 = arith.constant 0 : index
    %get3A_441 = tpu.vector_load %arg17[%get3A_440] {strides = array<i32>} : memref<80xi32, #tpu.memory_space<vmem>>, vector<16xi32>,
    %get3A_442 = vector.shape_cast %get3A_441 : vector<16xi32> to vector<16xi32>
    %ne3A_443 = arith.cmpi ne, %get3A_439, %get3A_442 : vector<16xi32>
    %jit3A_444 = arith.constant 10000 : i32
    %broadcast_in_dim3A_445 = vector.broadcast %jit3A_444 : i32 to vector<16xi32>
    %select_n3A_446 = arith.select %ne3A_443, %get3A_442, %broadcast_in_dim3A_445 : vector<16xi1>, vector<16xi32>
    %swap3A_447 = arith.constant 0 : index
    %swap3A_448 = tpu.vector_load %arg19[%swap3A_447] {strides = array<i32>} : memref<80xi32, #tpu.memory_space<vmem>>, vector<16xi32>,
    %swap3A_449 = vector.shape_cast %swap3A_448 : vector<16xi32> to vector<16xi32>
    %swap3A_450 = vector.shape_cast %select_n3A_446 : vector<16xi32> to vector<16xi32>
    tpu.vector_store %arg19[%swap3A_447], %swap3A_450 {strides = array<i32>} : memref<80xi32, #tpu.memory_space<vmem>>, vector<16xi32>,
    %get3A_451 = arith.constant 16 : index
    %get3A_452 = tpu.vector_load %arg11[%get3A_451] {strides = array<i32>} : memref<80xi32, #tpu.memory_space<vmem>>, vector<16xi32>,
    %get3A_453 = vector.shape_cast %get3A_452 : vector<16xi32> to vector<16xi32>
    %get3A_454 = arith.constant 16 : index
    %get3A_455 = tpu.vector_load %arg17[%get3A_454] {strides = array<i32>} : memref<80xi32, #tpu.memory_space<vmem>>, vector<16xi32>,
    %get3A_456 = vector.shape_cast %get3A_455 : vector<16xi32> to vector<16xi32>
    %ne3A_457 = arith.cmpi ne, %get3A_453, %get3A_456 : vector<16xi32>
    %jit3A_458 = arith.constant 10000 : i32
    %broadcast_in_dim3A_459 = vector.broadcast %jit3A_458 : i32 to vector<16xi32>
    %select_n3A_460 = arith.select %ne3A_457, %get3A_456, %broadcast_in_dim3A_459 : vector<16xi1>, vector<16xi32>
    %swap3A_461 = arith.constant 16 : index
    %swap3A_462 = tpu.vector_load %arg19[%swap3A_461] {strides = array<i32>} : memref<80xi32, #tpu.memory_space<vmem>>, vector<16xi32>,
    %swap3A_463 = vector.shape_cast %swap3A_462 : vector<16xi32> to vector<16xi32>
    %swap3A_464 = vector.shape_cast %select_n3A_460 : vector<16xi32> to vector<16xi32>
    tpu.vector_store %arg19[%swap3A_461], %swap3A_464 {strides = array<i32>} : memref<80xi32, #tpu.memory_space<vmem>>, vector<16xi32>,
    %get3A_465 = arith.constant 32 : index
    %get3A_466 = tpu.vector_load %arg11[%get3A_465] {strides = array<i32>} : memref<80xi32, #tpu.memory_space<vmem>>, vector<16xi32>,
    %get3A_467 = vector.shape_cast %get3A_466 : vector<16xi32> to vector<16xi32>
    %get3A_468 = arith.constant 32 : index
    %get3A_469 = tpu.vector_load %arg17[%get3A_468] {strides = array<i32>} : memref<80xi32, #tpu.memory_space<vmem>>, vector<16xi32>,
    %get3A_470 = vector.shape_cast %get3A_469 : vector<16xi32> to vector<16xi32>
    %ne3A_471 = arith.cmpi ne, %get3A_467, %get3A_470 : vector<16xi32>
    %jit3A_472 = arith.constant 10000 : i32
    %broadcast_in_dim3A_473 = vector.broadcast %jit3A_472 : i32 to vector<16xi32>
    %select_n3A_474 = arith.select %ne3A_471, %get3A_470, %broadcast_in_dim3A_473 : vector<16xi1>, vector<16xi32>
    %swap3A_475 = arith.constant 32 : index
    %swap3A_476 = tpu.vector_load %arg19[%swap3A_475] {strides = array<i32>} : memref<80xi32, #tpu.memory_space<vmem>>, vector<16xi32>,
    %swap3A_477 = vector.shape_cast %swap3A_476 : vector<16xi32> to vector<16xi32>
    %swap3A_478 = vector.shape_cast %select_n3A_474 : vector<16xi32> to vector<16xi32>
    tpu.vector_store %arg19[%swap3A_475], %swap3A_478 {strides = array<i32>} : memref<80xi32, #tpu.memory_space<vmem>>, vector<16xi32>,
    %get3A_479 = arith.constant 48 : index
    %get3A_480 = tpu.vector_load %arg11[%get3A_479] {strides = array<i32>} : memref<80xi32, #tpu.memory_space<vmem>>, vector<16xi32>,
    %get3A_481 = vector.shape_cast %get3A_480 : vector<16xi32> to vector<16xi32>
    %get3A_482 = arith.constant 48 : index
    %get3A_483 = tpu.vector_load %arg17[%get3A_482] {strides = array<i32>} : memref<80xi32, #tpu.memory_space<vmem>>, vector<16xi32>,
    %get3A_484 = vector.shape_cast %get3A_483 : vector<16xi32> to vector<16xi32>
    %ne3A_485 = arith.cmpi ne, %get3A_481, %get3A_484 : vector<16xi32>
    %jit3A_486 = arith.constant 10000 : i32
    %broadcast_in_dim3A_487 = vector.broadcast %jit3A_486 : i32 to vector<16xi32>
    %select_n3A_488 = arith.select %ne3A_485, %get3A_484, %broadcast_in_dim3A_487 : vector<16xi1>, vector<16xi32>
    %swap3A_489 = arith.constant 48 : index
    %swap3A_490 = tpu.vector_load %arg19[%swap3A_489] {strides = array<i32>} : memref<80xi32, #tpu.memory_space<vmem>>, vector<16xi32>,
    %swap3A_491 = vector.shape_cast %swap3A_490 : vector<16xi32> to vector<16xi32>
    %swap3A_492 = vector.shape_cast %select_n3A_488 : vector<16xi32> to vector<16xi32>
    tpu.vector_store %arg19[%swap3A_489], %swap3A_492 {strides = array<i32>} : memref<80xi32, #tpu.memory_space<vmem>>, vector<16xi32>,
    %get3A_493 = arith.constant 64 : index
    %get3A_494 = tpu.vector_load %arg11[%get3A_493] {strides = array<i32>} : memref<80xi32, #tpu.memory_space<vmem>>, vector<16xi32>,
    %get3A_495 = vector.shape_cast %get3A_494 : vector<16xi32> to vector<16xi32>
    %get3A_496 = arith.constant 64 : index
    %get3A_497 = tpu.vector_load %arg17[%get3A_496] {strides = array<i32>} : memref<80xi32, #tpu.memory_space<vmem>>, vector<16xi32>,
    %get3A_498 = vector.shape_cast %get3A_497 : vector<16xi32> to vector<16xi32>
    %ne3A_499 = arith.cmpi ne, %get3A_495, %get3A_498 : vector<16xi32>
    %jit3A_500 = arith.constant 10000 : i32
    %broadcast_in_dim3A_501 = vector.broadcast %jit3A_500 : i32 to vector<16xi32>
    %select_n3A_502 = arith.select %ne3A_499, %get3A_498, %broadcast_in_dim3A_501 : vector<16xi1>, vector<16xi32>
    %swap3A_503 = arith.constant 64 : index
    %swap3A_504 = tpu.vector_load %arg19[%swap3A_503] {strides = array<i32>} : memref<80xi32, #tpu.memory_space<vmem>>, vector<16xi32>,
    %swap3A_505 = vector.shape_cast %swap3A_504 : vector<16xi32> to vector<16xi32>
    %swap3A_506 = vector.shape_cast %select_n3A_502 : vector<16xi32> to vector<16xi32>
    tpu.vector_store %arg19[%swap3A_503], %swap3A_506 {strides = array<i32>} : memref<80xi32, #tpu.memory_space<vmem>>, vector<16xi32>,
    %dma_start3A_507 = arith.constant 0 : i32
    %dma_start3A_508 = arith.constant 0 : i32
    %dma_start3A_509 = tpu.memref_slice %arg27[%dma_start3A_507, %dma_start3A_508] : memref<10240x128xf32, #tpu.memory_space<vmem_shared>> -> memref<10240x128xf32, #tpu.memory_space<vmem_shared>>
    tpu.enqueue_indirect_dma source(%arg23 : memref<80x128xf32, #tpu.memory_space<vmem>>) target(%dma_start3A_509 : memref<10240x128xf32, #tpu.memory_space<vmem_shared>>) offsets(%arg19 : memref<80xi32, #tpu.memory_space<vmem>>) semaphore(%arg38 : memref<!tpu.dma_semaphore, #tpu.memory_space<semaphore_mem>>) {add = true}
    %dma_wait3A_510 = arith.constant 0 : i32
    %dma_wait3A_511 = arith.constant 0 : i32
    %dma_wait3A_512 = tpu.memref_slice %arg27[%dma_wait3A_510, %dma_wait3A_511] : memref<10240x128xf32, #tpu.memory_space<vmem_shared>> -> memref<10240x128xf32, #tpu.memory_space<vmem_shared>>
    tpu.wait_indirect_dma semaphore(%arg41 : memref<!tpu.dma_semaphore, #tpu.memory_space<semaphore_mem>>) src(%arg26 : memref<80x128xf32, #tpu.memory_space<vmem>>) dst(%dma_wait3A_512 : memref<10240x128xf32, #tpu.memory_space<vmem_shared>>)
    %add3A_513 = arith.constant 9360 : i32
    %add3A_514 = arith.addi %mul3A_2, %add3A_513 : i32
    %dma_start3A_515 = tpu.memref_slice %arg3[%add3A_514] : memref<320000xi32, #tpu.memory_space<hbm>> -> memref<80xi32, #tpu.memory_space<hbm>>
    %dma_start3A_516 = tpu.memref_slice %arg3[%add3A_514] : memref<320000xi32, #tpu.memory_space<hbm>> -> memref<80xi32, #tpu.memory_space<hbm>>
    tpu.enqueue_dma source(%dma_start3A_516 : memref<80xi32, #tpu.memory_space<hbm>>) target(%arg10 : memref<80xi32, #tpu.memory_space<vmem>>) target_semaphore(%arg31 : memref<!tpu.dma_semaphore, #tpu.memory_space<semaphore_mem>>)
    %dma_start3A_517 = tpu.memref_slice %arg4[%add3A_514] : memref<320000xi32, #tpu.memory_space<hbm>> -> memref<80xi32, #tpu.memory_space<hbm>>
    %dma_start3A_518 = tpu.memref_slice %arg4[%add3A_514] : memref<320000xi32, #tpu.memory_space<hbm>> -> memref<80xi32, #tpu.memory_space<hbm>>
    tpu.enqueue_dma source(%dma_start3A_518 : memref<80xi32, #tpu.memory_space<hbm>>) target(%arg16 : memref<80xi32, #tpu.memory_space<vmem>>) target_semaphore(%arg31 : memref<!tpu.dma_semaphore, #tpu.memory_space<semaphore_mem>>)
    %add3A_519 = arith.constant 9200 : i32
    %add3A_520 = arith.addi %mul3A_2, %add3A_519 : i32
    %dma_wait3A_521 = tpu.memref_slice %arg3[%add3A_520] : memref<320000xi32, #tpu.memory_space<hbm>> -> memref<80xi32, #tpu.memory_space<hbm>>
    %dma_wait3A_522 = tpu.memref_slice %arg3[%add3A_520] : memref<320000xi32, #tpu.memory_space<hbm>> -> memref<80xi32, #tpu.memory_space<hbm>>
    tpu.wait_dma2 semaphore(%arg29 : memref<!tpu.dma_semaphore, #tpu.memory_space<semaphore_mem>>) src(%dma_wait3A_522 : memref<80xi32, #tpu.memory_space<hbm>>) dst(%arg8 : memref<80xi32, #tpu.memory_space<vmem>>)
    %dma_wait3A_523 = tpu.memref_slice %arg4[%add3A_520] : memref<320000xi32, #tpu.memory_space<hbm>> -> memref<80xi32, #tpu.memory_space<hbm>>
    %dma_wait3A_524 = tpu.memref_slice %arg4[%add3A_520] : memref<320000xi32, #tpu.memory_space<hbm>> -> memref<80xi32, #tpu.memory_space<hbm>>
    tpu.wait_dma2 semaphore(%arg29 : memref<!tpu.dma_semaphore, #tpu.memory_space<semaphore_mem>>) src(%dma_wait3A_524 : memref<80xi32, #tpu.memory_space<hbm>>) dst(%arg14 : memref<80xi32, #tpu.memory_space<vmem>>)
    %dma_start3A_525 = arith.constant 0 : i32
    %dma_start3A_526 = arith.constant 0 : i32
    %dma_start3A_527 = tpu.memref_slice %arg2[%dma_start3A_525, %dma_start3A_526] : memref<10000x128xf32, #tpu.memory_space<hbm>> -> memref<10000x128xf32, #tpu.memory_space<hbm>>
    tpu.enqueue_indirect_dma source(%dma_start3A_527 : memref<10000x128xf32, #tpu.memory_space<hbm>>) target(%arg26 : memref<80x128xf32, #tpu.memory_space<vmem>>) offsets(%arg8 : memref<80xi32, #tpu.memory_space<vmem>>) semaphore(%arg37 : memref<!tpu.dma_semaphore, #tpu.memory_space<semaphore_mem>>)
    %dma_wait3A_528 = arith.constant 0 : i32
    %dma_wait3A_529 = arith.constant 0 : i32
    %dma_wait3A_530 = tpu.memref_slice %arg2[%dma_wait3A_528, %dma_wait3A_529] : memref<10000x128xf32, #tpu.memory_space<hbm>> -> memref<10000x128xf32, #tpu.memory_space<hbm>>
    tpu.wait_indirect_dma semaphore(%arg35 : memref<!tpu.dma_semaphore, #tpu.memory_space<semaphore_mem>>) src(%dma_wait3A_530 : memref<10000x128xf32, #tpu.memory_space<hbm>>) dst(%arg24 : memref<80x128xf32, #tpu.memory_space<vmem>>)
    %get3A_531 = arith.constant 0 : index
    %get3A_532 = tpu.vector_load %arg12[%get3A_531] {strides = array<i32>} : memref<80xi32, #tpu.memory_space<vmem>>, vector<16xi32>,
    %get3A_533 = vector.shape_cast %get3A_532 : vector<16xi32> to vector<16xi32>
    %get3A_534 = arith.constant 0 : index
    %get3A_535 = tpu.vector_load %arg18[%get3A_534] {strides = array<i32>} : memref<80xi32, #tpu.memory_space<vmem>>, vector<16xi32>,
    %get3A_536 = vector.shape_cast %get3A_535 : vector<16xi32> to vector<16xi32>
    %ne3A_537 = arith.cmpi ne, %get3A_533, %get3A_536 : vector<16xi32>
    %jit3A_538 = arith.constant 10000 : i32
    %broadcast_in_dim3A_539 = vector.broadcast %jit3A_538 : i32 to vector<16xi32>
    %select_n3A_540 = arith.select %ne3A_537, %get3A_536, %broadcast_in_dim3A_539 : vector<16xi1>, vector<16xi32>
    %swap3A_541 = arith.constant 0 : index
    %swap3A_542 = tpu.vector_load %arg20[%swap3A_541] {strides = array<i32>} : memref<80xi32, #tpu.memory_space<vmem>>, vector<16xi32>,
    %swap3A_543 = vector.shape_cast %swap3A_542 : vector<16xi32> to vector<16xi32>
    %swap3A_544 = vector.shape_cast %select_n3A_540 : vector<16xi32> to vector<16xi32>
    tpu.vector_store %arg20[%swap3A_541], %swap3A_544 {strides = array<i32>} : memref<80xi32, #tpu.memory_space<vmem>>, vector<16xi32>,
    %get3A_545 = arith.constant 16 : index
    %get3A_546 = tpu.vector_load %arg12[%get3A_545] {strides = array<i32>} : memref<80xi32, #tpu.memory_space<vmem>>, vector<16xi32>,
    %get3A_547 = vector.shape_cast %get3A_546 : vector<16xi32> to vector<16xi32>
    %get3A_548 = arith.constant 16 : index
    %get3A_549 = tpu.vector_load %arg18[%get3A_548] {strides = array<i32>} : memref<80xi32, #tpu.memory_space<vmem>>, vector<16xi32>,
    %get3A_550 = vector.shape_cast %get3A_549 : vector<16xi32> to vector<16xi32>
    %ne3A_551 = arith.cmpi ne, %get3A_547, %get3A_550 : vector<16xi32>
    %jit3A_552 = arith.constant 10000 : i32
    %broadcast_in_dim3A_553 = vector.broadcast %jit3A_552 : i32 to vector<16xi32>
    %select_n3A_554 = arith.select %ne3A_551, %get3A_550, %broadcast_in_dim3A_553 : vector<16xi1>, vector<16xi32>
    %swap3A_555 = arith.constant 16 : index
    %swap3A_556 = tpu.vector_load %arg20[%swap3A_555] {strides = array<i32>} : memref<80xi32, #tpu.memory_space<vmem>>, vector<16xi32>,
    %swap3A_557 = vector.shape_cast %swap3A_556 : vector<16xi32> to vector<16xi32>
    %swap3A_558 = vector.shape_cast %select_n3A_554 : vector<16xi32> to vector<16xi32>
    tpu.vector_store %arg20[%swap3A_555], %swap3A_558 {strides = array<i32>} : memref<80xi32, #tpu.memory_space<vmem>>, vector<16xi32>,
    %get3A_559 = arith.constant 32 : index
    %get3A_560 = tpu.vector_load %arg12[%get3A_559] {strides = array<i32>} : memref<80xi32, #tpu.memory_space<vmem>>, vector<16xi32>,
    %get3A_561 = vector.shape_cast %get3A_560 : vector<16xi32> to vector<16xi32>
    %get3A_562 = arith.constant 32 : index
    %get3A_563 = tpu.vector_load %arg18[%get3A_562] {strides = array<i32>} : memref<80xi32, #tpu.memory_space<vmem>>, vector<16xi32>,
    %get3A_564 = vector.shape_cast %get3A_563 : vector<16xi32> to vector<16xi32>
    %ne3A_565 = arith.cmpi ne, %get3A_561, %get3A_564 : vector<16xi32>
    %jit3A_566 = arith.constant 10000 : i32
    %broadcast_in_dim3A_567 = vector.broadcast %jit3A_566 : i32 to vector<16xi32>
    %select_n3A_568 = arith.select %ne3A_565, %get3A_564, %broadcast_in_dim3A_567 : vector<16xi1>, vector<16xi32>
    %swap3A_569 = arith.constant 32 : index
    %swap3A_570 = tpu.vector_load %arg20[%swap3A_569] {strides = array<i32>} : memref<80xi32, #tpu.memory_space<vmem>>, vector<16xi32>,
    %swap3A_571 = vector.shape_cast %swap3A_570 : vector<16xi32> to vector<16xi32>
    %swap3A_572 = vector.shape_cast %select_n3A_568 : vector<16xi32> to vector<16xi32>
    tpu.vector_store %arg20[%swap3A_569], %swap3A_572 {strides = array<i32>} : memref<80xi32, #tpu.memory_space<vmem>>, vector<16xi32>,
    %get3A_573 = arith.constant 48 : index
    %get3A_574 = tpu.vector_load %arg12[%get3A_573] {strides = array<i32>} : memref<80xi32, #tpu.memory_space<vmem>>, vector<16xi32>,
    %get3A_575 = vector.shape_cast %get3A_574 : vector<16xi32> to vector<16xi32>
    %get3A_576 = arith.constant 48 : index
    %get3A_577 = tpu.vector_load %arg18[%get3A_576] {strides = array<i32>} : memref<80xi32, #tpu.memory_space<vmem>>, vector<16xi32>,
    %get3A_578 = vector.shape_cast %get3A_577 : vector<16xi32> to vector<16xi32>
    %ne3A_579 = arith.cmpi ne, %get3A_575, %get3A_578 : vector<16xi32>
    %jit3A_580 = arith.constant 10000 : i32
    %broadcast_in_dim3A_581 = vector.broadcast %jit3A_580 : i32 to vector<16xi32>
    %select_n3A_582 = arith.select %ne3A_579, %get3A_578, %broadcast_in_dim3A_581 : vector<16xi1>, vector<16xi32>
    %swap3A_583 = arith.constant 48 : index
    %swap3A_584 = tpu.vector_load %arg20[%swap3A_583] {strides = array<i32>} : memref<80xi32, #tpu.memory_space<vmem>>, vector<16xi32>,
    %swap3A_585 = vector.shape_cast %swap3A_584 : vector<16xi32> to vector<16xi32>
    %swap3A_586 = vector.shape_cast %select_n3A_582 : vector<16xi32> to vector<16xi32>
    tpu.vector_store %arg20[%swap3A_583], %swap3A_586 {strides = array<i32>} : memref<80xi32, #tpu.memory_space<vmem>>, vector<16xi32>,
    %get3A_587 = arith.constant 64 : index
    %get3A_588 = tpu.vector_load %arg12[%get3A_587] {strides = array<i32>} : memref<80xi32, #tpu.memory_space<vmem>>, vector<16xi32>,
    %get3A_589 = vector.shape_cast %get3A_588 : vector<16xi32> to vector<16xi32>
    %get3A_590 = arith.constant 64 : index
    %get3A_591 = tpu.vector_load %arg18[%get3A_590] {strides = array<i32>} : memref<80xi32, #tpu.memory_space<vmem>>, vector<16xi32>,
    %get3A_592 = vector.shape_cast %get3A_591 : vector<16xi32> to vector<16xi32>
    %ne3A_593 = arith.cmpi ne, %get3A_589, %get3A_592 : vector<16xi32>
    %jit3A_594 = arith.constant 10000 : i32
    %broadcast_in_dim3A_595 = vector.broadcast %jit3A_594 : i32 to vector<16xi32>
    %select_n3A_596 = arith.select %ne3A_593, %get3A_592, %broadcast_in_dim3A_595 : vector<16xi1>, vector<16xi32>
    %swap3A_597 = arith.constant 64 : index
    %swap3A_598 = tpu.vector_load %arg20[%swap3A_597] {strides = array<i32>} : memref<80xi32, #tpu.memory_space<vmem>>, vector<16xi32>,
    %swap3A_599 = vector.shape_cast %swap3A_598 : vector<16xi32> to vector<16xi32>
    %swap3A_600 = vector.shape_cast %select_n3A_596 : vector<16xi32> to vector<16xi32>
    tpu.vector_store %arg20[%swap3A_597], %swap3A_600 {strides = array<i32>} : memref<80xi32, #tpu.memory_space<vmem>>, vector<16xi32>,
    %dma_start3A_601 = arith.constant 0 : i32
    %dma_start3A_602 = arith.constant 0 : i32
    %dma_start3A_603 = tpu.memref_slice %arg27[%dma_start3A_601, %dma_start3A_602] : memref<10240x128xf32, #tpu.memory_space<vmem_shared>> -> memref<10240x128xf32, #tpu.memory_space<vmem_shared>>
    tpu.enqueue_indirect_dma source(%arg24 : memref<80x128xf32, #tpu.memory_space<vmem>>) target(%dma_start3A_603 : memref<10240x128xf32, #tpu.memory_space<vmem_shared>>) offsets(%arg20 : memref<80xi32, #tpu.memory_space<vmem>>) semaphore(%arg39 : memref<!tpu.dma_semaphore, #tpu.memory_space<semaphore_mem>>) {add = true}
    %dma_wait3A_604 = arith.constant 0 : i32
    %dma_wait3A_605 = arith.constant 0 : i32
    %dma_wait3A_606 = tpu.memref_slice %arg27[%dma_wait3A_604, %dma_wait3A_605] : memref<10240x128xf32, #tpu.memory_space<vmem_shared>> -> memref<10240x128xf32, #tpu.memory_space<vmem_shared>>
    tpu.wait_indirect_dma semaphore(%arg38 : memref<!tpu.dma_semaphore, #tpu.memory_space<semaphore_mem>>) src(%arg23 : memref<80x128xf32, #tpu.memory_space<vmem>>) dst(%dma_wait3A_606 : memref<10240x128xf32, #tpu.memory_space<vmem_shared>>)
    %add3A_607 = arith.constant 9440 : i32
    %add3A_608 = arith.addi %mul3A_2, %add3A_607 : i32
    %dma_start3A_609 = tpu.memref_slice %arg3[%add3A_608] : memref<320000xi32, #tpu.memory_space<hbm>> -> memref<80xi32, #tpu.memory_space<hbm>>
    %dma_start3A_610 = tpu.memref_slice %arg3[%add3A_608] : memref<320000xi32, #tpu.memory_space<hbm>> -> memref<80xi32, #tpu.memory_space<hbm>>
    tpu.enqueue_dma source(%dma_start3A_610 : memref<80xi32, #tpu.memory_space<hbm>>) target(%arg11 : memref<80xi32, #tpu.memory_space<vmem>>) target_semaphore(%arg32 : memref<!tpu.dma_semaphore, #tpu.memory_space<semaphore_mem>>)
    %dma_start3A_611 = tpu.memref_slice %arg4[%add3A_608] : memref<320000xi32, #tpu.memory_space<hbm>> -> memref<80xi32, #tpu.memory_space<hbm>>
    %dma_start3A_612 = tpu.memref_slice %arg4[%add3A_608] : memref<320000xi32, #tpu.memory_space<hbm>> -> memref<80xi32, #tpu.memory_space<hbm>>
    tpu.enqueue_dma source(%dma_start3A_612 : memref<80xi32, #tpu.memory_space<hbm>>) target(%arg17 : memref<80xi32, #tpu.memory_space<vmem>>) target_semaphore(%arg32 : memref<!tpu.dma_semaphore, #tpu.memory_space<semaphore_mem>>)
    %add3A_613 = arith.constant 9280 : i32
    %add3A_614 = arith.addi %mul3A_2, %add3A_613 : i32
    %dma_wait3A_615 = tpu.memref_slice %arg3[%add3A_614] : memref<320000xi32, #tpu.memory_space<hbm>> -> memref<80xi32, #tpu.memory_space<hbm>>
    %dma_wait3A_616 = tpu.memref_slice %arg3[%add3A_614] : memref<320000xi32, #tpu.memory_space<hbm>> -> memref<80xi32, #tpu.memory_space<hbm>>
    tpu.wait_dma2 semaphore(%arg30 : memref<!tpu.dma_semaphore, #tpu.memory_space<semaphore_mem>>) src(%dma_wait3A_616 : memref<80xi32, #tpu.memory_space<hbm>>) dst(%arg9 : memref<80xi32, #tpu.memory_space<vmem>>)
    %dma_wait3A_617 = tpu.memref_slice %arg4[%add3A_614] : memref<320000xi32, #tpu.memory_space<hbm>> -> memref<80xi32, #tpu.memory_space<hbm>>
    %dma_wait3A_618 = tpu.memref_slice %arg4[%add3A_614] : memref<320000xi32, #tpu.memory_space<hbm>> -> memref<80xi32, #tpu.memory_space<hbm>>
    tpu.wait_dma2 semaphore(%arg30 : memref<!tpu.dma_semaphore, #tpu.memory_space<semaphore_mem>>) src(%dma_wait3A_618 : memref<80xi32, #tpu.memory_space<hbm>>) dst(%arg15 : memref<80xi32, #tpu.memory_space<vmem>>)
    %dma_start3A_619 = arith.constant 0 : i32
    %dma_start3A_620 = arith.constant 0 : i32
    %dma_start3A_621 = tpu.memref_slice %arg2[%dma_start3A_619, %dma_start3A_620] : memref<10000x128xf32, #tpu.memory_space<hbm>> -> memref<10000x128xf32, #tpu.memory_space<hbm>>
    tpu.enqueue_indirect_dma source(%dma_start3A_621 : memref<10000x128xf32, #tpu.memory_space<hbm>>) target(%arg23 : memref<80x128xf32, #tpu.memory_space<vmem>>) offsets(%arg9 : memref<80xi32, #tpu.memory_space<vmem>>) semaphore(%arg34 : memref<!tpu.dma_semaphore, #tpu.memory_space<semaphore_mem>>)
    %dma_wait3A_622 = arith.constant 0 : i32
    %dma_wait3A_623 = arith.constant 0 : i32
    %dma_wait3A_624 = tpu.memref_slice %arg2[%dma_wait3A_622, %dma_wait3A_623] : memref<10000x128xf32, #tpu.memory_space<hbm>> -> memref<10000x128xf32, #tpu.memory_space<hbm>>
    tpu.wait_indirect_dma semaphore(%arg36 : memref<!tpu.dma_semaphore, #tpu.memory_space<semaphore_mem>>) src(%dma_wait3A_624 : memref<10000x128xf32, #tpu.memory_space<hbm>>) dst(%arg25 : memref<80x128xf32, #tpu.memory_space<vmem>>)
    %get3A_625 = arith.constant 0 : index
    %get3A_626 = tpu.vector_load %arg7[%get3A_625] {strides = array<i32>} : memref<80xi32, #tpu.memory_space<vmem>>, vector<16xi32>,
    %get3A_627 = vector.shape_cast %get3A_626 : vector<16xi32> to vector<16xi32>
    %get3A_628 = arith.constant 0 : index
    %get3A_629 = tpu.vector_load %arg13[%get3A_628] {strides = array<i32>} : memref<80xi32, #tpu.memory_space<vmem>>, vector<16xi32>,
    %get3A_630 = vector.shape_cast %get3A_629 : vector<16xi32> to vector<16xi32>
    %ne3A_631 = arith.cmpi ne, %get3A_627, %get3A_630 : vector<16xi32>
    %jit3A_632 = arith.constant 10000 : i32
    %broadcast_in_dim3A_633 = vector.broadcast %jit3A_632 : i32 to vector<16xi32>
    %select_n3A_634 = arith.select %ne3A_631, %get3A_630, %broadcast_in_dim3A_633 : vector<16xi1>, vector<16xi32>
    %swap3A_635 = arith.constant 0 : index
    %swap3A_636 = tpu.vector_load %arg21[%swap3A_635] {strides = array<i32>} : memref<80xi32, #tpu.memory_space<vmem>>, vector<16xi32>,
    %swap3A_637 = vector.shape_cast %swap3A_636 : vector<16xi32> to vector<16xi32>
    %swap3A_638 = vector.shape_cast %select_n3A_634 : vector<16xi32> to vector<16xi32>
    tpu.vector_store %arg21[%swap3A_635], %swap3A_638 {strides = array<i32>} : memref<80xi32, #tpu.memory_space<vmem>>, vector<16xi32>,
    %get3A_639 = arith.constant 16 : index
    %get3A_640 = tpu.vector_load %arg7[%get3A_639] {strides = array<i32>} : memref<80xi32, #tpu.memory_space<vmem>>, vector<16xi32>,
    %get3A_641 = vector.shape_cast %get3A_640 : vector<16xi32> to vector<16xi32>
    %get3A_642 = arith.constant 16 : index
    %get3A_643 = tpu.vector_load %arg13[%get3A_642] {strides = array<i32>} : memref<80xi32, #tpu.memory_space<vmem>>, vector<16xi32>,
    %get3A_644 = vector.shape_cast %get3A_643 : vector<16xi32> to vector<16xi32>
    %ne3A_645 = arith.cmpi ne, %get3A_641, %get3A_644 : vector<16xi32>
    %jit3A_646 = arith.constant 10000 : i32
    %broadcast_in_dim3A_647 = vector.broadcast %jit3A_646 : i32 to vector<16xi32>
    %select_n3A_648 = arith.select %ne3A_645, %get3A_644, %broadcast_in_dim3A_647 : vector<16xi1>, vector<16xi32>
    %swap3A_649 = arith.constant 16 : index
    %swap3A_650 = tpu.vector_load %arg21[%swap3A_649] {strides = array<i32>} : memref<80xi32, #tpu.memory_space<vmem>>, vector<16xi32>,
    %swap3A_651 = vector.shape_cast %swap3A_650 : vector<16xi32> to vector<16xi32>
    %swap3A_652 = vector.shape_cast %select_n3A_648 : vector<16xi32> to vector<16xi32>
    tpu.vector_store %arg21[%swap3A_649], %swap3A_652 {strides = array<i32>} : memref<80xi32, #tpu.memory_space<vmem>>, vector<16xi32>,
    %get3A_653 = arith.constant 32 : index
    %get3A_654 = tpu.vector_load %arg7[%get3A_653] {strides = array<i32>} : memref<80xi32, #tpu.memory_space<vmem>>, vector<16xi32>,
    %get3A_655 = vector.shape_cast %get3A_654 : vector<16xi32> to vector<16xi32>
    %get3A_656 = arith.constant 32 : index
    %get3A_657 = tpu.vector_load %arg13[%get3A_656] {strides = array<i32>} : memref<80xi32, #tpu.memory_space<vmem>>, vector<16xi32>,
    %get3A_658 = vector.shape_cast %get3A_657 : vector<16xi32> to vector<16xi32>
    %ne3A_659 = arith.cmpi ne, %get3A_655, %get3A_658 : vector<16xi32>
    %jit3A_660 = arith.constant 10000 : i32
    %broadcast_in_dim3A_661 = vector.broadcast %jit3A_660 : i32 to vector<16xi32>
    %select_n3A_662 = arith.select %ne3A_659, %get3A_658, %broadcast_in_dim3A_661 : vector<16xi1>, vector<16xi32>
    %swap3A_663 = arith.constant 32 : index
    %swap3A_664 = tpu.vector_load %arg21[%swap3A_663] {strides = array<i32>} : memref<80xi32, #tpu.memory_space<vmem>>, vector<16xi32>,
    %swap3A_665 = vector.shape_cast %swap3A_664 : vector<16xi32> to vector<16xi32>
    %swap3A_666 = vector.shape_cast %select_n3A_662 : vector<16xi32> to vector<16xi32>
    tpu.vector_store %arg21[%swap3A_663], %swap3A_666 {strides = array<i32>} : memref<80xi32, #tpu.memory_space<vmem>>, vector<16xi32>,
    %get3A_667 = arith.constant 48 : index
    %get3A_668 = tpu.vector_load %arg7[%get3A_667] {strides = array<i32>} : memref<80xi32, #tpu.memory_space<vmem>>, vector<16xi32>,
    %get3A_669 = vector.shape_cast %get3A_668 : vector<16xi32> to vector<16xi32>
    %get3A_670 = arith.constant 48 : index
    %get3A_671 = tpu.vector_load %arg13[%get3A_670] {strides = array<i32>} : memref<80xi32, #tpu.memory_space<vmem>>, vector<16xi32>,
    %get3A_672 = vector.shape_cast %get3A_671 : vector<16xi32> to vector<16xi32>
    %ne3A_673 = arith.cmpi ne, %get3A_669, %get3A_672 : vector<16xi32>
    %jit3A_674 = arith.constant 10000 : i32
    %broadcast_in_dim3A_675 = vector.broadcast %jit3A_674 : i32 to vector<16xi32>
    %select_n3A_676 = arith.select %ne3A_673, %get3A_672, %broadcast_in_dim3A_675 : vector<16xi1>, vector<16xi32>
    %swap3A_677 = arith.constant 48 : index
    %swap3A_678 = tpu.vector_load %arg21[%swap3A_677] {strides = array<i32>} : memref<80xi32, #tpu.memory_space<vmem>>, vector<16xi32>,
    %swap3A_679 = vector.shape_cast %swap3A_678 : vector<16xi32> to vector<16xi32>
    %swap3A_680 = vector.shape_cast %select_n3A_676 : vector<16xi32> to vector<16xi32>
    tpu.vector_store %arg21[%swap3A_677], %swap3A_680 {strides = array<i32>} : memref<80xi32, #tpu.memory_space<vmem>>, vector<16xi32>,
    %get3A_681 = arith.constant 64 : index
    %get3A_682 = tpu.vector_load %arg7[%get3A_681] {strides = array<i32>} : memref<80xi32, #tpu.memory_space<vmem>>, vector<16xi32>,
    %get3A_683 = vector.shape_cast %get3A_682 : vector<16xi32> to vector<16xi32>
    %get3A_684 = arith.constant 64 : index
    %get3A_685 = tpu.vector_load %arg13[%get3A_684] {strides = array<i32>} : memref<80xi32, #tpu.memory_space<vmem>>, vector<16xi32>,
    %get3A_686 = vector.shape_cast %get3A_685 : vector<16xi32> to vector<16xi32>
    %ne3A_687 = arith.cmpi ne, %get3A_683, %get3A_686 : vector<16xi32>
    %jit3A_688 = arith.constant 10000 : i32
    %broadcast_in_dim3A_689 = vector.broadcast %jit3A_688 : i32 to vector<16xi32>
    %select_n3A_690 = arith.select %ne3A_687, %get3A_686, %broadcast_in_dim3A_689 : vector<16xi1>, vector<16xi32>
    %swap3A_691 = arith.constant 64 : index
    %swap3A_692 = tpu.vector_load %arg21[%swap3A_691] {strides = array<i32>} : memref<80xi32, #tpu.memory_space<vmem>>, vector<16xi32>,
    %swap3A_693 = vector.shape_cast %swap3A_692 : vector<16xi32> to vector<16xi32>
    %swap3A_694 = vector.shape_cast %select_n3A_690 : vector<16xi32> to vector<16xi32>
    tpu.vector_store %arg21[%swap3A_691], %swap3A_694 {strides = array<i32>} : memref<80xi32, #tpu.memory_space<vmem>>, vector<16xi32>,
    %dma_start3A_695 = arith.constant 0 : i32
    %dma_start3A_696 = arith.constant 0 : i32
    %dma_start3A_697 = tpu.memref_slice %arg27[%dma_start3A_695, %dma_start3A_696] : memref<10240x128xf32, #tpu.memory_space<vmem_shared>> -> memref<10240x128xf32, #tpu.memory_space<vmem_shared>>
    tpu.enqueue_indirect_dma source(%arg25 : memref<80x128xf32, #tpu.memory_space<vmem>>) target(%dma_start3A_697 : memref<10240x128xf32, #tpu.memory_space<vmem_shared>>) offsets(%arg21 : memref<80xi32, #tpu.memory_space<vmem>>) semaphore(%arg40 : memref<!tpu.dma_semaphore, #tpu.memory_space<semaphore_mem>>) {add = true}
    %dma_wait3A_698 = arith.constant 0 : i32
    %dma_wait3A_699 = arith.constant 0 : i32
    %dma_wait3A_700 = tpu.memref_slice %arg27[%dma_wait3A_698, %dma_wait3A_699] : memref<10240x128xf32, #tpu.memory_space<vmem_shared>> -> memref<10240x128xf32, #tpu.memory_space<vmem_shared>>
    tpu.wait_indirect_dma semaphore(%arg39 : memref<!tpu.dma_semaphore, #tpu.memory_space<semaphore_mem>>) src(%arg24 : memref<80x128xf32, #tpu.memory_space<vmem>>) dst(%dma_wait3A_700 : memref<10240x128xf32, #tpu.memory_space<vmem_shared>>)
    %add3A_701 = arith.constant 9520 : i32
    %add3A_702 = arith.addi %mul3A_2, %add3A_701 : i32
    %dma_start3A_703 = tpu.memref_slice %arg3[%add3A_702] : memref<320000xi32, #tpu.memory_space<hbm>> -> memref<80xi32, #tpu.memory_space<hbm>>
    %dma_start3A_704 = tpu.memref_slice %arg3[%add3A_702] : memref<320000xi32, #tpu.memory_space<hbm>> -> memref<80xi32, #tpu.memory_space<hbm>>
    tpu.enqueue_dma source(%dma_start3A_704 : memref<80xi32, #tpu.memory_space<hbm>>) target(%arg12 : memref<80xi32, #tpu.memory_space<vmem>>) target_semaphore(%arg33 : memref<!tpu.dma_semaphore, #tpu.memory_space<semaphore_mem>>)
    %dma_start3A_705 = tpu.memref_slice %arg4[%add3A_702] : memref<320000xi32, #tpu.memory_space<hbm>> -> memref<80xi32, #tpu.memory_space<hbm>>
    %dma_start3A_706 = tpu.memref_slice %arg4[%add3A_702] : memref<320000xi32, #tpu.memory_space<hbm>> -> memref<80xi32, #tpu.memory_space<hbm>>
    tpu.enqueue_dma source(%dma_start3A_706 : memref<80xi32, #tpu.memory_space<hbm>>) target(%arg18 : memref<80xi32, #tpu.memory_space<vmem>>) target_semaphore(%arg33 : memref<!tpu.dma_semaphore, #tpu.memory_space<semaphore_mem>>)
    %add3A_707 = arith.constant 9360 : i32
    %add3A_708 = arith.addi %mul3A_2, %add3A_707 : i32
    %dma_wait3A_709 = tpu.memref_slice %arg3[%add3A_708] : memref<320000xi32, #tpu.memory_space<hbm>> -> memref<80xi32, #tpu.memory_space<hbm>>
    %dma_wait3A_710 = tpu.memref_slice %arg3[%add3A_708] : memref<320000xi32, #tpu.memory_space<hbm>> -> memref<80xi32, #tpu.memory_space<hbm>>
    tpu.wait_dma2 semaphore(%arg31 : memref<!tpu.dma_semaphore, #tpu.memory_space<semaphore_mem>>) src(%dma_wait3A_710 : memref<80xi32, #tpu.memory_space<hbm>>) dst(%arg10 : memref<80xi32, #tpu.memory_space<vmem>>)
    %dma_wait3A_711 = tpu.memref_slice %arg4[%add3A_708] : memref<320000xi32, #tpu.memory_space<hbm>> -> memref<80xi32, #tpu.memory_space<hbm>>
    %dma_wait3A_712 = tpu.memref_slice %arg4[%add3A_708] : memref<320000xi32, #tpu.memory_space<hbm>> -> memref<80xi32, #tpu.memory_space<hbm>>
    tpu.wait_dma2 semaphore(%arg31 : memref<!tpu.dma_semaphore, #tpu.memory_space<semaphore_mem>>) src(%dma_wait3A_712 : memref<80xi32, #tpu.memory_space<hbm>>) dst(%arg16 : memref<80xi32, #tpu.memory_space<vmem>>)
    %dma_start3A_713 = arith.constant 0 : i32
    %dma_start3A_714 = arith.constant 0 : i32
    %dma_start3A_715 = tpu.memref_slice %arg2[%dma_start3A_713, %dma_start3A_714] : memref<10000x128xf32, #tpu.memory_space<hbm>> -> memref<10000x128xf32, #tpu.memory_space<hbm>>
    tpu.enqueue_indirect_dma source(%dma_start3A_715 : memref<10000x128xf32, #tpu.memory_space<hbm>>) target(%arg24 : memref<80x128xf32, #tpu.memory_space<vmem>>) offsets(%arg10 : memref<80xi32, #tpu.memory_space<vmem>>) semaphore(%arg35 : memref<!tpu.dma_semaphore, #tpu.memory_space<semaphore_mem>>)
    %dma_wait3A_716 = arith.constant 0 : i32
    %dma_wait3A_717 = arith.constant 0 : i32
    %dma_wait3A_718 = tpu.memref_slice %arg2[%dma_wait3A_716, %dma_wait3A_717] : memref<10000x128xf32, #tpu.memory_space<hbm>> -> memref<10000x128xf32, #tpu.memory_space<hbm>>
    tpu.wait_indirect_dma semaphore(%arg37 : memref<!tpu.dma_semaphore, #tpu.memory_space<semaphore_mem>>) src(%dma_wait3A_718 : memref<10000x128xf32, #tpu.memory_space<hbm>>) dst(%arg26 : memref<80x128xf32, #tpu.memory_space<vmem>>)
    %get3A_719 = arith.constant 0 : index
    %get3A_720 = tpu.vector_load %arg8[%get3A_719] {strides = array<i32>} : memref<80xi32, #tpu.memory_space<vmem>>, vector<16xi32>,
    %get3A_721 = vector.shape_cast %get3A_720 : vector<16xi32> to vector<16xi32>
    %get3A_722 = arith.constant 0 : index
    %get3A_723 = tpu.vector_load %arg14[%get3A_722] {strides = array<i32>} : memref<80xi32, #tpu.memory_space<vmem>>, vector<16xi32>,
    %get3A_724 = vector.shape_cast %get3A_723 : vector<16xi32> to vector<16xi32>
    %ne3A_725 = arith.cmpi ne, %get3A_721, %get3A_724 : vector<16xi32>
    %jit3A_726 = arith.constant 10000 : i32
    %broadcast_in_dim3A_727 = vector.broadcast %jit3A_726 : i32 to vector<16xi32>
    %select_n3A_728 = arith.select %ne3A_725, %get3A_724, %broadcast_in_dim3A_727 : vector<16xi1>, vector<16xi32>
    %swap3A_729 = arith.constant 0 : index
    %swap3A_730 = tpu.vector_load %arg22[%swap3A_729] {strides = array<i32>} : memref<80xi32, #tpu.memory_space<vmem>>, vector<16xi32>,
    %swap3A_731 = vector.shape_cast %swap3A_730 : vector<16xi32> to vector<16xi32>
    %swap3A_732 = vector.shape_cast %select_n3A_728 : vector<16xi32> to vector<16xi32>
    tpu.vector_store %arg22[%swap3A_729], %swap3A_732 {strides = array<i32>} : memref<80xi32, #tpu.memory_space<vmem>>, vector<16xi32>,
    %get3A_733 = arith.constant 16 : index
    %get3A_734 = tpu.vector_load %arg8[%get3A_733] {strides = array<i32>} : memref<80xi32, #tpu.memory_space<vmem>>, vector<16xi32>,
    %get3A_735 = vector.shape_cast %get3A_734 : vector<16xi32> to vector<16xi32>
    %get3A_736 = arith.constant 16 : index
    %get3A_737 = tpu.vector_load %arg14[%get3A_736] {strides = array<i32>} : memref<80xi32, #tpu.memory_space<vmem>>, vector<16xi32>,
    %get3A_738 = vector.shape_cast %get3A_737 : vector<16xi32> to vector<16xi32>
    %ne3A_739 = arith.cmpi ne, %get3A_735, %get3A_738 : vector<16xi32>
    %jit3A_740 = arith.constant 10000 : i32
    %broadcast_in_dim3A_741 = vector.broadcast %jit3A_740 : i32 to vector<16xi32>
    %select_n3A_742 = arith.select %ne3A_739, %get3A_738, %broadcast_in_dim3A_741 : vector<16xi1>, vector<16xi32>
    %swap3A_743 = arith.constant 16 : index
    %swap3A_744 = tpu.vector_load %arg22[%swap3A_743] {strides = array<i32>} : memref<80xi32, #tpu.memory_space<vmem>>, vector<16xi32>,
    %swap3A_745 = vector.shape_cast %swap3A_744 : vector<16xi32> to vector<16xi32>
    %swap3A_746 = vector.shape_cast %select_n3A_742 : vector<16xi32> to vector<16xi32>
    tpu.vector_store %arg22[%swap3A_743], %swap3A_746 {strides = array<i32>} : memref<80xi32, #tpu.memory_space<vmem>>, vector<16xi32>,
    %get3A_747 = arith.constant 32 : index
    %get3A_748 = tpu.vector_load %arg8[%get3A_747] {strides = array<i32>} : memref<80xi32, #tpu.memory_space<vmem>>, vector<16xi32>,
    %get3A_749 = vector.shape_cast %get3A_748 : vector<16xi32> to vector<16xi32>
    %get3A_750 = arith.constant 32 : index
    %get3A_751 = tpu.vector_load %arg14[%get3A_750] {strides = array<i32>} : memref<80xi32, #tpu.memory_space<vmem>>, vector<16xi32>,
    %get3A_752 = vector.shape_cast %get3A_751 : vector<16xi32> to vector<16xi32>
    %ne3A_753 = arith.cmpi ne, %get3A_749, %get3A_752 : vector<16xi32>
    %jit3A_754 = arith.constant 10000 : i32
    %broadcast_in_dim3A_755 = vector.broadcast %jit3A_754 : i32 to vector<16xi32>
    %select_n3A_756 = arith.select %ne3A_753, %get3A_752, %broadcast_in_dim3A_755 : vector<16xi1>, vector<16xi32>
    %swap3A_757 = arith.constant 32 : index
    %swap3A_758 = tpu.vector_load %arg22[%swap3A_757] {strides = array<i32>} : memref<80xi32, #tpu.memory_space<vmem>>, vector<16xi32>,
    %swap3A_759 = vector.shape_cast %swap3A_758 : vector<16xi32> to vector<16xi32>
    %swap3A_760 = vector.shape_cast %select_n3A_756 : vector<16xi32> to vector<16xi32>
    tpu.vector_store %arg22[%swap3A_757], %swap3A_760 {strides = array<i32>} : memref<80xi32, #tpu.memory_space<vmem>>, vector<16xi32>,
    %get3A_761 = arith.constant 48 : index
    %get3A_762 = tpu.vector_load %arg8[%get3A_761] {strides = array<i32>} : memref<80xi32, #tpu.memory_space<vmem>>, vector<16xi32>,
    %get3A_763 = vector.shape_cast %get3A_762 : vector<16xi32> to vector<16xi32>
    %get3A_764 = arith.constant 48 : index
    %get3A_765 = tpu.vector_load %arg14[%get3A_764] {strides = array<i32>} : memref<80xi32, #tpu.memory_space<vmem>>, vector<16xi32>,
    %get3A_766 = vector.shape_cast %get3A_765 : vector<16xi32> to vector<16xi32>
    %ne3A_767 = arith.cmpi ne, %get3A_763, %get3A_766 : vector<16xi32>
    %jit3A_768 = arith.constant 10000 : i32
    %broadcast_in_dim3A_769 = vector.broadcast %jit3A_768 : i32 to vector<16xi32>
    %select_n3A_770 = arith.select %ne3A_767, %get3A_766, %broadcast_in_dim3A_769 : vector<16xi1>, vector<16xi32>
    %swap3A_771 = arith.constant 48 : index
    %swap3A_772 = tpu.vector_load %arg22[%swap3A_771] {strides = array<i32>} : memref<80xi32, #tpu.memory_space<vmem>>, vector<16xi32>,
    %swap3A_773 = vector.shape_cast %swap3A_772 : vector<16xi32> to vector<16xi32>
    %swap3A_774 = vector.shape_cast %select_n3A_770 : vector<16xi32> to vector<16xi32>
    tpu.vector_store %arg22[%swap3A_771], %swap3A_774 {strides = array<i32>} : memref<80xi32, #tpu.memory_space<vmem>>, vector<16xi32>,
    %get3A_775 = arith.constant 64 : index
    %get3A_776 = tpu.vector_load %arg8[%get3A_775] {strides = array<i32>} : memref<80xi32, #tpu.memory_space<vmem>>, vector<16xi32>,
    %get3A_777 = vector.shape_cast %get3A_776 : vector<16xi32> to vector<16xi32>
    %get3A_778 = arith.constant 64 : index
    %get3A_779 = tpu.vector_load %arg14[%get3A_778] {strides = array<i32>} : memref<80xi32, #tpu.memory_space<vmem>>, vector<16xi32>,
    %get3A_780 = vector.shape_cast %get3A_779 : vector<16xi32> to vector<16xi32>
    %ne3A_781 = arith.cmpi ne, %get3A_777, %get3A_780 : vector<16xi32>
    %jit3A_782 = arith.constant 10000 : i32
    %broadcast_in_dim3A_783 = vector.broadcast %jit3A_782 : i32 to vector<16xi32>
    %select_n3A_784 = arith.select %ne3A_781, %get3A_780, %broadcast_in_dim3A_783 : vector<16xi1>, vector<16xi32>
    %swap3A_785 = arith.constant 64 : index
    %swap3A_786 = tpu.vector_load %arg22[%swap3A_785] {strides = array<i32>} : memref<80xi32, #tpu.memory_space<vmem>>, vector<16xi32>,
    %swap3A_787 = vector.shape_cast %swap3A_786 : vector<16xi32> to vector<16xi32>
    %swap3A_788 = vector.shape_cast %select_n3A_784 : vector<16xi32> to vector<16xi32>
    tpu.vector_store %arg22[%swap3A_785], %swap3A_788 {strides = array<i32>} : memref<80xi32, #tpu.memory_space<vmem>>, vector<16xi32>,
    %dma_start3A_789 = arith.constant 0 : i32
    %dma_start3A_790 = arith.constant 0 : i32
    %dma_start3A_791 = tpu.memref_slice %arg27[%dma_start3A_789, %dma_start3A_790] : memref<10240x128xf32, #tpu.memory_space<vmem_shared>> -> memref<10240x128xf32, #tpu.memory_space<vmem_shared>>
    tpu.enqueue_indirect_dma source(%arg26 : memref<80x128xf32, #tpu.memory_space<vmem>>) target(%dma_start3A_791 : memref<10240x128xf32, #tpu.memory_space<vmem_shared>>) offsets(%arg22 : memref<80xi32, #tpu.memory_space<vmem>>) semaphore(%arg41 : memref<!tpu.dma_semaphore, #tpu.memory_space<semaphore_mem>>) {add = true}
    %dma_wait3A_792 = arith.constant 0 : i32
    %dma_wait3A_793 = arith.constant 0 : i32
    %dma_wait3A_794 = tpu.memref_slice %arg27[%dma_wait3A_792, %dma_wait3A_793] : memref<10240x128xf32, #tpu.memory_space<vmem_shared>> -> memref<10240x128xf32, #tpu.memory_space<vmem_shared>>
    tpu.wait_indirect_dma semaphore(%arg40 : memref<!tpu.dma_semaphore, #tpu.memory_space<semaphore_mem>>) src(%arg25 : memref<80x128xf32, #tpu.memory_space<vmem>>) dst(%dma_wait3A_794 : memref<10240x128xf32, #tpu.memory_space<vmem_shared>>)
    %add3A_795 = arith.constant 9600 : i32
    %add3A_796 = arith.addi %mul3A_2, %add3A_795 : i32
    %dma_start3A_797 = tpu.memref_slice %arg3[%add3A_796] : memref<320000xi32, #tpu.memory_space<hbm>> -> memref<80xi32, #tpu.memory_space<hbm>>
    %dma_start3A_798 = tpu.memref_slice %arg3[%add3A_796] : memref<320000xi32, #tpu.memory_space<hbm>> -> memref<80xi32, #tpu.memory_space<hbm>>
    tpu.enqueue_dma source(%dma_start3A_798 : memref<80xi32, #tpu.memory_space<hbm>>) target(%arg7 : memref<80xi32, #tpu.memory_space<vmem>>) target_semaphore(%arg28 : memref<!tpu.dma_semaphore, #tpu.memory_space<semaphore_mem>>)
    %dma_start3A_799 = tpu.memref_slice %arg4[%add3A_796] : memref<320000xi32, #tpu.memory_space<hbm>> -> memref<80xi32, #tpu.memory_space<hbm>>
    %dma_start3A_800 = tpu.memref_slice %arg4[%add3A_796] : memref<320000xi32, #tpu.memory_space<hbm>> -> memref<80xi32, #tpu.memory_space<hbm>>
    tpu.enqueue_dma source(%dma_start3A_800 : memref<80xi32, #tpu.memory_space<hbm>>) target(%arg13 : memref<80xi32, #tpu.memory_space<vmem>>) target_semaphore(%arg28 : memref<!tpu.dma_semaphore, #tpu.memory_space<semaphore_mem>>)
    %add3A_801 = arith.constant 9440 : i32
    %add3A_802 = arith.addi %mul3A_2, %add3A_801 : i32
    %dma_wait3A_803 = tpu.memref_slice %arg3[%add3A_802] : memref<320000xi32, #tpu.memory_space<hbm>> -> memref<80xi32, #tpu.memory_space<hbm>>
    %dma_wait3A_804 = tpu.memref_slice %arg3[%add3A_802] : memref<320000xi32, #tpu.memory_space<hbm>> -> memref<80xi32, #tpu.memory_space<hbm>>
    tpu.wait_dma2 semaphore(%arg32 : memref<!tpu.dma_semaphore, #tpu.memory_space<semaphore_mem>>) src(%dma_wait3A_804 : memref<80xi32, #tpu.memory_space<hbm>>) dst(%arg11 : memref<80xi32, #tpu.memory_space<vmem>>)
    %dma_wait3A_805 = tpu.memref_slice %arg4[%add3A_802] : memref<320000xi32, #tpu.memory_space<hbm>> -> memref<80xi32, #tpu.memory_space<hbm>>
    %dma_wait3A_806 = tpu.memref_slice %arg4[%add3A_802] : memref<320000xi32, #tpu.memory_space<hbm>> -> memref<80xi32, #tpu.memory_space<hbm>>
    tpu.wait_dma2 semaphore(%arg32 : memref<!tpu.dma_semaphore, #tpu.memory_space<semaphore_mem>>) src(%dma_wait3A_806 : memref<80xi32, #tpu.memory_space<hbm>>) dst(%arg17 : memref<80xi32, #tpu.memory_space<vmem>>)
    %dma_start3A_807 = arith.constant 0 : i32
    %dma_start3A_808 = arith.constant 0 : i32
    %dma_start3A_809 = tpu.memref_slice %arg2[%dma_start3A_807, %dma_start3A_808] : memref<10000x128xf32, #tpu.memory_space<hbm>> -> memref<10000x128xf32, #tpu.memory_space<hbm>>
    tpu.enqueue_indirect_dma source(%dma_start3A_809 : memref<10000x128xf32, #tpu.memory_space<hbm>>) target(%arg25 : memref<80x128xf32, #tpu.memory_space<vmem>>) offsets(%arg11 : memref<80xi32, #tpu.memory_space<vmem>>) semaphore(%arg36 : memref<!tpu.dma_semaphore, #tpu.memory_space<semaphore_mem>>)
    %dma_wait3A_810 = arith.constant 0 : i32
    %dma_wait3A_811 = arith.constant 0 : i32
    %dma_wait3A_812 = tpu.memref_slice %arg2[%dma_wait3A_810, %dma_wait3A_811] : memref<10000x128xf32, #tpu.memory_space<hbm>> -> memref<10000x128xf32, #tpu.memory_space<hbm>>
    tpu.wait_indirect_dma semaphore(%arg34 : memref<!tpu.dma_semaphore, #tpu.memory_space<semaphore_mem>>) src(%dma_wait3A_812 : memref<10000x128xf32, #tpu.memory_space<hbm>>) dst(%arg23 : memref<80x128xf32, #tpu.memory_space<vmem>>)
    %get3A_813 = arith.constant 0 : index
    %get3A_814 = tpu.vector_load %arg9[%get3A_813] {strides = array<i32>} : memref<80xi32, #tpu.memory_space<vmem>>, vector<16xi32>,
    %get3A_815 = vector.shape_cast %get3A_814 : vector<16xi32> to vector<16xi32>
    %get3A_816 = arith.constant 0 : index
    %get3A_817 = tpu.vector_load %arg15[%get3A_816] {strides = array<i32>} : memref<80xi32, #tpu.memory_space<vmem>>, vector<16xi32>,
    %get3A_818 = vector.shape_cast %get3A_817 : vector<16xi32> to vector<16xi32>
    %ne3A_819 = arith.cmpi ne, %get3A_815, %get3A_818 : vector<16xi32>
    %jit3A_820 = arith.constant 10000 : i32
    %broadcast_in_dim3A_821 = vector.broadcast %jit3A_820 : i32 to vector<16xi32>
    %select_n3A_822 = arith.select %ne3A_819, %get3A_818, %broadcast_in_dim3A_821 : vector<16xi1>, vector<16xi32>
    %swap3A_823 = arith.constant 0 : index
    %swap3A_824 = tpu.vector_load %arg19[%swap3A_823] {strides = array<i32>} : memref<80xi32, #tpu.memory_space<vmem>>, vector<16xi32>,
    %swap3A_825 = vector.shape_cast %swap3A_824 : vector<16xi32> to vector<16xi32>
    %swap3A_826 = vector.shape_cast %select_n3A_822 : vector<16xi32> to vector<16xi32>
    tpu.vector_store %arg19[%swap3A_823], %swap3A_826 {strides = array<i32>} : memref<80xi32, #tpu.memory_space<vmem>>, vector<16xi32>,
    %get3A_827 = arith.constant 16 : index
    %get3A_828 = tpu.vector_load %arg9[%get3A_827] {strides = array<i32>} : memref<80xi32, #tpu.memory_space<vmem>>, vector<16xi32>,
    %get3A_829 = vector.shape_cast %get3A_828 : vector<16xi32> to vector<16xi32>
    %get3A_830 = arith.constant 16 : index
    %get3A_831 = tpu.vector_load %arg15[%get3A_830] {strides = array<i32>} : memref<80xi32, #tpu.memory_space<vmem>>, vector<16xi32>,
    %get3A_832 = vector.shape_cast %get3A_831 : vector<16xi32> to vector<16xi32>
    %ne3A_833 = arith.cmpi ne, %get3A_829, %get3A_832 : vector<16xi32>
    %jit3A_834 = arith.constant 10000 : i32
    %broadcast_in_dim3A_835 = vector.broadcast %jit3A_834 : i32 to vector<16xi32>
    %select_n3A_836 = arith.select %ne3A_833, %get3A_832, %broadcast_in_dim3A_835 : vector<16xi1>, vector<16xi32>
    %swap3A_837 = arith.constant 16 : index
    %swap3A_838 = tpu.vector_load %arg19[%swap3A_837] {strides = array<i32>} : memref<80xi32, #tpu.memory_space<vmem>>, vector<16xi32>,
    %swap3A_839 = vector.shape_cast %swap3A_838 : vector<16xi32> to vector<16xi32>
    %swap3A_840 = vector.shape_cast %select_n3A_836 : vector<16xi32> to vector<16xi32>
    tpu.vector_store %arg19[%swap3A_837], %swap3A_840 {strides = array<i32>} : memref<80xi32, #tpu.memory_space<vmem>>, vector<16xi32>,
    %get3A_841 = arith.constant 32 : index
    %get3A_842 = tpu.vector_load %arg9[%get3A_841] {strides = array<i32>} : memref<80xi32, #tpu.memory_space<vmem>>, vector<16xi32>,
    %get3A_843 = vector.shape_cast %get3A_842 : vector<16xi32> to vector<16xi32>
    %get3A_844 = arith.constant 32 : index
    %get3A_845 = tpu.vector_load %arg15[%get3A_844] {strides = array<i32>} : memref<80xi32, #tpu.memory_space<vmem>>, vector<16xi32>,
    %get3A_846 = vector.shape_cast %get3A_845 : vector<16xi32> to vector<16xi32>
    %ne3A_847 = arith.cmpi ne, %get3A_843, %get3A_846 : vector<16xi32>
    %jit3A_848 = arith.constant 10000 : i32
    %broadcast_in_dim3A_849 = vector.broadcast %jit3A_848 : i32 to vector<16xi32>
    %select_n3A_850 = arith.select %ne3A_847, %get3A_846, %broadcast_in_dim3A_849 : vector<16xi1>, vector<16xi32>
    %swap3A_851 = arith.constant 32 : index
    %swap3A_852 = tpu.vector_load %arg19[%swap3A_851] {strides = array<i32>} : memref<80xi32, #tpu.memory_space<vmem>>, vector<16xi32>,
    %swap3A_853 = vector.shape_cast %swap3A_852 : vector<16xi32> to vector<16xi32>
    %swap3A_854 = vector.shape_cast %select_n3A_850 : vector<16xi32> to vector<16xi32>
    tpu.vector_store %arg19[%swap3A_851], %swap3A_854 {strides = array<i32>} : memref<80xi32, #tpu.memory_space<vmem>>, vector<16xi32>,
    %get3A_855 = arith.constant 48 : index
    %get3A_856 = tpu.vector_load %arg9[%get3A_855] {strides = array<i32>} : memref<80xi32, #tpu.memory_space<vmem>>, vector<16xi32>,
    %get3A_857 = vector.shape_cast %get3A_856 : vector<16xi32> to vector<16xi32>
    %get3A_858 = arith.constant 48 : index
    %get3A_859 = tpu.vector_load %arg15[%get3A_858] {strides = array<i32>} : memref<80xi32, #tpu.memory_space<vmem>>, vector<16xi32>,
    %get3A_860 = vector.shape_cast %get3A_859 : vector<16xi32> to vector<16xi32>
    %ne3A_861 = arith.cmpi ne, %get3A_857, %get3A_860 : vector<16xi32>
    %jit3A_862 = arith.constant 10000 : i32
    %broadcast_in_dim3A_863 = vector.broadcast %jit3A_862 : i32 to vector<16xi32>
    %select_n3A_864 = arith.select %ne3A_861, %get3A_860, %broadcast_in_dim3A_863 : vector<16xi1>, vector<16xi32>
    %swap3A_865 = arith.constant 48 : index
    %swap3A_866 = tpu.vector_load %arg19[%swap3A_865] {strides = array<i32>} : memref<80xi32, #tpu.memory_space<vmem>>, vector<16xi32>,
    %swap3A_867 = vector.shape_cast %swap3A_866 : vector<16xi32> to vector<16xi32>
    %swap3A_868 = vector.shape_cast %select_n3A_864 : vector<16xi32> to vector<16xi32>
    tpu.vector_store %arg19[%swap3A_865], %swap3A_868 {strides = array<i32>} : memref<80xi32, #tpu.memory_space<vmem>>, vector<16xi32>,
    %get3A_869 = arith.constant 64 : index
    %get3A_870 = tpu.vector_load %arg9[%get3A_869] {strides = array<i32>} : memref<80xi32, #tpu.memory_space<vmem>>, vector<16xi32>,
    %get3A_871 = vector.shape_cast %get3A_870 : vector<16xi32> to vector<16xi32>
    %get3A_872 = arith.constant 64 : index
    %get3A_873 = tpu.vector_load %arg15[%get3A_872] {strides = array<i32>} : memref<80xi32, #tpu.memory_space<vmem>>, vector<16xi32>,
    %get3A_874 = vector.shape_cast %get3A_873 : vector<16xi32> to vector<16xi32>
    %ne3A_875 = arith.cmpi ne, %get3A_871, %get3A_874 : vector<16xi32>
    %jit3A_876 = arith.constant 10000 : i32
    %broadcast_in_dim3A_877 = vector.broadcast %jit3A_876 : i32 to vector<16xi32>
    %select_n3A_878 = arith.select %ne3A_875, %get3A_874, %broadcast_in_dim3A_877 : vector<16xi1>, vector<16xi32>
    %swap3A_879 = arith.constant 64 : index
    %swap3A_880 = tpu.vector_load %arg19[%swap3A_879] {strides = array<i32>} : memref<80xi32, #tpu.memory_space<vmem>>, vector<16xi32>,
    %swap3A_881 = vector.shape_cast %swap3A_880 : vector<16xi32> to vector<16xi32>
    %swap3A_882 = vector.shape_cast %select_n3A_878 : vector<16xi32> to vector<16xi32>
    tpu.vector_store %arg19[%swap3A_879], %swap3A_882 {strides = array<i32>} : memref<80xi32, #tpu.memory_space<vmem>>, vector<16xi32>,
    %dma_start3A_883 = arith.constant 0 : i32
    %dma_start3A_884 = arith.constant 0 : i32
    %dma_start3A_885 = tpu.memref_slice %arg27[%dma_start3A_883, %dma_start3A_884] : memref<10240x128xf32, #tpu.memory_space<vmem_shared>> -> memref<10240x128xf32, #tpu.memory_space<vmem_shared>>
    tpu.enqueue_indirect_dma source(%arg23 : memref<80x128xf32, #tpu.memory_space<vmem>>) target(%dma_start3A_885 : memref<10240x128xf32, #tpu.memory_space<vmem_shared>>) offsets(%arg19 : memref<80xi32, #tpu.memory_space<vmem>>) semaphore(%arg38 : memref<!tpu.dma_semaphore, #tpu.memory_space<semaphore_mem>>) {add = true}
    %dma_wait3A_886 = arith.constant 0 : i32
    %dma_wait3A_887 = arith.constant 0 : i32
    %dma_wait3A_888 = tpu.memref_slice %arg27[%dma_wait3A_886, %dma_wait3A_887] : memref<10240x128xf32, #tpu.memory_space<vmem_shared>> -> memref<10240x128xf32, #tpu.memory_space<vmem_shared>>
    tpu.wait_indirect_dma semaphore(%arg41 : memref<!tpu.dma_semaphore, #tpu.memory_space<semaphore_mem>>) src(%arg26 : memref<80x128xf32, #tpu.memory_space<vmem>>) dst(%dma_wait3A_888 : memref<10240x128xf32, #tpu.memory_space<vmem_shared>>)
    %add3A_889 = arith.constant 9680 : i32
    %add3A_890 = arith.addi %mul3A_2, %add3A_889 : i32
    %dma_start3A_891 = tpu.memref_slice %arg3[%add3A_890] : memref<320000xi32, #tpu.memory_space<hbm>> -> memref<80xi32, #tpu.memory_space<hbm>>
    %dma_start3A_892 = tpu.memref_slice %arg3[%add3A_890] : memref<320000xi32, #tpu.memory_space<hbm>> -> memref<80xi32, #tpu.memory_space<hbm>>
    tpu.enqueue_dma source(%dma_start3A_892 : memref<80xi32, #tpu.memory_space<hbm>>) target(%arg8 : memref<80xi32, #tpu.memory_space<vmem>>) target_semaphore(%arg29 : memref<!tpu.dma_semaphore, #tpu.memory_space<semaphore_mem>>)
    %dma_start3A_893 = tpu.memref_slice %arg4[%add3A_890] : memref<320000xi32, #tpu.memory_space<hbm>> -> memref<80xi32, #tpu.memory_space<hbm>>
    %dma_start3A_894 = tpu.memref_slice %arg4[%add3A_890] : memref<320000xi32, #tpu.memory_space<hbm>> -> memref<80xi32, #tpu.memory_space<hbm>>
    tpu.enqueue_dma source(%dma_start3A_894 : memref<80xi32, #tpu.memory_space<hbm>>) target(%arg14 : memref<80xi32, #tpu.memory_space<vmem>>) target_semaphore(%arg29 : memref<!tpu.dma_semaphore, #tpu.memory_space<semaphore_mem>>)
    %add3A_895 = arith.constant 9520 : i32
    %add3A_896 = arith.addi %mul3A_2, %add3A_895 : i32
    %dma_wait3A_897 = tpu.memref_slice %arg3[%add3A_896] : memref<320000xi32, #tpu.memory_space<hbm>> -> memref<80xi32, #tpu.memory_space<hbm>>
    %dma_wait3A_898 = tpu.memref_slice %arg3[%add3A_896] : memref<320000xi32, #tpu.memory_space<hbm>> -> memref<80xi32, #tpu.memory_space<hbm>>
    tpu.wait_dma2 semaphore(%arg33 : memref<!tpu.dma_semaphore, #tpu.memory_space<semaphore_mem>>) src(%dma_wait3A_898 : memref<80xi32, #tpu.memory_space<hbm>>) dst(%arg12 : memref<80xi32, #tpu.memory_space<vmem>>)
    %dma_wait3A_899 = tpu.memref_slice %arg4[%add3A_896] : memref<320000xi32, #tpu.memory_space<hbm>> -> memref<80xi32, #tpu.memory_space<hbm>>
    %dma_wait3A_900 = tpu.memref_slice %arg4[%add3A_896] : memref<320000xi32, #tpu.memory_space<hbm>> -> memref<80xi32, #tpu.memory_space<hbm>>
    tpu.wait_dma2 semaphore(%arg33 : memref<!tpu.dma_semaphore, #tpu.memory_space<semaphore_mem>>) src(%dma_wait3A_900 : memref<80xi32, #tpu.memory_space<hbm>>) dst(%arg18 : memref<80xi32, #tpu.memory_space<vmem>>)
    %dma_start3A_901 = arith.constant 0 : i32
    %dma_start3A_902 = arith.constant 0 : i32
    %dma_start3A_903 = tpu.memref_slice %arg2[%dma_start3A_901, %dma_start3A_902] : memref<10000x128xf32, #tpu.memory_space<hbm>> -> memref<10000x128xf32, #tpu.memory_space<hbm>>
    tpu.enqueue_indirect_dma source(%dma_start3A_903 : memref<10000x128xf32, #tpu.memory_space<hbm>>) target(%arg26 : memref<80x128xf32, #tpu.memory_space<vmem>>) offsets(%arg12 : memref<80xi32, #tpu.memory_space<vmem>>) semaphore(%arg37 : memref<!tpu.dma_semaphore, #tpu.memory_space<semaphore_mem>>)
    %dma_wait3A_904 = arith.constant 0 : i32
    %dma_wait3A_905 = arith.constant 0 : i32
    %dma_wait3A_906 = tpu.memref_slice %arg2[%dma_wait3A_904, %dma_wait3A_905] : memref<10000x128xf32, #tpu.memory_space<hbm>> -> memref<10000x128xf32, #tpu.memory_space<hbm>>
    tpu.wait_indirect_dma semaphore(%arg35 : memref<!tpu.dma_semaphore, #tpu.memory_space<semaphore_mem>>) src(%dma_wait3A_906 : memref<10000x128xf32, #tpu.memory_space<hbm>>) dst(%arg24 : memref<80x128xf32, #tpu.memory_space<vmem>>)
    %get3A_907 = arith.constant 0 : index
    %get3A_908 = tpu.vector_load %arg10[%get3A_907] {strides = array<i32>} : memref<80xi32, #tpu.memory_space<vmem>>, vector<16xi32>,
    %get3A_909 = vector.shape_cast %get3A_908 : vector<16xi32> to vector<16xi32>
    %get3A_910 = arith.constant 0 : index
    %get3A_911 = tpu.vector_load %arg16[%get3A_910] {strides = array<i32>} : memref<80xi32, #tpu.memory_space<vmem>>, vector<16xi32>,
    %get3A_912 = vector.shape_cast %get3A_911 : vector<16xi32> to vector<16xi32>
    %ne3A_913 = arith.cmpi ne, %get3A_909, %get3A_912 : vector<16xi32>
    %jit3A_914 = arith.constant 10000 : i32
    %broadcast_in_dim3A_915 = vector.broadcast %jit3A_914 : i32 to vector<16xi32>
    %select_n3A_916 = arith.select %ne3A_913, %get3A_912, %broadcast_in_dim3A_915 : vector<16xi1>, vector<16xi32>
    %swap3A_917 = arith.constant 0 : index
    %swap3A_918 = tpu.vector_load %arg20[%swap3A_917] {strides = array<i32>} : memref<80xi32, #tpu.memory_space<vmem>>, vector<16xi32>,
    %swap3A_919 = vector.shape_cast %swap3A_918 : vector<16xi32> to vector<16xi32>
    %swap3A_920 = vector.shape_cast %select_n3A_916 : vector<16xi32> to vector<16xi32>
    tpu.vector_store %arg20[%swap3A_917], %swap3A_920 {strides = array<i32>} : memref<80xi32, #tpu.memory_space<vmem>>, vector<16xi32>,
    %get3A_921 = arith.constant 16 : index
    %get3A_922 = tpu.vector_load %arg10[%get3A_921] {strides = array<i32>} : memref<80xi32, #tpu.memory_space<vmem>>, vector<16xi32>,
    %get3A_923 = vector.shape_cast %get3A_922 : vector<16xi32> to vector<16xi32>
    %get3A_924 = arith.constant 16 : index
    %get3A_925 = tpu.vector_load %arg16[%get3A_924] {strides = array<i32>} : memref<80xi32, #tpu.memory_space<vmem>>, vector<16xi32>,
    %get3A_926 = vector.shape_cast %get3A_925 : vector<16xi32> to vector<16xi32>
    %ne3A_927 = arith.cmpi ne, %get3A_923, %get3A_926 : vector<16xi32>
    %jit3A_928 = arith.constant 10000 : i32
    %broadcast_in_dim3A_929 = vector.broadcast %jit3A_928 : i32 to vector<16xi32>
    %select_n3A_930 = arith.select %ne3A_927, %get3A_926, %broadcast_in_dim3A_929 : vector<16xi1>, vector<16xi32>
    %swap3A_931 = arith.constant 16 : index
    %swap3A_932 = tpu.vector_load %arg20[%swap3A_931] {strides = array<i32>} : memref<80xi32, #tpu.memory_space<vmem>>, vector<16xi32>,
    %swap3A_933 = vector.shape_cast %swap3A_932 : vector<16xi32> to vector<16xi32>
    %swap3A_934 = vector.shape_cast %select_n3A_930 : vector<16xi32> to vector<16xi32>
    tpu.vector_store %arg20[%swap3A_931], %swap3A_934 {strides = array<i32>} : memref<80xi32, #tpu.memory_space<vmem>>, vector<16xi32>,
    %get3A_935 = arith.constant 32 : index
    %get3A_936 = tpu.vector_load %arg10[%get3A_935] {strides = array<i32>} : memref<80xi32, #tpu.memory_space<vmem>>, vector<16xi32>,
    %get3A_937 = vector.shape_cast %get3A_936 : vector<16xi32> to vector<16xi32>
    %get3A_938 = arith.constant 32 : index
    %get3A_939 = tpu.vector_load %arg16[%get3A_938] {strides = array<i32>} : memref<80xi32, #tpu.memory_space<vmem>>, vector<16xi32>,
    %get3A_940 = vector.shape_cast %get3A_939 : vector<16xi32> to vector<16xi32>
    %ne3A_941 = arith.cmpi ne, %get3A_937, %get3A_940 : vector<16xi32>
    %jit3A_942 = arith.constant 10000 : i32
    %broadcast_in_dim3A_943 = vector.broadcast %jit3A_942 : i32 to vector<16xi32>
    %select_n3A_944 = arith.select %ne3A_941, %get3A_940, %broadcast_in_dim3A_943 : vector<16xi1>, vector<16xi32>
    %swap3A_945 = arith.constant 32 : index
    %swap3A_946 = tpu.vector_load %arg20[%swap3A_945] {strides = array<i32>} : memref<80xi32, #tpu.memory_space<vmem>>, vector<16xi32>,
    %swap3A_947 = vector.shape_cast %swap3A_946 : vector<16xi32> to vector<16xi32>
    %swap3A_948 = vector.shape_cast %select_n3A_944 : vector<16xi32> to vector<16xi32>
    tpu.vector_store %arg20[%swap3A_945], %swap3A_948 {strides = array<i32>} : memref<80xi32, #tpu.memory_space<vmem>>, vector<16xi32>,
    %get3A_949 = arith.constant 48 : index
    %get3A_950 = tpu.vector_load %arg10[%get3A_949] {strides = array<i32>} : memref<80xi32, #tpu.memory_space<vmem>>, vector<16xi32>,
    %get3A_951 = vector.shape_cast %get3A_950 : vector<16xi32> to vector<16xi32>
    %get3A_952 = arith.constant 48 : index
    %get3A_953 = tpu.vector_load %arg16[%get3A_952] {strides = array<i32>} : memref<80xi32, #tpu.memory_space<vmem>>, vector<16xi32>,
    %get3A_954 = vector.shape_cast %get3A_953 : vector<16xi32> to vector<16xi32>
    %ne3A_955 = arith.cmpi ne, %get3A_951, %get3A_954 : vector<16xi32>
    %jit3A_956 = arith.constant 10000 : i32
    %broadcast_in_dim3A_957 = vector.broadcast %jit3A_956 : i32 to vector<16xi32>
    %select_n3A_958 = arith.select %ne3A_955, %get3A_954, %broadcast_in_dim3A_957 : vector<16xi1>, vector<16xi32>
    %swap3A_959 = arith.constant 48 : index
    %swap3A_960 = tpu.vector_load %arg20[%swap3A_959] {strides = array<i32>} : memref<80xi32, #tpu.memory_space<vmem>>, vector<16xi32>,
    %swap3A_961 = vector.shape_cast %swap3A_960 : vector<16xi32> to vector<16xi32>
    %swap3A_962 = vector.shape_cast %select_n3A_958 : vector<16xi32> to vector<16xi32>
    tpu.vector_store %arg20[%swap3A_959], %swap3A_962 {strides = array<i32>} : memref<80xi32, #tpu.memory_space<vmem>>, vector<16xi32>,
    %get3A_963 = arith.constant 64 : index
    %get3A_964 = tpu.vector_load %arg10[%get3A_963] {strides = array<i32>} : memref<80xi32, #tpu.memory_space<vmem>>, vector<16xi32>,
    %get3A_965 = vector.shape_cast %get3A_964 : vector<16xi32> to vector<16xi32>
    %get3A_966 = arith.constant 64 : index
    %get3A_967 = tpu.vector_load %arg16[%get3A_966] {strides = array<i32>} : memref<80xi32, #tpu.memory_space<vmem>>, vector<16xi32>,
    %get3A_968 = vector.shape_cast %get3A_967 : vector<16xi32> to vector<16xi32>
    %ne3A_969 = arith.cmpi ne, %get3A_965, %get3A_968 : vector<16xi32>
    %jit3A_970 = arith.constant 10000 : i32
    %broadcast_in_dim3A_971 = vector.broadcast %jit3A_970 : i32 to vector<16xi32>
    %select_n3A_972 = arith.select %ne3A_969, %get3A_968, %broadcast_in_dim3A_971 : vector<16xi1>, vector<16xi32>
    %swap3A_973 = arith.constant 64 : index
    %swap3A_974 = tpu.vector_load %arg20[%swap3A_973] {strides = array<i32>} : memref<80xi32, #tpu.memory_space<vmem>>, vector<16xi32>,
    %swap3A_975 = vector.shape_cast %swap3A_974 : vector<16xi32> to vector<16xi32>
    %swap3A_976 = vector.shape_cast %select_n3A_972 : vector<16xi32> to vector<16xi32>
    tpu.vector_store %arg20[%swap3A_973], %swap3A_976 {strides = array<i32>} : memref<80xi32, #tpu.memory_space<vmem>>, vector<16xi32>,
    %dma_start3A_977 = arith.constant 0 : i32
    %dma_start3A_978 = arith.constant 0 : i32
    %dma_start3A_979 = tpu.memref_slice %arg27[%dma_start3A_977, %dma_start3A_978] : memref<10240x128xf32, #tpu.memory_space<vmem_shared>> -> memref<10240x128xf32, #tpu.memory_space<vmem_shared>>
    tpu.enqueue_indirect_dma source(%arg24 : memref<80x128xf32, #tpu.memory_space<vmem>>) target(%dma_start3A_979 : memref<10240x128xf32, #tpu.memory_space<vmem_shared>>) offsets(%arg20 : memref<80xi32, #tpu.memory_space<vmem>>) semaphore(%arg39 : memref<!tpu.dma_semaphore, #tpu.memory_space<semaphore_mem>>) {add = true}
    %dma_wait3A_980 = arith.constant 0 : i32
    %dma_wait3A_981 = arith.constant 0 : i32
    %dma_wait3A_982 = tpu.memref_slice %arg27[%dma_wait3A_980, %dma_wait3A_981] : memref<10240x128xf32, #tpu.memory_space<vmem_shared>> -> memref<10240x128xf32, #tpu.memory_space<vmem_shared>>
    tpu.wait_indirect_dma semaphore(%arg38 : memref<!tpu.dma_semaphore, #tpu.memory_space<semaphore_mem>>) src(%arg23 : memref<80x128xf32, #tpu.memory_space<vmem>>) dst(%dma_wait3A_982 : memref<10240x128xf32, #tpu.memory_space<vmem_shared>>)
    %add3A_983 = arith.constant 9760 : i32
    %add3A_984 = arith.addi %mul3A_2, %add3A_983 : i32
    %dma_start3A_985 = tpu.memref_slice %arg3[%add3A_984] : memref<320000xi32, #tpu.memory_space<hbm>> -> memref<80xi32, #tpu.memory_space<hbm>>
    %dma_start3A_986 = tpu.memref_slice %arg3[%add3A_984] : memref<320000xi32, #tpu.memory_space<hbm>> -> memref<80xi32, #tpu.memory_space<hbm>>
    tpu.enqueue_dma source(%dma_start3A_986 : memref<80xi32, #tpu.memory_space<hbm>>) target(%arg9 : memref<80xi32, #tpu.memory_space<vmem>>) target_semaphore(%arg30 : memref<!tpu.dma_semaphore, #tpu.memory_space<semaphore_mem>>)
    %dma_start3A_987 = tpu.memref_slice %arg4[%add3A_984] : memref<320000xi32, #tpu.memory_space<hbm>> -> memref<80xi32, #tpu.memory_space<hbm>>
    %dma_start3A_988 = tpu.memref_slice %arg4[%add3A_984] : memref<320000xi32, #tpu.memory_space<hbm>> -> memref<80xi32, #tpu.memory_space<hbm>>
    tpu.enqueue_dma source(%dma_start3A_988 : memref<80xi32, #tpu.memory_space<hbm>>) target(%arg15 : memref<80xi32, #tpu.memory_space<vmem>>) target_semaphore(%arg30 : memref<!tpu.dma_semaphore, #tpu.memory_space<semaphore_mem>>)
    %add3A_989 = arith.constant 9600 : i32
    %add3A_990 = arith.addi %mul3A_2, %add3A_989 : i32
    %dma_wait3A_991 = tpu.memref_slice %arg3[%add3A_990] : memref<320000xi32, #tpu.memory_space<hbm>> -> memref<80xi32, #tpu.memory_space<hbm>>
    %dma_wait3A_992 = tpu.memref_slice %arg3[%add3A_990] : memref<320000xi32, #tpu.memory_space<hbm>> -> memref<80xi32, #tpu.memory_space<hbm>>
    tpu.wait_dma2 semaphore(%arg28 : memref<!tpu.dma_semaphore, #tpu.memory_space<semaphore_mem>>) src(%dma_wait3A_992 : memref<80xi32, #tpu.memory_space<hbm>>) dst(%arg7 : memref<80xi32, #tpu.memory_space<vmem>>)
    %dma_wait3A_993 = tpu.memref_slice %arg4[%add3A_990] : memref<320000xi32, #tpu.memory_space<hbm>> -> memref<80xi32, #tpu.memory_space<hbm>>
    %dma_wait3A_994 = tpu.memref_slice %arg4[%add3A_990] : memref<320000xi32, #tpu.memory_space<hbm>> -> memref<80xi32, #tpu.memory_space<hbm>>
    tpu.wait_dma2 semaphore(%arg28 : memref<!tpu.dma_semaphore, #tpu.memory_space<semaphore_mem>>) src(%dma_wait3A_994 : memref<80xi32, #tpu.memory_space<hbm>>) dst(%arg13 : memref<80xi32, #tpu.memory_space<vmem>>)
    %dma_start3A_995 = arith.constant 0 : i32
    %dma_start3A_996 = arith.constant 0 : i32
    %dma_start3A_997 = tpu.memref_slice %arg2[%dma_start3A_995, %dma_start3A_996] : memref<10000x128xf32, #tpu.memory_space<hbm>> -> memref<10000x128xf32, #tpu.memory_space<hbm>>
    tpu.enqueue_indirect_dma source(%dma_start3A_997 : memref<10000x128xf32, #tpu.memory_space<hbm>>) target(%arg23 : memref<80x128xf32, #tpu.memory_space<vmem>>) offsets(%arg7 : memref<80xi32, #tpu.memory_space<vmem>>) semaphore(%arg34 : memref<!tpu.dma_semaphore, #tpu.memory_space<semaphore_mem>>)
    %dma_wait3A_998 = arith.constant 0 : i32
    %dma_wait3A_999 = arith.constant 0 : i32
    %dma_wait3A_1000 = tpu.memref_slice %arg2[%dma_wait3A_998, %dma_wait3A_999] : memref<10000x128xf32, #tpu.memory_space<hbm>> -> memref<10000x128xf32, #tpu.memory_space<hbm>>
    tpu.wait_indirect_dma semaphore(%arg36 : memref<!tpu.dma_semaphore, #tpu.memory_space<semaphore_mem>>) src(%dma_wait3A_1000 : memref<10000x128xf32, #tpu.memory_space<hbm>>) dst(%arg25 : memref<80x128xf32, #tpu.memory_space<vmem>>)
    %get3A_1001 = arith.constant 0 : index
    %get3A_1002 = tpu.vector_load %arg11[%get3A_1001] {strides = array<i32>} : memref<80xi32, #tpu.memory_space<vmem>>, vector<16xi32>,
    %get3A_1003 = vector.shape_cast %get3A_1002 : vector<16xi32> to vector<16xi32>
    %get3A_1004 = arith.constant 0 : index
    %get3A_1005 = tpu.vector_load %arg17[%get3A_1004] {strides = array<i32>} : memref<80xi32, #tpu.memory_space<vmem>>, vector<16xi32>,
    %get3A_1006 = vector.shape_cast %get3A_1005 : vector<16xi32> to vector<16xi32>
    %ne3A_1007 = arith.cmpi ne, %get3A_1003, %get3A_1006 : vector<16xi32>
    %jit3A_1008 = arith.constant 10000 : i32
    %broadcast_in_dim3A_1009 = vector.broadcast %jit3A_1008 : i32 to vector<16xi32>
    %select_n3A_1010 = arith.select %ne3A_1007, %get3A_1006, %broadcast_in_dim3A_1009 : vector<16xi1>, vector<16xi32>
    %swap3A_1011 = arith.constant 0 : index
    %swap3A_1012 = tpu.vector_load %arg21[%swap3A_1011] {strides = array<i32>} : memref<80xi32, #tpu.memory_space<vmem>>, vector<16xi32>,
    %swap3A_1013 = vector.shape_cast %swap3A_1012 : vector<16xi32> to vector<16xi32>
    %swap3A_1014 = vector.shape_cast %select_n3A_1010 : vector<16xi32> to vector<16xi32>
    tpu.vector_store %arg21[%swap3A_1011], %swap3A_1014 {strides = array<i32>} : memref<80xi32, #tpu.memory_space<vmem>>, vector<16xi32>,
    %get3A_1015 = arith.constant 16 : index
    %get3A_1016 = tpu.vector_load %arg11[%get3A_1015] {strides = array<i32>} : memref<80xi32, #tpu.memory_space<vmem>>, vector<16xi32>,
    %get3A_1017 = vector.shape_cast %get3A_1016 : vector<16xi32> to vector<16xi32>
    %get3A_1018 = arith.constant 16 : index
    %get3A_1019 = tpu.vector_load %arg17[%get3A_1018] {strides = array<i32>} : memref<80xi32, #tpu.memory_space<vmem>>, vector<16xi32>,
    %get3A_1020 = vector.shape_cast %get3A_1019 : vector<16xi32> to vector<16xi32>
    %ne3A_1021 = arith.cmpi ne, %get3A_1017, %get3A_1020 : vector<16xi32>
    %jit3A_1022 = arith.constant 10000 : i32
    %broadcast_in_dim3A_1023 = vector.broadcast %jit3A_1022 : i32 to vector<16xi32>
    %select_n3A_1024 = arith.select %ne3A_1021, %get3A_1020, %broadcast_in_dim3A_1023 : vector<16xi1>, vector<16xi32>
    %swap3A_1025 = arith.constant 16 : index
    %swap3A_1026 = tpu.vector_load %arg21[%swap3A_1025] {strides = array<i32>} : memref<80xi32, #tpu.memory_space<vmem>>, vector<16xi32>,
    %swap3A_1027 = vector.shape_cast %swap3A_1026 : vector<16xi32> to vector<16xi32>
    %swap3A_1028 = vector.shape_cast %select_n3A_1024 : vector<16xi32> to vector<16xi32>
    tpu.vector_store %arg21[%swap3A_1025], %swap3A_1028 {strides = array<i32>} : memref<80xi32, #tpu.memory_space<vmem>>, vector<16xi32>,
    %get3A_1029 = arith.constant 32 : index
    %get3A_1030 = tpu.vector_load %arg11[%get3A_1029] {strides = array<i32>} : memref<80xi32, #tpu.memory_space<vmem>>, vector<16xi32>,
    %get3A_1031 = vector.shape_cast %get3A_1030 : vector<16xi32> to vector<16xi32>
    %get3A_1032 = arith.constant 32 : index
    %get3A_1033 = tpu.vector_load %arg17[%get3A_1032] {strides = array<i32>} : memref<80xi32, #tpu.memory_space<vmem>>, vector<16xi32>,
    %get3A_1034 = vector.shape_cast %get3A_1033 : vector<16xi32> to vector<16xi32>
    %ne3A_1035 = arith.cmpi ne, %get3A_1031, %get3A_1034 : vector<16xi32>
    %jit3A_1036 = arith.constant 10000 : i32
    %broadcast_in_dim3A_1037 = vector.broadcast %jit3A_1036 : i32 to vector<16xi32>
    %select_n3A_1038 = arith.select %ne3A_1035, %get3A_1034, %broadcast_in_dim3A_1037 : vector<16xi1>, vector<16xi32>
    %swap3A_1039 = arith.constant 32 : index
    %swap3A_1040 = tpu.vector_load %arg21[%swap3A_1039] {strides = array<i32>} : memref<80xi32, #tpu.memory_space<vmem>>, vector<16xi32>,
    %swap3A_1041 = vector.shape_cast %swap3A_1040 : vector<16xi32> to vector<16xi32>
    %swap3A_1042 = vector.shape_cast %select_n3A_1038 : vector<16xi32> to vector<16xi32>
    tpu.vector_store %arg21[%swap3A_1039], %swap3A_1042 {strides = array<i32>} : memref<80xi32, #tpu.memory_space<vmem>>, vector<16xi32>,
    %get3A_1043 = arith.constant 48 : index
    %get3A_1044 = tpu.vector_load %arg11[%get3A_1043] {strides = array<i32>} : memref<80xi32, #tpu.memory_space<vmem>>, vector<16xi32>,
    %get3A_1045 = vector.shape_cast %get3A_1044 : vector<16xi32> to vector<16xi32>
    %get3A_1046 = arith.constant 48 : index
    %get3A_1047 = tpu.vector_load %arg17[%get3A_1046] {strides = array<i32>} : memref<80xi32, #tpu.memory_space<vmem>>, vector<16xi32>,
    %get3A_1048 = vector.shape_cast %get3A_1047 : vector<16xi32> to vector<16xi32>
    %ne3A_1049 = arith.cmpi ne, %get3A_1045, %get3A_1048 : vector<16xi32>
    %jit3A_1050 = arith.constant 10000 : i32
    %broadcast_in_dim3A_1051 = vector.broadcast %jit3A_1050 : i32 to vector<16xi32>
    %select_n3A_1052 = arith.select %ne3A_1049, %get3A_1048, %broadcast_in_dim3A_1051 : vector<16xi1>, vector<16xi32>
    %swap3A_1053 = arith.constant 48 : index
    %swap3A_1054 = tpu.vector_load %arg21[%swap3A_1053] {strides = array<i32>} : memref<80xi32, #tpu.memory_space<vmem>>, vector<16xi32>,
    %swap3A_1055 = vector.shape_cast %swap3A_1054 : vector<16xi32> to vector<16xi32>
    %swap3A_1056 = vector.shape_cast %select_n3A_1052 : vector<16xi32> to vector<16xi32>
    tpu.vector_store %arg21[%swap3A_1053], %swap3A_1056 {strides = array<i32>} : memref<80xi32, #tpu.memory_space<vmem>>, vector<16xi32>,
    %get3A_1057 = arith.constant 64 : index
    %get3A_1058 = tpu.vector_load %arg11[%get3A_1057] {strides = array<i32>} : memref<80xi32, #tpu.memory_space<vmem>>, vector<16xi32>,
    %get3A_1059 = vector.shape_cast %get3A_1058 : vector<16xi32> to vector<16xi32>
    %get3A_1060 = arith.constant 64 : index
    %get3A_1061 = tpu.vector_load %arg17[%get3A_1060] {strides = array<i32>} : memref<80xi32, #tpu.memory_space<vmem>>, vector<16xi32>,
    %get3A_1062 = vector.shape_cast %get3A_1061 : vector<16xi32> to vector<16xi32>
    %ne3A_1063 = arith.cmpi ne, %get3A_1059, %get3A_1062 : vector<16xi32>
    %jit3A_1064 = arith.constant 10000 : i32
    %broadcast_in_dim3A_1065 = vector.broadcast %jit3A_1064 : i32 to vector<16xi32>
    %select_n3A_1066 = arith.select %ne3A_1063, %get3A_1062, %broadcast_in_dim3A_1065 : vector<16xi1>, vector<16xi32>
    %swap3A_1067 = arith.constant 64 : index
    %swap3A_1068 = tpu.vector_load %arg21[%swap3A_1067] {strides = array<i32>} : memref<80xi32, #tpu.memory_space<vmem>>, vector<16xi32>,
    %swap3A_1069 = vector.shape_cast %swap3A_1068 : vector<16xi32> to vector<16xi32>
    %swap3A_1070 = vector.shape_cast %select_n3A_1066 : vector<16xi32> to vector<16xi32>
    tpu.vector_store %arg21[%swap3A_1067], %swap3A_1070 {strides = array<i32>} : memref<80xi32, #tpu.memory_space<vmem>>, vector<16xi32>,
    %dma_start3A_1071 = arith.constant 0 : i32
    %dma_start3A_1072 = arith.constant 0 : i32
    %dma_start3A_1073 = tpu.memref_slice %arg27[%dma_start3A_1071, %dma_start3A_1072] : memref<10240x128xf32, #tpu.memory_space<vmem_shared>> -> memref<10240x128xf32, #tpu.memory_space<vmem_shared>>
    tpu.enqueue_indirect_dma source(%arg25 : memref<80x128xf32, #tpu.memory_space<vmem>>) target(%dma_start3A_1073 : memref<10240x128xf32, #tpu.memory_space<vmem_shared>>) offsets(%arg21 : memref<80xi32, #tpu.memory_space<vmem>>) semaphore(%arg40 : memref<!tpu.dma_semaphore, #tpu.memory_space<semaphore_mem>>) {add = true}
    %dma_wait3A_1074 = arith.constant 0 : i32
    %dma_wait3A_1075 = arith.constant 0 : i32
    %dma_wait3A_1076 = tpu.memref_slice %arg27[%dma_wait3A_1074, %dma_wait3A_1075] : memref<10240x128xf32, #tpu.memory_space<vmem_shared>> -> memref<10240x128xf32, #tpu.memory_space<vmem_shared>>
    tpu.wait_indirect_dma semaphore(%arg39 : memref<!tpu.dma_semaphore, #tpu.memory_space<semaphore_mem>>) src(%arg24 : memref<80x128xf32, #tpu.memory_space<vmem>>) dst(%dma_wait3A_1076 : memref<10240x128xf32, #tpu.memory_space<vmem_shared>>)
    %add3A_1077 = arith.constant 9840 : i32
    %add3A_1078 = arith.addi %mul3A_2, %add3A_1077 : i32
    %dma_start3A_1079 = tpu.memref_slice %arg3[%add3A_1078] : memref<320000xi32, #tpu.memory_space<hbm>> -> memref<80xi32, #tpu.memory_space<hbm>>
    %dma_start3A_1080 = tpu.memref_slice %arg3[%add3A_1078] : memref<320000xi32, #tpu.memory_space<hbm>> -> memref<80xi32, #tpu.memory_space<hbm>>
    tpu.enqueue_dma source(%dma_start3A_1080 : memref<80xi32, #tpu.memory_space<hbm>>) target(%arg10 : memref<80xi32, #tpu.memory_space<vmem>>) target_semaphore(%arg31 : memref<!tpu.dma_semaphore, #tpu.memory_space<semaphore_mem>>)
    %dma_start3A_1081 = tpu.memref_slice %arg4[%add3A_1078] : memref<320000xi32, #tpu.memory_space<hbm>> -> memref<80xi32, #tpu.memory_space<hbm>>
    %dma_start3A_1082 = tpu.memref_slice %arg4[%add3A_1078] : memref<320000xi32, #tpu.memory_space<hbm>> -> memref<80xi32, #tpu.memory_space<hbm>>
    tpu.enqueue_dma source(%dma_start3A_1082 : memref<80xi32, #tpu.memory_space<hbm>>) target(%arg16 : memref<80xi32, #tpu.memory_space<vmem>>) target_semaphore(%arg31 : memref<!tpu.dma_semaphore, #tpu.memory_space<semaphore_mem>>)
    %add3A_1083 = arith.constant 9680 : i32
    %add3A_1084 = arith.addi %mul3A_2, %add3A_1083 : i32
    %dma_wait3A_1085 = tpu.memref_slice %arg3[%add3A_1084] : memref<320000xi32, #tpu.memory_space<hbm>> -> memref<80xi32, #tpu.memory_space<hbm>>
    %dma_wait3A_1086 = tpu.memref_slice %arg3[%add3A_1084] : memref<320000xi32, #tpu.memory_space<hbm>> -> memref<80xi32, #tpu.memory_space<hbm>>
    tpu.wait_dma2 semaphore(%arg29 : memref<!tpu.dma_semaphore, #tpu.memory_space<semaphore_mem>>) src(%dma_wait3A_1086 : memref<80xi32, #tpu.memory_space<hbm>>) dst(%arg8 : memref<80xi32, #tpu.memory_space<vmem>>)
    %dma_wait3A_1087 = tpu.memref_slice %arg4[%add3A_1084] : memref<320000xi32, #tpu.memory_space<hbm>> -> memref<80xi32, #tpu.memory_space<hbm>>
    %dma_wait3A_1088 = tpu.memref_slice %arg4[%add3A_1084] : memref<320000xi32, #tpu.memory_space<hbm>> -> memref<80xi32, #tpu.memory_space<hbm>>
    tpu.wait_dma2 semaphore(%arg29 : memref<!tpu.dma_semaphore, #tpu.memory_space<semaphore_mem>>) src(%dma_wait3A_1088 : memref<80xi32, #tpu.memory_space<hbm>>) dst(%arg14 : memref<80xi32, #tpu.memory_space<vmem>>)
    %dma_start3A_1089 = arith.constant 0 : i32
    %dma_start3A_1090 = arith.constant 0 : i32
    %dma_start3A_1091 = tpu.memref_slice %arg2[%dma_start3A_1089, %dma_start3A_1090] : memref<10000x128xf32, #tpu.memory_space<hbm>> -> memref<10000x128xf32, #tpu.memory_space<hbm>>
    tpu.enqueue_indirect_dma source(%dma_start3A_1091 : memref<10000x128xf32, #tpu.memory_space<hbm>>) target(%arg24 : memref<80x128xf32, #tpu.memory_space<vmem>>) offsets(%arg8 : memref<80xi32, #tpu.memory_space<vmem>>) semaphore(%arg35 : memref<!tpu.dma_semaphore, #tpu.memory_space<semaphore_mem>>)
    %dma_wait3A_1092 = arith.constant 0 : i32
    %dma_wait3A_1093 = arith.constant 0 : i32
    %dma_wait3A_1094 = tpu.memref_slice %arg2[%dma_wait3A_1092, %dma_wait3A_1093] : memref<10000x128xf32, #tpu.memory_space<hbm>> -> memref<10000x128xf32, #tpu.memory_space<hbm>>
    tpu.wait_indirect_dma semaphore(%arg37 : memref<!tpu.dma_semaphore, #tpu.memory_space<semaphore_mem>>) src(%dma_wait3A_1094 : memref<10000x128xf32, #tpu.memory_space<hbm>>) dst(%arg26 : memref<80x128xf32, #tpu.memory_space<vmem>>)
    %get3A_1095 = arith.constant 0 : index
    %get3A_1096 = tpu.vector_load %arg12[%get3A_1095] {strides = array<i32>} : memref<80xi32, #tpu.memory_space<vmem>>, vector<16xi32>,
    %get3A_1097 = vector.shape_cast %get3A_1096 : vector<16xi32> to vector<16xi32>
    %get3A_1098 = arith.constant 0 : index
    %get3A_1099 = tpu.vector_load %arg18[%get3A_1098] {strides = array<i32>} : memref<80xi32, #tpu.memory_space<vmem>>, vector<16xi32>,
    %get3A_1100 = vector.shape_cast %get3A_1099 : vector<16xi32> to vector<16xi32>
    %ne3A_1101 = arith.cmpi ne, %get3A_1097, %get3A_1100 : vector<16xi32>
    %jit3A_1102 = arith.constant 10000 : i32
    %broadcast_in_dim3A_1103 = vector.broadcast %jit3A_1102 : i32 to vector<16xi32>
    %select_n3A_1104 = arith.select %ne3A_1101, %get3A_1100, %broadcast_in_dim3A_1103 : vector<16xi1>, vector<16xi32>
    %swap3A_1105 = arith.constant 0 : index
    %swap3A_1106 = tpu.vector_load %arg22[%swap3A_1105] {strides = array<i32>} : memref<80xi32, #tpu.memory_space<vmem>>, vector<16xi32>,
    %swap3A_1107 = vector.shape_cast %swap3A_1106 : vector<16xi32> to vector<16xi32>
    %swap3A_1108 = vector.shape_cast %select_n3A_1104 : vector<16xi32> to vector<16xi32>
    tpu.vector_store %arg22[%swap3A_1105], %swap3A_1108 {strides = array<i32>} : memref<80xi32, #tpu.memory_space<vmem>>, vector<16xi32>,
    %get3A_1109 = arith.constant 16 : index
    %get3A_1110 = tpu.vector_load %arg12[%get3A_1109] {strides = array<i32>} : memref<80xi32, #tpu.memory_space<vmem>>, vector<16xi32>,
    %get3A_1111 = vector.shape_cast %get3A_1110 : vector<16xi32> to vector<16xi32>
    %get3A_1112 = arith.constant 16 : index
    %get3A_1113 = tpu.vector_load %arg18[%get3A_1112] {strides = array<i32>} : memref<80xi32, #tpu.memory_space<vmem>>, vector<16xi32>,
    %get3A_1114 = vector.shape_cast %get3A_1113 : vector<16xi32> to vector<16xi32>
    %ne3A_1115 = arith.cmpi ne, %get3A_1111, %get3A_1114 : vector<16xi32>
    %jit3A_1116 = arith.constant 10000 : i32
    %broadcast_in_dim3A_1117 = vector.broadcast %jit3A_1116 : i32 to vector<16xi32>
    %select_n3A_1118 = arith.select %ne3A_1115, %get3A_1114, %broadcast_in_dim3A_1117 : vector<16xi1>, vector<16xi32>
    %swap3A_1119 = arith.constant 16 : index
    %swap3A_1120 = tpu.vector_load %arg22[%swap3A_1119] {strides = array<i32>} : memref<80xi32, #tpu.memory_space<vmem>>, vector<16xi32>,
    %swap3A_1121 = vector.shape_cast %swap3A_1120 : vector<16xi32> to vector<16xi32>
    %swap3A_1122 = vector.shape_cast %select_n3A_1118 : vector<16xi32> to vector<16xi32>
    tpu.vector_store %arg22[%swap3A_1119], %swap3A_1122 {strides = array<i32>} : memref<80xi32, #tpu.memory_space<vmem>>, vector<16xi32>,
    %get3A_1123 = arith.constant 32 : index
    %get3A_1124 = tpu.vector_load %arg12[%get3A_1123] {strides = array<i32>} : memref<80xi32, #tpu.memory_space<vmem>>, vector<16xi32>,
    %get3A_1125 = vector.shape_cast %get3A_1124 : vector<16xi32> to vector<16xi32>
    %get3A_1126 = arith.constant 32 : index
    %get3A_1127 = tpu.vector_load %arg18[%get3A_1126] {strides = array<i32>} : memref<80xi32, #tpu.memory_space<vmem>>, vector<16xi32>,
    %get3A_1128 = vector.shape_cast %get3A_1127 : vector<16xi32> to vector<16xi32>
    %ne3A_1129 = arith.cmpi ne, %get3A_1125, %get3A_1128 : vector<16xi32>
    %jit3A_1130 = arith.constant 10000 : i32
    %broadcast_in_dim3A_1131 = vector.broadcast %jit3A_1130 : i32 to vector<16xi32>
    %select_n3A_1132 = arith.select %ne3A_1129, %get3A_1128, %broadcast_in_dim3A_1131 : vector<16xi1>, vector<16xi32>
    %swap3A_1133 = arith.constant 32 : index
    %swap3A_1134 = tpu.vector_load %arg22[%swap3A_1133] {strides = array<i32>} : memref<80xi32, #tpu.memory_space<vmem>>, vector<16xi32>,
    %swap3A_1135 = vector.shape_cast %swap3A_1134 : vector<16xi32> to vector<16xi32>
    %swap3A_1136 = vector.shape_cast %select_n3A_1132 : vector<16xi32> to vector<16xi32>
    tpu.vector_store %arg22[%swap3A_1133], %swap3A_1136 {strides = array<i32>} : memref<80xi32, #tpu.memory_space<vmem>>, vector<16xi32>,
    %get3A_1137 = arith.constant 48 : index
    %get3A_1138 = tpu.vector_load %arg12[%get3A_1137] {strides = array<i32>} : memref<80xi32, #tpu.memory_space<vmem>>, vector<16xi32>,
    %get3A_1139 = vector.shape_cast %get3A_1138 : vector<16xi32> to vector<16xi32>
    %get3A_1140 = arith.constant 48 : index
    %get3A_1141 = tpu.vector_load %arg18[%get3A_1140] {strides = array<i32>} : memref<80xi32, #tpu.memory_space<vmem>>, vector<16xi32>,
    %get3A_1142 = vector.shape_cast %get3A_1141 : vector<16xi32> to vector<16xi32>
    %ne3A_1143 = arith.cmpi ne, %get3A_1139, %get3A_1142 : vector<16xi32>
    %jit3A_1144 = arith.constant 10000 : i32
    %broadcast_in_dim3A_1145 = vector.broadcast %jit3A_1144 : i32 to vector<16xi32>
    %select_n3A_1146 = arith.select %ne3A_1143, %get3A_1142, %broadcast_in_dim3A_1145 : vector<16xi1>, vector<16xi32>
    %swap3A_1147 = arith.constant 48 : index
    %swap3A_1148 = tpu.vector_load %arg22[%swap3A_1147] {strides = array<i32>} : memref<80xi32, #tpu.memory_space<vmem>>, vector<16xi32>,
    %swap3A_1149 = vector.shape_cast %swap3A_1148 : vector<16xi32> to vector<16xi32>
    %swap3A_1150 = vector.shape_cast %select_n3A_1146 : vector<16xi32> to vector<16xi32>
    tpu.vector_store %arg22[%swap3A_1147], %swap3A_1150 {strides = array<i32>} : memref<80xi32, #tpu.memory_space<vmem>>, vector<16xi32>,
    %get3A_1151 = arith.constant 64 : index
    %get3A_1152 = tpu.vector_load %arg12[%get3A_1151] {strides = array<i32>} : memref<80xi32, #tpu.memory_space<vmem>>, vector<16xi32>,
    %get3A_1153 = vector.shape_cast %get3A_1152 : vector<16xi32> to vector<16xi32>
    %get3A_1154 = arith.constant 64 : index
    %get3A_1155 = tpu.vector_load %arg18[%get3A_1154] {strides = array<i32>} : memref<80xi32, #tpu.memory_space<vmem>>, vector<16xi32>,
    %get3A_1156 = vector.shape_cast %get3A_1155 : vector<16xi32> to vector<16xi32>
    %ne3A_1157 = arith.cmpi ne, %get3A_1153, %get3A_1156 : vector<16xi32>
    %jit3A_1158 = arith.constant 10000 : i32
    %broadcast_in_dim3A_1159 = vector.broadcast %jit3A_1158 : i32 to vector<16xi32>
    %select_n3A_1160 = arith.select %ne3A_1157, %get3A_1156, %broadcast_in_dim3A_1159 : vector<16xi1>, vector<16xi32>
    %swap3A_1161 = arith.constant 64 : index
    %swap3A_1162 = tpu.vector_load %arg22[%swap3A_1161] {strides = array<i32>} : memref<80xi32, #tpu.memory_space<vmem>>, vector<16xi32>,
    %swap3A_1163 = vector.shape_cast %swap3A_1162 : vector<16xi32> to vector<16xi32>
    %swap3A_1164 = vector.shape_cast %select_n3A_1160 : vector<16xi32> to vector<16xi32>
    tpu.vector_store %arg22[%swap3A_1161], %swap3A_1164 {strides = array<i32>} : memref<80xi32, #tpu.memory_space<vmem>>, vector<16xi32>,
    %dma_start3A_1165 = arith.constant 0 : i32
    %dma_start3A_1166 = arith.constant 0 : i32
    %dma_start3A_1167 = tpu.memref_slice %arg27[%dma_start3A_1165, %dma_start3A_1166] : memref<10240x128xf32, #tpu.memory_space<vmem_shared>> -> memref<10240x128xf32, #tpu.memory_space<vmem_shared>>
    tpu.enqueue_indirect_dma source(%arg26 : memref<80x128xf32, #tpu.memory_space<vmem>>) target(%dma_start3A_1167 : memref<10240x128xf32, #tpu.memory_space<vmem_shared>>) offsets(%arg22 : memref<80xi32, #tpu.memory_space<vmem>>) semaphore(%arg41 : memref<!tpu.dma_semaphore, #tpu.memory_space<semaphore_mem>>) {add = true}
    %dma_wait3A_1168 = arith.constant 0 : i32
    %dma_wait3A_1169 = arith.constant 0 : i32
    %dma_wait3A_1170 = tpu.memref_slice %arg27[%dma_wait3A_1168, %dma_wait3A_1169] : memref<10240x128xf32, #tpu.memory_space<vmem_shared>> -> memref<10240x128xf32, #tpu.memory_space<vmem_shared>>
    tpu.wait_indirect_dma semaphore(%arg40 : memref<!tpu.dma_semaphore, #tpu.memory_space<semaphore_mem>>) src(%arg25 : memref<80x128xf32, #tpu.memory_space<vmem>>) dst(%dma_wait3A_1170 : memref<10240x128xf32, #tpu.memory_space<vmem_shared>>)
    %add3A_1171 = arith.constant 9920 : i32
    %add3A_1172 = arith.addi %mul3A_2, %add3A_1171 : i32
    %dma_start3A_1173 = tpu.memref_slice %arg3[%add3A_1172] : memref<320000xi32, #tpu.memory_space<hbm>> -> memref<80xi32, #tpu.memory_space<hbm>>
    %dma_start3A_1174 = tpu.memref_slice %arg3[%add3A_1172] : memref<320000xi32, #tpu.memory_space<hbm>> -> memref<80xi32, #tpu.memory_space<hbm>>
    tpu.enqueue_dma source(%dma_start3A_1174 : memref<80xi32, #tpu.memory_space<hbm>>) target(%arg11 : memref<80xi32, #tpu.memory_space<vmem>>) target_semaphore(%arg32 : memref<!tpu.dma_semaphore, #tpu.memory_space<semaphore_mem>>)
    %dma_start3A_1175 = tpu.memref_slice %arg4[%add3A_1172] : memref<320000xi32, #tpu.memory_space<hbm>> -> memref<80xi32, #tpu.memory_space<hbm>>
    %dma_start3A_1176 = tpu.memref_slice %arg4[%add3A_1172] : memref<320000xi32, #tpu.memory_space<hbm>> -> memref<80xi32, #tpu.memory_space<hbm>>
    tpu.enqueue_dma source(%dma_start3A_1176 : memref<80xi32, #tpu.memory_space<hbm>>) target(%arg17 : memref<80xi32, #tpu.memory_space<vmem>>) target_semaphore(%arg32 : memref<!tpu.dma_semaphore, #tpu.memory_space<semaphore_mem>>)
    %add3A_1177 = arith.constant 9760 : i32
    %add3A_1178 = arith.addi %mul3A_2, %add3A_1177 : i32
    %dma_wait3A_1179 = tpu.memref_slice %arg3[%add3A_1178] : memref<320000xi32, #tpu.memory_space<hbm>> -> memref<80xi32, #tpu.memory_space<hbm>>
    %dma_wait3A_1180 = tpu.memref_slice %arg3[%add3A_1178] : memref<320000xi32, #tpu.memory_space<hbm>> -> memref<80xi32, #tpu.memory_space<hbm>>
    tpu.wait_dma2 semaphore(%arg30 : memref<!tpu.dma_semaphore, #tpu.memory_space<semaphore_mem>>) src(%dma_wait3A_1180 : memref<80xi32, #tpu.memory_space<hbm>>) dst(%arg9 : memref<80xi32, #tpu.memory_space<vmem>>)
    %dma_wait3A_1181 = tpu.memref_slice %arg4[%add3A_1178] : memref<320000xi32, #tpu.memory_space<hbm>> -> memref<80xi32, #tpu.memory_space<hbm>>
    %dma_wait3A_1182 = tpu.memref_slice %arg4[%add3A_1178] : memref<320000xi32, #tpu.memory_space<hbm>> -> memref<80xi32, #tpu.memory_space<hbm>>
    tpu.wait_dma2 semaphore(%arg30 : memref<!tpu.dma_semaphore, #tpu.memory_space<semaphore_mem>>) src(%dma_wait3A_1182 : memref<80xi32, #tpu.memory_space<hbm>>) dst(%arg15 : memref<80xi32, #tpu.memory_space<vmem>>)
    %dma_start3A_1183 = arith.constant 0 : i32
    %dma_start3A_1184 = arith.constant 0 : i32
    %dma_start3A_1185 = tpu.memref_slice %arg2[%dma_start3A_1183, %dma_start3A_1184] : memref<10000x128xf32, #tpu.memory_space<hbm>> -> memref<10000x128xf32, #tpu.memory_space<hbm>>
    tpu.enqueue_indirect_dma source(%dma_start3A_1185 : memref<10000x128xf32, #tpu.memory_space<hbm>>) target(%arg25 : memref<80x128xf32, #tpu.memory_space<vmem>>) offsets(%arg9 : memref<80xi32, #tpu.memory_space<vmem>>) semaphore(%arg36 : memref<!tpu.dma_semaphore, #tpu.memory_space<semaphore_mem>>)
    %dma_wait3A_1186 = arith.constant 0 : i32
    %dma_wait3A_1187 = arith.constant 0 : i32
    %dma_wait3A_1188 = tpu.memref_slice %arg2[%dma_wait3A_1186, %dma_wait3A_1187] : memref<10000x128xf32, #tpu.memory_space<hbm>> -> memref<10000x128xf32, #tpu.memory_space<hbm>>
    tpu.wait_indirect_dma semaphore(%arg34 : memref<!tpu.dma_semaphore, #tpu.memory_space<semaphore_mem>>) src(%dma_wait3A_1188 : memref<10000x128xf32, #tpu.memory_space<hbm>>) dst(%arg23 : memref<80x128xf32, #tpu.memory_space<vmem>>)
    %get3A_1189 = arith.constant 0 : index
    %get3A_1190 = tpu.vector_load %arg7[%get3A_1189] {strides = array<i32>} : memref<80xi32, #tpu.memory_space<vmem>>, vector<16xi32>,
    %get3A_1191 = vector.shape_cast %get3A_1190 : vector<16xi32> to vector<16xi32>
    %get3A_1192 = arith.constant 0 : index
    %get3A_1193 = tpu.vector_load %arg13[%get3A_1192] {strides = array<i32>} : memref<80xi32, #tpu.memory_space<vmem>>, vector<16xi32>,
    %get3A_1194 = vector.shape_cast %get3A_1193 : vector<16xi32> to vector<16xi32>
    %ne3A_1195 = arith.cmpi ne, %get3A_1191, %get3A_1194 : vector<16xi32>
    %jit3A_1196 = arith.constant 10000 : i32
    %broadcast_in_dim3A_1197 = vector.broadcast %jit3A_1196 : i32 to vector<16xi32>
    %select_n3A_1198 = arith.select %ne3A_1195, %get3A_1194, %broadcast_in_dim3A_1197 : vector<16xi1>, vector<16xi32>
    %swap3A_1199 = arith.constant 0 : index
    %swap3A_1200 = tpu.vector_load %arg19[%swap3A_1199] {strides = array<i32>} : memref<80xi32, #tpu.memory_space<vmem>>, vector<16xi32>,
    %swap3A_1201 = vector.shape_cast %swap3A_1200 : vector<16xi32> to vector<16xi32>
    %swap3A_1202 = vector.shape_cast %select_n3A_1198 : vector<16xi32> to vector<16xi32>
    tpu.vector_store %arg19[%swap3A_1199], %swap3A_1202 {strides = array<i32>} : memref<80xi32, #tpu.memory_space<vmem>>, vector<16xi32>,
    %get3A_1203 = arith.constant 16 : index
    %get3A_1204 = tpu.vector_load %arg7[%get3A_1203] {strides = array<i32>} : memref<80xi32, #tpu.memory_space<vmem>>, vector<16xi32>,
    %get3A_1205 = vector.shape_cast %get3A_1204 : vector<16xi32> to vector<16xi32>
    %get3A_1206 = arith.constant 16 : index
    %get3A_1207 = tpu.vector_load %arg13[%get3A_1206] {strides = array<i32>} : memref<80xi32, #tpu.memory_space<vmem>>, vector<16xi32>,
    %get3A_1208 = vector.shape_cast %get3A_1207 : vector<16xi32> to vector<16xi32>
    %ne3A_1209 = arith.cmpi ne, %get3A_1205, %get3A_1208 : vector<16xi32>
    %jit3A_1210 = arith.constant 10000 : i32
    %broadcast_in_dim3A_1211 = vector.broadcast %jit3A_1210 : i32 to vector<16xi32>
    %select_n3A_1212 = arith.select %ne3A_1209, %get3A_1208, %broadcast_in_dim3A_1211 : vector<16xi1>, vector<16xi32>
    %swap3A_1213 = arith.constant 16 : index
    %swap3A_1214 = tpu.vector_load %arg19[%swap3A_1213] {strides = array<i32>} : memref<80xi32, #tpu.memory_space<vmem>>, vector<16xi32>,
    %swap3A_1215 = vector.shape_cast %swap3A_1214 : vector<16xi32> to vector<16xi32>
    %swap3A_1216 = vector.shape_cast %select_n3A_1212 : vector<16xi32> to vector<16xi32>
    tpu.vector_store %arg19[%swap3A_1213], %swap3A_1216 {strides = array<i32>} : memref<80xi32, #tpu.memory_space<vmem>>, vector<16xi32>,
    %get3A_1217 = arith.constant 32 : index
    %get3A_1218 = tpu.vector_load %arg7[%get3A_1217] {strides = array<i32>} : memref<80xi32, #tpu.memory_space<vmem>>, vector<16xi32>,
    %get3A_1219 = vector.shape_cast %get3A_1218 : vector<16xi32> to vector<16xi32>
    %get3A_1220 = arith.constant 32 : index
    %get3A_1221 = tpu.vector_load %arg13[%get3A_1220] {strides = array<i32>} : memref<80xi32, #tpu.memory_space<vmem>>, vector<16xi32>,
    %get3A_1222 = vector.shape_cast %get3A_1221 : vector<16xi32> to vector<16xi32>
    %ne3A_1223 = arith.cmpi ne, %get3A_1219, %get3A_1222 : vector<16xi32>
    %jit3A_1224 = arith.constant 10000 : i32
    %broadcast_in_dim3A_1225 = vector.broadcast %jit3A_1224 : i32 to vector<16xi32>
    %select_n3A_1226 = arith.select %ne3A_1223, %get3A_1222, %broadcast_in_dim3A_1225 : vector<16xi1>, vector<16xi32>
    %swap3A_1227 = arith.constant 32 : index
    %swap3A_1228 = tpu.vector_load %arg19[%swap3A_1227] {strides = array<i32>} : memref<80xi32, #tpu.memory_space<vmem>>, vector<16xi32>,
    %swap3A_1229 = vector.shape_cast %swap3A_1228 : vector<16xi32> to vector<16xi32>
    %swap3A_1230 = vector.shape_cast %select_n3A_1226 : vector<16xi32> to vector<16xi32>
    tpu.vector_store %arg19[%swap3A_1227], %swap3A_1230 {strides = array<i32>} : memref<80xi32, #tpu.memory_space<vmem>>, vector<16xi32>,
    %get3A_1231 = arith.constant 48 : index
    %get3A_1232 = tpu.vector_load %arg7[%get3A_1231] {strides = array<i32>} : memref<80xi32, #tpu.memory_space<vmem>>, vector<16xi32>,
    %get3A_1233 = vector.shape_cast %get3A_1232 : vector<16xi32> to vector<16xi32>
    %get3A_1234 = arith.constant 48 : index
    %get3A_1235 = tpu.vector_load %arg13[%get3A_1234] {strides = array<i32>} : memref<80xi32, #tpu.memory_space<vmem>>, vector<16xi32>,
    %get3A_1236 = vector.shape_cast %get3A_1235 : vector<16xi32> to vector<16xi32>
    %ne3A_1237 = arith.cmpi ne, %get3A_1233, %get3A_1236 : vector<16xi32>
    %jit3A_1238 = arith.constant 10000 : i32
    %broadcast_in_dim3A_1239 = vector.broadcast %jit3A_1238 : i32 to vector<16xi32>
    %select_n3A_1240 = arith.select %ne3A_1237, %get3A_1236, %broadcast_in_dim3A_1239 : vector<16xi1>, vector<16xi32>
    %swap3A_1241 = arith.constant 48 : index
    %swap3A_1242 = tpu.vector_load %arg19[%swap3A_1241] {strides = array<i32>} : memref<80xi32, #tpu.memory_space<vmem>>, vector<16xi32>,
    %swap3A_1243 = vector.shape_cast %swap3A_1242 : vector<16xi32> to vector<16xi32>
    %swap3A_1244 = vector.shape_cast %select_n3A_1240 : vector<16xi32> to vector<16xi32>
    tpu.vector_store %arg19[%swap3A_1241], %swap3A_1244 {strides = array<i32>} : memref<80xi32, #tpu.memory_space<vmem>>, vector<16xi32>,
    %get3A_1245 = arith.constant 64 : index
    %get3A_1246 = tpu.vector_load %arg7[%get3A_1245] {strides = array<i32>} : memref<80xi32, #tpu.memory_space<vmem>>, vector<16xi32>,
    %get3A_1247 = vector.shape_cast %get3A_1246 : vector<16xi32> to vector<16xi32>
    %get3A_1248 = arith.constant 64 : index
    %get3A_1249 = tpu.vector_load %arg13[%get3A_1248] {strides = array<i32>} : memref<80xi32, #tpu.memory_space<vmem>>, vector<16xi32>,
    %get3A_1250 = vector.shape_cast %get3A_1249 : vector<16xi32> to vector<16xi32>
    %ne3A_1251 = arith.cmpi ne, %get3A_1247, %get3A_1250 : vector<16xi32>
    %jit3A_1252 = arith.constant 10000 : i32
    %broadcast_in_dim3A_1253 = vector.broadcast %jit3A_1252 : i32 to vector<16xi32>
    %select_n3A_1254 = arith.select %ne3A_1251, %get3A_1250, %broadcast_in_dim3A_1253 : vector<16xi1>, vector<16xi32>
    %swap3A_1255 = arith.constant 64 : index
    %swap3A_1256 = tpu.vector_load %arg19[%swap3A_1255] {strides = array<i32>} : memref<80xi32, #tpu.memory_space<vmem>>, vector<16xi32>,
    %swap3A_1257 = vector.shape_cast %swap3A_1256 : vector<16xi32> to vector<16xi32>
    %swap3A_1258 = vector.shape_cast %select_n3A_1254 : vector<16xi32> to vector<16xi32>
    tpu.vector_store %arg19[%swap3A_1255], %swap3A_1258 {strides = array<i32>} : memref<80xi32, #tpu.memory_space<vmem>>, vector<16xi32>,
    %dma_start3A_1259 = arith.constant 0 : i32
    %dma_start3A_1260 = arith.constant 0 : i32
    %dma_start3A_1261 = tpu.memref_slice %arg27[%dma_start3A_1259, %dma_start3A_1260] : memref<10240x128xf32, #tpu.memory_space<vmem_shared>> -> memref<10240x128xf32, #tpu.memory_space<vmem_shared>>
    tpu.enqueue_indirect_dma source(%arg23 : memref<80x128xf32, #tpu.memory_space<vmem>>) target(%dma_start3A_1261 : memref<10240x128xf32, #tpu.memory_space<vmem_shared>>) offsets(%arg19 : memref<80xi32, #tpu.memory_space<vmem>>) semaphore(%arg38 : memref<!tpu.dma_semaphore, #tpu.memory_space<semaphore_mem>>) {add = true}
    %dma_wait3A_1262 = arith.constant 0 : i32
    %dma_wait3A_1263 = arith.constant 0 : i32
    %dma_wait3A_1264 = tpu.memref_slice %arg27[%dma_wait3A_1262, %dma_wait3A_1263] : memref<10240x128xf32, #tpu.memory_space<vmem_shared>> -> memref<10240x128xf32, #tpu.memory_space<vmem_shared>>
    tpu.wait_indirect_dma semaphore(%arg41 : memref<!tpu.dma_semaphore, #tpu.memory_space<semaphore_mem>>) src(%arg26 : memref<80x128xf32, #tpu.memory_space<vmem>>) dst(%dma_wait3A_1264 : memref<10240x128xf32, #tpu.memory_space<vmem_shared>>)
    %add3A_1265 = arith.constant 9840 : i32
    %add3A_1266 = arith.addi %mul3A_2, %add3A_1265 : i32
    %dma_wait3A_1267 = tpu.memref_slice %arg3[%add3A_1266] : memref<320000xi32, #tpu.memory_space<hbm>> -> memref<80xi32, #tpu.memory_space<hbm>>
    %dma_wait3A_1268 = tpu.memref_slice %arg3[%add3A_1266] : memref<320000xi32, #tpu.memory_space<hbm>> -> memref<80xi32, #tpu.memory_space<hbm>>
    tpu.wait_dma2 semaphore(%arg31 : memref<!tpu.dma_semaphore, #tpu.memory_space<semaphore_mem>>) src(%dma_wait3A_1268 : memref<80xi32, #tpu.memory_space<hbm>>) dst(%arg10 : memref<80xi32, #tpu.memory_space<vmem>>)
    %dma_wait3A_1269 = tpu.memref_slice %arg4[%add3A_1266] : memref<320000xi32, #tpu.memory_space<hbm>> -> memref<80xi32, #tpu.memory_space<hbm>>
    %dma_wait3A_1270 = tpu.memref_slice %arg4[%add3A_1266] : memref<320000xi32, #tpu.memory_space<hbm>> -> memref<80xi32, #tpu.memory_space<hbm>>
    tpu.wait_dma2 semaphore(%arg31 : memref<!tpu.dma_semaphore, #tpu.memory_space<semaphore_mem>>) src(%dma_wait3A_1270 : memref<80xi32, #tpu.memory_space<hbm>>) dst(%arg16 : memref<80xi32, #tpu.memory_space<vmem>>)
    %dma_start3A_1271 = arith.constant 0 : i32
    %dma_start3A_1272 = arith.constant 0 : i32
    %dma_start3A_1273 = tpu.memref_slice %arg2[%dma_start3A_1271, %dma_start3A_1272] : memref<10000x128xf32, #tpu.memory_space<hbm>> -> memref<10000x128xf32, #tpu.memory_space<hbm>>
    tpu.enqueue_indirect_dma source(%dma_start3A_1273 : memref<10000x128xf32, #tpu.memory_space<hbm>>) target(%arg26 : memref<80x128xf32, #tpu.memory_space<vmem>>) offsets(%arg10 : memref<80xi32, #tpu.memory_space<vmem>>) semaphore(%arg37 : memref<!tpu.dma_semaphore, #tpu.memory_space<semaphore_mem>>)
    %dma_wait3A_1274 = arith.constant 0 : i32
    %dma_wait3A_1275 = arith.constant 0 : i32
    %dma_wait3A_1276 = tpu.memref_slice %arg2[%dma_wait3A_1274, %dma_wait3A_1275] : memref<10000x128xf32, #tpu.memory_space<hbm>> -> memref<10000x128xf32, #tpu.memory_space<hbm>>
    tpu.wait_indirect_dma semaphore(%arg35 : memref<!tpu.dma_semaphore, #tpu.memory_space<semaphore_mem>>) src(%dma_wait3A_1276 : memref<10000x128xf32, #tpu.memory_space<hbm>>) dst(%arg24 : memref<80x128xf32, #tpu.memory_space<vmem>>)
    %get3A_1277 = arith.constant 0 : index
    %get3A_1278 = tpu.vector_load %arg8[%get3A_1277] {strides = array<i32>} : memref<80xi32, #tpu.memory_space<vmem>>, vector<16xi32>,
    %get3A_1279 = vector.shape_cast %get3A_1278 : vector<16xi32> to vector<16xi32>
    %get3A_1280 = arith.constant 0 : index
    %get3A_1281 = tpu.vector_load %arg14[%get3A_1280] {strides = array<i32>} : memref<80xi32, #tpu.memory_space<vmem>>, vector<16xi32>,
    %get3A_1282 = vector.shape_cast %get3A_1281 : vector<16xi32> to vector<16xi32>
    %ne3A_1283 = arith.cmpi ne, %get3A_1279, %get3A_1282 : vector<16xi32>
    %jit3A_1284 = arith.constant 10000 : i32
    %broadcast_in_dim3A_1285 = vector.broadcast %jit3A_1284 : i32 to vector<16xi32>
    %select_n3A_1286 = arith.select %ne3A_1283, %get3A_1282, %broadcast_in_dim3A_1285 : vector<16xi1>, vector<16xi32>
    %swap3A_1287 = arith.constant 0 : index
    %swap3A_1288 = tpu.vector_load %arg20[%swap3A_1287] {strides = array<i32>} : memref<80xi32, #tpu.memory_space<vmem>>, vector<16xi32>,
    %swap3A_1289 = vector.shape_cast %swap3A_1288 : vector<16xi32> to vector<16xi32>
    %swap3A_1290 = vector.shape_cast %select_n3A_1286 : vector<16xi32> to vector<16xi32>
    tpu.vector_store %arg20[%swap3A_1287], %swap3A_1290 {strides = array<i32>} : memref<80xi32, #tpu.memory_space<vmem>>, vector<16xi32>,
    %get3A_1291 = arith.constant 16 : index
    %get3A_1292 = tpu.vector_load %arg8[%get3A_1291] {strides = array<i32>} : memref<80xi32, #tpu.memory_space<vmem>>, vector<16xi32>,
    %get3A_1293 = vector.shape_cast %get3A_1292 : vector<16xi32> to vector<16xi32>
    %get3A_1294 = arith.constant 16 : index
    %get3A_1295 = tpu.vector_load %arg14[%get3A_1294] {strides = array<i32>} : memref<80xi32, #tpu.memory_space<vmem>>, vector<16xi32>,
    %get3A_1296 = vector.shape_cast %get3A_1295 : vector<16xi32> to vector<16xi32>
    %ne3A_1297 = arith.cmpi ne, %get3A_1293, %get3A_1296 : vector<16xi32>
    %jit3A_1298 = arith.constant 10000 : i32
    %broadcast_in_dim3A_1299 = vector.broadcast %jit3A_1298 : i32 to vector<16xi32>
    %select_n3A_1300 = arith.select %ne3A_1297, %get3A_1296, %broadcast_in_dim3A_1299 : vector<16xi1>, vector<16xi32>
    %swap3A_1301 = arith.constant 16 : index
    %swap3A_1302 = tpu.vector_load %arg20[%swap3A_1301] {strides = array<i32>} : memref<80xi32, #tpu.memory_space<vmem>>, vector<16xi32>,
    %swap3A_1303 = vector.shape_cast %swap3A_1302 : vector<16xi32> to vector<16xi32>
    %swap3A_1304 = vector.shape_cast %select_n3A_1300 : vector<16xi32> to vector<16xi32>
    tpu.vector_store %arg20[%swap3A_1301], %swap3A_1304 {strides = array<i32>} : memref<80xi32, #tpu.memory_space<vmem>>, vector<16xi32>,
    %get3A_1305 = arith.constant 32 : index
    %get3A_1306 = tpu.vector_load %arg8[%get3A_1305] {strides = array<i32>} : memref<80xi32, #tpu.memory_space<vmem>>, vector<16xi32>,
    %get3A_1307 = vector.shape_cast %get3A_1306 : vector<16xi32> to vector<16xi32>
    %get3A_1308 = arith.constant 32 : index
    %get3A_1309 = tpu.vector_load %arg14[%get3A_1308] {strides = array<i32>} : memref<80xi32, #tpu.memory_space<vmem>>, vector<16xi32>,
    %get3A_1310 = vector.shape_cast %get3A_1309 : vector<16xi32> to vector<16xi32>
    %ne3A_1311 = arith.cmpi ne, %get3A_1307, %get3A_1310 : vector<16xi32>
    %jit3A_1312 = arith.constant 10000 : i32
    %broadcast_in_dim3A_1313 = vector.broadcast %jit3A_1312 : i32 to vector<16xi32>
    %select_n3A_1314 = arith.select %ne3A_1311, %get3A_1310, %broadcast_in_dim3A_1313 : vector<16xi1>, vector<16xi32>
    %swap3A_1315 = arith.constant 32 : index
    %swap3A_1316 = tpu.vector_load %arg20[%swap3A_1315] {strides = array<i32>} : memref<80xi32, #tpu.memory_space<vmem>>, vector<16xi32>,
    %swap3A_1317 = vector.shape_cast %swap3A_1316 : vector<16xi32> to vector<16xi32>
    %swap3A_1318 = vector.shape_cast %select_n3A_1314 : vector<16xi32> to vector<16xi32>
    tpu.vector_store %arg20[%swap3A_1315], %swap3A_1318 {strides = array<i32>} : memref<80xi32, #tpu.memory_space<vmem>>, vector<16xi32>,
    %get3A_1319 = arith.constant 48 : index
    %get3A_1320 = tpu.vector_load %arg8[%get3A_1319] {strides = array<i32>} : memref<80xi32, #tpu.memory_space<vmem>>, vector<16xi32>,
    %get3A_1321 = vector.shape_cast %get3A_1320 : vector<16xi32> to vector<16xi32>
    %get3A_1322 = arith.constant 48 : index
    %get3A_1323 = tpu.vector_load %arg14[%get3A_1322] {strides = array<i32>} : memref<80xi32, #tpu.memory_space<vmem>>, vector<16xi32>,
    %get3A_1324 = vector.shape_cast %get3A_1323 : vector<16xi32> to vector<16xi32>
    %ne3A_1325 = arith.cmpi ne, %get3A_1321, %get3A_1324 : vector<16xi32>
    %jit3A_1326 = arith.constant 10000 : i32
    %broadcast_in_dim3A_1327 = vector.broadcast %jit3A_1326 : i32 to vector<16xi32>
    %select_n3A_1328 = arith.select %ne3A_1325, %get3A_1324, %broadcast_in_dim3A_1327 : vector<16xi1>, vector<16xi32>
    %swap3A_1329 = arith.constant 48 : index
    %swap3A_1330 = tpu.vector_load %arg20[%swap3A_1329] {strides = array<i32>} : memref<80xi32, #tpu.memory_space<vmem>>, vector<16xi32>,
    %swap3A_1331 = vector.shape_cast %swap3A_1330 : vector<16xi32> to vector<16xi32>
    %swap3A_1332 = vector.shape_cast %select_n3A_1328 : vector<16xi32> to vector<16xi32>
    tpu.vector_store %arg20[%swap3A_1329], %swap3A_1332 {strides = array<i32>} : memref<80xi32, #tpu.memory_space<vmem>>, vector<16xi32>,
    %get3A_1333 = arith.constant 64 : index
    %get3A_1334 = tpu.vector_load %arg8[%get3A_1333] {strides = array<i32>} : memref<80xi32, #tpu.memory_space<vmem>>, vector<16xi32>,
    %get3A_1335 = vector.shape_cast %get3A_1334 : vector<16xi32> to vector<16xi32>
    %get3A_1336 = arith.constant 64 : index
    %get3A_1337 = tpu.vector_load %arg14[%get3A_1336] {strides = array<i32>} : memref<80xi32, #tpu.memory_space<vmem>>, vector<16xi32>,
    %get3A_1338 = vector.shape_cast %get3A_1337 : vector<16xi32> to vector<16xi32>
    %ne3A_1339 = arith.cmpi ne, %get3A_1335, %get3A_1338 : vector<16xi32>
    %jit3A_1340 = arith.constant 10000 : i32
    %broadcast_in_dim3A_1341 = vector.broadcast %jit3A_1340 : i32 to vector<16xi32>
    %select_n3A_1342 = arith.select %ne3A_1339, %get3A_1338, %broadcast_in_dim3A_1341 : vector<16xi1>, vector<16xi32>
    %swap3A_1343 = arith.constant 64 : index
    %swap3A_1344 = tpu.vector_load %arg20[%swap3A_1343] {strides = array<i32>} : memref<80xi32, #tpu.memory_space<vmem>>, vector<16xi32>,
    %swap3A_1345 = vector.shape_cast %swap3A_1344 : vector<16xi32> to vector<16xi32>
    %swap3A_1346 = vector.shape_cast %select_n3A_1342 : vector<16xi32> to vector<16xi32>
    tpu.vector_store %arg20[%swap3A_1343], %swap3A_1346 {strides = array<i32>} : memref<80xi32, #tpu.memory_space<vmem>>, vector<16xi32>,
    %dma_start3A_1347 = arith.constant 0 : i32
    %dma_start3A_1348 = arith.constant 0 : i32
    %dma_start3A_1349 = tpu.memref_slice %arg27[%dma_start3A_1347, %dma_start3A_1348] : memref<10240x128xf32, #tpu.memory_space<vmem_shared>> -> memref<10240x128xf32, #tpu.memory_space<vmem_shared>>
    tpu.enqueue_indirect_dma source(%arg24 : memref<80x128xf32, #tpu.memory_space<vmem>>) target(%dma_start3A_1349 : memref<10240x128xf32, #tpu.memory_space<vmem_shared>>) offsets(%arg20 : memref<80xi32, #tpu.memory_space<vmem>>) semaphore(%arg39 : memref<!tpu.dma_semaphore, #tpu.memory_space<semaphore_mem>>) {add = true}
    %dma_wait3A_1350 = arith.constant 0 : i32
    %dma_wait3A_1351 = arith.constant 0 : i32
    %dma_wait3A_1352 = tpu.memref_slice %arg27[%dma_wait3A_1350, %dma_wait3A_1351] : memref<10240x128xf32, #tpu.memory_space<vmem_shared>> -> memref<10240x128xf32, #tpu.memory_space<vmem_shared>>
    tpu.wait_indirect_dma semaphore(%arg38 : memref<!tpu.dma_semaphore, #tpu.memory_space<semaphore_mem>>) src(%arg23 : memref<80x128xf32, #tpu.memory_space<vmem>>) dst(%dma_wait3A_1352 : memref<10240x128xf32, #tpu.memory_space<vmem_shared>>)
    %add3A_1353 = arith.constant 9920 : i32
    %add3A_1354 = arith.addi %mul3A_2, %add3A_1353 : i32
    %dma_wait3A_1355 = tpu.memref_slice %arg3[%add3A_1354] : memref<320000xi32, #tpu.memory_space<hbm>> -> memref<80xi32, #tpu.memory_space<hbm>>
    %dma_wait3A_1356 = tpu.memref_slice %arg3[%add3A_1354] : memref<320000xi32, #tpu.memory_space<hbm>> -> memref<80xi32, #tpu.memory_space<hbm>>
    tpu.wait_dma2 semaphore(%arg32 : memref<!tpu.dma_semaphore, #tpu.memory_space<semaphore_mem>>) src(%dma_wait3A_1356 : memref<80xi32, #tpu.memory_space<hbm>>) dst(%arg11 : memref<80xi32, #tpu.memory_space<vmem>>)
    %dma_wait3A_1357 = tpu.memref_slice %arg4[%add3A_1354] : memref<320000xi32, #tpu.memory_space<hbm>> -> memref<80xi32, #tpu.memory_space<hbm>>
    %dma_wait3A_1358 = tpu.memref_slice %arg4[%add3A_1354] : memref<320000xi32, #tpu.memory_space<hbm>> -> memref<80xi32, #tpu.memory_space<hbm>>
    tpu.wait_dma2 semaphore(%arg32 : memref<!tpu.dma_semaphore, #tpu.memory_space<semaphore_mem>>) src(%dma_wait3A_1358 : memref<80xi32, #tpu.memory_space<hbm>>) dst(%arg17 : memref<80xi32, #tpu.memory_space<vmem>>)
    %dma_start3A_1359 = arith.constant 0 : i32
    %dma_start3A_1360 = arith.constant 0 : i32
    %dma_start3A_1361 = tpu.memref_slice %arg2[%dma_start3A_1359, %dma_start3A_1360] : memref<10000x128xf32, #tpu.memory_space<hbm>> -> memref<10000x128xf32, #tpu.memory_space<hbm>>
    tpu.enqueue_indirect_dma source(%dma_start3A_1361 : memref<10000x128xf32, #tpu.memory_space<hbm>>) target(%arg23 : memref<80x128xf32, #tpu.memory_space<vmem>>) offsets(%arg11 : memref<80xi32, #tpu.memory_space<vmem>>) semaphore(%arg34 : memref<!tpu.dma_semaphore, #tpu.memory_space<semaphore_mem>>)
    %dma_wait3A_1362 = arith.constant 0 : i32
    %dma_wait3A_1363 = arith.constant 0 : i32
    %dma_wait3A_1364 = tpu.memref_slice %arg2[%dma_wait3A_1362, %dma_wait3A_1363] : memref<10000x128xf32, #tpu.memory_space<hbm>> -> memref<10000x128xf32, #tpu.memory_space<hbm>>
    tpu.wait_indirect_dma semaphore(%arg36 : memref<!tpu.dma_semaphore, #tpu.memory_space<semaphore_mem>>) src(%dma_wait3A_1364 : memref<10000x128xf32, #tpu.memory_space<hbm>>) dst(%arg25 : memref<80x128xf32, #tpu.memory_space<vmem>>)
    %get3A_1365 = arith.constant 0 : index
    %get3A_1366 = tpu.vector_load %arg9[%get3A_1365] {strides = array<i32>} : memref<80xi32, #tpu.memory_space<vmem>>, vector<16xi32>,
    %get3A_1367 = vector.shape_cast %get3A_1366 : vector<16xi32> to vector<16xi32>
    %get3A_1368 = arith.constant 0 : index
    %get3A_1369 = tpu.vector_load %arg15[%get3A_1368] {strides = array<i32>} : memref<80xi32, #tpu.memory_space<vmem>>, vector<16xi32>,
    %get3A_1370 = vector.shape_cast %get3A_1369 : vector<16xi32> to vector<16xi32>
    %ne3A_1371 = arith.cmpi ne, %get3A_1367, %get3A_1370 : vector<16xi32>
    %jit3A_1372 = arith.constant 10000 : i32
    %broadcast_in_dim3A_1373 = vector.broadcast %jit3A_1372 : i32 to vector<16xi32>
    %select_n3A_1374 = arith.select %ne3A_1371, %get3A_1370, %broadcast_in_dim3A_1373 : vector<16xi1>, vector<16xi32>
    %swap3A_1375 = arith.constant 0 : index
    %swap3A_1376 = tpu.vector_load %arg21[%swap3A_1375] {strides = array<i32>} : memref<80xi32, #tpu.memory_space<vmem>>, vector<16xi32>,
    %swap3A_1377 = vector.shape_cast %swap3A_1376 : vector<16xi32> to vector<16xi32>
    %swap3A_1378 = vector.shape_cast %select_n3A_1374 : vector<16xi32> to vector<16xi32>
    tpu.vector_store %arg21[%swap3A_1375], %swap3A_1378 {strides = array<i32>} : memref<80xi32, #tpu.memory_space<vmem>>, vector<16xi32>,
    %get3A_1379 = arith.constant 16 : index
    %get3A_1380 = tpu.vector_load %arg9[%get3A_1379] {strides = array<i32>} : memref<80xi32, #tpu.memory_space<vmem>>, vector<16xi32>,
    %get3A_1381 = vector.shape_cast %get3A_1380 : vector<16xi32> to vector<16xi32>
    %get3A_1382 = arith.constant 16 : index
    %get3A_1383 = tpu.vector_load %arg15[%get3A_1382] {strides = array<i32>} : memref<80xi32, #tpu.memory_space<vmem>>, vector<16xi32>,
    %get3A_1384 = vector.shape_cast %get3A_1383 : vector<16xi32> to vector<16xi32>
    %ne3A_1385 = arith.cmpi ne, %get3A_1381, %get3A_1384 : vector<16xi32>
    %jit3A_1386 = arith.constant 10000 : i32
    %broadcast_in_dim3A_1387 = vector.broadcast %jit3A_1386 : i32 to vector<16xi32>
    %select_n3A_1388 = arith.select %ne3A_1385, %get3A_1384, %broadcast_in_dim3A_1387 : vector<16xi1>, vector<16xi32>
    %swap3A_1389 = arith.constant 16 : index
    %swap3A_1390 = tpu.vector_load %arg21[%swap3A_1389] {strides = array<i32>} : memref<80xi32, #tpu.memory_space<vmem>>, vector<16xi32>,
    %swap3A_1391 = vector.shape_cast %swap3A_1390 : vector<16xi32> to vector<16xi32>
    %swap3A_1392 = vector.shape_cast %select_n3A_1388 : vector<16xi32> to vector<16xi32>
    tpu.vector_store %arg21[%swap3A_1389], %swap3A_1392 {strides = array<i32>} : memref<80xi32, #tpu.memory_space<vmem>>, vector<16xi32>,
    %get3A_1393 = arith.constant 32 : index
    %get3A_1394 = tpu.vector_load %arg9[%get3A_1393] {strides = array<i32>} : memref<80xi32, #tpu.memory_space<vmem>>, vector<16xi32>,
    %get3A_1395 = vector.shape_cast %get3A_1394 : vector<16xi32> to vector<16xi32>
    %get3A_1396 = arith.constant 32 : index
    %get3A_1397 = tpu.vector_load %arg15[%get3A_1396] {strides = array<i32>} : memref<80xi32, #tpu.memory_space<vmem>>, vector<16xi32>,
    %get3A_1398 = vector.shape_cast %get3A_1397 : vector<16xi32> to vector<16xi32>
    %ne3A_1399 = arith.cmpi ne, %get3A_1395, %get3A_1398 : vector<16xi32>
    %jit3A_1400 = arith.constant 10000 : i32
    %broadcast_in_dim3A_1401 = vector.broadcast %jit3A_1400 : i32 to vector<16xi32>
    %select_n3A_1402 = arith.select %ne3A_1399, %get3A_1398, %broadcast_in_dim3A_1401 : vector<16xi1>, vector<16xi32>
    %swap3A_1403 = arith.constant 32 : index
    %swap3A_1404 = tpu.vector_load %arg21[%swap3A_1403] {strides = array<i32>} : memref<80xi32, #tpu.memory_space<vmem>>, vector<16xi32>,
    %swap3A_1405 = vector.shape_cast %swap3A_1404 : vector<16xi32> to vector<16xi32>
    %swap3A_1406 = vector.shape_cast %select_n3A_1402 : vector<16xi32> to vector<16xi32>
    tpu.vector_store %arg21[%swap3A_1403], %swap3A_1406 {strides = array<i32>} : memref<80xi32, #tpu.memory_space<vmem>>, vector<16xi32>,
    %get3A_1407 = arith.constant 48 : index
    %get3A_1408 = tpu.vector_load %arg9[%get3A_1407] {strides = array<i32>} : memref<80xi32, #tpu.memory_space<vmem>>, vector<16xi32>,
    %get3A_1409 = vector.shape_cast %get3A_1408 : vector<16xi32> to vector<16xi32>
    %get3A_1410 = arith.constant 48 : index
    %get3A_1411 = tpu.vector_load %arg15[%get3A_1410] {strides = array<i32>} : memref<80xi32, #tpu.memory_space<vmem>>, vector<16xi32>,
    %get3A_1412 = vector.shape_cast %get3A_1411 : vector<16xi32> to vector<16xi32>
    %ne3A_1413 = arith.cmpi ne, %get3A_1409, %get3A_1412 : vector<16xi32>
    %jit3A_1414 = arith.constant 10000 : i32
    %broadcast_in_dim3A_1415 = vector.broadcast %jit3A_1414 : i32 to vector<16xi32>
    %select_n3A_1416 = arith.select %ne3A_1413, %get3A_1412, %broadcast_in_dim3A_1415 : vector<16xi1>, vector<16xi32>
    %swap3A_1417 = arith.constant 48 : index
    %swap3A_1418 = tpu.vector_load %arg21[%swap3A_1417] {strides = array<i32>} : memref<80xi32, #tpu.memory_space<vmem>>, vector<16xi32>,
    %swap3A_1419 = vector.shape_cast %swap3A_1418 : vector<16xi32> to vector<16xi32>
    %swap3A_1420 = vector.shape_cast %select_n3A_1416 : vector<16xi32> to vector<16xi32>
    tpu.vector_store %arg21[%swap3A_1417], %swap3A_1420 {strides = array<i32>} : memref<80xi32, #tpu.memory_space<vmem>>, vector<16xi32>,
    %get3A_1421 = arith.constant 64 : index
    %get3A_1422 = tpu.vector_load %arg9[%get3A_1421] {strides = array<i32>} : memref<80xi32, #tpu.memory_space<vmem>>, vector<16xi32>,
    %get3A_1423 = vector.shape_cast %get3A_1422 : vector<16xi32> to vector<16xi32>
    %get3A_1424 = arith.constant 64 : index
    %get3A_1425 = tpu.vector_load %arg15[%get3A_1424] {strides = array<i32>} : memref<80xi32, #tpu.memory_space<vmem>>, vector<16xi32>,
    %get3A_1426 = vector.shape_cast %get3A_1425 : vector<16xi32> to vector<16xi32>
    %ne3A_1427 = arith.cmpi ne, %get3A_1423, %get3A_1426 : vector<16xi32>
    %jit3A_1428 = arith.constant 10000 : i32
    %broadcast_in_dim3A_1429 = vector.broadcast %jit3A_1428 : i32 to vector<16xi32>
    %select_n3A_1430 = arith.select %ne3A_1427, %get3A_1426, %broadcast_in_dim3A_1429 : vector<16xi1>, vector<16xi32>
    %swap3A_1431 = arith.constant 64 : index
    %swap3A_1432 = tpu.vector_load %arg21[%swap3A_1431] {strides = array<i32>} : memref<80xi32, #tpu.memory_space<vmem>>, vector<16xi32>,
    %swap3A_1433 = vector.shape_cast %swap3A_1432 : vector<16xi32> to vector<16xi32>
    %swap3A_1434 = vector.shape_cast %select_n3A_1430 : vector<16xi32> to vector<16xi32>
    tpu.vector_store %arg21[%swap3A_1431], %swap3A_1434 {strides = array<i32>} : memref<80xi32, #tpu.memory_space<vmem>>, vector<16xi32>,
    %dma_start3A_1435 = arith.constant 0 : i32
    %dma_start3A_1436 = arith.constant 0 : i32
    %dma_start3A_1437 = tpu.memref_slice %arg27[%dma_start3A_1435, %dma_start3A_1436] : memref<10240x128xf32, #tpu.memory_space<vmem_shared>> -> memref<10240x128xf32, #tpu.memory_space<vmem_shared>>
    tpu.enqueue_indirect_dma source(%arg25 : memref<80x128xf32, #tpu.memory_space<vmem>>) target(%dma_start3A_1437 : memref<10240x128xf32, #tpu.memory_space<vmem_shared>>) offsets(%arg21 : memref<80xi32, #tpu.memory_space<vmem>>) semaphore(%arg40 : memref<!tpu.dma_semaphore, #tpu.memory_space<semaphore_mem>>) {add = true}
    %dma_wait3A_1438 = arith.constant 0 : i32
    %dma_wait3A_1439 = arith.constant 0 : i32
    %dma_wait3A_1440 = tpu.memref_slice %arg27[%dma_wait3A_1438, %dma_wait3A_1439] : memref<10240x128xf32, #tpu.memory_space<vmem_shared>> -> memref<10240x128xf32, #tpu.memory_space<vmem_shared>>
    tpu.wait_indirect_dma semaphore(%arg39 : memref<!tpu.dma_semaphore, #tpu.memory_space<semaphore_mem>>) src(%arg24 : memref<80x128xf32, #tpu.memory_space<vmem>>) dst(%dma_wait3A_1440 : memref<10240x128xf32, #tpu.memory_space<vmem_shared>>)
    %dma_wait3A_1441 = arith.constant 0 : i32
    %dma_wait3A_1442 = arith.constant 0 : i32
    %dma_wait3A_1443 = tpu.memref_slice %arg2[%dma_wait3A_1441, %dma_wait3A_1442] : memref<10000x128xf32, #tpu.memory_space<hbm>> -> memref<10000x128xf32, #tpu.memory_space<hbm>>
    tpu.wait_indirect_dma semaphore(%arg37 : memref<!tpu.dma_semaphore, #tpu.memory_space<semaphore_mem>>) src(%dma_wait3A_1443 : memref<10000x128xf32, #tpu.memory_space<hbm>>) dst(%arg26 : memref<80x128xf32, #tpu.memory_space<vmem>>)
    %get3A_1444 = arith.constant 0 : index
    %get3A_1445 = tpu.vector_load %arg10[%get3A_1444] {strides = array<i32>} : memref<80xi32, #tpu.memory_space<vmem>>, vector<16xi32>,
    %get3A_1446 = vector.shape_cast %get3A_1445 : vector<16xi32> to vector<16xi32>
    %get3A_1447 = arith.constant 0 : index
    %get3A_1448 = tpu.vector_load %arg16[%get3A_1447] {strides = array<i32>} : memref<80xi32, #tpu.memory_space<vmem>>, vector<16xi32>,
    %get3A_1449 = vector.shape_cast %get3A_1448 : vector<16xi32> to vector<16xi32>
    %ne3A_1450 = arith.cmpi ne, %get3A_1446, %get3A_1449 : vector<16xi32>
    %jit3A_1451 = arith.constant 10000 : i32
    %broadcast_in_dim3A_1452 = vector.broadcast %jit3A_1451 : i32 to vector<16xi32>
    %select_n3A_1453 = arith.select %ne3A_1450, %get3A_1449, %broadcast_in_dim3A_1452 : vector<16xi1>, vector<16xi32>
    %swap3A_1454 = arith.constant 0 : index
    %swap3A_1455 = tpu.vector_load %arg22[%swap3A_1454] {strides = array<i32>} : memref<80xi32, #tpu.memory_space<vmem>>, vector<16xi32>,
    %swap3A_1456 = vector.shape_cast %swap3A_1455 : vector<16xi32> to vector<16xi32>
    %swap3A_1457 = vector.shape_cast %select_n3A_1453 : vector<16xi32> to vector<16xi32>
    tpu.vector_store %arg22[%swap3A_1454], %swap3A_1457 {strides = array<i32>} : memref<80xi32, #tpu.memory_space<vmem>>, vector<16xi32>,
    %get3A_1458 = arith.constant 16 : index
    %get3A_1459 = tpu.vector_load %arg10[%get3A_1458] {strides = array<i32>} : memref<80xi32, #tpu.memory_space<vmem>>, vector<16xi32>,
    %get3A_1460 = vector.shape_cast %get3A_1459 : vector<16xi32> to vector<16xi32>
    %get3A_1461 = arith.constant 16 : index
    %get3A_1462 = tpu.vector_load %arg16[%get3A_1461] {strides = array<i32>} : memref<80xi32, #tpu.memory_space<vmem>>, vector<16xi32>,
    %get3A_1463 = vector.shape_cast %get3A_1462 : vector<16xi32> to vector<16xi32>
    %ne3A_1464 = arith.cmpi ne, %get3A_1460, %get3A_1463 : vector<16xi32>
    %jit3A_1465 = arith.constant 10000 : i32
    %broadcast_in_dim3A_1466 = vector.broadcast %jit3A_1465 : i32 to vector<16xi32>
    %select_n3A_1467 = arith.select %ne3A_1464, %get3A_1463, %broadcast_in_dim3A_1466 : vector<16xi1>, vector<16xi32>
    %swap3A_1468 = arith.constant 16 : index
    %swap3A_1469 = tpu.vector_load %arg22[%swap3A_1468] {strides = array<i32>} : memref<80xi32, #tpu.memory_space<vmem>>, vector<16xi32>,
    %swap3A_1470 = vector.shape_cast %swap3A_1469 : vector<16xi32> to vector<16xi32>
    %swap3A_1471 = vector.shape_cast %select_n3A_1467 : vector<16xi32> to vector<16xi32>
    tpu.vector_store %arg22[%swap3A_1468], %swap3A_1471 {strides = array<i32>} : memref<80xi32, #tpu.memory_space<vmem>>, vector<16xi32>,
    %get3A_1472 = arith.constant 32 : index
    %get3A_1473 = tpu.vector_load %arg10[%get3A_1472] {strides = array<i32>} : memref<80xi32, #tpu.memory_space<vmem>>, vector<16xi32>,
    %get3A_1474 = vector.shape_cast %get3A_1473 : vector<16xi32> to vector<16xi32>
    %get3A_1475 = arith.constant 32 : index
    %get3A_1476 = tpu.vector_load %arg16[%get3A_1475] {strides = array<i32>} : memref<80xi32, #tpu.memory_space<vmem>>, vector<16xi32>,
    %get3A_1477 = vector.shape_cast %get3A_1476 : vector<16xi32> to vector<16xi32>
    %ne3A_1478 = arith.cmpi ne, %get3A_1474, %get3A_1477 : vector<16xi32>
    %jit3A_1479 = arith.constant 10000 : i32
    %broadcast_in_dim3A_1480 = vector.broadcast %jit3A_1479 : i32 to vector<16xi32>
    %select_n3A_1481 = arith.select %ne3A_1478, %get3A_1477, %broadcast_in_dim3A_1480 : vector<16xi1>, vector<16xi32>
    %swap3A_1482 = arith.constant 32 : index
    %swap3A_1483 = tpu.vector_load %arg22[%swap3A_1482] {strides = array<i32>} : memref<80xi32, #tpu.memory_space<vmem>>, vector<16xi32>,
    %swap3A_1484 = vector.shape_cast %swap3A_1483 : vector<16xi32> to vector<16xi32>
    %swap3A_1485 = vector.shape_cast %select_n3A_1481 : vector<16xi32> to vector<16xi32>
    tpu.vector_store %arg22[%swap3A_1482], %swap3A_1485 {strides = array<i32>} : memref<80xi32, #tpu.memory_space<vmem>>, vector<16xi32>,
    %get3A_1486 = arith.constant 48 : index
    %get3A_1487 = tpu.vector_load %arg10[%get3A_1486] {strides = array<i32>} : memref<80xi32, #tpu.memory_space<vmem>>, vector<16xi32>,
    %get3A_1488 = vector.shape_cast %get3A_1487 : vector<16xi32> to vector<16xi32>
    %get3A_1489 = arith.constant 48 : index
    %get3A_1490 = tpu.vector_load %arg16[%get3A_1489] {strides = array<i32>} : memref<80xi32, #tpu.memory_space<vmem>>, vector<16xi32>,
    %get3A_1491 = vector.shape_cast %get3A_1490 : vector<16xi32> to vector<16xi32>
    %ne3A_1492 = arith.cmpi ne, %get3A_1488, %get3A_1491 : vector<16xi32>
    %jit3A_1493 = arith.constant 10000 : i32
    %broadcast_in_dim3A_1494 = vector.broadcast %jit3A_1493 : i32 to vector<16xi32>
    %select_n3A_1495 = arith.select %ne3A_1492, %get3A_1491, %broadcast_in_dim3A_1494 : vector<16xi1>, vector<16xi32>
    %swap3A_1496 = arith.constant 48 : index
    %swap3A_1497 = tpu.vector_load %arg22[%swap3A_1496] {strides = array<i32>} : memref<80xi32, #tpu.memory_space<vmem>>, vector<16xi32>,
    %swap3A_1498 = vector.shape_cast %swap3A_1497 : vector<16xi32> to vector<16xi32>
    %swap3A_1499 = vector.shape_cast %select_n3A_1495 : vector<16xi32> to vector<16xi32>
    tpu.vector_store %arg22[%swap3A_1496], %swap3A_1499 {strides = array<i32>} : memref<80xi32, #tpu.memory_space<vmem>>, vector<16xi32>,
    %get3A_1500 = arith.constant 64 : index
    %get3A_1501 = tpu.vector_load %arg10[%get3A_1500] {strides = array<i32>} : memref<80xi32, #tpu.memory_space<vmem>>, vector<16xi32>,
    %get3A_1502 = vector.shape_cast %get3A_1501 : vector<16xi32> to vector<16xi32>
    %get3A_1503 = arith.constant 64 : index
    %get3A_1504 = tpu.vector_load %arg16[%get3A_1503] {strides = array<i32>} : memref<80xi32, #tpu.memory_space<vmem>>, vector<16xi32>,
    %get3A_1505 = vector.shape_cast %get3A_1504 : vector<16xi32> to vector<16xi32>
    %ne3A_1506 = arith.cmpi ne, %get3A_1502, %get3A_1505 : vector<16xi32>
    %jit3A_1507 = arith.constant 10000 : i32
    %broadcast_in_dim3A_1508 = vector.broadcast %jit3A_1507 : i32 to vector<16xi32>
    %select_n3A_1509 = arith.select %ne3A_1506, %get3A_1505, %broadcast_in_dim3A_1508 : vector<16xi1>, vector<16xi32>
    %swap3A_1510 = arith.constant 64 : index
    %swap3A_1511 = tpu.vector_load %arg22[%swap3A_1510] {strides = array<i32>} : memref<80xi32, #tpu.memory_space<vmem>>, vector<16xi32>,
    %swap3A_1512 = vector.shape_cast %swap3A_1511 : vector<16xi32> to vector<16xi32>
    %swap3A_1513 = vector.shape_cast %select_n3A_1509 : vector<16xi32> to vector<16xi32>
    tpu.vector_store %arg22[%swap3A_1510], %swap3A_1513 {strides = array<i32>} : memref<80xi32, #tpu.memory_space<vmem>>, vector<16xi32>,
    %dma_start3A_1514 = arith.constant 0 : i32
    %dma_start3A_1515 = arith.constant 0 : i32
    %dma_start3A_1516 = tpu.memref_slice %arg27[%dma_start3A_1514, %dma_start3A_1515] : memref<10240x128xf32, #tpu.memory_space<vmem_shared>> -> memref<10240x128xf32, #tpu.memory_space<vmem_shared>>
    tpu.enqueue_indirect_dma source(%arg26 : memref<80x128xf32, #tpu.memory_space<vmem>>) target(%dma_start3A_1516 : memref<10240x128xf32, #tpu.memory_space<vmem_shared>>) offsets(%arg22 : memref<80xi32, #tpu.memory_space<vmem>>) semaphore(%arg41 : memref<!tpu.dma_semaphore, #tpu.memory_space<semaphore_mem>>) {add = true}
    %dma_wait3A_1517 = arith.constant 0 : i32
    %dma_wait3A_1518 = arith.constant 0 : i32
    %dma_wait3A_1519 = tpu.memref_slice %arg27[%dma_wait3A_1517, %dma_wait3A_1518] : memref<10240x128xf32, #tpu.memory_space<vmem_shared>> -> memref<10240x128xf32, #tpu.memory_space<vmem_shared>>
    tpu.wait_indirect_dma semaphore(%arg40 : memref<!tpu.dma_semaphore, #tpu.memory_space<semaphore_mem>>) src(%arg25 : memref<80x128xf32, #tpu.memory_space<vmem>>) dst(%dma_wait3A_1519 : memref<10240x128xf32, #tpu.memory_space<vmem_shared>>)
    %dma_wait3A_1520 = arith.constant 0 : i32
    %dma_wait3A_1521 = arith.constant 0 : i32
    %dma_wait3A_1522 = tpu.memref_slice %arg2[%dma_wait3A_1520, %dma_wait3A_1521] : memref<10000x128xf32, #tpu.memory_space<hbm>> -> memref<10000x128xf32, #tpu.memory_space<hbm>>
    tpu.wait_indirect_dma semaphore(%arg34 : memref<!tpu.dma_semaphore, #tpu.memory_space<semaphore_mem>>) src(%dma_wait3A_1522 : memref<10000x128xf32, #tpu.memory_space<hbm>>) dst(%arg23 : memref<80x128xf32, #tpu.memory_space<vmem>>)
    %get3A_1523 = arith.constant 0 : index
    %get3A_1524 = tpu.vector_load %arg11[%get3A_1523] {strides = array<i32>} : memref<80xi32, #tpu.memory_space<vmem>>, vector<16xi32>,
    %get3A_1525 = vector.shape_cast %get3A_1524 : vector<16xi32> to vector<16xi32>
    %get3A_1526 = arith.constant 0 : index
    %get3A_1527 = tpu.vector_load %arg17[%get3A_1526] {strides = array<i32>} : memref<80xi32, #tpu.memory_space<vmem>>, vector<16xi32>,
    %get3A_1528 = vector.shape_cast %get3A_1527 : vector<16xi32> to vector<16xi32>
    %ne3A_1529 = arith.cmpi ne, %get3A_1525, %get3A_1528 : vector<16xi32>
    %jit3A_1530 = arith.constant 10000 : i32
    %broadcast_in_dim3A_1531 = vector.broadcast %jit3A_1530 : i32 to vector<16xi32>
    %select_n3A_1532 = arith.select %ne3A_1529, %get3A_1528, %broadcast_in_dim3A_1531 : vector<16xi1>, vector<16xi32>
    %swap3A_1533 = arith.constant 0 : index
    %swap3A_1534 = tpu.vector_load %arg19[%swap3A_1533] {strides = array<i32>} : memref<80xi32, #tpu.memory_space<vmem>>, vector<16xi32>,
    %swap3A_1535 = vector.shape_cast %swap3A_1534 : vector<16xi32> to vector<16xi32>
    %swap3A_1536 = vector.shape_cast %select_n3A_1532 : vector<16xi32> to vector<16xi32>
    tpu.vector_store %arg19[%swap3A_1533], %swap3A_1536 {strides = array<i32>} : memref<80xi32, #tpu.memory_space<vmem>>, vector<16xi32>,
    %get3A_1537 = arith.constant 16 : index
    %get3A_1538 = tpu.vector_load %arg11[%get3A_1537] {strides = array<i32>} : memref<80xi32, #tpu.memory_space<vmem>>, vector<16xi32>,
    %get3A_1539 = vector.shape_cast %get3A_1538 : vector<16xi32> to vector<16xi32>
    %get3A_1540 = arith.constant 16 : index
    %get3A_1541 = tpu.vector_load %arg17[%get3A_1540] {strides = array<i32>} : memref<80xi32, #tpu.memory_space<vmem>>, vector<16xi32>,
    %get3A_1542 = vector.shape_cast %get3A_1541 : vector<16xi32> to vector<16xi32>
    %ne3A_1543 = arith.cmpi ne, %get3A_1539, %get3A_1542 : vector<16xi32>
    %jit3A_1544 = arith.constant 10000 : i32
    %broadcast_in_dim3A_1545 = vector.broadcast %jit3A_1544 : i32 to vector<16xi32>
    %select_n3A_1546 = arith.select %ne3A_1543, %get3A_1542, %broadcast_in_dim3A_1545 : vector<16xi1>, vector<16xi32>
    %swap3A_1547 = arith.constant 16 : index
    %swap3A_1548 = tpu.vector_load %arg19[%swap3A_1547] {strides = array<i32>} : memref<80xi32, #tpu.memory_space<vmem>>, vector<16xi32>,
    %swap3A_1549 = vector.shape_cast %swap3A_1548 : vector<16xi32> to vector<16xi32>
    %swap3A_1550 = vector.shape_cast %select_n3A_1546 : vector<16xi32> to vector<16xi32>
    tpu.vector_store %arg19[%swap3A_1547], %swap3A_1550 {strides = array<i32>} : memref<80xi32, #tpu.memory_space<vmem>>, vector<16xi32>,
    %get3A_1551 = arith.constant 32 : index
    %get3A_1552 = tpu.vector_load %arg11[%get3A_1551] {strides = array<i32>} : memref<80xi32, #tpu.memory_space<vmem>>, vector<16xi32>,
    %get3A_1553 = vector.shape_cast %get3A_1552 : vector<16xi32> to vector<16xi32>
    %get3A_1554 = arith.constant 32 : index
    %get3A_1555 = tpu.vector_load %arg17[%get3A_1554] {strides = array<i32>} : memref<80xi32, #tpu.memory_space<vmem>>, vector<16xi32>,
    %get3A_1556 = vector.shape_cast %get3A_1555 : vector<16xi32> to vector<16xi32>
    %ne3A_1557 = arith.cmpi ne, %get3A_1553, %get3A_1556 : vector<16xi32>
    %jit3A_1558 = arith.constant 10000 : i32
    %broadcast_in_dim3A_1559 = vector.broadcast %jit3A_1558 : i32 to vector<16xi32>
    %select_n3A_1560 = arith.select %ne3A_1557, %get3A_1556, %broadcast_in_dim3A_1559 : vector<16xi1>, vector<16xi32>
    %swap3A_1561 = arith.constant 32 : index
    %swap3A_1562 = tpu.vector_load %arg19[%swap3A_1561] {strides = array<i32>} : memref<80xi32, #tpu.memory_space<vmem>>, vector<16xi32>,
    %swap3A_1563 = vector.shape_cast %swap3A_1562 : vector<16xi32> to vector<16xi32>
    %swap3A_1564 = vector.shape_cast %select_n3A_1560 : vector<16xi32> to vector<16xi32>
    tpu.vector_store %arg19[%swap3A_1561], %swap3A_1564 {strides = array<i32>} : memref<80xi32, #tpu.memory_space<vmem>>, vector<16xi32>,
    %get3A_1565 = arith.constant 48 : index
    %get3A_1566 = tpu.vector_load %arg11[%get3A_1565] {strides = array<i32>} : memref<80xi32, #tpu.memory_space<vmem>>, vector<16xi32>,
    %get3A_1567 = vector.shape_cast %get3A_1566 : vector<16xi32> to vector<16xi32>
    %get3A_1568 = arith.constant 48 : index
    %get3A_1569 = tpu.vector_load %arg17[%get3A_1568] {strides = array<i32>} : memref<80xi32, #tpu.memory_space<vmem>>, vector<16xi32>,
    %get3A_1570 = vector.shape_cast %get3A_1569 : vector<16xi32> to vector<16xi32>
    %ne3A_1571 = arith.cmpi ne, %get3A_1567, %get3A_1570 : vector<16xi32>
    %jit3A_1572 = arith.constant 10000 : i32
    %broadcast_in_dim3A_1573 = vector.broadcast %jit3A_1572 : i32 to vector<16xi32>
    %select_n3A_1574 = arith.select %ne3A_1571, %get3A_1570, %broadcast_in_dim3A_1573 : vector<16xi1>, vector<16xi32>
    %swap3A_1575 = arith.constant 48 : index
    %swap3A_1576 = tpu.vector_load %arg19[%swap3A_1575] {strides = array<i32>} : memref<80xi32, #tpu.memory_space<vmem>>, vector<16xi32>,
    %swap3A_1577 = vector.shape_cast %swap3A_1576 : vector<16xi32> to vector<16xi32>
    %swap3A_1578 = vector.shape_cast %select_n3A_1574 : vector<16xi32> to vector<16xi32>
    tpu.vector_store %arg19[%swap3A_1575], %swap3A_1578 {strides = array<i32>} : memref<80xi32, #tpu.memory_space<vmem>>, vector<16xi32>,
    %get3A_1579 = arith.constant 64 : index
    %get3A_1580 = tpu.vector_load %arg11[%get3A_1579] {strides = array<i32>} : memref<80xi32, #tpu.memory_space<vmem>>, vector<16xi32>,
    %get3A_1581 = vector.shape_cast %get3A_1580 : vector<16xi32> to vector<16xi32>
    %get3A_1582 = arith.constant 64 : index
    %get3A_1583 = tpu.vector_load %arg17[%get3A_1582] {strides = array<i32>} : memref<80xi32, #tpu.memory_space<vmem>>, vector<16xi32>,
    %get3A_1584 = vector.shape_cast %get3A_1583 : vector<16xi32> to vector<16xi32>
    %ne3A_1585 = arith.cmpi ne, %get3A_1581, %get3A_1584 : vector<16xi32>
    %jit3A_1586 = arith.constant 10000 : i32
    %broadcast_in_dim3A_1587 = vector.broadcast %jit3A_1586 : i32 to vector<16xi32>
    %select_n3A_1588 = arith.select %ne3A_1585, %get3A_1584, %broadcast_in_dim3A_1587 : vector<16xi1>, vector<16xi32>
    %swap3A_1589 = arith.constant 64 : index
    %swap3A_1590 = tpu.vector_load %arg19[%swap3A_1589] {strides = array<i32>} : memref<80xi32, #tpu.memory_space<vmem>>, vector<16xi32>,
    %swap3A_1591 = vector.shape_cast %swap3A_1590 : vector<16xi32> to vector<16xi32>
    %swap3A_1592 = vector.shape_cast %select_n3A_1588 : vector<16xi32> to vector<16xi32>
    tpu.vector_store %arg19[%swap3A_1589], %swap3A_1592 {strides = array<i32>} : memref<80xi32, #tpu.memory_space<vmem>>, vector<16xi32>,
    %dma_start3A_1593 = arith.constant 0 : i32
    %dma_start3A_1594 = arith.constant 0 : i32
    %dma_start3A_1595 = tpu.memref_slice %arg27[%dma_start3A_1593, %dma_start3A_1594] : memref<10240x128xf32, #tpu.memory_space<vmem_shared>> -> memref<10240x128xf32, #tpu.memory_space<vmem_shared>>
    tpu.enqueue_indirect_dma source(%arg23 : memref<80x128xf32, #tpu.memory_space<vmem>>) target(%dma_start3A_1595 : memref<10240x128xf32, #tpu.memory_space<vmem_shared>>) offsets(%arg19 : memref<80xi32, #tpu.memory_space<vmem>>) semaphore(%arg38 : memref<!tpu.dma_semaphore, #tpu.memory_space<semaphore_mem>>) {add = true}
    %dma_wait3A_1596 = arith.constant 0 : i32
    %dma_wait3A_1597 = arith.constant 0 : i32
    %dma_wait3A_1598 = tpu.memref_slice %arg27[%dma_wait3A_1596, %dma_wait3A_1597] : memref<10240x128xf32, #tpu.memory_space<vmem_shared>> -> memref<10240x128xf32, #tpu.memory_space<vmem_shared>>
    tpu.wait_indirect_dma semaphore(%arg41 : memref<!tpu.dma_semaphore, #tpu.memory_space<semaphore_mem>>) src(%arg26 : memref<80x128xf32, #tpu.memory_space<vmem>>) dst(%dma_wait3A_1598 : memref<10240x128xf32, #tpu.memory_space<vmem_shared>>)
    %dma_wait3A_1599 = arith.constant 0 : i32
    %dma_wait3A_1600 = arith.constant 0 : i32
    %dma_wait3A_1601 = tpu.memref_slice %arg27[%dma_wait3A_1599, %dma_wait3A_1600] : memref<10240x128xf32, #tpu.memory_space<vmem_shared>> -> memref<10240x128xf32, #tpu.memory_space<vmem_shared>>
    tpu.wait_indirect_dma semaphore(%arg38 : memref<!tpu.dma_semaphore, #tpu.memory_space<semaphore_mem>>) src(%arg23 : memref<80x128xf32, #tpu.memory_space<vmem>>) dst(%dma_wait3A_1601 : memref<10240x128xf32, #tpu.memory_space<vmem_shared>>)
    %barrier3A_1602 = arith.constant 0 : index
    tpu.barrier barrier_id(%barrier3A_1602)
    %mul3A_1603 = arith.constant 10240 : i32
    %mul3A_1604 = arith.muli %arg0, %mul3A_1603 : i32
    %mul3A_1605 = arith.constant 640 : i32
    %mul3A_1606 = arith.muli %arg1, %mul3A_1605 : i32
    %add3A_1607 = arith.addi %mul3A_1604, %mul3A_1606 : i32
    %mul3A_1608 = arith.constant 640 : i32
    %mul3A_1609 = arith.muli %arg1, %mul3A_1608 : i32
    "tpu.region"() ({
      %run_scoped3A = tpu.sem_alloc : memref<!tpu.dma_semaphore, #tpu.memory_space<semaphore_mem>>
      %dma_start3A_1610 = arith.constant 0 : i32
      %dma_start3A_1611 = tpu.memref_slice %arg6[%add3A_1607, %dma_start3A_1610] : memref<20480x128xf32, #tpu.memory_space<hbm>> -> memref<640x128xf32, #tpu.memory_space<hbm>>
      %dma_start3A_1612 = arith.constant 0 : i32
      %dma_start3A_1613 = tpu.memref_slice %arg27[%mul3A_1609, %dma_start3A_1612] : memref<10240x128xf32, #tpu.memory_space<vmem_shared>> -> memref<640x128xf32, #tpu.memory_space<vmem_shared>>
      tpu.enqueue_dma source(%dma_start3A_1613 : memref<640x128xf32, #tpu.memory_space<vmem_shared>>) target(%dma_start3A_1611 : memref<640x128xf32, #tpu.memory_space<hbm>>) target_semaphore(%run_scoped3A : memref<!tpu.dma_semaphore, #tpu.memory_space<semaphore_mem>>)
      %dma_wait3A_1614 = arith.constant 0 : i32
      %dma_wait3A_1615 = tpu.memref_slice %arg6[%add3A_1607, %dma_wait3A_1614] : memref<20480x128xf32, #tpu.memory_space<hbm>> -> memref<640x128xf32, #tpu.memory_space<hbm>>
      %dma_wait3A_1616 = arith.constant 0 : i32
      %dma_wait3A_1617 = tpu.memref_slice %arg27[%mul3A_1609, %dma_wait3A_1616] : memref<10240x128xf32, #tpu.memory_space<vmem_shared>> -> memref<640x128xf32, #tpu.memory_space<vmem_shared>>
      tpu.wait_dma2 semaphore(%run_scoped3A : memref<!tpu.dma_semaphore, #tpu.memory_space<semaphore_mem>>) src(%dma_wait3A_1617 : memref<640x128xf32, #tpu.memory_space<vmem_shared>>) dst(%dma_wait3A_1615 : memref<640x128xf32, #tpu.memory_space<hbm>>)
      tpu.yield
    }) : () -> ()
    return
  }
}

module attributes {stable_mosaic.version = 14 : i64} {
  func.func @_mm_scale_body(%arg0: i32, %arg1: memref<1000x128xf32, #tpu.memory_space<vmem>>, %arg2: memref<128x128xf32, #tpu.memory_space<vmem>>, %arg3: memref<2x1000x1xf32, #tpu.memory_space<vmem>>, %arg4: memref<1000x128xf32, #tpu.memory_space<vmem>>) attributes {dimension_semantics = [#tpu.dimension_semantics<arbitrary>], iteration_bounds = array<i64: 10>, scalar_prefetch = 0 : i64, scratch_operands = 0 : i64, tpu.core_type = #tpu.core_type<tc>, window_params = [{transform_indices = @transform_0, window_bounds = array<i64: 1000, 128>}, {pipeline_mode = #tpu.pipeline_mode<synchronous>, transform_indices = @transform_1, window_bounds = array<i64: 128, 128>}, {transform_indices = @transform_2, window_bounds = array<i64: 2, 1000, 1>}, {transform_indices = @transform_3, window_bounds = array<i64: 1000, 128>}]} {
    %get3A = arith.constant 0 : index
    %get3A_0 = arith.constant 0 : index
    %get3A_1 = vector.load %arg1[%get3A, %get3A_0] : memref<1000x128xf32, #tpu.memory_space<vmem>>, vector<1000x128xf32>
    %get3A_2 = arith.constant 0 : index
    %get3A_3 = arith.constant 0 : index
    %get3A_4 = vector.load %arg2[%get3A_2, %get3A_3] : memref<128x128xf32, #tpu.memory_space<vmem>>, vector<128x128xf32>
    %dot_general3A = arith.constant dense<0.000000e+00> : vector<1000x128xf32>
    %dot_general3A_5 = tpu.matmul %get3A_1, %get3A_4, %dot_general3A {dimension_numbers = #tpu.dot_dimension_numbers<[1], [0], [0], [1], [0, 0, 1, 1], [], []>, transpose_lhs_hint = false} : vector<1000x128xf32>, vector<128x128xf32>, vector<1000x128xf32> -> vector<1000x128xf32>
    %get3A_6 = arith.constant 0 : index
    %get3A_7 = arith.constant 0 : index
    %get3A_8 = arith.constant 0 : index
    %get3A_9 = vector.load %arg3[%get3A_6, %get3A_7, %get3A_8] : memref<2x1000x1xf32, #tpu.memory_space<vmem>>, vector<1x1000x1xf32>
    %get3A_10 = vector.shape_cast %get3A_9 : vector<1x1000x1xf32> to vector<1000xf32>
    %get3A_11 = arith.constant 1 : index
    %get3A_12 = arith.constant 0 : index
    %get3A_13 = arith.constant 0 : index
    %get3A_14 = vector.load %arg3[%get3A_11, %get3A_12, %get3A_13] : memref<2x1000x1xf32, #tpu.memory_space<vmem>>, vector<1x1000x1xf32>
    %get3A_15 = vector.shape_cast %get3A_14 : vector<1x1000x1xf32> to vector<1000xf32>
    %add3A = arith.addf %get3A_10, %get3A_15 : vector<1000xf32>
    %add3A_16 = arith.constant 1.000000e+00 : f32
    %add3A_17 = vector.broadcast %add3A_16 : f32 to vector<1000xf32>
    %add3A_18 = arith.addf %add3A, %add3A_17 : vector<1000xf32>
    %rsqrt3A = math.rsqrt %add3A_18 : vector<1000xf32>
    %broadcast_in_dim3A = vector.shape_cast %rsqrt3A : vector<1000xf32> to vector<1000x1xf32>
    %mul3A = vector.broadcast %broadcast_in_dim3A : vector<1000x1xf32> to vector<1000x128xf32>
    %mul3A_19 = arith.mulf %dot_general3A_5, %mul3A : vector<1000x128xf32>
    %swap3A = arith.constant 0 : index
    %swap3A_20 = arith.constant 0 : index
    %swap3A_21 = vector.load %arg4[%swap3A, %swap3A_20] : memref<1000x128xf32, #tpu.memory_space<vmem>>, vector<1000x128xf32>
    tpu.vector_store %arg4[%swap3A, %swap3A_20], %mul3A_19 {strides = array<i32>} : memref<1000x128xf32, #tpu.memory_space<vmem>>, vector<1000x128xf32>,
    return
  }
  func.func @transform_0(%arg0: i32) -> (i32, i32) {
    %c0_i32 = arith.constant 0 : i32
    %c0_i32_0 = arith.constant 0 : i32
    return %arg0, %c0_i32 : i32, i32
  }
  func.func @transform_1(%arg0: i32) -> (i32, i32) {
    %c0_i32 = arith.constant 0 : i32
    %c0_i32_0 = arith.constant 0 : i32
    %c0_i32_1 = arith.constant 0 : i32
    return %c0_i32, %c0_i32_0 : i32, i32
  }
  func.func @transform_2(%arg0: i32) -> (i32, i32, i32) {
    %c0_i32 = arith.constant 0 : i32
    %c0_i32_0 = arith.constant 0 : i32
    %c0_i32_1 = arith.constant 0 : i32
    return %c0_i32, %arg0, %c0_i32_0 : i32, i32, i32
  }
  func.func @transform_3(%arg0: i32) -> (i32, i32) {
    %c0_i32 = arith.constant 0 : i32
    %c0_i32_0 = arith.constant 0 : i32
    return %arg0, %c0_i32 : i32, i32
  }
}

module attributes {stable_mosaic.version = 14 : i64} {
  func.func @_final_body(%arg0: i32, %arg1: memref<2x2000x128xf32, #tpu.memory_space<vmem>>, %arg2: memref<2000x128xf32, #tpu.memory_space<vmem>>, %arg3: memref<2x2000x1xf32, #tpu.memory_space<vmem>>, %arg4: memref<1x128xf32, #tpu.memory_space<vmem>>, %arg5: memref<2000x128xf32, #tpu.memory_space<vmem>>) attributes {dimension_semantics = [#tpu.dimension_semantics<arbitrary>], iteration_bounds = array<i64: 5>, scalar_prefetch = 0 : i64, scratch_operands = 0 : i64, tpu.core_type = #tpu.core_type<tc>, window_params = [{transform_indices = @transform_0, window_bounds = array<i64: 2, 2000, 128>}, {transform_indices = @transform_1, window_bounds = array<i64: 2000, 128>}, {transform_indices = @transform_2, window_bounds = array<i64: 2, 2000, 1>}, {pipeline_mode = #tpu.pipeline_mode<synchronous>, transform_indices = @transform_3, window_bounds = array<i64: 1, 128>}, {transform_indices = @transform_4, window_bounds = array<i64: 2000, 128>}]} {
    %get3A = arith.constant 0 : index
    %get3A_0 = arith.constant 0 : index
    %get3A_1 = arith.constant 0 : index
    %get3A_2 = vector.load %arg3[%get3A, %get3A_0, %get3A_1] : memref<2x2000x1xf32, #tpu.memory_space<vmem>>, vector<1x2000x1xf32>
    %get3A_3 = vector.shape_cast %get3A_2 : vector<1x2000x1xf32> to vector<2000xf32>
    %get3A_4 = arith.constant 1 : index
    %get3A_5 = arith.constant 0 : index
    %get3A_6 = arith.constant 0 : index
    %get3A_7 = vector.load %arg3[%get3A_4, %get3A_5, %get3A_6] : memref<2x2000x1xf32, #tpu.memory_space<vmem>>, vector<1x2000x1xf32>
    %get3A_8 = vector.shape_cast %get3A_7 : vector<1x2000x1xf32> to vector<2000xf32>
    %add3A = arith.addf %get3A_3, %get3A_8 : vector<2000xf32>
    %add3A_9 = arith.constant 1.000000e+00 : f32
    %add3A_10 = vector.broadcast %add3A_9 : f32 to vector<2000xf32>
    %add3A_11 = arith.addf %add3A, %add3A_10 : vector<2000xf32>
    %get3A_12 = arith.constant 0 : index
    %get3A_13 = arith.constant 0 : index
    %get3A_14 = arith.constant 0 : index
    %get3A_15 = vector.load %arg1[%get3A_12, %get3A_13, %get3A_14] : memref<2x2000x128xf32, #tpu.memory_space<vmem>>, vector<1x2000x128xf32>
    %get3A_16 = vector.shape_cast %get3A_15 : vector<1x2000x128xf32> to vector<2000x128xf32>
    %get3A_17 = arith.constant 1 : index
    %get3A_18 = arith.constant 0 : index
    %get3A_19 = arith.constant 0 : index
    %get3A_20 = vector.load %arg1[%get3A_17, %get3A_18, %get3A_19] : memref<2x2000x128xf32, #tpu.memory_space<vmem>>, vector<1x2000x128xf32>
    %get3A_21 = vector.shape_cast %get3A_20 : vector<1x2000x128xf32> to vector<2000x128xf32>
    %add3A_22 = arith.addf %get3A_16, %get3A_21 : vector<2000x128xf32>
    %get3A_23 = arith.constant 0 : index
    %get3A_24 = arith.constant 0 : index
    %get3A_25 = vector.load %arg2[%get3A_23, %get3A_24] : memref<2000x128xf32, #tpu.memory_space<vmem>>, vector<2000x128xf32>
    %add3A_26 = arith.addf %add3A_22, %get3A_25 : vector<2000x128xf32>
    %rsqrt3A = math.rsqrt %add3A_11 : vector<2000xf32>
    %broadcast_in_dim3A = vector.shape_cast %rsqrt3A : vector<2000xf32> to vector<2000x1xf32>
    %mul3A = vector.broadcast %broadcast_in_dim3A : vector<2000x1xf32> to vector<2000x128xf32>
    %mul3A_27 = arith.mulf %add3A_26, %mul3A : vector<2000x128xf32>
    %get3A_28 = arith.constant 0 : index
    %get3A_29 = arith.constant 0 : index
    %get3A_30 = vector.load %arg4[%get3A_28, %get3A_29] : memref<1x128xf32, #tpu.memory_space<vmem>>, vector<1x128xf32>
    %get3A_31 = vector.shape_cast %get3A_30 : vector<1x128xf32> to vector<128xf32>
    %broadcast_in_dim3A_32 = vector.shape_cast %get3A_31 : vector<128xf32> to vector<1x128xf32>
    %add3A_33 = vector.broadcast %broadcast_in_dim3A_32 : vector<1x128xf32> to vector<2000x128xf32>
    %add3A_34 = arith.addf %mul3A_27, %add3A_33 : vector<2000x128xf32>
    %ge3A = arith.constant 0.000000e+00 : f32
    %ge3A_35 = vector.broadcast %ge3A : f32 to vector<2000x128xf32>
    %ge3A_36 = arith.cmpf oge, %add3A_34, %ge3A_35 : vector<2000x128xf32>
    %mul3A_37 = arith.constant 0.00999999977 : f32
    %mul3A_38 = vector.broadcast %mul3A_37 : f32 to vector<2000x128xf32>
    %mul3A_39 = arith.mulf %mul3A_38, %add3A_34 : vector<2000x128xf32>
    %select_n3A = arith.select %ge3A_36, %add3A_34, %mul3A_39 : vector<2000x128xi1>, vector<2000x128xf32>
    %swap3A = arith.constant 0 : index
    %swap3A_40 = arith.constant 0 : index
    %swap3A_41 = vector.load %arg5[%swap3A, %swap3A_40] : memref<2000x128xf32, #tpu.memory_space<vmem>>, vector<2000x128xf32>
    tpu.vector_store %arg5[%swap3A, %swap3A_40], %select_n3A {strides = array<i32>} : memref<2000x128xf32, #tpu.memory_space<vmem>>, vector<2000x128xf32>,
    return
  }
  func.func @transform_0(%arg0: i32) -> (i32, i32, i32) {
    %c0_i32 = arith.constant 0 : i32
    %c0_i32_0 = arith.constant 0 : i32
    %c0_i32_1 = arith.constant 0 : i32
    return %c0_i32, %arg0, %c0_i32_0 : i32, i32, i32
  }
  func.func @transform_1(%arg0: i32) -> (i32, i32) {
    %c0_i32 = arith.constant 0 : i32
    %c0_i32_0 = arith.constant 0 : i32
    return %arg0, %c0_i32 : i32, i32
  }
  func.func @transform_2(%arg0: i32) -> (i32, i32, i32) {
    %c0_i32 = arith.constant 0 : i32
    %c0_i32_0 = arith.constant 0 : i32
    %c0_i32_1 = arith.constant 0 : i32
    return %c0_i32, %arg0, %c0_i32_0 : i32, i32, i32
  }
  func.func @transform_3(%arg0: i32) -> (i32, i32) {
    %c0_i32 = arith.constant 0 : i32
    %c0_i32_0 = arith.constant 0 : i32
    %c0_i32_1 = arith.constant 0 : i32
    return %c0_i32, %c0_i32_0 : i32, i32
  }
  func.func @transform_4(%arg0: i32) -> (i32, i32) {
    %c0_i32 = arith.constant 0 : i32
    %c0_i32_0 = arith.constant 0 : i32
    return %arg0, %c0_i32 : i32, i32
  }
}

</mosaic_0001>

<sc_bundles>
// kernel: kernel.6.cloned.1.call-start
scs
__scs_entry_jumppad:
0x0: {  	(pc) =	sbr.rel $0x88, $3  }
0x1: {  	(tag) =	ssettag $0x0;
	lr =	simm.s32 $0x1  }
0x2: {  	[smem:$0x3F9D] =	sst lr;
	_ =	strace $0xD0000000  }
0x3: {  	_ = 	snop  }
0x4: {  	_ = 	snop  }
0x5: {  	_ = 	snop  }
0x6: {  	_ = 	snop  }
0x7: {  	_ = 	snop  }
__scs_overlays_trampoline_lowered:
0x8: {  	[smem:$0x3FAC] =	sst s0  }
0x9: {  	[smem:$0x3FAD] =	sst s1  }
0xa: {  	[smem:$0x3FAE] =	sst s2  }
0xb: {  	[smem:$0x3FAF] =	sst s3  }
0xc: {  	[smem:$0x3FB0] =	sst s4  }
0xd: {  	[smem:$0x3FB1] =	sst s5  }
0xe: {  	[smem:$0x3FB2] =	sst s6  }
0xf: {  	[smem:$0x3FB3] =	sst s7  }
0x10: {  	[smem:$0x3FB4] =	sst s8  }
0x11: {  	[smem:$0x3FB5] =	sst s9;
	s0 =	simm.s32 @!p0 $0x0  }
0x12: {  	s1 =	sld [smem:$0x3F9B];
	s0 =	simm.s32 @p0 $0x1  }
0x13: {  	[smem:$0x3FB6] =	sst s0;
	s0 =	simm.s32 @!p1 $0x0  }
0x14: {  	s2 =	sld [smem:$0x3F9A];
	s0 =	simm.s32 @p1 $0x1  }
0x15: {  	[smem:$0x3FB7] =	sst s0;
	s0 =	simm.s32 @!p2 $0x0  }
0x16: {  	s3 =	sld [smem:$0x3FDB];
	s0 =	simm.s32 @p2 $0x1  }
0x17: {  	s4 =	simm.s32 $0x1BF5;
	[smem:$0x3FB9] =	sst s0  }
0x18: {  	s0 =	sld [smem:$0x3F9C];
	_ =	swait.ge [sflag:s4], $0x0  }
0x19: {  	s7 =	sld [smem:$0x3F9D]  }
0x1a: {  	s8 =	sadd.s32 $0xFFFFE003, lr  }
0x1b: {  	s9 =	sadd.s32 $0xFFFFFEF7, lr;
	s5 =	simm.s32 $0xFFFFFFFF;
	p2 =	slt.u32 s8, $0xFFFFF086  }
0x1c: {  	p1 =	slt.u32 s9, $0xF7A;
	s5 =	simm.s32 @!p2 $0x0  }
0x1d: {  	s5 =	simm.s32 @p1 $0x1;
	p0 =	seq.s32 s7, s2  }
0x1e: {  	s7 =	smul.u32 @!p0 $0xF7A, s2;
	p2 =	seq.s32 @!p0 s5, $0x0  }
0x1f: {  	s9 =	smul.u32 $0xF7A, s1;
	s8 =	simm.s32 @!p0 $0x1BF5;
	p2 =	por !p2, p0  }
0x20: {  	[sflag:s8] =	ssyncset.s32 @!p0 $0xFFFFF086;
	s6 =	sadd.s32 @!p0 s3, s7;
	s7 =	simm.s32 @!p0 $0x108  }
0x21: {  	s3 =	sadd.s32 s3, s9;
	s6 =	sadd.s32 @!p0 $0x88, s6;
	s7 =	simm.s32 @p2 $0x1082  }
0x22: {  	[simem:s7], [sflag:s8] =	dma.local @!p0 [hbm:s6], $0xF7A  }
0x23: {  	s9 =	sor.u32 $0xD0000000, s2;
	s6 =	simm.s32 $0x108;
	_ =	swait.ge @!p0 [sflag:s8], $0x0  }
0x24: {  	s3 =	sadd.s32 $0x88, s3;
	s6 =	simm.s32 @!p1 $0x1082;
	[sflag:s4] =	ssyncset.s32 $0xFFFFF086  }
0x25: {  	[simem:s6], [sflag:s4] =	dma.local [hbm:s3], $0xF7A  }
0x26: {  	[smem:$0x3F9D] =	sst s1;
	(tag) =	ssettag s2;
	_ =	strace s9  }
0x27: {  	s1 =	sld [smem:$0x3FAD]  }
0x28: {  	s2 =	sld [smem:$0x3FAE]  }
0x29: {  	s4 =	sld [smem:$0x3FB0]  }
0x2a: {  	p0 =	seq.s32 s5, $0x0;
	s5 =	sld [smem:$0x3FB1]  }
0x2b: {  	s6 =	sld [smem:$0x3FB2]  }
0x2c: {  	s7 =	sld [smem:$0x3FB3]  }
0x2d: {  	s3 =	simm.s32 $0x108;
	s8 =	sld [smem:$0x3FB4]  }
0x2e: {  	s3 =	simm.s32 @!p0 $0x1082;
	s9 =	sld [smem:$0x3FB5]  }
0x2f: {  	lr =	sadd.s32 s0, s3;
	s0 =	sld [smem:$0x3FAC]  }
0x30: {  	s3 =	sld [smem:$0x3FAF]  }
0x31: {  	[smem:$0x3FB8] =	sst s10  }
0x32: {  	s10 =	sld [smem:$0x3FB6];
	_ =	sdelay $0x3  }
0x33: {  	p0 =	seq.s32 s10, $0x1;
	s10 =	sld [smem:$0x3FB8];
	_ =	sdelay $0x3  }
0x34: {  	[smem:$0x3FB8] =	sst s10  }
0x35: {  	s10 =	sld [smem:$0x3FB7];
	_ =	sdelay $0x3  }
0x36: {  	p1 =	seq.s32 s10, $0x1;
	s10 =	sld [smem:$0x3FB8];
	_ =	sdelay $0x3  }
0x37: {  	[smem:$0x3FB8] =	sst s10  }
0x38: {  	s10 =	sld [smem:$0x3FB9]  }
0x39: {  	_ = 	snop;
	(pc) =	sbr.ind lr, $3  }
0x3a: {  	_ = 	snop  }
0x3b: {  	_ = 	snop  }
0x3c: {  	p2 =	seq.s32 s10, $0x1;
	s10 =	sld [smem:$0x3FB8]  }
0x3d: {  	_ =	shalt  }
0x3e: {  	_ =	shalt  }
0x3f: {  	_ =	shalt  }
0x40: {  	_ =	shalt  }
0x41: {  	_ =	shalt  }
0x42: {  	_ =	shalt  }
0x43: {  	_ =	shalt  }
0x44: {  	_ =	shalt  }
0x45: {  	_ =	shalt  }
0x46: {  	_ =	shalt  }
0x47: {  	_ =	shalt  }
0x48: {  	_ =	shalt  }
0x49: {  	_ =	shalt  }
0x4a: {  	_ =	shalt  }
0x4b: {  	_ =	shalt  }
0x4c: {  	_ =	shalt  }
0x4d: {  	_ =	shalt  }
0x4e: {  	_ =	shalt  }
0x4f: {  	_ =	shalt  }
0x50: {  	_ =	shalt  }
0x51: {  	_ =	shalt  }
0x52: {  	_ =	shalt  }
0x53: {  	_ =	shalt  }
0x54: {  	_ =	shalt  }
0x55: {  	_ =	shalt  }
0x56: {  	_ =	shalt  }
0x57: {  	_ =	shalt  }
0x58: {  	_ =	shalt  }
0x59: {  	_ =	shalt  }
0x5a: {  	_ =	shalt  }
0x5b: {  	_ =	shalt  }
0x5c: {  	_ =	shalt  }
0x5d: {  	_ =	shalt  }
0x5e: {  	_ =	shalt  }
0x5f: {  	_ =	shalt  }
0x60: {  	_ =	shalt  }
0x61: {  	_ =	shalt  }
0x62: {  	_ =	shalt  }
0x63: {  	_ =	shalt  }
0x64: {  	_ =	shalt  }
0x65: {  	_ =	shalt  }
0x66: {  	_ =	shalt  }
0x67: {  	_ =	shalt  }
0x68: {  	_ =	shalt  }
0x69: {  	_ =	shalt  }
0x6a: {  	_ =	shalt  }
0x6b: {  	_ =	shalt  }
0x6c: {  	_ =	shalt  }
0x6d: {  	_ =	shalt  }
0x6e: {  	_ =	shalt  }
0x6f: {  	_ =	shalt  }
0x70: {  	_ =	shalt  }
0x71: {  	_ =	shalt  }
0x72: {  	_ =	shalt  }
0x73: {  	_ =	shalt  }
0x74: {  	_ =	shalt  }
0x75: {  	_ =	shalt  }
0x76: {  	_ =	shalt  }
0x77: {  	_ =	shalt  }
0x78: {  	_ =	shalt  }
0x79: {  	_ =	shalt  }
0x7a: {  	_ =	shalt  }
0x7b: {  	_ =	shalt  }
0x7c: {  	_ =	shalt  }
0x7d: {  	_ =	shalt  }
0x7e: {  	_ =	shalt  }
0x7f: {  	_ =	shalt  }
0x80: {  	_ =	shalt  }
0x81: {  	_ =	shalt  }
0x82: {  	_ =	shalt  }
0x83: {  	_ =	shalt  }
0x84: {  	_ =	shalt  }
0x85: {  	_ =	shalt  }
0x86: {  	_ =	shalt  }
0x87: {  	_ =	shalt  }
.Lfunc_end0:
.L_simem_size_0:
called_computation_lowered:
.L_overlay_start_0:
0x88: {  	s2 =	sld [smem:$0x3FD9]  }
0x89: {  	s3 =	sld [smem:$0x3FFE];
	_ =	sdelay $0x1  }
0x8a: {  	s1 =	srdreg.scid  }
0x8b: {  	s0 =	sand.u32 $0x1, s1  }
0x8c: {  	s17 =	sshll.u32 s0, $0xA;
	s2 =	sadd.s32 s3, s2  }
0x8d: {  	s2 =	sadd.s32 s2, s17  }
0x8e: {  	[smem:$0x3FC4] =	sst s2  }
0x8f: {  	_ = 	snop  }
0x90: {  	s2 =	sld [smem:$0x3FD0];
	(tm) =	ssettm $0x1  }
0x91: {  	s18 =	sld [smem:$0x3FFB];
	_ =	sdelay $0x3  }
0x92: {  	_ =	strace s18  }
0x93: {  	s3 =	sld [smem:$0x3FFC];
	_ =	sdelay $0x3  }
0x94: {  	_ =	strace s3  }
0x95: {  	s3 =	sld [smem:$0x3FFD];
	_ =	sdelay $0x3  }
0x96: {  	_ =	strace s3  }
0x97: {  	_ =	strace $0x8FFFFFFF  }
0x98: {  	s19 =	sld [smem:$0x3FDB];
	_ =	sdelay $0x1  }
0x99: {  	s4 =	simm.s32 $_scs_section_size  }
0x9a: {  	s5 =	simm.s32 $_size__tile_overlayer_lowered;
	s6 =	simm.s32 $_tile_overlayer_lowered  }
0x9b: {  	s22 =	simm.s32 $0x1BFF;
	s21 =	sshll.u32 s6, $0x1;
	s3 =	sadd.s32 s4, s19  }
0x9c: {  	s7 =	simm.s32 $0x0;
	s20 =	sshll.u32 s5, $0x1;
	s5 =	sadd.s32 s21, s3  }
0x9d: {  	[timem:s7], [sflag:s22] =	dma.local [hbm:s5], s20  }
0x9e: {  	_ =	swait.ge [sflag:s22], s20  }
0x9f: {  	s4 =	ssub.s32 $0x0, s20;
	[sflag:s22] =	ssyncset.done $0x0  }
0xa0: {  	[sflag:s22] =	ssyncadd.s32 s4;
	_ =	sdelay $0x1  }
0xa1: {  	s23 =	simm.s32 $0x1B8B  }
0xa2: {  	_ =	swait.ge [sflag:s23], $0x1  }
0xa3: {  	[sflag:s23] =	ssyncset.done $0x0  }
0xa4: {  	s25 =	simm.s32 $0x1B8E;
	s24 =	sld [smem:$0x3FFE];
	[sflag:s23] =	ssyncadd.s32 $0xFFFFFFFF  }
0xa5: {  	s26 =	simm.s32 $execute0_lowered;
	[smem:$0x3FD2] =	sst s25  }
0xa6: {  	s5 =	sshll.u32 s26, $0x1;
	_ =	strace $0x80000046;
	[dreg:$0x1] =	wrdreg $0xFFFFFFFF  }
0xa7: {  	s28 =	simm.s32 $_size_execute0_lowered;
	s3 =	sadd.s32 s3, s5;
	[dreg:$0x0] =	wrdreg $0x0  }
0xa8: {  	s5 =	sshll.u32 s28, $0x1;
	[dreg:$0x2] =	wrdreg s3  }
0xa9: {  	[dreg:$0x3] =	wrdreg s5  }
0xaa: {  	[dreg:$0x4] =	wrdreg $0xC0  }
0xab: {  	_ =	task [dreg:s7], $0x5FFFF  }
0xac: {  	[dreg:$0x1] =	wrdreg $0xFFFFFFFF  }
0xad: {  	[dreg:$0x0] =	wrdreg $0x60  }
0xae: {  	[dreg:$0x2] =	wrdreg s24  }
0xaf: {  	[dreg:$0x3] =	wrdreg s2  }
0xb0: {  	[dreg:$0x4] =	wrdreg $0x53000  }
0xb1: {  	[dreg:$0x5] =	wrdreg $0x55800  }
0xb2: {  	[dreg:$0x6] =	wrdreg $0x9  }
0xb3: {  	_ =	task.clear_ibuf [dreg:s7], $0x7FFFF;
	_ =	strace $0x90000046  }
0xb4: {  	s29 =	simm.s32 $0x9;
	_ =	strace $0x80000048  }
0xb5: {  	_ =	swait.ge [sflag:s29], $0x1  }
0xb6: {  	[sflag:s29] =	ssyncadd.s32 $0xFFFFFFFF  }
0xb7: {  	_ =	strace $0x90000048  }
0xb8: {  	_ =	sfence  }
0xb9: {  	s30 =	sld [smem:$0x0];
	_ =	sdelay $0x2  }
0xba: {  	s31 =	sshll.u32 s1, $0xD;
	s1 =	sshrl.u32 s1, $0x2  }
0xbb: {  	s3 =	sand.u32 $0x4000, s31;
	s1 =	sadd.s32 s1, s30  }
0xbc: {  	s0 =	sor.u32 s3, s0;
	s1 =	sshll.u32 s1, $0x11  }
0xbd: {  	s0 =	sor.u32 s1, s0  }
0xbe: {  	s0 =	sadd.s32 $0x8F2B, s0  }
0xbf: {  	[sflag:s0] =	ssyncadd.remote.s32 $0x1  }
0xc0: {  	_ =	sfence.sel $0xFFFF  }
0xc1: {  	[dreg:$0x0] =	wrdreg $0xFFFFFFFF;
	(pc) =	sbr.abs _section_cstart, $3  }
0xc2: {  	[dreg:$0x1] =	wrdreg $0xFFFFFFFF  }
0xc3: {  	_ =	task.clear_ibuf [dreg:s7], $0x2FFFF;
	_ =	strace $0x9FFFFFFF  }
0xc4: {  	(tm) =	ssettm $0x7FFFFFFF  }
0xc5: {  	_ =	shalt  }
tec
execute0_lowered:
.L_overlay_start_1:
0x0: {  	(tag) =	ssettag $0x1  }
0x1: {  	s5 =	rddreg [dreg:$0x0]  }
0x2: {  	s9 =	rddreg [dreg:$0x1]  }
0x3: {  	s2 =	rddreg [dreg:$0x2]  }
0x4: {  	s3 =	rddreg [dreg:$0x3]  }
0x5: {  	s0 =	rddreg [dreg:$0x4];
	s4 =	srdreg.scid  }
0x6: {  	s1 =	stileid.u32;
	s13 =	simm.s32 $0x2780;
	s14 =	simm.s32 $0x5080  }
0x7: {  	s15 =	simm.s32 $0x50;
	s16 =	simm.s32 $0x4F00;
	s17 =	simm.s32 $0x5000  }
0x8: {  	s18 =	simm.s32 $0x4F80;
	s22 =	simm.s32 $0x0;
	s6 =	sand.u32 $0x1, s4  }
0x9: {  	s7 =	sshll.u32 s1, $0x1;
	s8 =	smul.u32 $0x280, s1;
	s4 =	simm.s32 $0x0  }
0xa: {  	s19 =	sshll.u32 s1, $0x6;
	s7 =	sor.u32 s6, s7;
	s10 =	smul.u32 $0x2800, s6  }
0xb: {  	[smem:$0x7FF] =	sst s4;
	s6 =	ssub.s32 $0x2, s6;
	s19 =	sor.u32 $0x1C01, s19  }
0xc: {  	s7 =	smul.u32 $0x4E2, s7;
	s11 =	sshrl.u32 s6, $0x1;
	s10 =	sadd.s32 s8, s10  }
0xd: {  	_ =	strace $0x80000047;
	s11 =	ssub.s32 s6, s11;
	s10 =	sshrl.u32 s10, $0x3  }
0xe: {  	s7 =	sadd.s32 s7, s5;
	s11 =	smax.u32 s11, $0x1;
	s12 =	sadd.s32 s10, s5  }
0xf: {  	s5 =	sadd.s32 $0xBC00, s7;
	s6 =	sadd.s32 $0x1E00, s7;
	s7 =	sadd.s32 s8, s2  }
0x10: {  	s8 =	sadd.s32 s8, s3;
	s9 =	sadd.s32 s9, s10;
	s10 =	sadd.s32 $0x15A00, s12  }
0x11: {  	v0 =	vimm.f32 $0.0e+00;
	v1 =	vimm.f32 $1.000000000e+00;
	s12 =	simm.s32 $0x1;
	s20 =	sshrl.u32 s7, $0x3;
	s21 =	sshrl.u32 s8, $0x3  }
.LBB2_1:
0x12: {  	[tilespmem:s4], [sflag:$0x1] =	stream.linear.gather [hbm4b:s5+s4], $0x2710, $0x38;
	[tilespmem:$0x5800] =	vst v63  }
0x13: {  	_ =	swait.ge [sflag:s12], $0x2710  }
0x14: {  	[sflag:s12] =	ssyncset.done $0x0  }
0x15: {  	[sflag:s12] =	ssyncadd.s32 $0xFFFFD8F0  }
0x16: {  	[tilespmem:s13], [sflag:$0x1] =	stream.linear.gather [hbm4b:s6+s4], $0x2710, $0x38;
	[tilespmem:$0x5800] =	vst v63  }
0x17: {  	_ =	swait.ge [sflag:s12], $0x2710  }
0x18: {  	[sflag:s12] =	ssyncset.done $0x0  }
0x19: {  	[sflag:s12] =	ssyncadd.s32 $0xFFFFD8F0  }
0x1a: {  	[tilespmem:$0x5080] =	vst v0  }
0x1b: {  	[tilespmem:$0x5090] =	vst v0  }
0x1c: {  	[tilespmem:$0x50A0] =	vst v0  }
0x1d: {  	[tilespmem:$0x50B0] =	vst v0  }
0x1e: {  	[tilespmem:$0x50C0] =	vst v0  }
0x1f: {  	[tilespmem:$0x50D0] =	vst v0  }
0x20: {  	[tilespmem:$0x50E0] =	vst v0  }
0x21: {  	[tilespmem:$0x50F0] =	vst v0  }
0x22: {  	[tilespmem:$0x5100] =	vst v0  }
0x23: {  	[tilespmem:$0x5110] =	vst v0  }
0x24: {  	[tilespmem:$0x5120] =	vst v0  }
0x25: {  	[tilespmem:$0x5130] =	vst v0  }
0x26: {  	[tilespmem:$0x5140] =	vst v0  }
0x27: {  	[tilespmem:$0x5150] =	vst v0  }
0x28: {  	[tilespmem:$0x5160] =	vst v0  }
0x29: {  	[tilespmem:$0x5170] =	vst v0  }
0x2a: {  	[tilespmem:$0x5180] =	vst v0  }
0x2b: {  	[tilespmem:$0x5190] =	vst v0  }
0x2c: {  	[tilespmem:$0x51A0] =	vst v0  }
0x2d: {  	[tilespmem:$0x51B0] =	vst v0  }
0x2e: {  	[tilespmem:$0x51C0] =	vst v0  }
0x2f: {  	[tilespmem:$0x51D0] =	vst v0  }
0x30: {  	[tilespmem:$0x51E0] =	vst v0  }
0x31: {  	[tilespmem:$0x51F0] =	vst v0  }
0x32: {  	[tilespmem:$0x5200] =	vst v0  }
0x33: {  	[tilespmem:$0x5210] =	vst v0  }
0x34: {  	[tilespmem:$0x5220] =	vst v0  }
0x35: {  	[tilespmem:$0x5230] =	vst v0  }
0x36: {  	[tilespmem:$0x5240] =	vst v0  }
0x37: {  	[tilespmem:$0x5250] =	vst v0  }
0x38: {  	[tilespmem:$0x5260] =	vst v0  }
0x39: {  	[tilespmem:$0x5270] =	vst v0  }
0x3a: {  	[tilespmem:$0x5280] =	vst v0  }
0x3b: {  	[tilespmem:$0x5290] =	vst v0  }
0x3c: {  	[tilespmem:$0x52A0] =	vst v0  }
0x3d: {  	[tilespmem:$0x52B0] =	vst v0  }
0x3e: {  	[tilespmem:$0x52C0] =	vst v0  }
0x3f: {  	[tilespmem:$0x52D0] =	vst v0  }
0x40: {  	[tilespmem:$0x52E0] =	vst v0  }
0x41: {  	[tilespmem:$0x52F0] =	vst v0  }
0x42: {  	[spmem:s7] =	stream.linear.scatter [tilespmem:s14], [sflag:$0x1], $0x280, $0x38;
	[tilespmem:$0x5800] =	vst v63  }
0x43: {  	_ =	swait.ge [sflag:s12], $0x280  }
0x44: {  	[sflag:s12] =	ssyncset.done $0x0  }
0x45: {  	[sflag:s12] =	ssyncadd.s32 $0xFFFFFD80  }
0x46: {  	[spmem:s8] =	stream.linear.scatter [tilespmem:s14], [sflag:$0x1], $0x280, $0x38;
	[tilespmem:$0x5800] =	vst v63  }
0x47: {  	_ =	swait.ge [sflag:s12], $0x280  }
0x48: {  	[sflag:s12] =	ssyncset.done $0x0  }
0x49: {  	[sflag:s12] =	ssyncadd.s32 $0xFFFFFD80  }
0x4a: {  	[tilespmem:$0x5000] =	vst v1  }
0x4b: {  	[tilespmem:$0x5010] =	vst v1  }
0x4c: {  	[tilespmem:$0x5020] =	vst v1  }
0x4d: {  	[tilespmem:$0x5030] =	vst v1  }
0x4e: {  	[tilespmem:$0x5040] =	vst v1  }
0x4f: {  	s23 =	simm.s32 $0x0;
	[bflag:$0x0] =	sbarrier.arrive $0xFFFF  }
0x50: {  	v2 =	vld [tilespmem:s23+$0x0]  }
0x51: {  	v3 =	vld [tilespmem:s23+$0x2780];
	_ =	sdelay $0x4  }
0x52: {  	vm0 =	veq.s32 v2, v3  }
0x53: {  	v2 =	vsel vm0, $0x2710, v2  }
0x54: {  	v3 =	vsel vm0, $0x2710, v3;
	[tilespmem:$0x4F00] =	vst v2  }
0x55: {  	[tilespmem:$0x4F80] =	vst v3  }
0x56: {  	v2 =	vld [tilespmem:s23+$0x10]  }
0x57: {  	v3 =	vld [tilespmem:s23+$0x2790];
	_ =	sdelay $0x4  }
0x58: {  	vm0 =	veq.s32 v2, v3  }
0x59: {  	v2 =	vsel vm0, $0x2710, v2  }
0x5a: {  	v3 =	vsel vm0, $0x2710, v3;
	[tilespmem:$0x4F10] =	vst v2  }
0x5b: {  	[tilespmem:$0x4F90] =	vst v3  }
0x5c: {  	v2 =	vld [tilespmem:s23+$0x20]  }
0x5d: {  	v3 =	vld [tilespmem:s23+$0x27A0];
	_ =	sdelay $0x4  }
0x5e: {  	vm0 =	veq.s32 v2, v3  }
0x5f: {  	v2 =	vsel vm0, $0x2710, v2  }
0x60: {  	v3 =	vsel vm0, $0x2710, v3;
	[tilespmem:$0x4F20] =	vst v2  }
0x61: {  	[tilespmem:$0x4FA0] =	vst v3  }
0x62: {  	v2 =	vld [tilespmem:s23+$0x30]  }
0x63: {  	v3 =	vld [tilespmem:s23+$0x27B0];
	_ =	sdelay $0x4  }
0x64: {  	vm0 =	veq.s32 v2, v3  }
0x65: {  	v2 =	vsel vm0, $0x2710, v2  }
0x66: {  	v3 =	vsel vm0, $0x2710, v3;
	[tilespmem:$0x4F30] =	vst v2  }
0x67: {  	[tilespmem:$0x4FB0] =	vst v3  }
0x68: {  	v2 =	vld [tilespmem:s23+$0x40]  }
0x69: {  	v3 =	vld [tilespmem:s23+$0x27C0];
	_ =	sdelay $0x4  }
0x6a: {  	s23 =	simm.s32 $0x140;
	vm0 =	veq.s32 v2, v3  }
.LBB2_2:
0x6b: {  	p0 =	sne.s32 s23, $0x9B00;
	v2 =	vsel vm0, $0x2710, v2;
	v3 =	vsel vm0, $0x2710, v3;
	s24 =	smov.u32 s23;
	s23 =	sadd.s32 $0x140, s23  }
0x6c: {  	[tilespmem:$0x4F40] =	vst v2  }
0x6d: {  	[tilespmem:$0x4FC0] =	vst v3  }
0x6e: {  	[spmem:s2] =	stream.indirect.scatter.add.f32 [tilespmem:s17], [sflag:$0x1], $0x1, s16, s15, $0xb8;
	[tilespmem:$0x5800] =	vst v63  }
0x6f: {  	_ =	swait.ge [sflag:s12], $0x50  }
0x70: {  	[sflag:s12] =	ssyncset.done $0x0  }
0x71: {  	[sflag:s12] =	ssyncadd.s32 $0xFFFFFFB0  }
0x72: {  	[spmem:s3] =	stream.indirect.scatter.add.f32 [tilespmem:s17], [sflag:$0x1], $0x1, s18, s15, $0xb8;
	[tilespmem:$0x5800] =	vst v63  }
0x73: {  	_ =	swait.ge [sflag:s12], $0x50  }
0x74: {  	[sflag:s12] =	ssyncset.done $0x0  }
0x75: {  	s24 =	sshra.s32 s24, $0x2;
	[sflag:s12] =	ssyncadd.s32 $0xFFFFFFB0  }
0x76: {  	v2 =	vld [tilespmem:s24+$0x0]  }
0x77: {  	v3 =	vld [tilespmem:s24+$0x2780];
	_ =	sdelay $0x4  }
0x78: {  	vm0 =	veq.s32 v2, v3  }
0x79: {  	v2 =	vsel vm0, $0x2710, v2;
	v3 =	vsel vm0, $0x2710, v3  }
0x7a: {  	[tilespmem:$0x4F00] =	vst v2  }
0x7b: {  	[tilespmem:$0x4F80] =	vst v3  }
0x7c: {  	v2 =	vld [tilespmem:s24+$0x10]  }
0x7d: {  	v3 =	vld [tilespmem:s24+$0x2790];
	_ =	sdelay $0x4  }
0x7e: {  	vm0 =	veq.s32 v2, v3  }
0x7f: {  	v2 =	vsel vm0, $0x2710, v2;
	v3 =	vsel vm0, $0x2710, v3  }
0x80: {  	[tilespmem:$0x4F10] =	vst v2  }
0x81: {  	[tilespmem:$0x4F90] =	vst v3  }
0x82: {  	v2 =	vld [tilespmem:s24+$0x20]  }
0x83: {  	v3 =	vld [tilespmem:s24+$0x27A0];
	_ =	sdelay $0x4  }
0x84: {  	vm0 =	veq.s32 v2, v3  }
0x85: {  	v2 =	vsel vm0, $0x2710, v2;
	v3 =	vsel vm0, $0x2710, v3  }
0x86: {  	[tilespmem:$0x4F20] =	vst v2  }
0x87: {  	[tilespmem:$0x4FA0] =	vst v3  }
0x88: {  	v2 =	vld [tilespmem:s24+$0x30]  }
0x89: {  	v3 =	vld [tilespmem:s24+$0x27B0];
	_ =	sdelay $0x4  }
0x8a: {  	vm0 =	veq.s32 v2, v3  }
0x8b: {  	v2 =	vsel vm0, $0x2710, v2;
	v3 =	vsel vm0, $0x2710, v3  }
0x8c: {  	[tilespmem:$0x4F30] =	vst v2  }
0x8d: {  	[tilespmem:$0x4FB0] =	vst v3  }
0x8e: {  	v2 =	vld [tilespmem:s24+$0x40]  }
0x8f: {  	v3 =	vld [tilespmem:s24+$0x27C0]  }
.Ltmp0:
0x90: {  	(pc) =	sbr.rel @p0 .LBB2_2-.Ltmp0, $2  }
0x91: {  	_ =	sdelay $0x2  }
0x92: {  	vm0 =	veq.s32 v2, v3  }
0x93: {  	v2 =	vsel vm0, $0x2710, v2  }
0x94: {  	v3 =	vsel vm0, $0x2710, v3;
	[tilespmem:$0x4F40] =	vst v2  }
0x95: {  	[tilespmem:$0x4FC0] =	vst v3  }
0x96: {  	[spmem:s2] =	stream.indirect.scatter.add.f32 [tilespmem:s17], [sflag:$0x1], $0x1, s16, s15, $0xb8;
	[tilespmem:$0x5800] =	vst v63  }
0x97: {  	_ =	swait.ge [sflag:s12], $0x50  }
0x98: {  	[sflag:s12] =	ssyncset.done $0x0  }
0x99: {  	[sflag:s12] =	ssyncadd.s32 $0xFFFFFFB0  }
0x9a: {  	[spmem:s3] =	stream.indirect.scatter.add.f32 [tilespmem:s17], [sflag:$0x1], $0x1, s18, s15, $0xb8;
	[tilespmem:$0x5800] =	vst v63  }
0x9b: {  	_ =	swait.ge [sflag:s12], $0x50  }
0x9c: {  	[sflag:s12] =	ssyncset.done $0x0  }
0x9d: {  	[sflag:s12] =	ssyncadd.s32 $0xFFFFFFB0  }
0x9e: {  	[bflag:$0x0] =	sbarrier.arrive $0xFFFF  }
0x9f: {  	[hbm:s9], [sflag:s19] =	dma.local [spmem:s20], $0x50  }
0xa0: {  	s22 =	sadd.s32 $0x1, s22;
	_ =	swait.ge [sflag:s12], $0x50  }
0xa1: {  	p0 =	sne.s32 s22, s11;
	[sflag:s12] =	ssyncset.done $0x0  }
.Ltmp1:
0xa2: {  	[sflag:s12] =	ssyncadd.s32 $0xFFFFFFB0;
	(pc) =	sbr.rel @p0 .LBB2_1-.Ltmp1, $4  }
0xa3: {  	[hbm:s10], [sflag:s19] =	dma.local [spmem:s21], $0x50  }
0xa4: {  	_ =	swait.ge [sflag:s12], $0x50  }
0xa5: {  	[sflag:s12] =	ssyncset.done $0x0  }
0xa6: {  	[sflag:s12] =	ssyncadd.s32 $0xFFFFFFB0  }
0xa7: {  	_ =	sfence.sel $0x180000  }
0xa8: {  	[bflag:$0x0] =	sbarrier.arrive $0xFFFF  }
0xa9: {  	p0 =	sne.s32 s1, $0x0;
	_ =	strace $0x90000047  }
0xaa: {  	s0 =	sadd.s32 @!p0 $0x100000, s0;
	[bflag:$0x2] =	sbarrier.arrive $0xFFFF  }
0xab: {  	[sflag:s0] =	ssyncadd.tile.s32 @!p0 $0x1;
	_ =	shalt  }
.Lfunc_end2:
_tile_overlayer_lowered:
.L_overlay_start_2:
0xac: {  	(tag) =	ssettag $0x2  }
0xad: {  	s0 =	rddreg [dreg:$0x0];
	s2 =	stileid.u32  }
0xae: {  	s1 =	rddreg [dreg:$0x1];
	p0 =	sne.s32 s2, $0x0  }
0xaf: {  	s3 =	rddreg [dreg:$0x2];
	[bflag:$0x3] =	sbarrier.arrive $0xFFFF;
	s2 =	simm.s32 @!p0 $0x1C01  }
0xb0: {  	[timem:s3], [sflag:s2] =	dma.local @!p0 [hbm:s0], s1  }
0xb1: {  	s0 =	simm.s32 @!p0 $0x1  }
0xb2: {  	_ =	swait.ge @!p0 [sflag:s0], s1  }
0xb3: {  	s1 =	ssub.s32 @!p0 $0x0, s1;
	[sflag:s0] =	ssyncset.done @!p0 $0x0  }
0xb4: {  	[sflag:s0] =	ssyncadd.s32 @!p0 s1  }
0xb5: {  	[bflag:$0x3] =	sbarrier.arrive $0xFFFF  }
0xb6: {  	_ =	shalt  }

// kernel: kernel.9.cloned.1.call-start
scs
__scs_entry_jumppad:
0x0: {  	(pc) =	sbr.rel $0x88, $3  }
0x1: {  	(tag) =	ssettag $0x0;
	lr =	simm.s32 $0x1  }
0x2: {  	[smem:$0x3F9D] =	sst lr;
	_ =	strace $0xD0000000  }
0x3: {  	_ = 	snop  }
0x4: {  	_ = 	snop  }
0x5: {  	_ = 	snop  }
0x6: {  	_ = 	snop  }
0x7: {  	_ = 	snop  }
__scs_overlays_trampoline_lowered:
0x8: {  	[smem:$0x3FAC] =	sst s0  }
0x9: {  	[smem:$0x3FAD] =	sst s1  }
0xa: {  	[smem:$0x3FAE] =	sst s2  }
0xb: {  	[smem:$0x3FAF] =	sst s3  }
0xc: {  	[smem:$0x3FB0] =	sst s4  }
0xd: {  	[smem:$0x3FB1] =	sst s5  }
0xe: {  	[smem:$0x3FB2] =	sst s6  }
0xf: {  	[smem:$0x3FB3] =	sst s7  }
0x10: {  	[smem:$0x3FB4] =	sst s8  }
0x11: {  	[smem:$0x3FB5] =	sst s9;
	s0 =	simm.s32 @!p0 $0x0  }
0x12: {  	s1 =	sld [smem:$0x3F9B];
	s0 =	simm.s32 @p0 $0x1  }
0x13: {  	[smem:$0x3FB6] =	sst s0;
	s0 =	simm.s32 @!p1 $0x0  }
0x14: {  	s2 =	sld [smem:$0x3F9A];
	s0 =	simm.s32 @p1 $0x1  }
0x15: {  	[smem:$0x3FB7] =	sst s0;
	s0 =	simm.s32 @!p2 $0x0  }
0x16: {  	s3 =	sld [smem:$0x3FDB];
	s0 =	simm.s32 @p2 $0x1  }
0x17: {  	s4 =	simm.s32 $0x1BF5;
	[smem:$0x3FB9] =	sst s0  }
0x18: {  	s0 =	sld [smem:$0x3F9C];
	_ =	swait.ge [sflag:s4], $0x0  }
0x19: {  	s7 =	sld [smem:$0x3F9D]  }
0x1a: {  	s8 =	sadd.s32 $0xFFFFE003, lr  }
0x1b: {  	s9 =	sadd.s32 $0xFFFFFEF7, lr;
	s5 =	simm.s32 $0xFFFFFFFF;
	p2 =	slt.u32 s8, $0xFFFFF086  }
0x1c: {  	p1 =	slt.u32 s9, $0xF7A;
	s5 =	simm.s32 @!p2 $0x0  }
0x1d: {  	s5 =	simm.s32 @p1 $0x1;
	p0 =	seq.s32 s7, s2  }
0x1e: {  	s7 =	smul.u32 @!p0 $0xF7A, s2;
	p2 =	seq.s32 @!p0 s5, $0x0  }
0x1f: {  	s9 =	smul.u32 $0xF7A, s1;
	s8 =	simm.s32 @!p0 $0x1BF5;
	p2 =	por !p2, p0  }
0x20: {  	[sflag:s8] =	ssyncset.s32 @!p0 $0xFFFFF086;
	s6 =	sadd.s32 @!p0 s3, s7;
	s7 =	simm.s32 @!p0 $0x108  }
0x21: {  	s3 =	sadd.s32 s3, s9;
	s6 =	sadd.s32 @!p0 $0x88, s6;
	s7 =	simm.s32 @p2 $0x1082  }
0x22: {  	[simem:s7], [sflag:s8] =	dma.local @!p0 [hbm:s6], $0xF7A  }
0x23: {  	s9 =	sor.u32 $0xD0000000, s2;
	s6 =	simm.s32 $0x108;
	_ =	swait.ge @!p0 [sflag:s8], $0x0  }
0x24: {  	s3 =	sadd.s32 $0x88, s3;
	s6 =	simm.s32 @!p1 $0x1082;
	[sflag:s4] =	ssyncset.s32 $0xFFFFF086  }
0x25: {  	[simem:s6], [sflag:s4] =	dma.local [hbm:s3], $0xF7A  }
0x26: {  	[smem:$0x3F9D] =	sst s1;
	(tag) =	ssettag s2;
	_ =	strace s9  }
0x27: {  	s1 =	sld [smem:$0x3FAD]  }
0x28: {  	s2 =	sld [smem:$0x3FAE]  }
0x29: {  	s4 =	sld [smem:$0x3FB0]  }
0x2a: {  	p0 =	seq.s32 s5, $0x0;
	s5 =	sld [smem:$0x3FB1]  }
0x2b: {  	s6 =	sld [smem:$0x3FB2]  }
0x2c: {  	s7 =	sld [smem:$0x3FB3]  }
0x2d: {  	s3 =	simm.s32 $0x108;
	s8 =	sld [smem:$0x3FB4]  }
0x2e: {  	s3 =	simm.s32 @!p0 $0x1082;
	s9 =	sld [smem:$0x3FB5]  }
0x2f: {  	lr =	sadd.s32 s0, s3;
	s0 =	sld [smem:$0x3FAC]  }
0x30: {  	s3 =	sld [smem:$0x3FAF]  }
0x31: {  	[smem:$0x3FB8] =	sst s10  }
0x32: {  	s10 =	sld [smem:$0x3FB6];
	_ =	sdelay $0x3  }
0x33: {  	p0 =	seq.s32 s10, $0x1;
	s10 =	sld [smem:$0x3FB8];
	_ =	sdelay $0x3  }
0x34: {  	[smem:$0x3FB8] =	sst s10  }
0x35: {  	s10 =	sld [smem:$0x3FB7];
	_ =	sdelay $0x3  }
0x36: {  	p1 =	seq.s32 s10, $0x1;
	s10 =	sld [smem:$0x3FB8];
	_ =	sdelay $0x3  }
0x37: {  	[smem:$0x3FB8] =	sst s10  }
0x38: {  	s10 =	sld [smem:$0x3FB9]  }
0x39: {  	_ = 	snop;
	(pc) =	sbr.ind lr, $3  }
0x3a: {  	_ = 	snop  }
0x3b: {  	_ = 	snop  }
0x3c: {  	p2 =	seq.s32 s10, $0x1;
	s10 =	sld [smem:$0x3FB8]  }
0x3d: {  	_ =	shalt  }
0x3e: {  	_ =	shalt  }
0x3f: {  	_ =	shalt  }
0x40: {  	_ =	shalt  }
0x41: {  	_ =	shalt  }
0x42: {  	_ =	shalt  }
0x43: {  	_ =	shalt  }
0x44: {  	_ =	shalt  }
0x45: {  	_ =	shalt  }
0x46: {  	_ =	shalt  }
0x47: {  	_ =	shalt  }
0x48: {  	_ =	shalt  }
0x49: {  	_ =	shalt  }
0x4a: {  	_ =	shalt  }
0x4b: {  	_ =	shalt  }
0x4c: {  	_ =	shalt  }
0x4d: {  	_ =	shalt  }
0x4e: {  	_ =	shalt  }
0x4f: {  	_ =	shalt  }
0x50: {  	_ =	shalt  }
0x51: {  	_ =	shalt  }
0x52: {  	_ =	shalt  }
0x53: {  	_ =	shalt  }
0x54: {  	_ =	shalt  }
0x55: {  	_ =	shalt  }
0x56: {  	_ =	shalt  }
0x57: {  	_ =	shalt  }
0x58: {  	_ =	shalt  }
0x59: {  	_ =	shalt  }
0x5a: {  	_ =	shalt  }
0x5b: {  	_ =	shalt  }
0x5c: {  	_ =	shalt  }
0x5d: {  	_ =	shalt  }
0x5e: {  	_ =	shalt  }
0x5f: {  	_ =	shalt  }
0x60: {  	_ =	shalt  }
0x61: {  	_ =	shalt  }
0x62: {  	_ =	shalt  }
0x63: {  	_ =	shalt  }
0x64: {  	_ =	shalt  }
0x65: {  	_ =	shalt  }
0x66: {  	_ =	shalt  }
0x67: {  	_ =	shalt  }
0x68: {  	_ =	shalt  }
0x69: {  	_ =	shalt  }
0x6a: {  	_ =	shalt  }
0x6b: {  	_ =	shalt  }
0x6c: {  	_ =	shalt  }
0x6d: {  	_ =	shalt  }
0x6e: {  	_ =	shalt  }
0x6f: {  	_ =	shalt  }
0x70: {  	_ =	shalt  }
0x71: {  	_ =	shalt  }
0x72: {  	_ =	shalt  }
0x73: {  	_ =	shalt  }
0x74: {  	_ =	shalt  }
0x75: {  	_ =	shalt  }
0x76: {  	_ =	shalt  }
0x77: {  	_ =	shalt  }
0x78: {  	_ =	shalt  }
0x79: {  	_ =	shalt  }
0x7a: {  	_ =	shalt  }
0x7b: {  	_ =	shalt  }
0x7c: {  	_ =	shalt  }
0x7d: {  	_ =	shalt  }
0x7e: {  	_ =	shalt  }
0x7f: {  	_ =	shalt  }
0x80: {  	_ =	shalt  }
0x81: {  	_ =	shalt  }
0x82: {  	_ =	shalt  }
0x83: {  	_ =	shalt  }
0x84: {  	_ =	shalt  }
0x85: {  	_ =	shalt  }
0x86: {  	_ =	shalt  }
0x87: {  	_ =	shalt  }
.Lfunc_end0:
.L_simem_size_0:
called_computation.1_lowered:
.L_overlay_start_0:
0x88: {  	s2 =	sld [smem:$0x3FD9]  }
0x89: {  	s3 =	sld [smem:$0x3FFE];
	_ =	sdelay $0x1  }
0x8a: {  	s1 =	srdreg.scid  }
0x8b: {  	s0 =	sand.u32 $0x1, s1  }
0x8c: {  	s17 =	sshll.u32 s0, $0xA;
	s2 =	sadd.s32 s3, s2  }
0x8d: {  	s2 =	sadd.s32 s2, s17  }
0x8e: {  	[smem:$0x3FC4] =	sst s2  }
0x8f: {  	_ = 	snop  }
0x90: {  	s2 =	sld [smem:$0x3FD0];
	(tm) =	ssettm $0x1  }
0x91: {  	s18 =	sld [smem:$0x3FFB];
	_ =	sdelay $0x3  }
0x92: {  	_ =	strace s18  }
0x93: {  	s3 =	sld [smem:$0x3FFC];
	_ =	sdelay $0x3  }
0x94: {  	_ =	strace s3  }
0x95: {  	s3 =	sld [smem:$0x3FFD];
	_ =	sdelay $0x3  }
0x96: {  	_ =	strace s3  }
0x97: {  	_ =	strace $0x8FFFFFFF  }
0x98: {  	s19 =	sld [smem:$0x3FDB];
	_ =	sdelay $0x1  }
0x99: {  	s4 =	simm.s32 $_scs_section_size  }
0x9a: {  	s5 =	simm.s32 $_size__tile_overlayer_lowered;
	s6 =	simm.s32 $_tile_overlayer_lowered  }
0x9b: {  	s22 =	simm.s32 $0x1BFF;
	s21 =	sshll.u32 s6, $0x1;
	s3 =	sadd.s32 s4, s19  }
0x9c: {  	s7 =	simm.s32 $0x0;
	s20 =	sshll.u32 s5, $0x1;
	s5 =	sadd.s32 s21, s3  }
0x9d: {  	[timem:s7], [sflag:s22] =	dma.local [hbm:s5], s20  }
0x9e: {  	_ =	swait.ge [sflag:s22], s20  }
0x9f: {  	s4 =	ssub.s32 $0x0, s20;
	[sflag:s22] =	ssyncset.done $0x0  }
0xa0: {  	[sflag:s22] =	ssyncadd.s32 s4;
	_ =	sdelay $0x1  }
0xa1: {  	s23 =	simm.s32 $0x1B8B  }
0xa2: {  	_ =	swait.ge [sflag:s23], $0x1  }
0xa3: {  	[sflag:s23] =	ssyncset.done $0x0  }
0xa4: {  	s25 =	simm.s32 $0x1B8E;
	s24 =	sld [smem:$0x3FFE];
	[sflag:s23] =	ssyncadd.s32 $0xFFFFFFFF  }
0xa5: {  	s26 =	simm.s32 $execute0_lowered;
	[smem:$0x3FD2] =	sst s25  }
0xa6: {  	s5 =	sshll.u32 s26, $0x1;
	_ =	strace $0x80000049;
	[dreg:$0x1] =	wrdreg $0xFFFFFFFF  }
0xa7: {  	s28 =	simm.s32 $_size_execute0_lowered;
	s3 =	sadd.s32 s3, s5;
	[dreg:$0x0] =	wrdreg $0x0  }
0xa8: {  	s5 =	sshll.u32 s28, $0x1;
	[dreg:$0x2] =	wrdreg s3  }
0xa9: {  	[dreg:$0x3] =	wrdreg s5  }
0xaa: {  	[dreg:$0x4] =	wrdreg $0xC0  }
0xab: {  	_ =	task [dreg:s7], $0x5FFFF  }
0xac: {  	[dreg:$0x1] =	wrdreg $0xFFFFFFFF  }
0xad: {  	[dreg:$0x0] =	wrdreg $0x60  }
0xae: {  	[dreg:$0x2] =	wrdreg s2  }
0xaf: {  	[dreg:$0x3] =	wrdreg s24  }
0xb0: {  	[dreg:$0x4] =	wrdreg $0xA8000  }
0xb1: {  	[dreg:$0x5] =	wrdreg $0x9  }
0xb2: {  	_ =	task.clear_ibuf [dreg:s7], $0x6FFFF;
	_ =	strace $0x90000049  }
0xb3: {  	s29 =	simm.s32 $0x9;
	_ =	strace $0x8000004B  }
0xb4: {  	_ =	swait.ge [sflag:s29], $0x1  }
0xb5: {  	[sflag:s29] =	ssyncadd.s32 $0xFFFFFFFF  }
0xb6: {  	_ =	strace $0x9000004B  }
0xb7: {  	_ =	sfence  }
0xb8: {  	s30 =	sld [smem:$0x0];
	_ =	sdelay $0x2  }
0xb9: {  	s31 =	sshll.u32 s1, $0xD;
	s1 =	sshrl.u32 s1, $0x2  }
0xba: {  	s3 =	sand.u32 $0x4000, s31;
	s1 =	sadd.s32 s1, s30  }
0xbb: {  	s0 =	sor.u32 s3, s0;
	s1 =	sshll.u32 s1, $0x11  }
0xbc: {  	s0 =	sor.u32 s1, s0  }
0xbd: {  	s0 =	sadd.s32 $0x8F2B, s0  }
0xbe: {  	[sflag:s0] =	ssyncadd.remote.s32 $0x1  }
0xbf: {  	_ =	sfence.sel $0xFFFF  }
0xc0: {  	[dreg:$0x0] =	wrdreg $0xFFFFFFFF;
	(pc) =	sbr.abs _section_cstart, $3  }
0xc1: {  	[dreg:$0x1] =	wrdreg $0xFFFFFFFF  }
0xc2: {  	_ =	task.clear_ibuf [dreg:s7], $0x2FFFF;
	_ =	strace $0x9FFFFFFF  }
0xc3: {  	(tm) =	ssettm $0x7FFFFFFF  }
tec
execute0_lowered:
.L_overlay_start_1:
0x0: {  	(tag) =	ssettag $0x1  }
0x1: {  	s0 =	rddreg [dreg:$0x1]  }
0x2: {  	s1 =	rddreg [dreg:$0x2]  }
0x3: {  	s29 =	simm.s32 $0x0;
	s3 =	stileid.u32;
	s2 =	srdreg.scid  }
0x4: {  	[smem:$0x7FF] =	sst s29;
	s5 =	smul.u32 $0x2800, s3  }
0x5: {  	s6 =	sand.u32 $0x1, s2;
	s12 =	sadd.s32 $0xBC00, s0;
	s9 =	smul.u32 $0x50000, s3  }
0x6: {  	s13 =	sadd.s32 $0x1E00, s0;
	s8 =	sshll.u32 s3, $0x1;
	s20 =	smul.u32 $0x4E20, s3  }
0x7: {  	s18 =	sshll.u32 s3, $0x6;
	_ =	strace $0x8000004A;
	s2 =	smul.u32 $0x28000, s6  }
0x8: {  	s15 =	ssub.s32 $0x2, s6;
	s8 =	sor.u32 s6, s8;
	[dreg:$0x1a] =	wrdreg s12  }
0x9: {  	s6 =	smul.u32 $0x2710, s6;
	[dreg:$0x1b] =	wrdreg s13;
	s7 =	sadd.s32 s5, s0  }
0xa: {  	s10 =	sshrl.u32 s15, $0x1;
	s8 =	smul.u32 $0x2710, s8;
	s9 =	sshrl.u32 s9, $0x2  }
0xb: {  	s2 =	sadd.s32 s5, s2;
	s16 =	sadd.s32 s9, s1;
	s17 =	sadd.s32 $0x16400, s7  }
0xc: {  	s0 =	sadd.s32 s2, s0;
	s2 =	ssub.s32 s15, s10;
	[dreg:$0x1c] =	wrdreg s16  }
0xd: {  	[dreg:$0x1d] =	wrdreg s17;
	s5 =	sshrl.u32 s8, $0x3;
	s15 =	sor.u32 $0x1C0F, s18  }
0xe: {  	s19 =	sadd.s32 $0xA, s5;
	s0 =	sadd.s32 $0x3E400, s0;
	[dreg:$0x1e] =	wrdreg s15  }
0xf: {  	s6 =	sadd.s32 s6, s20;
	s21 =	sadd.s32 s12, s19;
	[smem:$0x7FB] =	sst s0  }
0x10: {  	s22 =	sadd.s32 $0x14, s5;
	s7 =	sadd.s32 s13, s19;
	[dreg:$0x1f] =	wrdreg s21  }
0x11: {  	s8 =	sadd.s32 $0x550, s6;
	s23 =	sadd.s32 s12, s22;
	[smem:$0x7DA] =	sst s7  }
0x12: {  	s24 =	sadd.s32 $0x1E, s5;
	s9 =	sadd.s32 s13, s22;
	[smem:$0x7DB] =	sst s23  }
0x13: {  	s26 =	sadd.s32 $0x28, s5;
	s25 =	sadd.s32 s12, s24;
	[smem:$0x7DC] =	sst s9  }
0x14: {  	s8 =	sshrl.u32 s8, $0x3;
	s30 =	sadd.s32 s12, s26;
	[smem:$0x7DD] =	sst s25  }
0x15: {  	s3 =	sadd.s32 $0x500, s6;
	s1 =	sadd.s32 s8, s13;
	[smem:$0x7DF] =	sst s30  }
0x16: {  	s4 =	sshrl.u32 s3, $0x3;
	s8 =	sadd.s32 s8, s12;
	[dreg:$0x4] =	wrdreg s1  }
0x17: {  	s11 =	sadd.s32 $0x4B0, s6;
	s10 =	sadd.s32 s4, s13;
	[dreg:$0x5] =	wrdreg s8  }
0x18: {  	s16 =	sshrl.u32 s11, $0x3;
	s14 =	sadd.s32 s4, s12;
	[dreg:$0x6] =	wrdreg s10  }
0x19: {  	s17 =	sadd.s32 s16, s13;
	[dreg:$0x7] =	wrdreg s14  }
0x1a: {  	s18 =	sadd.s32 $0x460, s6;
	s19 =	sadd.s32 s16, s12;
	[dreg:$0x8] =	wrdreg s17  }
0x1b: {  	s20 =	sshrl.u32 s18, $0x3;
	s7 =	sadd.s32 s13, s24;
	[dreg:$0x9] =	wrdreg s19  }
0x1c: {  	s21 =	sadd.s32 s20, s13;
	[smem:$0x7DE] =	sst s7  }
0x1d: {  	s22 =	sadd.s32 $0x410, s6;
	s23 =	sadd.s32 s20, s12;
	[dreg:$0xa] =	wrdreg s21  }
0x1e: {  	s24 =	sshrl.u32 s22, $0x3;
	s7 =	sadd.s32 s13, s26;
	[dreg:$0xb] =	wrdreg s23  }
0x1f: {  	s4 =	sadd.s32 $0x320, s6;
	s25 =	sadd.s32 s24, s13;
	[smem:$0x7E0] =	sst s7  }
0x20: {  	s11 =	sshrl.u32 s4, $0x3;
	s30 =	sadd.s32 s24, s12;
	[dreg:$0xc] =	wrdreg s25  }
0x21: {  	s16 =	sadd.s32 $0x2D0, s6;
	s14 =	sadd.s32 s11, s13;
	[dreg:$0xd] =	wrdreg s30  }
0x22: {  	s18 =	sshrl.u32 s16, $0x3;
	s17 =	sadd.s32 s11, s12;
	[dreg:$0x10] =	wrdreg s14  }
0x23: {  	s20 =	sadd.s32 $0x280, s6;
	s19 =	sadd.s32 s18, s13;
	[dreg:$0x11] =	wrdreg s17  }
0x24: {  	s16 =	sadd.s32 $0x474, s5;
	s21 =	sadd.s32 s18, s12;
	[dreg:$0x12] =	wrdreg s19  }
0x25: {  	s22 =	sshrl.u32 s20, $0x3;
	s18 =	sadd.s32 s13, s16;
	[dreg:$0x13] =	wrdreg s21  }
0x26: {  	s28 =	simm.s32 $0x400;
	s23 =	sadd.s32 s22, s13;
	[smem:$0x7E4] =	sst s18  }
0x27: {  	s26 =	sadd.s32 $0x370, s6;
	s25 =	sadd.s32 s22, s12;
	[dreg:$0x14] =	wrdreg s23  }
0x28: {  	s20 =	sadd.s32 $0x488, s5;
	s17 =	sadd.s32 s12, s16;
	[dreg:$0x15] =	wrdreg s25  }
0x29: {  	s1 =	sshrl.u32 s26, $0x3;
	s22 =	sadd.s32 s12, s20;
	[smem:$0x7E3] =	sst s17  }
0x2a: {  	s24 =	sadd.s32 $0x230, s6;
	s3 =	sadd.s32 s1, s13;
	[smem:$0x7E7] =	sst s22  }
0x2b: {  	s26 =	sshrl.u32 s24, $0x3;
	s9 =	sadd.s32 s1, s12;
	[dreg:$0xe] =	wrdreg s3  }
0x2c: {  	s7 =	sadd.s32 $0x32, s5;
	s30 =	sadd.s32 s26, s13;
	[dreg:$0xf] =	wrdreg s9  }
0x2d: {  	s31 =	simm.s32 $0x480;
	s11 =	sadd.s32 s12, s7;
	[dreg:$0x16] =	wrdreg s30  }
0x2e: {  	s19 =	sadd.s32 $0x47E, s5;
	s7 =	sadd.s32 s13, s7;
	[smem:$0x7E1] =	sst s11  }
0x2f: {  	s0 =	simm.s32 $0x50;
	s21 =	sadd.s32 s12, s19;
	[smem:$0x7E2] =	sst s7  }
0x30: {  	s16 =	sadd.s32 $0x4BA, s5;
	s23 =	sadd.s32 s13, s20;
	[smem:$0x7E5] =	sst s21  }
0x31: {  	s24 =	sadd.s32 $0x492, s5;
	s18 =	sadd.s32 s12, s16;
	[smem:$0x7E8] =	sst s23  }
0x32: {  	s1 =	sadd.s32 $0x1E0, s6;
	s3 =	sadd.s32 s26, s12;
	[smem:$0x7F1] =	sst s18  }
0x33: {  	s25 =	sadd.s32 $0x49C, s5;
	s7 =	sadd.s32 s13, s19;
	[dreg:$0x17] =	wrdreg s3  }
0x34: {  	s17 =	sadd.s32 $0x4C4, s5;
	s26 =	sadd.s32 s12, s24;
	[smem:$0x7E6] =	sst s7  }
0x35: {  	s22 =	sadd.s32 $0x4CE, s5;
	s30 =	sadd.s32 s12, s25;
	[smem:$0x7E9] =	sst s26  }
0x36: {  	s4 =	sshrl.u32 s1, $0x3;
	s1 =	sadd.s32 s13, s25;
	[smem:$0x7EB] =	sst s30  }
0x37: {  	s19 =	sadd.s32 s12, s17;
	s20 =	sadd.s32 s13, s17;
	[smem:$0x7EC] =	sst s1  }
0x38: {  	s21 =	sadd.s32 s12, s5;
	s23 =	sadd.s32 s13, s5;
	[smem:$0x7F3] =	sst s19  }
0x39: {  	s17 =	simm.s32 $0x5800;
	s18 =	simm.s32 $0xE;
	[smem:$0x7F4] =	sst s20  }
0x3a: {  	s14 =	sadd.s32 s4, s13;
	s9 =	sadd.s32 s4, s12;
	[smem:$0x7F5] =	sst s21  }
0x3b: {  	s7 =	sadd.s32 s13, s24;
	s3 =	sadd.s32 $0x4A6, s5;
	[smem:$0x7F6] =	sst s23  }
0x3c: {  	s4 =	sadd.s32 $0x4B0, s5;
	s5 =	sadd.s32 $0x4D8, s5;
	[dreg:$0x18] =	wrdreg s14  }
0x3d: {  	s24 =	sadd.s32 s12, s22;
	s26 =	smax.u32 s2, $0x1;
	[dreg:$0x19] =	wrdreg s9  }
0x3e: {  	s30 =	sadd.s32 $0x3C0, s6;
	s21 =	simm.s32 $0x300;
	[smem:$0x7EA] =	sst s7  }
0x3f: {  	s2 =	simm.s32 $0x200;
	s20 =	simm.s32 $0x500;
	[smem:$0x7F7] =	sst s24  }
0x40: {  	s23 =	simm.s32 $0x680;
	s1 =	simm.s32 $0x0;
	[smem:$0x7FC] =	sst s26  }
0x41: {  	s10 =	sadd.s32 s12, s3;
	s7 =	sadd.s32 s13, s3;
	[smem:$0x7FD] =	sst s30  }
0x42: {  	s11 =	sadd.s32 s12, s4;
	s14 =	sadd.s32 s13, s4;
	[smem:$0x7ED] =	sst s10  }
0x43: {  	s25 =	sadd.s32 s12, s5;
	s5 =	sadd.s32 s13, s5;
	[smem:$0x7EE] =	sst s7  }
0x44: {  	s3 =	simm.s32 $0xF;
	s9 =	simm.s32 $0x8000;
	[smem:$0x7EF] =	sst s11  }
0x45: {  	s26 =	simm.s32 $0xB;
	s4 =	simm.s32 $0x6;
	[smem:$0x7F0] =	sst s14  }
0x46: {  	s12 =	simm.s32 $0xA;
	s7 =	sadd.s32 s13, s16;
	[smem:$0x7F9] =	sst s25  }
0x47: {  	[smem:$0x7FA] =	sst s5;
	s11 =	simm.s32 $0x380;
	s5 =	simm.s32 $0x600  }
0x48: {  	s25 =	simm.s32 $0x280;
	[smem:$0x7F2] =	sst s7;
	s7 =	sadd.s32 s13, s22  }
0x49: {  	s14 =	simm.s32 $0x580;
	[smem:$0x7F8] =	sst s7;
	s7 =	simm.s32 $0x5  }
.LBB2_1:
0x4a: {  	[smem:$0x7D8] =	sst s1  }
0x4b: {  	s6 =	rddreg [dreg:$0x1c]  }
0x4c: {  	s8 =	rddreg [dreg:$0x1d];
	s6 =	sshrl.u32 s6, $0x3  }
0x4d: {  	[smem:$0x7D9] =	sst s6  }
0x4e: {  	[spmem:s6], [sflag:s15] =	dma.local [hbm:s8], $0x2800  }
0x4f: {  	_ =	swait.ge [sflag:s3], $0x2800  }
0x50: {  	[sflag:s3] =	ssyncset.done $0x0  }
0x51: {  	[sflag:s3] =	ssyncadd.s32 $0xFFFFD800  }
0x52: {  	[bflag:$0x0] =	sbarrier.arrive $0xFFFF  }
0x53: {  	s10 =	sld [smem:$0x7F5];
	_ =	sdelay $0x1  }
0x54: {  	s13 =	sld [smem:$0x7F6]  }
0x55: {  	[tilespmem:s29], [sflag:$0x1] =	stream.linear.gather [hbm4b:s10+s29], $0x50, $0x38;
	[tilespmem:$0x1E800] =	vst v63  }
0x56: {  	s15 =	rddreg [dreg:$0x1f]  }
0x57: {  	[tilespmem:s21], [sflag:$0x1] =	stream.linear.gather [hbm4b:s13+s29], $0x50, $0x38;
	[tilespmem:$0x1E800] =	vst v63  }
0x58: {  	s16 =	simm.s32 $0x80;
	s19 =	sld [smem:$0x7DA]  }
0x59: {  	[tilespmem:s16], [sflag:$0x2] =	stream.linear.gather [hbm4b:s15+s29], $0x50, $0x38;
	[tilespmem:$0x1E800] =	vst v63  }
0x5a: {  	s21 =	sld [smem:$0x7DB]  }
0x5b: {  	[tilespmem:s11], [sflag:$0x2] =	stream.linear.gather [hbm4b:s19+s29], $0x50, $0x38;
	[tilespmem:$0x1E800] =	vst v63  }
0x5c: {  	s22 =	sld [smem:$0x7DC];
	s10 =	simm.s32 $0x100  }
0x5d: {  	[tilespmem:s10], [sflag:$0x3] =	stream.linear.gather [hbm4b:s21+s29], $0x50, $0x38;
	[tilespmem:$0x1E800] =	vst v63  }
0x5e: {  	s24 =	sld [smem:$0x7DD]  }
0x5f: {  	[tilespmem:s28], [sflag:$0x3] =	stream.linear.gather [hbm4b:s22+s29], $0x50, $0x38;
	[tilespmem:$0x1E800] =	vst v63  }
0x60: {  	s8 =	simm.s32 $0x180;
	s28 =	sld [smem:$0x7DE]  }
0x61: {  	[tilespmem:s8], [sflag:$0x4] =	stream.linear.gather [hbm4b:s24+s29], $0x50, $0x38;
	[tilespmem:$0x1E800] =	vst v63  }
0x62: {  	s30 =	simm.s32 $0x1  }
0x63: {  	[tilespmem:s31], [sflag:$0x4] =	stream.linear.gather [hbm4b:s28+s29], $0x50, $0x38;
	[tilespmem:$0x1E800] =	vst v63  }
0x64: {  	_ =	swait.ge [sflag:s30], $0x50  }
0x65: {  	[sflag:s30] =	ssyncset.done $0x0  }
0x66: {  	[sflag:s30] =	ssyncadd.s32 $0xFFFFFFB0  }
0x67: {  	_ =	swait.ge [sflag:s30], $0x50  }
0x68: {  	[sflag:s30] =	ssyncset.done $0x0  }
0x69: {  	[sflag:s30] =	ssyncadd.s32 $0xFFFFFFB0  }
0x6a: {  	s13 =	simm.s32 $0x2;
	s31 =	simm.s32 $0x800;
	s1 =	rddreg [dreg:$0x0]  }
0x6b: {  	[tilespmem:s31], [sflag:$0x7] =	stream.indirect.gather [hbm4b:s1+s0], $0x80, s29, s0, $0xb8;
	[tilespmem:$0x1E800] =	vst v63  }
0x6c: {  	_ =	swait.ge [sflag:s13], $0x50  }
0x6d: {  	[sflag:s13] =	ssyncset.done $0x0  }
0x6e: {  	[sflag:s13] =	ssyncadd.s32 $0xFFFFFFB0  }
0x6f: {  	_ =	swait.ge [sflag:s13], $0x50  }
0x70: {  	[sflag:s13] =	ssyncset.done $0x0  }
0x71: {  	[sflag:s13] =	ssyncadd.s32 $0xFFFFFFB0;
	s13 =	simm.s32 $0x3000  }
0x72: {  	[tilespmem:s13], [sflag:$0x8] =	stream.indirect.gather [hbm4b:s1+s0], $0x80, s16, s0, $0xb8;
	[tilespmem:$0x1E800] =	vst v63  }
0x73: {  	s16 =	sld [smem:$0x7DF];
	_ =	sdelay $0x1  }
0x74: {  	s19 =	sld [smem:$0x7E0]  }
0x75: {  	[tilespmem:s2], [sflag:$0x5] =	stream.linear.gather [hbm4b:s16+s29], $0x50, $0x38;
	[tilespmem:$0x1E800] =	vst v63  }
0x76: {  	s21 =	simm.s32 $0x3  }
0x77: {  	[tilespmem:s20], [sflag:$0x5] =	stream.linear.gather [hbm4b:s19+s29], $0x50, $0x38;
	[tilespmem:$0x1E800] =	vst v63  }
0x78: {  	_ =	swait.ge [sflag:s21], $0x50  }
0x79: {  	[sflag:s21] =	ssyncset.done $0x0  }
0x7a: {  	[sflag:s21] =	ssyncadd.s32 $0xFFFFFFB0  }
0x7b: {  	_ =	swait.ge [sflag:s21], $0x50  }
0x7c: {  	[sflag:s21] =	ssyncset.done $0x0  }
0x7d: {  	s22 =	simm.s32 $0x7;
	[sflag:s21] =	ssyncadd.s32 $0xFFFFFFB0  }
0x7e: {  	[tilespmem:s17], [sflag:$0x9] =	stream.indirect.gather [hbm4b:s1+s0], $0x80, s10, s0, $0xb8;
	[tilespmem:$0x1E800] =	vst v63  }
0x7f: {  	_ =	swait.ge [sflag:s22], $0x2800  }
0x80: {  	[sflag:s22] =	ssyncset.done $0x0  }
0x81: {  	[sflag:s22] =	ssyncadd.s32 $0xFFFFD800  }
0x82: {  	v0 =	vld [tilespmem:$0x0]  }
0x83: {  	v1 =	vld [tilespmem:$0x300]  }
0x84: {  	v2 =	vld [tilespmem:$0x10]  }
0x85: {  	v3 =	vld [tilespmem:$0x310]  }
0x86: {  	v4 =	vld [tilespmem:$0x20]  }
0x87: {  	v5 =	vld [tilespmem:$0x320]  }
0x88: {  	v6 =	vld [tilespmem:$0x30]  }
0x89: {  	v7 =	vld [tilespmem:$0x330]  }
0x8a: {  	v8 =	vld [tilespmem:$0x40]  }
0x8b: {  	v9 =	vld [tilespmem:$0x340]  }
0x8c: {  	vm0 =	veq.s32 v0, v1  }
0x8d: {  	vm7 =	veq.s32 v2, v3;
	v0 =	vsel vm0, $0x2710, v1  }
0x8e: {  	vm8 =	veq.s32 v4, v5;
	v46 =	vsel vm7, $0x2710, v3;
	[tilespmem:$0x600] =	vst v0  }
0x8f: {  	vm9 =	veq.s32 v6, v7;
	v47 =	vsel vm8, $0x2710, v5;
	[tilespmem:$0x610] =	vst v46  }
0x90: {  	vm10 =	veq.s32 v8, v9;
	v48 =	vsel vm9, $0x2710, v7;
	[tilespmem:$0x620] =	vst v47  }
0x91: {  	s24 =	sld [smem:$0x7E1];
	v49 =	vsel vm10, $0x2710, v9;
	[tilespmem:$0x630] =	vst v48  }
0x92: {  	s2 =	rddreg [dreg:$0x2];
	[tilespmem:$0x640] =	vst v49  }
0x93: {  	[spmem:s2] =	stream.indirect.scatter.add.f32 [tilespmem:s31], [sflag:$0xB], $0x80, s5, s0, $0xb8;
	[tilespmem:$0x1E800] =	vst v63  }
0x94: {  	s28 =	sld [smem:$0x7E2]  }
0x95: {  	[tilespmem:s25], [sflag:$0x6] =	stream.linear.gather [hbm4b:s24+s29], $0x50, $0x38;
	[tilespmem:$0x1E800] =	vst v63  }
0x96: {  	s30 =	simm.s32 $0x4  }
0x97: {  	[tilespmem:s14], [sflag:$0x6] =	stream.linear.gather [hbm4b:s28+s29], $0x50, $0x38;
	[tilespmem:$0x1E800] =	vst v63  }
0x98: {  	_ =	swait.ge [sflag:s30], $0x50  }
0x99: {  	[sflag:s30] =	ssyncset.done $0x0  }
0x9a: {  	[sflag:s30] =	ssyncadd.s32 $0xFFFFFFB0  }
0x9b: {  	_ =	swait.ge [sflag:s30], $0x50  }
0x9c: {  	[sflag:s30] =	ssyncset.done $0x0  }
0x9d: {  	s31 =	simm.s32 $0x8;
	[sflag:s30] =	ssyncadd.s32 $0xFFFFFFB0  }
0x9e: {  	[tilespmem:s9], [sflag:$0xA] =	stream.indirect.gather [hbm4b:s1+s0], $0x80, s8, s0, $0xb8;
	[tilespmem:$0x1E800] =	vst v63  }
0x9f: {  	_ =	swait.ge [sflag:s31], $0x2800  }
0xa0: {  	[sflag:s31] =	ssyncset.done $0x0  }
0xa1: {  	[sflag:s31] =	ssyncadd.s32 $0xFFFFD800  }
0xa2: {  	v50 =	vld [tilespmem:$0x80]  }
0xa3: {  	v51 =	vld [tilespmem:$0x380]  }
0xa4: {  	v52 =	vld [tilespmem:$0x90]  }
0xa5: {  	v53 =	vld [tilespmem:$0x390]  }
0xa6: {  	v54 =	vld [tilespmem:$0xA0]  }
0xa7: {  	v55 =	vld [tilespmem:$0x3A0]  }
0xa8: {  	v56 =	vld [tilespmem:$0xB0]  }
0xa9: {  	v57 =	vld [tilespmem:$0x3B0]  }
0xaa: {  	v58 =	vld [tilespmem:$0xC0]  }
0xab: {  	v59 =	vld [tilespmem:$0x3C0]  }
0xac: {  	vm11 =	veq.s32 v50, v51  }
0xad: {  	vm12 =	veq.s32 v52, v53;
	v0 =	vsel vm11, $0x2710, v51  }
0xae: {  	vm13 =	veq.s32 v54, v55;
	v60 =	vsel vm12, $0x2710, v53;
	[tilespmem:$0x680] =	vst v0  }
0xaf: {  	vm14 =	veq.s32 v56, v57;
	v61 =	vsel vm13, $0x2710, v55;
	[tilespmem:$0x690] =	vst v60  }
0xb0: {  	vm15 =	veq.s32 v58, v59;
	v62 =	vsel vm14, $0x2710, v57;
	[tilespmem:$0x6A0] =	vst v61  }
0xb1: {  	v63 =	vsel vm15, $0x2710, v59;
	[tilespmem:$0x6B0] =	vst v62  }
0xb2: {  	s6 =	simm.s32 $0x0;
	s21 =	sld [smem:$0x7FD];
	[tilespmem:$0x6C0] =	vst v63  }
0xb3: {  	[spmem:s2] =	stream.indirect.scatter.add.f32 [tilespmem:s13], [sflag:$0xC], $0x80, s23, s0, $0xb8;
	[tilespmem:$0x1E800] =	vst v63  }
.LBB2_2:
0xb4: {  	_ =	swait.ge [sflag:s26], $0x2800  }
0xb5: {  	s15 =	rddreg [dreg:$0x19];
	[sflag:s26] =	ssyncset.done $0x0  }
0xb6: {  	s28 =	rddreg [dreg:$0x18];
	[sflag:s26] =	ssyncadd.s32 $0xFFFFD800;
	s15 =	sadd.s32 s6, s15  }
0xb7: {  	[tilespmem:s29], [sflag:$0x1] =	stream.linear.gather [hbm4b:s15+s29], $0x50, $0x38;
	[tilespmem:$0x1E800] =	vst v63  }
0xb8: {  	s9 =	sadd.s32 s6, s28;
	s26 =	simm.s32 $0x300  }
0xb9: {  	[tilespmem:s26], [sflag:$0x1] =	stream.linear.gather [hbm4b:s9+s29], $0x50, $0x38;
	[tilespmem:$0x1E800] =	vst v63  }
0xba: {  	_ =	swait.ge [sflag:s7], $0x50  }
0xbb: {  	[sflag:s7] =	ssyncset.done $0x0  }
0xbc: {  	[sflag:s7] =	ssyncadd.s32 $0xFFFFFFB0  }
0xbd: {  	_ =	swait.ge [sflag:s7], $0x50  }
0xbe: {  	[sflag:s7] =	ssyncset.done $0x0  }
0xbf: {  	s13 =	simm.s32 $0x200;
	[sflag:s7] =	ssyncadd.s32 $0xFFFFFFB0  }
0xc0: {  	s20 =	simm.s32 $0x800;
	s16 =	simm.s32 $0x9;
	s3 =	rddreg [dreg:$0x0]  }
0xc1: {  	[tilespmem:s20], [sflag:$0x7] =	stream.indirect.gather [hbm4b:s3+s0], $0x80, s13, s0, $0xb8;
	[tilespmem:$0x1E800] =	vst v63  }
0xc2: {  	_ =	swait.ge [sflag:s16], $0x2800  }
0xc3: {  	[sflag:s16] =	ssyncset.done $0x0  }
0xc4: {  	[sflag:s16] =	ssyncadd.s32 $0xFFFFD800  }
0xc5: {  	v0 =	vld [tilespmem:$0x100]  }
0xc6: {  	v1 =	vld [tilespmem:$0x400]  }
0xc7: {  	v2 =	vld [tilespmem:$0x110]  }
0xc8: {  	v3 =	vld [tilespmem:$0x410]  }
0xc9: {  	v4 =	vld [tilespmem:$0x120]  }
0xca: {  	v5 =	vld [tilespmem:$0x420]  }
0xcb: {  	v6 =	vld [tilespmem:$0x130]  }
0xcc: {  	v7 =	vld [tilespmem:$0x430]  }
0xcd: {  	v8 =	vld [tilespmem:$0x140]  }
0xce: {  	v9 =	vld [tilespmem:$0x440]  }
0xcf: {  	vm0 =	veq.s32 v0, v1  }
0xd0: {  	vm5 =	veq.s32 v2, v3;
	v0 =	vsel vm0, $0x2710, v1  }
0xd1: {  	vm6 =	veq.s32 v4, v5;
	v10 =	vsel vm5, $0x2710, v3;
	[tilespmem:$0x700] =	vst v0  }
0xd2: {  	vm7 =	veq.s32 v6, v7;
	v11 =	vsel vm6, $0x2710, v5;
	[tilespmem:$0x710] =	vst v10  }
0xd3: {  	vm8 =	veq.s32 v8, v9;
	v12 =	vsel vm7, $0x2710, v7;
	[tilespmem:$0x720] =	vst v11  }
0xd4: {  	s17 =	simm.s32 $0x5800;
	v13 =	vsel vm8, $0x2710, v9;
	[tilespmem:$0x730] =	vst v12  }
0xd5: {  	s1 =	simm.s32 $0x700;
	s30 =	simm.s32 $0xC;
	s31 =	rddreg [dreg:$0x2];
	[tilespmem:$0x740] =	vst v13  }
0xd6: {  	[spmem:s31] =	stream.indirect.scatter.add.f32 [tilespmem:s17], [sflag:$0xD], $0x80, s1, s0, $0xb8;
	[tilespmem:$0x1E800] =	vst v63  }
0xd7: {  	_ =	swait.ge [sflag:s30], $0x2800  }
0xd8: {  	s7 =	simm.s32 $0x80;
	s10 =	rddreg [dreg:$0x17];
	[sflag:s30] =	ssyncset.done $0x0  }
0xd9: {  	s11 =	rddreg [dreg:$0x16];
	[sflag:s30] =	ssyncadd.s32 $0xFFFFD800;
	s15 =	sadd.s32 s6, s10  }
0xda: {  	[tilespmem:s7], [sflag:$0x2] =	stream.linear.gather [hbm4b:s15+s29], $0x50, $0x38;
	[tilespmem:$0x1E800] =	vst v63  }
0xdb: {  	s19 =	simm.s32 $0x380;
	s14 =	sadd.s32 s6, s11  }
0xdc: {  	[tilespmem:s19], [sflag:$0x2] =	stream.linear.gather [hbm4b:s14+s29], $0x50, $0x38;
	[tilespmem:$0x1E800] =	vst v63  }
0xdd: {  	_ =	swait.ge [sflag:s4], $0x50  }
0xde: {  	[sflag:s4] =	ssyncset.done $0x0  }
0xdf: {  	[sflag:s4] =	ssyncadd.s32 $0xFFFFFFB0  }
0xe0: {  	_ =	swait.ge [sflag:s4], $0x50  }
0xe1: {  	[sflag:s4] =	ssyncset.done $0x0  }
0xe2: {  	s10 =	simm.s32 $0x280;
	s19 =	simm.s32 $0x3000;
	[sflag:s4] =	ssyncadd.s32 $0xFFFFFFB0  }
0xe3: {  	[tilespmem:s19], [sflag:$0x8] =	stream.indirect.gather [hbm4b:s3+s0], $0x80, s10, s0, $0xb8;
	[tilespmem:$0x1E800] =	vst v63  }
0xe4: {  	_ =	swait.ge [sflag:s12], $0x2800  }
0xe5: {  	[sflag:s12] =	ssyncset.done $0x0  }
0xe6: {  	[sflag:s12] =	ssyncadd.s32 $0xFFFFD800  }
0xe7: {  	v14 =	vld [tilespmem:$0x180]  }
0xe8: {  	v15 =	vld [tilespmem:$0x480]  }
0xe9: {  	v16 =	vld [tilespmem:$0x190]  }
0xea: {  	v17 =	vld [tilespmem:$0x490]  }
0xeb: {  	v18 =	vld [tilespmem:$0x1A0]  }
0xec: {  	v19 =	vld [tilespmem:$0x4A0]  }
0xed: {  	v20 =	vld [tilespmem:$0x1B0]  }
0xee: {  	v21 =	vld [tilespmem:$0x4B0]  }
0xef: {  	v22 =	vld [tilespmem:$0x1C0]  }
0xf0: {  	v23 =	vld [tilespmem:$0x4C0]  }
0xf1: {  	vm9 =	veq.s32 v14, v15  }
0xf2: {  	vm10 =	veq.s32 v16, v17;
	v0 =	vsel vm9, $0x2710, v15  }
0xf3: {  	vm11 =	veq.s32 v18, v19;
	v24 =	vsel vm10, $0x2710, v17;
	[tilespmem:$0x780] =	vst v0  }
0xf4: {  	vm12 =	veq.s32 v20, v21;
	v25 =	vsel vm11, $0x2710, v19;
	[tilespmem:$0x790] =	vst v24  }
0xf5: {  	vm13 =	veq.s32 v22, v23;
	v26 =	vsel vm12, $0x2710, v21;
	[tilespmem:$0x7A0] =	vst v25  }
0xf6: {  	v27 =	vsel vm13, $0x2710, v23;
	[tilespmem:$0x7B0] =	vst v26  }
0xf7: {  	s23 =	simm.s32 $0x780;
	s9 =	simm.s32 $0x8000;
	s14 =	simm.s32 $0xD;
	[tilespmem:$0x7C0] =	vst v27  }
0xf8: {  	[spmem:s31] =	stream.indirect.scatter.add.f32 [tilespmem:s9], [sflag:$0xE], $0x80, s23, s0, $0xb8;
	[tilespmem:$0x1E800] =	vst v63  }
0xf9: {  	_ =	swait.ge [sflag:s14], $0x2800  }
0xfa: {  	s2 =	simm.s32 $0x100;
	s24 =	rddreg [dreg:$0x15];
	[sflag:s14] =	ssyncset.done $0x0  }
0xfb: {  	s25 =	rddreg [dreg:$0x14];
	[sflag:s14] =	ssyncadd.s32 $0xFFFFD800;
	s15 =	sadd.s32 s6, s24  }
0xfc: {  	[tilespmem:s2], [sflag:$0x3] =	stream.linear.gather [hbm4b:s15+s29], $0x50, $0x38;
	[tilespmem:$0x1E800] =	vst v63  }
0xfd: {  	s4 =	simm.s32 $0x400;
	s23 =	simm.s32 $0x1;
	s1 =	sadd.s32 s6, s25  }
0xfe: {  	[tilespmem:s4], [sflag:$0x3] =	stream.linear.gather [hbm4b:s1+s29], $0x50, $0x38;
	[tilespmem:$0x1E800] =	vst v63  }
0xff: {  	_ =	swait.ge [sflag:s23], $0x50  }
0x100: {  	[sflag:s23] =	ssyncset.done $0x0  }
0x101: {  	[sflag:s23] =	ssyncadd.s32 $0xFFFFFFB0  }
0x102: {  	_ =	swait.ge [sflag:s23], $0x50  }
0x103: {  	[sflag:s23] =	ssyncset.done $0x0  }
0x104: {  	s25 =	simm.s32 $0x7;
	[sflag:s23] =	ssyncadd.s32 $0xFFFFFFB0  }
0x105: {  	[tilespmem:s17], [sflag:$0x9] =	stream.indirect.gather [hbm4b:s3+s0], $0x80, s29, s0, $0xb8;
	[tilespmem:$0x1E800] =	vst v63  }
0x106: {  	_ =	swait.ge [sflag:s25], $0x2800  }
0x107: {  	[sflag:s25] =	ssyncset.done $0x0  }
0x108: {  	[sflag:s25] =	ssyncadd.s32 $0xFFFFD800  }
0x109: {  	v28 =	vld [tilespmem:$0x200]  }
0x10a: {  	v29 =	vld [tilespmem:$0x500]  }
0x10b: {  	v30 =	vld [tilespmem:$0x210]  }
0x10c: {  	v31 =	vld [tilespmem:$0x510]  }
0x10d: {  	v32 =	vld [tilespmem:$0x220]  }
0x10e: {  	v33 =	vld [tilespmem:$0x520]  }
0x10f: {  	v34 =	vld [tilespmem:$0x230]  }
0x110: {  	v35 =	vld [tilespmem:$0x530]  }
0x111: {  	v36 =	vld [tilespmem:$0x240]  }
0x112: {  	v37 =	vld [tilespmem:$0x540]  }
0x113: {  	vm14 =	veq.s32 v28, v29  }
0x114: {  	vm15 =	veq.s32 v30, v31;
	v0 =	vsel vm14, $0x2710, v29  }
0x115: {  	vm4 =	veq.s32 v32, v33;
	v38 =	vsel vm15, $0x2710, v31;
	[tilespmem:$0x600] =	vst v0  }
0x116: {  	vm5 =	veq.s32 v34, v35;
	v39 =	vsel vm4, $0x2710, v33;
	[tilespmem:$0x610] =	vst v38  }
0x117: {  	vm6 =	veq.s32 v36, v37;
	v40 =	vsel vm5, $0x2710, v35;
	[tilespmem:$0x620] =	vst v39  }
0x118: {  	v41 =	vsel vm6, $0x2710, v37;
	[tilespmem:$0x630] =	vst v40  }
0x119: {  	s8 =	simm.s32 $0x600;
	[tilespmem:$0x640] =	vst v41  }
0x11a: {  	[spmem:s31] =	stream.indirect.scatter.add.f32 [tilespmem:s20], [sflag:$0xB], $0x80, s8, s0, $0xb8;
	[tilespmem:$0x1E800] =	vst v63  }
0x11b: {  	_ =	swait.ge [sflag:s18], $0x2800  }
0x11c: {  	s8 =	simm.s32 $0x180;
	s11 =	rddreg [dreg:$0x13];
	[sflag:s18] =	ssyncset.done $0x0  }
0x11d: {  	s12 =	rddreg [dreg:$0x12];
	[sflag:s18] =	ssyncadd.s32 $0xFFFFD800;
	s15 =	sadd.s32 s6, s11  }
0x11e: {  	[tilespmem:s8], [sflag:$0x4] =	stream.linear.gather [hbm4b:s15+s29], $0x50, $0x38;
	[tilespmem:$0x1E800] =	vst v63  }
0x11f: {  	s24 =	simm.s32 $0x480;
	s18 =	sadd.s32 s6, s12;
	s12 =	simm.s32 $0x2  }
0x120: {  	[tilespmem:s24], [sflag:$0x4] =	stream.linear.gather [hbm4b:s18+s29], $0x50, $0x38;
	[tilespmem:$0x1E800] =	vst v63  }
0x121: {  	_ =	swait.ge [sflag:s12], $0x50  }
0x122: {  	[sflag:s12] =	ssyncset.done $0x0  }
0x123: {  	[sflag:s12] =	ssyncadd.s32 $0xFFFFFFB0  }
0x124: {  	_ =	swait.ge [sflag:s12], $0x50  }
0x125: {  	[sflag:s12] =	ssyncset.done $0x0  }
0x126: {  	s1 =	simm.s32 $0x8;
	[sflag:s12] =	ssyncadd.s32 $0xFFFFFFB0  }
0x127: {  	[tilespmem:s9], [sflag:$0xA] =	stream.indirect.gather [hbm4b:s3+s0], $0x80, s7, s0, $0xb8;
	[tilespmem:$0x1E800] =	vst v63  }
0x128: {  	_ =	swait.ge [sflag:s1], $0x2800  }
0x129: {  	[sflag:s1] =	ssyncset.done $0x0  }
0x12a: {  	[sflag:s1] =	ssyncadd.s32 $0xFFFFD800  }
0x12b: {  	v42 =	vld [tilespmem:$0x280]  }
0x12c: {  	v43 =	vld [tilespmem:$0x580]  }
0x12d: {  	v44 =	vld [tilespmem:$0x290]  }
0x12e: {  	v45 =	vld [tilespmem:$0x590]  }
0x12f: {  	v46 =	vld [tilespmem:$0x2A0]  }
0x130: {  	v47 =	vld [tilespmem:$0x5A0]  }
0x131: {  	v48 =	vld [tilespmem:$0x2B0]  }
0x132: {  	v49 =	vld [tilespmem:$0x5B0]  }
0x133: {  	v50 =	vld [tilespmem:$0x2C0]  }
0x134: {  	v51 =	vld [tilespmem:$0x5C0]  }
0x135: {  	vm7 =	veq.s32 v42, v43  }
0x136: {  	vm8 =	veq.s32 v44, v45;
	v0 =	vsel vm7, $0x2710, v43  }
0x137: {  	vm9 =	veq.s32 v46, v47;
	v52 =	vsel vm8, $0x2710, v45;
	[tilespmem:$0x680] =	vst v0  }
0x138: {  	vm10 =	veq.s32 v48, v49;
	v53 =	vsel vm9, $0x2710, v47;
	[tilespmem:$0x690] =	vst v52  }
0x139: {  	vm11 =	veq.s32 v50, v51;
	v54 =	vsel vm10, $0x2710, v49;
	[tilespmem:$0x6A0] =	vst v53  }
0x13a: {  	v55 =	vsel vm11, $0x2710, v51;
	[tilespmem:$0x6B0] =	vst v54  }
0x13b: {  	s5 =	simm.s32 $0xB;
	s28 =	simm.s32 $0x680;
	[tilespmem:$0x6C0] =	vst v55  }
0x13c: {  	[spmem:s31] =	stream.indirect.scatter.add.f32 [tilespmem:s19], [sflag:$0xC], $0x80, s28, s0, $0xb8;
	[tilespmem:$0x1E800] =	vst v63  }
0x13d: {  	_ =	swait.ge [sflag:s5], $0x2800  }
0x13e: {  	s18 =	rddreg [dreg:$0x11];
	[sflag:s5] =	ssyncset.done $0x0  }
0x13f: {  	s24 =	rddreg [dreg:$0x10];
	[sflag:s5] =	ssyncadd.s32 $0xFFFFD800;
	s15 =	sadd.s32 s6, s18  }
0x140: {  	[tilespmem:s13], [sflag:$0x5] =	stream.linear.gather [hbm4b:s15+s29], $0x50, $0x38;
	[tilespmem:$0x1E800] =	vst v63  }
0x141: {  	s18 =	sadd.s32 s6, s24;
	s5 =	simm.s32 $0x500  }
0x142: {  	[tilespmem:s5], [sflag:$0x5] =	stream.linear.gather [hbm4b:s18+s29], $0x50, $0x38;
	[tilespmem:$0x1E800] =	vst v63  }
0x143: {  	s18 =	simm.s32 $0x3  }
0x144: {  	_ =	swait.ge [sflag:s18], $0x50  }
0x145: {  	[sflag:s18] =	ssyncset.done $0x0  }
0x146: {  	[sflag:s18] =	ssyncadd.s32 $0xFFFFFFB0  }
0x147: {  	_ =	swait.ge [sflag:s18], $0x50  }
0x148: {  	[sflag:s18] =	ssyncset.done $0x0  }
0x149: {  	[sflag:s18] =	ssyncadd.s32 $0xFFFFFFB0  }
0x14a: {  	[tilespmem:s20], [sflag:$0x7] =	stream.indirect.gather [hbm4b:s3+s0], $0x80, s2, s0, $0xb8;
	[tilespmem:$0x1E800] =	vst v63  }
0x14b: {  	_ =	swait.ge [sflag:s16], $0x2800  }
0x14c: {  	[sflag:s16] =	ssyncset.done $0x0  }
0x14d: {  	[sflag:s16] =	ssyncadd.s32 $0xFFFFD800  }
0x14e: {  	v56 =	vld [tilespmem:$0x0]  }
0x14f: {  	v57 =	vld [tilespmem:$0x300]  }
0x150: {  	v58 =	vld [tilespmem:$0x10]  }
0x151: {  	v59 =	vld [tilespmem:$0x310]  }
0x152: {  	v60 =	vld [tilespmem:$0x20]  }
0x153: {  	v61 =	vld [tilespmem:$0x320]  }
0x154: {  	v62 =	vld [tilespmem:$0x30]  }
0x155: {  	v63 =	vld [tilespmem:$0x330]  }
0x156: {  	v12 =	vld [tilespmem:$0x40]  }
0x157: {  	v13 =	vld [tilespmem:$0x340]  }
0x158: {  	vm12 =	veq.s32 v56, v57  }
0x159: {  	vm13 =	veq.s32 v58, v59;
	v0 =	vsel vm12, $0x2710, v57  }
0x15a: {  	vm14 =	veq.s32 v60, v61;
	v14 =	vsel vm13, $0x2710, v59;
	[tilespmem:$0x700] =	vst v0  }
0x15b: {  	vm15 =	veq.s32 v62, v63;
	v15 =	vsel vm14, $0x2710, v61;
	[tilespmem:$0x710] =	vst v14  }
0x15c: {  	vm4 =	veq.s32 v12, v13;
	v16 =	vsel vm15, $0x2710, v63;
	[tilespmem:$0x720] =	vst v15  }
0x15d: {  	v17 =	vsel vm4, $0x2710, v13;
	[tilespmem:$0x730] =	vst v16  }
0x15e: {  	s22 =	simm.s32 $0x700;
	[tilespmem:$0x740] =	vst v17  }
0x15f: {  	[spmem:s31] =	stream.indirect.scatter.add.f32 [tilespmem:s17], [sflag:$0xD], $0x80, s22, s0, $0xb8;
	[tilespmem:$0x1E800] =	vst v63  }
0x160: {  	_ =	swait.ge [sflag:s30], $0x2800  }
0x161: {  	s15 =	rddreg [dreg:$0xf];
	[sflag:s30] =	ssyncset.done $0x0  }
0x162: {  	s22 =	rddreg [dreg:$0xe];
	[sflag:s30] =	ssyncadd.s32 $0xFFFFD800;
	s15 =	sadd.s32 s6, s15  }
0x163: {  	[tilespmem:s10], [sflag:$0x6] =	stream.linear.gather [hbm4b:s15+s29], $0x50, $0x38;
	[tilespmem:$0x1E800] =	vst v63  }
0x164: {  	s28 =	simm.s32 $0x580;
	s22 =	sadd.s32 s6, s22  }
0x165: {  	[tilespmem:s28], [sflag:$0x6] =	stream.linear.gather [hbm4b:s22+s29], $0x50, $0x38;
	[tilespmem:$0x1E800] =	vst v63  }
0x166: {  	s22 =	simm.s32 $0x4  }
0x167: {  	_ =	swait.ge [sflag:s22], $0x50  }
0x168: {  	[sflag:s22] =	ssyncset.done $0x0  }
0x169: {  	[sflag:s22] =	ssyncadd.s32 $0xFFFFFFB0  }
0x16a: {  	_ =	swait.ge [sflag:s22], $0x50  }
0x16b: {  	[sflag:s22] =	ssyncset.done $0x0  }
0x16c: {  	s11 =	simm.s32 $0xA;
	[sflag:s22] =	ssyncadd.s32 $0xFFFFFFB0  }
0x16d: {  	[tilespmem:s19], [sflag:$0x8] =	stream.indirect.gather [hbm4b:s3+s0], $0x80, s8, s0, $0xb8;
	[tilespmem:$0x1E800] =	vst v63  }
0x16e: {  	_ =	swait.ge [sflag:s11], $0x2800  }
0x16f: {  	[sflag:s11] =	ssyncset.done $0x0  }
0x170: {  	[sflag:s11] =	ssyncadd.s32 $0xFFFFD800  }
0x171: {  	v18 =	vld [tilespmem:$0x80]  }
0x172: {  	v19 =	vld [tilespmem:$0x380]  }
0x173: {  	v20 =	vld [tilespmem:$0x90]  }
0x174: {  	v21 =	vld [tilespmem:$0x390]  }
0x175: {  	v22 =	vld [tilespmem:$0xA0]  }
0x176: {  	v23 =	vld [tilespmem:$0x3A0]  }
0x177: {  	v24 =	vld [tilespmem:$0xB0]  }
0x178: {  	v25 =	vld [tilespmem:$0x3B0]  }
0x179: {  	v26 =	vld [tilespmem:$0xC0]  }
0x17a: {  	v27 =	vld [tilespmem:$0x3C0]  }
0x17b: {  	vm5 =	veq.s32 v18, v19  }
0x17c: {  	vm6 =	veq.s32 v20, v21;
	v0 =	vsel vm5, $0x2710, v19  }
0x17d: {  	vm7 =	veq.s32 v22, v23;
	v28 =	vsel vm6, $0x2710, v21;
	[tilespmem:$0x780] =	vst v0  }
0x17e: {  	vm8 =	veq.s32 v24, v25;
	v29 =	vsel vm7, $0x2710, v23;
	[tilespmem:$0x790] =	vst v28  }
0x17f: {  	vm9 =	veq.s32 v26, v27;
	v30 =	vsel vm8, $0x2710, v25;
	[tilespmem:$0x7A0] =	vst v29  }
0x180: {  	v31 =	vsel vm9, $0x2710, v27;
	[tilespmem:$0x7B0] =	vst v30  }
0x181: {  	s15 =	simm.s32 $0x780;
	[tilespmem:$0x7C0] =	vst v31  }
0x182: {  	[spmem:s31] =	stream.indirect.scatter.add.f32 [tilespmem:s9], [sflag:$0xE], $0x80, s15, s0, $0xb8;
	[tilespmem:$0x1E800] =	vst v63  }
0x183: {  	_ =	swait.ge [sflag:s14], $0x2800  }
0x184: {  	s15 =	sshrl.u32 s21, $0x3;
	[sflag:s14] =	ssyncset.done $0x0;
	s28 =	rddreg [dreg:$0x1a]  }
0x185: {  	[sflag:s14] =	ssyncadd.s32 $0xFFFFD800;
	s11 =	sadd.s32 s28, s15;
	s28 =	rddreg [dreg:$0x1b]  }
0x186: {  	[tilespmem:s29], [sflag:$0x1] =	stream.linear.gather [hbm4b:s11+s29], $0x50, $0x38;
	[tilespmem:$0x1E800] =	vst v63  }
0x187: {  	s4 =	simm.s32 $0x5;
	s15 =	sadd.s32 s28, s15  }
0x188: {  	[tilespmem:s26], [sflag:$0x1] =	stream.linear.gather [hbm4b:s15+s29], $0x50, $0x38;
	[tilespmem:$0x1E800] =	vst v63  }
0x189: {  	_ =	swait.ge [sflag:s4], $0x50  }
0x18a: {  	[sflag:s4] =	ssyncset.done $0x0  }
0x18b: {  	[sflag:s4] =	ssyncadd.s32 $0xFFFFFFB0  }
0x18c: {  	_ =	swait.ge [sflag:s4], $0x50  }
0x18d: {  	[sflag:s4] =	ssyncset.done $0x0  }
0x18e: {  	[sflag:s4] =	ssyncadd.s32 $0xFFFFFFB0  }
0x18f: {  	[tilespmem:s17], [sflag:$0x9] =	stream.indirect.gather [hbm4b:s3+s0], $0x80, s13, s0, $0xb8;
	[tilespmem:$0x1E800] =	vst v63  }
0x190: {  	_ =	swait.ge [sflag:s25], $0x2800  }
0x191: {  	[sflag:s25] =	ssyncset.done $0x0  }
0x192: {  	[sflag:s25] =	ssyncadd.s32 $0xFFFFD800  }
0x193: {  	v32 =	vld [tilespmem:$0x100]  }
0x194: {  	v33 =	vld [tilespmem:$0x400]  }
0x195: {  	v34 =	vld [tilespmem:$0x110]  }
0x196: {  	v35 =	vld [tilespmem:$0x410]  }
0x197: {  	v36 =	vld [tilespmem:$0x120]  }
0x198: {  	v37 =	vld [tilespmem:$0x420]  }
0x199: {  	v38 =	vld [tilespmem:$0x130]  }
0x19a: {  	v39 =	vld [tilespmem:$0x430]  }
0x19b: {  	v40 =	vld [tilespmem:$0x140]  }
0x19c: {  	v41 =	vld [tilespmem:$0x440]  }
0x19d: {  	vm10 =	veq.s32 v32, v33  }
0x19e: {  	vm11 =	veq.s32 v34, v35;
	v0 =	vsel vm10, $0x2710, v33  }
0x19f: {  	vm12 =	veq.s32 v36, v37;
	v42 =	vsel vm11, $0x2710, v35;
	[tilespmem:$0x600] =	vst v0  }
0x1a0: {  	vm13 =	veq.s32 v38, v39;
	v43 =	vsel vm12, $0x2710, v37;
	[tilespmem:$0x610] =	vst v42  }
0x1a1: {  	vm14 =	veq.s32 v40, v41;
	v44 =	vsel vm13, $0x2710, v39;
	[tilespmem:$0x620] =	vst v43  }
0x1a2: {  	v45 =	vsel vm14, $0x2710, v41;
	[tilespmem:$0x630] =	vst v44  }
0x1a3: {  	s24 =	simm.s32 $0xE;
	s28 =	simm.s32 $0x600;
	[tilespmem:$0x640] =	vst v45  }
0x1a4: {  	[spmem:s31] =	stream.indirect.scatter.add.f32 [tilespmem:s20], [sflag:$0xB], $0x80, s28, s0, $0xb8;
	[tilespmem:$0x1E800] =	vst v63  }
0x1a5: {  	_ =	swait.ge [sflag:s24], $0x2800  }
0x1a6: {  	s15 =	rddreg [dreg:$0xd];
	[sflag:s24] =	ssyncset.done $0x0  }
0x1a7: {  	s11 =	rddreg [dreg:$0xc];
	[sflag:s24] =	ssyncadd.s32 $0xFFFFD800;
	s15 =	sadd.s32 s6, s15  }
0x1a8: {  	[tilespmem:s7], [sflag:$0x2] =	stream.linear.gather [hbm4b:s15+s29], $0x50, $0x38;
	[tilespmem:$0x1E800] =	vst v63  }
0x1a9: {  	s4 =	simm.s32 $0x6;
	s28 =	simm.s32 $0x380;
	s24 =	sadd.s32 s6, s11  }
0x1aa: {  	[tilespmem:s28], [sflag:$0x2] =	stream.linear.gather [hbm4b:s24+s29], $0x50, $0x38;
	[tilespmem:$0x1E800] =	vst v63  }
0x1ab: {  	_ =	swait.ge [sflag:s4], $0x50  }
0x1ac: {  	[sflag:s4] =	ssyncset.done $0x0  }
0x1ad: {  	[sflag:s4] =	ssyncadd.s32 $0xFFFFFFB0  }
0x1ae: {  	_ =	swait.ge [sflag:s4], $0x50  }
0x1af: {  	[sflag:s4] =	ssyncset.done $0x0  }
0x1b0: {  	[sflag:s4] =	ssyncadd.s32 $0xFFFFFFB0  }
0x1b1: {  	[tilespmem:s9], [sflag:$0xA] =	stream.indirect.gather [hbm4b:s3+s0], $0x80, s10, s0, $0xb8;
	[tilespmem:$0x1E800] =	vst v63  }
0x1b2: {  	_ =	swait.ge [sflag:s1], $0x2800  }
0x1b3: {  	[sflag:s1] =	ssyncset.done $0x0  }
0x1b4: {  	[sflag:s1] =	ssyncadd.s32 $0xFFFFD800  }
0x1b5: {  	v46 =	vld [tilespmem:$0x180]  }
0x1b6: {  	v47 =	vld [tilespmem:$0x480]  }
0x1b7: {  	v48 =	vld [tilespmem:$0x190]  }
0x1b8: {  	v49 =	vld [tilespmem:$0x490]  }
0x1b9: {  	v50 =	vld [tilespmem:$0x1A0]  }
0x1ba: {  	v51 =	vld [tilespmem:$0x4A0]  }
0x1bb: {  	v52 =	vld [tilespmem:$0x1B0]  }
0x1bc: {  	v53 =	vld [tilespmem:$0x4B0]  }
0x1bd: {  	v54 =	vld [tilespmem:$0x1C0]  }
0x1be: {  	v55 =	vld [tilespmem:$0x4C0]  }
0x1bf: {  	vm15 =	veq.s32 v46, v47  }
0x1c0: {  	vm4 =	veq.s32 v48, v49;
	v0 =	vsel vm15, $0x2710, v47  }
0x1c1: {  	vm5 =	veq.s32 v50, v51;
	v56 =	vsel vm4, $0x2710, v49;
	[tilespmem:$0x680] =	vst v0  }
0x1c2: {  	vm6 =	veq.s32 v52, v53;
	v57 =	vsel vm5, $0x2710, v51;
	[tilespmem:$0x690] =	vst v56  }
0x1c3: {  	vm7 =	veq.s32 v54, v55;
	v58 =	vsel vm6, $0x2710, v53;
	[tilespmem:$0x6A0] =	vst v57  }
0x1c4: {  	v59 =	vsel vm7, $0x2710, v55;
	[tilespmem:$0x6B0] =	vst v58  }
0x1c5: {  	s26 =	simm.s32 $0xB;
	s11 =	simm.s32 $0x680;
	[tilespmem:$0x6C0] =	vst v59  }
0x1c6: {  	[spmem:s31] =	stream.indirect.scatter.add.f32 [tilespmem:s19], [sflag:$0xC], $0x80, s11, s0, $0xb8;
	[tilespmem:$0x1E800] =	vst v63  }
0x1c7: {  	_ =	swait.ge [sflag:s26], $0x2800  }
0x1c8: {  	s15 =	rddreg [dreg:$0xb];
	[sflag:s26] =	ssyncset.done $0x0  }
0x1c9: {  	s24 =	rddreg [dreg:$0xa];
	[sflag:s26] =	ssyncadd.s32 $0xFFFFD800;
	s15 =	sadd.s32 s6, s15  }
0x1ca: {  	[tilespmem:s2], [sflag:$0x3] =	stream.linear.gather [hbm4b:s15+s29], $0x50, $0x38;
	[tilespmem:$0x1E800] =	vst v63  }
0x1cb: {  	s28 =	simm.s32 $0x400;
	s24 =	sadd.s32 s6, s24  }
0x1cc: {  	[tilespmem:s28], [sflag:$0x3] =	stream.linear.gather [hbm4b:s24+s29], $0x50, $0x38;
	[tilespmem:$0x1E800] =	vst v63  }
0x1cd: {  	_ =	swait.ge [sflag:s23], $0x50  }
0x1ce: {  	[sflag:s23] =	ssyncset.done $0x0  }
0x1cf: {  	[sflag:s23] =	ssyncadd.s32 $0xFFFFFFB0  }
0x1d0: {  	_ =	swait.ge [sflag:s23], $0x50  }
0x1d1: {  	[sflag:s23] =	ssyncset.done $0x0  }
0x1d2: {  	[sflag:s23] =	ssyncadd.s32 $0xFFFFFFB0  }
0x1d3: {  	[tilespmem:s20], [sflag:$0x7] =	stream.indirect.gather [hbm4b:s3+s0], $0x80, s29, s0, $0xb8;
	[tilespmem:$0x1E800] =	vst v63  }
0x1d4: {  	_ =	swait.ge [sflag:s16], $0x2800  }
0x1d5: {  	[sflag:s16] =	ssyncset.done $0x0  }
0x1d6: {  	[sflag:s16] =	ssyncadd.s32 $0xFFFFD800  }
0x1d7: {  	v60 =	vld [tilespmem:$0x200]  }
0x1d8: {  	v61 =	vld [tilespmem:$0x500]  }
0x1d9: {  	v62 =	vld [tilespmem:$0x210]  }
0x1da: {  	v63 =	vld [tilespmem:$0x510]  }
0x1db: {  	v12 =	vld [tilespmem:$0x220]  }
0x1dc: {  	v13 =	vld [tilespmem:$0x520]  }
0x1dd: {  	v14 =	vld [tilespmem:$0x230]  }
0x1de: {  	v15 =	vld [tilespmem:$0x530]  }
0x1df: {  	v16 =	vld [tilespmem:$0x240]  }
0x1e0: {  	v17 =	vld [tilespmem:$0x540]  }
0x1e1: {  	vm8 =	veq.s32 v60, v61  }
0x1e2: {  	vm9 =	veq.s32 v62, v63;
	v0 =	vsel vm8, $0x2710, v61  }
0x1e3: {  	vm10 =	veq.s32 v12, v13;
	v18 =	vsel vm9, $0x2710, v63;
	[tilespmem:$0x700] =	vst v0  }
0x1e4: {  	vm11 =	veq.s32 v14, v15;
	v19 =	vsel vm10, $0x2710, v13;
	[tilespmem:$0x710] =	vst v18  }
0x1e5: {  	vm12 =	veq.s32 v16, v17;
	v20 =	vsel vm11, $0x2710, v15;
	[tilespmem:$0x720] =	vst v19  }
0x1e6: {  	v21 =	vsel vm12, $0x2710, v17;
	[tilespmem:$0x730] =	vst v20  }
0x1e7: {  	s23 =	simm.s32 $0x700;
	[tilespmem:$0x740] =	vst v21  }
0x1e8: {  	[spmem:s31] =	stream.indirect.scatter.add.f32 [tilespmem:s17], [sflag:$0xD], $0x80, s23, s0, $0xb8;
	[tilespmem:$0x1E800] =	vst v63  }
0x1e9: {  	_ =	swait.ge [sflag:s30], $0x2800  }
0x1ea: {  	s24 =	rddreg [dreg:$0x9];
	[sflag:s30] =	ssyncset.done $0x0  }
0x1eb: {  	s16 =	rddreg [dreg:$0x8];
	[sflag:s30] =	ssyncadd.s32 $0xFFFFD800;
	s15 =	sadd.s32 s6, s24  }
0x1ec: {  	[tilespmem:s8], [sflag:$0x4] =	stream.linear.gather [hbm4b:s15+s29], $0x50, $0x38;
	[tilespmem:$0x1E800] =	vst v63  }
0x1ed: {  	s23 =	sadd.s32 s6, s16;
	s24 =	simm.s32 $0x480  }
0x1ee: {  	[tilespmem:s24], [sflag:$0x4] =	stream.linear.gather [hbm4b:s23+s29], $0x50, $0x38;
	[tilespmem:$0x1E800] =	vst v63  }
0x1ef: {  	_ =	swait.ge [sflag:s12], $0x50  }
0x1f0: {  	[sflag:s12] =	ssyncset.done $0x0  }
0x1f1: {  	[sflag:s12] =	ssyncadd.s32 $0xFFFFFFB0  }
0x1f2: {  	_ =	swait.ge [sflag:s12], $0x50  }
0x1f3: {  	[sflag:s12] =	ssyncset.done $0x0  }
0x1f4: {  	[sflag:s12] =	ssyncadd.s32 $0xFFFFFFB0;
	s12 =	simm.s32 $0xA  }
0x1f5: {  	[tilespmem:s19], [sflag:$0x8] =	stream.indirect.gather [hbm4b:s3+s0], $0x80, s7, s0, $0xb8;
	[tilespmem:$0x1E800] =	vst v63  }
0x1f6: {  	_ =	swait.ge [sflag:s12], $0x2800  }
0x1f7: {  	[sflag:s12] =	ssyncset.done $0x0  }
0x1f8: {  	[sflag:s12] =	ssyncadd.s32 $0xFFFFD800  }
0x1f9: {  	v22 =	vld [tilespmem:$0x280]  }
0x1fa: {  	v23 =	vld [tilespmem:$0x580]  }
0x1fb: {  	v24 =	vld [tilespmem:$0x290]  }
0x1fc: {  	v25 =	vld [tilespmem:$0x590]  }
0x1fd: {  	v26 =	vld [tilespmem:$0x2A0]  }
0x1fe: {  	v27 =	vld [tilespmem:$0x5A0]  }
0x1ff: {  	v28 =	vld [tilespmem:$0x2B0]  }
0x200: {  	v29 =	vld [tilespmem:$0x5B0]  }
0x201: {  	v30 =	vld [tilespmem:$0x2C0]  }
0x202: {  	v31 =	vld [tilespmem:$0x5C0]  }
0x203: {  	vm13 =	veq.s32 v22, v23  }
0x204: {  	vm14 =	veq.s32 v24, v25;
	v0 =	vsel vm13, $0x2710, v23  }
0x205: {  	vm15 =	veq.s32 v26, v27;
	v32 =	vsel vm14, $0x2710, v25;
	[tilespmem:$0x780] =	vst v0  }
0x206: {  	vm4 =	veq.s32 v28, v29;
	v33 =	vsel vm15, $0x2710, v27;
	[tilespmem:$0x790] =	vst v32  }
0x207: {  	vm5 =	veq.s32 v30, v31;
	v34 =	vsel vm4, $0x2710, v29;
	[tilespmem:$0x7A0] =	vst v33  }
0x208: {  	v35 =	vsel vm5, $0x2710, v31;
	[tilespmem:$0x7B0] =	vst v34  }
0x209: {  	s28 =	simm.s32 $0x780;
	[tilespmem:$0x7C0] =	vst v35  }
0x20a: {  	[spmem:s31] =	stream.indirect.scatter.add.f32 [tilespmem:s9], [sflag:$0xE], $0x80, s28, s0, $0xb8;
	[tilespmem:$0x1E800] =	vst v63  }
0x20b: {  	_ =	swait.ge [sflag:s14], $0x2800  }
0x20c: {  	s30 =	rddreg [dreg:$0x7];
	[sflag:s14] =	ssyncset.done $0x0  }
0x20d: {  	s7 =	rddreg [dreg:$0x6];
	[sflag:s14] =	ssyncadd.s32 $0xFFFFD800;
	s15 =	sadd.s32 s6, s30  }
0x20e: {  	[tilespmem:s13], [sflag:$0x5] =	stream.linear.gather [hbm4b:s15+s29], $0x50, $0x38;
	[tilespmem:$0x1E800] =	vst v63  }
0x20f: {  	s16 =	sadd.s32 s6, s7  }
0x210: {  	[tilespmem:s5], [sflag:$0x5] =	stream.linear.gather [hbm4b:s16+s29], $0x50, $0x38;
	[tilespmem:$0x1E800] =	vst v63  }
0x211: {  	_ =	swait.ge [sflag:s18], $0x50  }
0x212: {  	[sflag:s18] =	ssyncset.done $0x0  }
0x213: {  	[sflag:s18] =	ssyncadd.s32 $0xFFFFFFB0  }
0x214: {  	_ =	swait.ge [sflag:s18], $0x50  }
0x215: {  	[sflag:s18] =	ssyncset.done $0x0  }
0x216: {  	[sflag:s18] =	ssyncadd.s32 $0xFFFFFFB0  }
0x217: {  	[tilespmem:s17], [sflag:$0x9] =	stream.indirect.gather [hbm4b:s3+s0], $0x80, s2, s0, $0xb8;
	[tilespmem:$0x1E800] =	vst v63  }
0x218: {  	_ =	swait.ge [sflag:s25], $0x2800  }
0x219: {  	[sflag:s25] =	ssyncset.done $0x0  }
0x21a: {  	[sflag:s25] =	ssyncadd.s32 $0xFFFFD800  }
0x21b: {  	v36 =	vld [tilespmem:$0x0]  }
0x21c: {  	v37 =	vld [tilespmem:$0x300]  }
0x21d: {  	v38 =	vld [tilespmem:$0x10]  }
0x21e: {  	v39 =	vld [tilespmem:$0x310]  }
0x21f: {  	v40 =	vld [tilespmem:$0x20]  }
0x220: {  	v41 =	vld [tilespmem:$0x320]  }
0x221: {  	v42 =	vld [tilespmem:$0x30]  }
0x222: {  	v43 =	vld [tilespmem:$0x330]  }
0x223: {  	v44 =	vld [tilespmem:$0x40]  }
0x224: {  	v45 =	vld [tilespmem:$0x340]  }
0x225: {  	vm6 =	veq.s32 v36, v37  }
0x226: {  	vm7 =	veq.s32 v38, v39;
	v0 =	vsel vm6, $0x2710, v37  }
0x227: {  	vm8 =	veq.s32 v40, v41;
	v46 =	vsel vm7, $0x2710, v39;
	[tilespmem:$0x600] =	vst v0  }
0x228: {  	vm9 =	veq.s32 v42, v43;
	v47 =	vsel vm8, $0x2710, v41;
	[tilespmem:$0x610] =	vst v46  }
0x229: {  	vm10 =	veq.s32 v44, v45;
	v48 =	vsel vm9, $0x2710, v43;
	[tilespmem:$0x620] =	vst v47  }
0x22a: {  	v49 =	vsel vm10, $0x2710, v45;
	[tilespmem:$0x630] =	vst v48  }
0x22b: {  	s23 =	simm.s32 $0x600;
	s18 =	simm.s32 $0xE;
	[tilespmem:$0x640] =	vst v49  }
0x22c: {  	[spmem:s31] =	stream.indirect.scatter.add.f32 [tilespmem:s20], [sflag:$0xB], $0x80, s23, s0, $0xb8;
	[tilespmem:$0x1E800] =	vst v63  }
0x22d: {  	_ =	swait.ge [sflag:s18], $0x2800  }
0x22e: {  	s24 =	rddreg [dreg:$0x5];
	[sflag:s18] =	ssyncset.done $0x0  }
0x22f: {  	s25 =	rddreg [dreg:$0x4];
	[sflag:s18] =	ssyncadd.s32 $0xFFFFD800;
	s15 =	sadd.s32 s6, s24  }
0x230: {  	[tilespmem:s10], [sflag:$0x6] =	stream.linear.gather [hbm4b:s15+s29], $0x50, $0x38;
	[tilespmem:$0x1E800] =	vst v63  }
0x231: {  	s30 =	simm.s32 $0x580;
	s28 =	sadd.s32 s6, s25  }
0x232: {  	[tilespmem:s30], [sflag:$0x6] =	stream.linear.gather [hbm4b:s28+s29], $0x50, $0x38;
	[tilespmem:$0x1E800] =	vst v63  }
0x233: {  	_ =	swait.ge [sflag:s22], $0x50  }
0x234: {  	[sflag:s22] =	ssyncset.done $0x0  }
0x235: {  	[sflag:s22] =	ssyncadd.s32 $0xFFFFFFB0  }
0x236: {  	_ =	swait.ge [sflag:s22], $0x50  }
0x237: {  	[sflag:s22] =	ssyncset.done $0x0  }
0x238: {  	[sflag:s22] =	ssyncadd.s32 $0xFFFFFFB0  }
0x239: {  	[tilespmem:s9], [sflag:$0xA] =	stream.indirect.gather [hbm4b:s3+s0], $0x80, s8, s0, $0xb8;
	[tilespmem:$0x1E800] =	vst v63  }
0x23a: {  	_ =	swait.ge [sflag:s1], $0x2800  }
0x23b: {  	[sflag:s1] =	ssyncset.done $0x0  }
0x23c: {  	[sflag:s1] =	ssyncadd.s32 $0xFFFFD800  }
0x23d: {  	v50 =	vld [tilespmem:$0x80]  }
0x23e: {  	v51 =	vld [tilespmem:$0x380]  }
0x23f: {  	v52 =	vld [tilespmem:$0x90]  }
0x240: {  	v53 =	vld [tilespmem:$0x390]  }
0x241: {  	v54 =	vld [tilespmem:$0xA0]  }
0x242: {  	v55 =	vld [tilespmem:$0x3A0]  }
0x243: {  	v56 =	vld [tilespmem:$0xB0]  }
0x244: {  	v57 =	vld [tilespmem:$0x3B0]  }
0x245: {  	v58 =	vld [tilespmem:$0xC0]  }
0x246: {  	v59 =	vld [tilespmem:$0x3C0]  }
0x247: {  	vm11 =	veq.s32 v50, v51  }
0x248: {  	vm12 =	veq.s32 v52, v53;
	v0 =	vsel vm11, $0x2710, v51  }
0x249: {  	p0 =	sne.s32 s6, $0x3C0;
	vm13 =	veq.s32 v54, v55;
	v60 =	vsel vm12, $0x2710, v53;
	[tilespmem:$0x680] =	vst v0  }
.Ltmp0:
0x24a: {  	vm14 =	veq.s32 v56, v57;
	v61 =	vsel vm13, $0x2710, v55;
	[tilespmem:$0x690] =	vst v60;
	(pc) =	sbr.rel @p0 .LBB2_2-.Ltmp0, $4  }
0x24b: {  	vm15 =	veq.s32 v58, v59;
	v62 =	vsel vm14, $0x2710, v57;
	[tilespmem:$0x6A0] =	vst v61  }
0x24c: {  	s21 =	sadd.s32 $0x3C0, s21;
	v63 =	vsel vm15, $0x2710, v59;
	[tilespmem:$0x6B0] =	vst v62  }
0x24d: {  	s14 =	simm.s32 $0x580;
	s7 =	simm.s32 $0x5;
	s6 =	sadd.s32 $0x78, s6;
	[tilespmem:$0x6C0] =	vst v63  }
0x24e: {  	[spmem:s31] =	stream.indirect.scatter.add.f32 [tilespmem:s19], [sflag:$0xC], $0x80, s11, s0, $0xb8;
	[tilespmem:$0x1E800] =	vst v63  }
0x24f: {  	_ =	swait.ge [sflag:s26], $0x2800  }
0x250: {  	s6 =	sld [smem:$0x7E3]  }
0x251: {  	[sflag:s26] =	ssyncset.done $0x0  }
0x252: {  	s22 =	sld [smem:$0x7E4];
	[sflag:s26] =	ssyncadd.s32 $0xFFFFD800  }
0x253: {  	[tilespmem:s29], [sflag:$0x1] =	stream.linear.gather [hbm4b:s6+s29], $0x50, $0x38;
	[tilespmem:$0x1E800] =	vst v63  }
0x254: {  	s20 =	simm.s32 $0x300  }
0x255: {  	[tilespmem:s20], [sflag:$0x1] =	stream.linear.gather [hbm4b:s22+s29], $0x50, $0x38;
	[tilespmem:$0x1E800] =	vst v63  }
0x256: {  	_ =	swait.ge [sflag:s7], $0x50  }
0x257: {  	[sflag:s7] =	ssyncset.done $0x0  }
0x258: {  	[sflag:s7] =	ssyncadd.s32 $0xFFFFFFB0  }
0x259: {  	_ =	swait.ge [sflag:s7], $0x50  }
0x25a: {  	[sflag:s7] =	ssyncset.done $0x0  }
0x25b: {  	s17 =	simm.s32 $0x200;
	[sflag:s7] =	ssyncadd.s32 $0xFFFFFFB0  }
0x25c: {  	s15 =	simm.s32 $0x800;
	s9 =	simm.s32 $0x9;
	s3 =	rddreg [dreg:$0x0]  }
0x25d: {  	[tilespmem:s15], [sflag:$0x7] =	stream.indirect.gather [hbm4b:s3+s0], $0x80, s17, s0, $0xb8;
	[tilespmem:$0x1E800] =	vst v63  }
0x25e: {  	_ =	swait.ge [sflag:s9], $0x2800  }
0x25f: {  	[sflag:s9] =	ssyncset.done $0x0  }
0x260: {  	[sflag:s9] =	ssyncadd.s32 $0xFFFFD800  }
0x261: {  	v0 =	vld [tilespmem:$0x100]  }
0x262: {  	v1 =	vld [tilespmem:$0x400]  }
0x263: {  	v2 =	vld [tilespmem:$0x110]  }
0x264: {  	v3 =	vld [tilespmem:$0x410]  }
0x265: {  	v4 =	vld [tilespmem:$0x120]  }
0x266: {  	v5 =	vld [tilespmem:$0x420]  }
0x267: {  	v6 =	vld [tilespmem:$0x130]  }
0x268: {  	v7 =	vld [tilespmem:$0x430]  }
0x269: {  	v8 =	vld [tilespmem:$0x140]  }
0x26a: {  	v9 =	vld [tilespmem:$0x440]  }
0x26b: {  	vm0 =	veq.s32 v0, v1  }
0x26c: {  	vm14 =	veq.s32 v2, v3;
	v0 =	vsel vm0, $0x2710, v1  }
0x26d: {  	vm15 =	veq.s32 v4, v5;
	v22 =	vsel vm14, $0x2710, v3;
	[tilespmem:$0x700] =	vst v0  }
0x26e: {  	vm4 =	veq.s32 v6, v7;
	v23 =	vsel vm15, $0x2710, v5;
	[tilespmem:$0x710] =	vst v22  }
0x26f: {  	vm5 =	veq.s32 v8, v9;
	v24 =	vsel vm4, $0x2710, v7;
	[tilespmem:$0x720] =	vst v23  }
0x270: {  	s10 =	simm.s32 $0x5800;
	v25 =	vsel vm5, $0x2710, v9;
	[tilespmem:$0x730] =	vst v24  }
0x271: {  	s1 =	simm.s32 $0x700;
	s8 =	simm.s32 $0xC;
	s13 =	rddreg [dreg:$0x2];
	[tilespmem:$0x740] =	vst v25  }
0x272: {  	[spmem:s13] =	stream.indirect.scatter.add.f32 [tilespmem:s10], [sflag:$0xD], $0x80, s1, s0, $0xb8;
	[tilespmem:$0x1E800] =	vst v63  }
0x273: {  	_ =	swait.ge [sflag:s8], $0x2800  }
0x274: {  	s23 =	sld [smem:$0x7E5]  }
0x275: {  	[sflag:s8] =	ssyncset.done $0x0  }
0x276: {  	s30 =	simm.s32 $0x80;
	s24 =	sld [smem:$0x7E6];
	[sflag:s8] =	ssyncadd.s32 $0xFFFFD800  }
0x277: {  	[tilespmem:s30], [sflag:$0x2] =	stream.linear.gather [hbm4b:s23+s29], $0x50, $0x38;
	[tilespmem:$0x1E800] =	vst v63  }
0x278: {  	s25 =	simm.s32 $0x380  }
0x279: {  	[tilespmem:s25], [sflag:$0x2] =	stream.linear.gather [hbm4b:s24+s29], $0x50, $0x38;
	[tilespmem:$0x1E800] =	vst v63  }
0x27a: {  	_ =	swait.ge [sflag:s4], $0x50  }
0x27b: {  	[sflag:s4] =	ssyncset.done $0x0  }
0x27c: {  	[sflag:s4] =	ssyncadd.s32 $0xFFFFFFB0  }
0x27d: {  	_ =	swait.ge [sflag:s4], $0x50  }
0x27e: {  	[sflag:s4] =	ssyncset.done $0x0  }
0x27f: {  	s19 =	simm.s32 $0x3000;
	s28 =	simm.s32 $0x280;
	[sflag:s4] =	ssyncadd.s32 $0xFFFFFFB0  }
0x280: {  	[tilespmem:s19], [sflag:$0x8] =	stream.indirect.gather [hbm4b:s3+s0], $0x80, s28, s0, $0xb8;
	[tilespmem:$0x1E800] =	vst v63  }
0x281: {  	_ =	swait.ge [sflag:s12], $0x2800  }
0x282: {  	[sflag:s12] =	ssyncset.done $0x0  }
0x283: {  	[sflag:s12] =	ssyncadd.s32 $0xFFFFD800  }
0x284: {  	v26 =	vld [tilespmem:$0x180]  }
0x285: {  	v27 =	vld [tilespmem:$0x480]  }
0x286: {  	v28 =	vld [tilespmem:$0x190]  }
0x287: {  	v29 =	vld [tilespmem:$0x490]  }
0x288: {  	v30 =	vld [tilespmem:$0x1A0]  }
0x289: {  	v31 =	vld [tilespmem:$0x4A0]  }
0x28a: {  	v32 =	vld [tilespmem:$0x1B0]  }
0x28b: {  	v33 =	vld [tilespmem:$0x4B0]  }
0x28c: {  	v34 =	vld [tilespmem:$0x1C0]  }
0x28d: {  	v35 =	vld [tilespmem:$0x4C0]  }
0x28e: {  	vm6 =	veq.s32 v26, v27  }
0x28f: {  	vm7 =	veq.s32 v28, v29;
	v0 =	vsel vm6, $0x2710, v27  }
0x290: {  	vm8 =	veq.s32 v30, v31;
	v36 =	vsel vm7, $0x2710, v29;
	[tilespmem:$0x780] =	vst v0  }
0x291: {  	vm9 =	veq.s32 v32, v33;
	v37 =	vsel vm8, $0x2710, v31;
	[tilespmem:$0x790] =	vst v36  }
0x292: {  	vm10 =	veq.s32 v34, v35;
	v38 =	vsel vm9, $0x2710, v33;
	[tilespmem:$0x7A0] =	vst v37  }
0x293: {  	v39 =	vsel vm10, $0x2710, v35;
	[tilespmem:$0x7B0] =	vst v38  }
0x294: {  	s5 =	simm.s32 $0xD;
	s26 =	simm.s32 $0x780;
	s4 =	simm.s32 $0x8000;
	[tilespmem:$0x7C0] =	vst v39  }
0x295: {  	[spmem:s13] =	stream.indirect.scatter.add.f32 [tilespmem:s4], [sflag:$0xE], $0x80, s26, s0, $0xb8;
	[tilespmem:$0x1E800] =	vst v63  }
0x296: {  	_ =	swait.ge [sflag:s5], $0x2800  }
0x297: {  	s1 =	sld [smem:$0x7E7]  }
0x298: {  	[sflag:s5] =	ssyncset.done $0x0  }
0x299: {  	s26 =	simm.s32 $0x100;
	s2 =	sld [smem:$0x7E8];
	[sflag:s5] =	ssyncadd.s32 $0xFFFFD800  }
0x29a: {  	[tilespmem:s26], [sflag:$0x3] =	stream.linear.gather [hbm4b:s1+s29], $0x50, $0x38;
	[tilespmem:$0x1E800] =	vst v63  }
0x29b: {  	s7 =	simm.s32 $0x400;
	s23 =	simm.s32 $0x1  }
0x29c: {  	[tilespmem:s7], [sflag:$0x3] =	stream.linear.gather [hbm4b:s2+s29], $0x50, $0x38;
	[tilespmem:$0x1E800] =	vst v63  }
0x29d: {  	_ =	swait.ge [sflag:s23], $0x50  }
0x29e: {  	[sflag:s23] =	ssyncset.done $0x0  }
0x29f: {  	[sflag:s23] =	ssyncadd.s32 $0xFFFFFFB0  }
0x2a0: {  	_ =	swait.ge [sflag:s23], $0x50  }
0x2a1: {  	[sflag:s23] =	ssyncset.done $0x0  }
0x2a2: {  	s24 =	simm.s32 $0x7;
	[sflag:s23] =	ssyncadd.s32 $0xFFFFFFB0  }
0x2a3: {  	[tilespmem:s10], [sflag:$0x9] =	stream.indirect.gather [hbm4b:s3+s0], $0x80, s29, s0, $0xb8;
	[tilespmem:$0x1E800] =	vst v63  }
0x2a4: {  	_ =	swait.ge [sflag:s24], $0x2800  }
0x2a5: {  	[sflag:s24] =	ssyncset.done $0x0  }
0x2a6: {  	[sflag:s24] =	ssyncadd.s32 $0xFFFFD800  }
0x2a7: {  	v40 =	vld [tilespmem:$0x200]  }
0x2a8: {  	v41 =	vld [tilespmem:$0x500]  }
0x2a9: {  	v42 =	vld [tilespmem:$0x210]  }
0x2aa: {  	v43 =	vld [tilespmem:$0x510]  }
0x2ab: {  	v44 =	vld [tilespmem:$0x220]  }
0x2ac: {  	v45 =	vld [tilespmem:$0x520]  }
0x2ad: {  	v46 =	vld [tilespmem:$0x230]  }
0x2ae: {  	v47 =	vld [tilespmem:$0x530]  }
0x2af: {  	v48 =	vld [tilespmem:$0x240]  }
0x2b0: {  	v49 =	vld [tilespmem:$0x540]  }
0x2b1: {  	vm11 =	veq.s32 v40, v41  }
0x2b2: {  	vm12 =	veq.s32 v42, v43;
	v0 =	vsel vm11, $0x2710, v41  }
0x2b3: {  	vm13 =	veq.s32 v44, v45;
	v50 =	vsel vm12, $0x2710, v43;
	[tilespmem:$0x600] =	vst v0  }
0x2b4: {  	vm14 =	veq.s32 v46, v47;
	v51 =	vsel vm13, $0x2710, v45;
	[tilespmem:$0x610] =	vst v50  }
0x2b5: {  	vm15 =	veq.s32 v48, v49;
	v52 =	vsel vm14, $0x2710, v47;
	[tilespmem:$0x620] =	vst v51  }
0x2b6: {  	v53 =	vsel vm15, $0x2710, v49;
	[tilespmem:$0x630] =	vst v52  }
0x2b7: {  	s11 =	simm.s32 $0x600;
	[tilespmem:$0x640] =	vst v53  }
0x2b8: {  	[spmem:s13] =	stream.indirect.scatter.add.f32 [tilespmem:s15], [sflag:$0xB], $0x80, s11, s0, $0xb8;
	[tilespmem:$0x1E800] =	vst v63  }
0x2b9: {  	_ =	swait.ge [sflag:s18], $0x2800  }
0x2ba: {  	s12 =	sld [smem:$0x7E9]  }
0x2bb: {  	[sflag:s18] =	ssyncset.done $0x0  }
0x2bc: {  	s16 =	simm.s32 $0x180;
	[sflag:s18] =	ssyncadd.s32 $0xFFFFD800;
	s18 =	sld [smem:$0x7EA]  }
0x2bd: {  	[tilespmem:s16], [sflag:$0x4] =	stream.linear.gather [hbm4b:s12+s29], $0x50, $0x38;
	[tilespmem:$0x1E800] =	vst v63  }
0x2be: {  	s21 =	simm.s32 $0x480;
	s12 =	simm.s32 $0x2  }
0x2bf: {  	[tilespmem:s21], [sflag:$0x4] =	stream.linear.gather [hbm4b:s18+s29], $0x50, $0x38;
	[tilespmem:$0x1E800] =	vst v63  }
0x2c0: {  	_ =	swait.ge [sflag:s12], $0x50  }
0x2c1: {  	[sflag:s12] =	ssyncset.done $0x0  }
0x2c2: {  	[sflag:s12] =	ssyncadd.s32 $0xFFFFFFB0  }
0x2c3: {  	_ =	swait.ge [sflag:s12], $0x50  }
0x2c4: {  	[sflag:s12] =	ssyncset.done $0x0  }
0x2c5: {  	s1 =	simm.s32 $0x8;
	[sflag:s12] =	ssyncadd.s32 $0xFFFFFFB0  }
0x2c6: {  	[tilespmem:s4], [sflag:$0xA] =	stream.indirect.gather [hbm4b:s3+s0], $0x80, s30, s0, $0xb8;
	[tilespmem:$0x1E800] =	vst v63  }
0x2c7: {  	_ =	swait.ge [sflag:s1], $0x2800  }
0x2c8: {  	[sflag:s1] =	ssyncset.done $0x0  }
0x2c9: {  	[sflag:s1] =	ssyncadd.s32 $0xFFFFD800  }
0x2ca: {  	v54 =	vld [tilespmem:$0x280]  }
0x2cb: {  	v55 =	vld [tilespmem:$0x580]  }
0x2cc: {  	v56 =	vld [tilespmem:$0x290]  }
0x2cd: {  	v57 =	vld [tilespmem:$0x590]  }
0x2ce: {  	v58 =	vld [tilespmem:$0x2A0]  }
0x2cf: {  	v59 =	vld [tilespmem:$0x5A0]  }
0x2d0: {  	v60 =	vld [tilespmem:$0x2B0]  }
0x2d1: {  	v61 =	vld [tilespmem:$0x5B0]  }
0x2d2: {  	v62 =	vld [tilespmem:$0x2C0]  }
0x2d3: {  	v63 =	vld [tilespmem:$0x5C0]  }
0x2d4: {  	vm4 =	veq.s32 v54, v55  }
0x2d5: {  	vm5 =	veq.s32 v56, v57;
	v0 =	vsel vm4, $0x2710, v55  }
0x2d6: {  	vm6 =	veq.s32 v58, v59;
	v10 =	vsel vm5, $0x2710, v57;
	[tilespmem:$0x680] =	vst v0  }
0x2d7: {  	vm7 =	veq.s32 v60, v61;
	v11 =	vsel vm6, $0x2710, v59;
	[tilespmem:$0x690] =	vst v10  }
0x2d8: {  	vm8 =	veq.s32 v62, v63;
	v12 =	vsel vm7, $0x2710, v61;
	[tilespmem:$0x6A0] =	vst v11  }
0x2d9: {  	v13 =	vsel vm8, $0x2710, v63;
	[tilespmem:$0x6B0] =	vst v12  }
0x2da: {  	s31 =	simm.s32 $0xB;
	s2 =	simm.s32 $0x680;
	[tilespmem:$0x6C0] =	vst v13  }
0x2db: {  	[spmem:s13] =	stream.indirect.scatter.add.f32 [tilespmem:s19], [sflag:$0xC], $0x80, s2, s0, $0xb8;
	[tilespmem:$0x1E800] =	vst v63  }
0x2dc: {  	_ =	swait.ge [sflag:s31], $0x2800  }
0x2dd: {  	s2 =	sld [smem:$0x7EB]  }
0x2de: {  	[sflag:s31] =	ssyncset.done $0x0  }
0x2df: {  	s7 =	sld [smem:$0x7EC];
	[sflag:s31] =	ssyncadd.s32 $0xFFFFD800  }
0x2e0: {  	[tilespmem:s17], [sflag:$0x5] =	stream.linear.gather [hbm4b:s2+s29], $0x50, $0x38;
	[tilespmem:$0x1E800] =	vst v63  }
0x2e1: {  	s18 =	simm.s32 $0x500  }
0x2e2: {  	[tilespmem:s18], [sflag:$0x5] =	stream.linear.gather [hbm4b:s7+s29], $0x50, $0x38;
	[tilespmem:$0x1E800] =	vst v63  }
0x2e3: {  	s18 =	simm.s32 $0x3  }
0x2e4: {  	_ =	swait.ge [sflag:s18], $0x50  }
0x2e5: {  	[sflag:s18] =	ssyncset.done $0x0  }
0x2e6: {  	[sflag:s18] =	ssyncadd.s32 $0xFFFFFFB0  }
0x2e7: {  	_ =	swait.ge [sflag:s18], $0x50  }
0x2e8: {  	[sflag:s18] =	ssyncset.done $0x0  }
0x2e9: {  	[sflag:s18] =	ssyncadd.s32 $0xFFFFFFB0  }
0x2ea: {  	[tilespmem:s15], [sflag:$0x7] =	stream.indirect.gather [hbm4b:s3+s0], $0x80, s26, s0, $0xb8;
	[tilespmem:$0x1E800] =	vst v63  }
0x2eb: {  	_ =	swait.ge [sflag:s9], $0x2800  }
0x2ec: {  	[sflag:s9] =	ssyncset.done $0x0  }
0x2ed: {  	[sflag:s9] =	ssyncadd.s32 $0xFFFFD800  }
0x2ee: {  	v14 =	vld [tilespmem:$0x0]  }
0x2ef: {  	v15 =	vld [tilespmem:$0x300]  }
0x2f0: {  	v16 =	vld [tilespmem:$0x10]  }
0x2f1: {  	v17 =	vld [tilespmem:$0x310]  }
0x2f2: {  	v18 =	vld [tilespmem:$0x20]  }
0x2f3: {  	v19 =	vld [tilespmem:$0x320]  }
0x2f4: {  	v20 =	vld [tilespmem:$0x30]  }
0x2f5: {  	v21 =	vld [tilespmem:$0x330]  }
0x2f6: {  	v22 =	vld [tilespmem:$0x40]  }
0x2f7: {  	v23 =	vld [tilespmem:$0x340]  }
0x2f8: {  	vm9 =	veq.s32 v14, v15  }
0x2f9: {  	vm10 =	veq.s32 v16, v17;
	v0 =	vsel vm9, $0x2710, v15  }
0x2fa: {  	vm11 =	veq.s32 v18, v19;
	v24 =	vsel vm10, $0x2710, v17;
	[tilespmem:$0x700] =	vst v0  }
0x2fb: {  	vm12 =	veq.s32 v20, v21;
	v25 =	vsel vm11, $0x2710, v19;
	[tilespmem:$0x710] =	vst v24  }
0x2fc: {  	vm13 =	veq.s32 v22, v23;
	v26 =	vsel vm12, $0x2710, v21;
	[tilespmem:$0x720] =	vst v25  }
0x2fd: {  	v27 =	vsel vm13, $0x2710, v23;
	[tilespmem:$0x730] =	vst v26  }
0x2fe: {  	s22 =	simm.s32 $0x700;
	[tilespmem:$0x740] =	vst v27  }
0x2ff: {  	[spmem:s13] =	stream.indirect.scatter.add.f32 [tilespmem:s10], [sflag:$0xD], $0x80, s22, s0, $0xb8;
	[tilespmem:$0x1E800] =	vst v63  }
0x300: {  	_ =	swait.ge [sflag:s8], $0x2800  }
0x301: {  	s22 =	sld [smem:$0x7ED]  }
0x302: {  	[sflag:s8] =	ssyncset.done $0x0  }
0x303: {  	s7 =	sld [smem:$0x7EE];
	[sflag:s8] =	ssyncadd.s32 $0xFFFFD800  }
0x304: {  	[tilespmem:s28], [sflag:$0x6] =	stream.linear.gather [hbm4b:s22+s29], $0x50, $0x38;
	[tilespmem:$0x1E800] =	vst v63  }
0x305: {  	s22 =	simm.s32 $0x4  }
0x306: {  	[tilespmem:s14], [sflag:$0x6] =	stream.linear.gather [hbm4b:s7+s29], $0x50, $0x38;
	[tilespmem:$0x1E800] =	vst v63  }
0x307: {  	_ =	swait.ge [sflag:s22], $0x50  }
0x308: {  	[sflag:s22] =	ssyncset.done $0x0  }
0x309: {  	[sflag:s22] =	ssyncadd.s32 $0xFFFFFFB0  }
0x30a: {  	_ =	swait.ge [sflag:s22], $0x50  }
0x30b: {  	[sflag:s22] =	ssyncset.done $0x0  }
0x30c: {  	s21 =	simm.s32 $0xA;
	[sflag:s22] =	ssyncadd.s32 $0xFFFFFFB0  }
0x30d: {  	[tilespmem:s19], [sflag:$0x8] =	stream.indirect.gather [hbm4b:s3+s0], $0x80, s16, s0, $0xb8;
	[tilespmem:$0x1E800] =	vst v63  }
0x30e: {  	_ =	swait.ge [sflag:s21], $0x2800  }
0x30f: {  	[sflag:s21] =	ssyncset.done $0x0  }
0x310: {  	[sflag:s21] =	ssyncadd.s32 $0xFFFFD800  }
0x311: {  	v28 =	vld [tilespmem:$0x80]  }
0x312: {  	v29 =	vld [tilespmem:$0x380]  }
0x313: {  	v30 =	vld [tilespmem:$0x90]  }
0x314: {  	v31 =	vld [tilespmem:$0x390]  }
0x315: {  	v32 =	vld [tilespmem:$0xA0]  }
0x316: {  	v33 =	vld [tilespmem:$0x3A0]  }
0x317: {  	v34 =	vld [tilespmem:$0xB0]  }
0x318: {  	v35 =	vld [tilespmem:$0x3B0]  }
0x319: {  	v36 =	vld [tilespmem:$0xC0]  }
0x31a: {  	v37 =	vld [tilespmem:$0x3C0]  }
0x31b: {  	vm14 =	veq.s32 v28, v29  }
0x31c: {  	vm15 =	veq.s32 v30, v31;
	v0 =	vsel vm14, $0x2710, v29  }
0x31d: {  	vm4 =	veq.s32 v32, v33;
	v38 =	vsel vm15, $0x2710, v31;
	[tilespmem:$0x780] =	vst v0  }
0x31e: {  	vm5 =	veq.s32 v34, v35;
	v39 =	vsel vm4, $0x2710, v33;
	[tilespmem:$0x790] =	vst v38  }
0x31f: {  	vm6 =	veq.s32 v36, v37;
	v40 =	vsel vm5, $0x2710, v35;
	[tilespmem:$0x7A0] =	vst v39  }
0x320: {  	v41 =	vsel vm6, $0x2710, v37;
	[tilespmem:$0x7B0] =	vst v40  }
0x321: {  	s7 =	simm.s32 $0x780;
	[tilespmem:$0x7C0] =	vst v41  }
0x322: {  	[spmem:s13] =	stream.indirect.scatter.add.f32 [tilespmem:s4], [sflag:$0xE], $0x80, s7, s0, $0xb8;
	[tilespmem:$0x1E800] =	vst v63  }
0x323: {  	_ =	swait.ge [sflag:s5], $0x2800  }
0x324: {  	s21 =	sld [smem:$0x7EF]  }
0x325: {  	[sflag:s5] =	ssyncset.done $0x0  }
0x326: {  	s6 =	sld [smem:$0x7F0];
	[sflag:s5] =	ssyncadd.s32 $0xFFFFD800  }
0x327: {  	[tilespmem:s29], [sflag:$0x1] =	stream.linear.gather [hbm4b:s21+s29], $0x50, $0x38;
	[tilespmem:$0x1E800] =	vst v63  }
0x328: {  	s11 =	simm.s32 $0x5  }
0x329: {  	[tilespmem:s20], [sflag:$0x1] =	stream.linear.gather [hbm4b:s6+s29], $0x50, $0x38;
	[tilespmem:$0x1E800] =	vst v63  }
0x32a: {  	_ =	swait.ge [sflag:s11], $0x50  }
0x32b: {  	[sflag:s11] =	ssyncset.done $0x0  }
0x32c: {  	[sflag:s11] =	ssyncadd.s32 $0xFFFFFFB0  }
0x32d: {  	_ =	swait.ge [sflag:s11], $0x50  }
0x32e: {  	[sflag:s11] =	ssyncset.done $0x0  }
0x32f: {  	[sflag:s11] =	ssyncadd.s32 $0xFFFFFFB0  }
0x330: {  	[tilespmem:s10], [sflag:$0x9] =	stream.indirect.gather [hbm4b:s3+s0], $0x80, s17, s0, $0xb8;
	[tilespmem:$0x1E800] =	vst v63  }
0x331: {  	_ =	swait.ge [sflag:s24], $0x2800  }
0x332: {  	[sflag:s24] =	ssyncset.done $0x0  }
0x333: {  	[sflag:s24] =	ssyncadd.s32 $0xFFFFD800  }
0x334: {  	v42 =	vld [tilespmem:$0x100]  }
0x335: {  	v43 =	vld [tilespmem:$0x400]  }
0x336: {  	v44 =	vld [tilespmem:$0x110]  }
0x337: {  	v45 =	vld [tilespmem:$0x410]  }
0x338: {  	v46 =	vld [tilespmem:$0x120]  }
0x339: {  	v47 =	vld [tilespmem:$0x420]  }
0x33a: {  	v48 =	vld [tilespmem:$0x130]  }
0x33b: {  	v49 =	vld [tilespmem:$0x430]  }
0x33c: {  	v50 =	vld [tilespmem:$0x140]  }
0x33d: {  	v51 =	vld [tilespmem:$0x440]  }
0x33e: {  	vm7 =	veq.s32 v42, v43  }
0x33f: {  	vm8 =	veq.s32 v44, v45;
	v0 =	vsel vm7, $0x2710, v43  }
0x340: {  	vm9 =	veq.s32 v46, v47;
	v52 =	vsel vm8, $0x2710, v45;
	[tilespmem:$0x600] =	vst v0  }
0x341: {  	vm10 =	veq.s32 v48, v49;
	v53 =	vsel vm9, $0x2710, v47;
	[tilespmem:$0x610] =	vst v52  }
0x342: {  	vm11 =	veq.s32 v50, v51;
	v54 =	vsel vm10, $0x2710, v49;
	[tilespmem:$0x620] =	vst v53  }
0x343: {  	v55 =	vsel vm11, $0x2710, v51;
	[tilespmem:$0x630] =	vst v54  }
0x344: {  	s2 =	simm.s32 $0xE;
	s11 =	simm.s32 $0x600;
	[tilespmem:$0x640] =	vst v55  }
0x345: {  	[spmem:s13] =	stream.indirect.scatter.add.f32 [tilespmem:s15], [sflag:$0xB], $0x80, s11, s0, $0xb8;
	[tilespmem:$0x1E800] =	vst v63  }
0x346: {  	_ =	swait.ge [sflag:s2], $0x2800  }
0x347: {  	s20 =	sld [smem:$0x7F1]  }
0x348: {  	[sflag:s2] =	ssyncset.done $0x0  }
0x349: {  	[sflag:s2] =	ssyncadd.s32 $0xFFFFD800;
	s2 =	sld [smem:$0x7F2]  }
0x34a: {  	[tilespmem:s30], [sflag:$0x2] =	stream.linear.gather [hbm4b:s20+s29], $0x50, $0x38;
	[tilespmem:$0x1E800] =	vst v63  }
0x34b: {  	s25 =	simm.s32 $0x6;
	s20 =	simm.s32 $0x380  }
0x34c: {  	[tilespmem:s20], [sflag:$0x2] =	stream.linear.gather [hbm4b:s2+s29], $0x50, $0x38;
	[tilespmem:$0x1E800] =	vst v63  }
0x34d: {  	_ =	swait.ge [sflag:s25], $0x50  }
0x34e: {  	[sflag:s25] =	ssyncset.done $0x0  }
0x34f: {  	[sflag:s25] =	ssyncadd.s32 $0xFFFFFFB0  }
0x350: {  	_ =	swait.ge [sflag:s25], $0x50  }
0x351: {  	[sflag:s25] =	ssyncset.done $0x0  }
0x352: {  	[sflag:s25] =	ssyncadd.s32 $0xFFFFFFB0  }
0x353: {  	[tilespmem:s4], [sflag:$0xA] =	stream.indirect.gather [hbm4b:s3+s0], $0x80, s28, s0, $0xb8;
	[tilespmem:$0x1E800] =	vst v63  }
0x354: {  	_ =	swait.ge [sflag:s1], $0x2800  }
0x355: {  	[sflag:s1] =	ssyncset.done $0x0  }
0x356: {  	[sflag:s1] =	ssyncadd.s32 $0xFFFFD800  }
0x357: {  	v56 =	vld [tilespmem:$0x180]  }
0x358: {  	v57 =	vld [tilespmem:$0x480]  }
0x359: {  	v58 =	vld [tilespmem:$0x190]  }
0x35a: {  	v59 =	vld [tilespmem:$0x490]  }
0x35b: {  	v60 =	vld [tilespmem:$0x1A0]  }
0x35c: {  	v61 =	vld [tilespmem:$0x4A0]  }
0x35d: {  	v62 =	vld [tilespmem:$0x1B0]  }
0x35e: {  	v63 =	vld [tilespmem:$0x4B0]  }
0x35f: {  	v12 =	vld [tilespmem:$0x1C0]  }
0x360: {  	v13 =	vld [tilespmem:$0x4C0]  }
0x361: {  	vm12 =	veq.s32 v56, v57  }
0x362: {  	vm13 =	veq.s32 v58, v59;
	v0 =	vsel vm12, $0x2710, v57  }
0x363: {  	vm14 =	veq.s32 v60, v61;
	v14 =	vsel vm13, $0x2710, v59;
	[tilespmem:$0x680] =	vst v0  }
0x364: {  	vm15 =	veq.s32 v62, v63;
	v15 =	vsel vm14, $0x2710, v61;
	[tilespmem:$0x690] =	vst v14  }
0x365: {  	vm4 =	veq.s32 v12, v13;
	v16 =	vsel vm15, $0x2710, v63;
	[tilespmem:$0x6A0] =	vst v15  }
0x366: {  	v17 =	vsel vm4, $0x2710, v13;
	[tilespmem:$0x6B0] =	vst v16  }
0x367: {  	s6 =	simm.s32 $0x680;
	[tilespmem:$0x6C0] =	vst v17  }
0x368: {  	[spmem:s13] =	stream.indirect.scatter.add.f32 [tilespmem:s19], [sflag:$0xC], $0x80, s6, s0, $0xb8;
	[tilespmem:$0x1E800] =	vst v63  }
0x369: {  	_ =	swait.ge [sflag:s31], $0x2800  }
0x36a: {  	s20 =	sld [smem:$0x7F3]  }
0x36b: {  	[sflag:s31] =	ssyncset.done $0x0  }
0x36c: {  	s6 =	sld [smem:$0x7F4];
	[sflag:s31] =	ssyncadd.s32 $0xFFFFD800  }
0x36d: {  	[tilespmem:s26], [sflag:$0x3] =	stream.linear.gather [hbm4b:s20+s29], $0x50, $0x38;
	[tilespmem:$0x1E800] =	vst v63  }
0x36e: {  	s20 =	simm.s32 $0x400  }
0x36f: {  	[tilespmem:s20], [sflag:$0x3] =	stream.linear.gather [hbm4b:s6+s29], $0x50, $0x38;
	[tilespmem:$0x1E800] =	vst v63  }
0x370: {  	_ =	swait.ge [sflag:s23], $0x50  }
0x371: {  	[sflag:s23] =	ssyncset.done $0x0  }
0x372: {  	[sflag:s23] =	ssyncadd.s32 $0xFFFFFFB0  }
0x373: {  	_ =	swait.ge [sflag:s23], $0x50  }
0x374: {  	[sflag:s23] =	ssyncset.done $0x0  }
0x375: {  	[sflag:s23] =	ssyncadd.s32 $0xFFFFFFB0  }
0x376: {  	[tilespmem:s15], [sflag:$0x7] =	stream.indirect.gather [hbm4b:s3+s0], $0x80, s29, s0, $0xb8;
	[tilespmem:$0x1E800] =	vst v63  }
0x377: {  	_ =	swait.ge [sflag:s9], $0x2800  }
0x378: {  	[sflag:s9] =	ssyncset.done $0x0  }
0x379: {  	[sflag:s9] =	ssyncadd.s32 $0xFFFFD800  }
0x37a: {  	v18 =	vld [tilespmem:$0x200]  }
0x37b: {  	v19 =	vld [tilespmem:$0x500]  }
0x37c: {  	v20 =	vld [tilespmem:$0x210]  }
0x37d: {  	v21 =	vld [tilespmem:$0x510]  }
0x37e: {  	v22 =	vld [tilespmem:$0x220]  }
0x37f: {  	v23 =	vld [tilespmem:$0x520]  }
0x380: {  	v24 =	vld [tilespmem:$0x230]  }
0x381: {  	v25 =	vld [tilespmem:$0x530]  }
0x382: {  	v26 =	vld [tilespmem:$0x240]  }
0x383: {  	v27 =	vld [tilespmem:$0x540]  }
0x384: {  	vm5 =	veq.s32 v18, v19  }
0x385: {  	vm6 =	veq.s32 v20, v21;
	v0 =	vsel vm5, $0x2710, v19  }
0x386: {  	vm7 =	veq.s32 v22, v23;
	v28 =	vsel vm6, $0x2710, v21;
	[tilespmem:$0x700] =	vst v0  }
0x387: {  	vm8 =	veq.s32 v24, v25;
	v29 =	vsel vm7, $0x2710, v23;
	[tilespmem:$0x710] =	vst v28  }
0x388: {  	vm9 =	veq.s32 v26, v27;
	v30 =	vsel vm8, $0x2710, v25;
	[tilespmem:$0x720] =	vst v29  }
0x389: {  	v31 =	vsel vm9, $0x2710, v27;
	[tilespmem:$0x730] =	vst v30  }
0x38a: {  	s20 =	simm.s32 $0x700;
	[tilespmem:$0x740] =	vst v31  }
0x38b: {  	[spmem:s13] =	stream.indirect.scatter.add.f32 [tilespmem:s10], [sflag:$0xD], $0x80, s20, s0, $0xb8;
	[tilespmem:$0x1E800] =	vst v63  }
0x38c: {  	_ =	swait.ge [sflag:s8], $0x2800  }
0x38d: {  	s23 =	sld [smem:$0x7F7]  }
0x38e: {  	[sflag:s8] =	ssyncset.done $0x0  }
0x38f: {  	s20 =	sld [smem:$0x7F8];
	[sflag:s8] =	ssyncadd.s32 $0xFFFFD800  }
0x390: {  	[tilespmem:s16], [sflag:$0x4] =	stream.linear.gather [hbm4b:s23+s29], $0x50, $0x38;
	[tilespmem:$0x1E800] =	vst v63  }
0x391: {  	s23 =	simm.s32 $0x480  }
0x392: {  	[tilespmem:s23], [sflag:$0x4] =	stream.linear.gather [hbm4b:s20+s29], $0x50, $0x38;
	[tilespmem:$0x1E800] =	vst v63  }
0x393: {  	_ =	swait.ge [sflag:s12], $0x50  }
0x394: {  	[sflag:s12] =	ssyncset.done $0x0  }
0x395: {  	[sflag:s12] =	ssyncadd.s32 $0xFFFFFFB0  }
0x396: {  	_ =	swait.ge [sflag:s12], $0x50  }
0x397: {  	[sflag:s12] =	ssyncset.done $0x0  }
0x398: {  	[sflag:s12] =	ssyncadd.s32 $0xFFFFFFB0;
	s12 =	simm.s32 $0xA  }
0x399: {  	[tilespmem:s19], [sflag:$0x8] =	stream.indirect.gather [hbm4b:s3+s0], $0x80, s30, s0, $0xb8;
	[tilespmem:$0x1E800] =	vst v63  }
0x39a: {  	_ =	swait.ge [sflag:s12], $0x2800  }
0x39b: {  	[sflag:s12] =	ssyncset.done $0x0  }
0x39c: {  	[sflag:s12] =	ssyncadd.s32 $0xFFFFD800  }
0x39d: {  	v32 =	vld [tilespmem:$0x280]  }
0x39e: {  	v33 =	vld [tilespmem:$0x580]  }
0x39f: {  	v34 =	vld [tilespmem:$0x290]  }
0x3a0: {  	v35 =	vld [tilespmem:$0x590]  }
0x3a1: {  	v36 =	vld [tilespmem:$0x2A0]  }
0x3a2: {  	v37 =	vld [tilespmem:$0x5A0]  }
0x3a3: {  	v38 =	vld [tilespmem:$0x2B0]  }
0x3a4: {  	v39 =	vld [tilespmem:$0x5B0]  }
0x3a5: {  	v40 =	vld [tilespmem:$0x2C0]  }
0x3a6: {  	v41 =	vld [tilespmem:$0x5C0]  }
0x3a7: {  	vm10 =	veq.s32 v32, v33  }
0x3a8: {  	vm11 =	veq.s32 v34, v35;
	v0 =	vsel vm10, $0x2710, v33  }
0x3a9: {  	vm12 =	veq.s32 v36, v37;
	v42 =	vsel vm11, $0x2710, v35;
	[tilespmem:$0x780] =	vst v0  }
0x3aa: {  	vm13 =	veq.s32 v38, v39;
	v43 =	vsel vm12, $0x2710, v37;
	[tilespmem:$0x790] =	vst v42  }
0x3ab: {  	vm14 =	veq.s32 v40, v41;
	v44 =	vsel vm13, $0x2710, v39;
	[tilespmem:$0x7A0] =	vst v43  }
0x3ac: {  	v45 =	vsel vm14, $0x2710, v41;
	[tilespmem:$0x7B0] =	vst v44  }
0x3ad: {  	[tilespmem:$0x7C0] =	vst v45  }
0x3ae: {  	[spmem:s13] =	stream.indirect.scatter.add.f32 [tilespmem:s4], [sflag:$0xE], $0x80, s7, s0, $0xb8;
	[tilespmem:$0x1E800] =	vst v63  }
0x3af: {  	_ =	swait.ge [sflag:s5], $0x2800  }
0x3b0: {  	s23 =	sld [smem:$0x7F9]  }
0x3b1: {  	[sflag:s5] =	ssyncset.done $0x0  }
0x3b2: {  	s7 =	sld [smem:$0x7FA];
	[sflag:s5] =	ssyncadd.s32 $0xFFFFD800  }
0x3b3: {  	[tilespmem:s17], [sflag:$0x5] =	stream.linear.gather [hbm4b:s23+s29], $0x50, $0x38;
	[tilespmem:$0x1E800] =	vst v63  }
0x3b4: {  	s23 =	simm.s32 $0x500  }
0x3b5: {  	[tilespmem:s23], [sflag:$0x5] =	stream.linear.gather [hbm4b:s7+s29], $0x50, $0x38;
	[tilespmem:$0x1E800] =	vst v63  }
0x3b6: {  	_ =	swait.ge [sflag:s18], $0x50  }
0x3b7: {  	[sflag:s18] =	ssyncset.done $0x0  }
0x3b8: {  	[sflag:s18] =	ssyncadd.s32 $0xFFFFFFB0  }
0x3b9: {  	_ =	swait.ge [sflag:s18], $0x50  }
0x3ba: {  	[sflag:s18] =	ssyncset.done $0x0  }
0x3bb: {  	[sflag:s18] =	ssyncadd.s32 $0xFFFFFFB0  }
0x3bc: {  	[tilespmem:s10], [sflag:$0x9] =	stream.indirect.gather [hbm4b:s3+s0], $0x80, s26, s0, $0xb8;
	[tilespmem:$0x1E800] =	vst v63  }
0x3bd: {  	_ =	swait.ge [sflag:s24], $0x2800  }
0x3be: {  	[sflag:s24] =	ssyncset.done $0x0  }
0x3bf: {  	[sflag:s24] =	ssyncadd.s32 $0xFFFFD800  }
0x3c0: {  	v46 =	vld [tilespmem:$0x0]  }
0x3c1: {  	v47 =	vld [tilespmem:$0x300]  }
0x3c2: {  	v48 =	vld [tilespmem:$0x10]  }
0x3c3: {  	v49 =	vld [tilespmem:$0x310]  }
0x3c4: {  	v50 =	vld [tilespmem:$0x20]  }
0x3c5: {  	v51 =	vld [tilespmem:$0x320]  }
0x3c6: {  	v52 =	vld [tilespmem:$0x30]  }
0x3c7: {  	v53 =	vld [tilespmem:$0x330]  }
0x3c8: {  	v54 =	vld [tilespmem:$0x40]  }
0x3c9: {  	v55 =	vld [tilespmem:$0x340]  }
0x3ca: {  	vm15 =	veq.s32 v46, v47  }
0x3cb: {  	vm4 =	veq.s32 v48, v49;
	v0 =	vsel vm15, $0x2710, v47  }
0x3cc: {  	vm5 =	veq.s32 v50, v51;
	v56 =	vsel vm4, $0x2710, v49;
	[tilespmem:$0x600] =	vst v0  }
0x3cd: {  	vm6 =	veq.s32 v52, v53;
	v57 =	vsel vm5, $0x2710, v51;
	[tilespmem:$0x610] =	vst v56  }
0x3ce: {  	vm7 =	veq.s32 v54, v55;
	v58 =	vsel vm6, $0x2710, v53;
	[tilespmem:$0x620] =	vst v57  }
0x3cf: {  	v59 =	vsel vm7, $0x2710, v55;
	[tilespmem:$0x630] =	vst v58  }
0x3d0: {  	s6 =	simm.s32 $0x600;
	s18 =	simm.s32 $0xE;
	[tilespmem:$0x640] =	vst v59  }
0x3d1: {  	[spmem:s13] =	stream.indirect.scatter.add.f32 [tilespmem:s15], [sflag:$0xB], $0x80, s6, s0, $0xb8;
	[tilespmem:$0x1E800] =	vst v63  }
0x3d2: {  	_ =	swait.ge [sflag:s18], $0x2800  }
0x3d3: {  	[sflag:s18] =	ssyncset.done $0x0  }
0x3d4: {  	[sflag:s18] =	ssyncadd.s32 $0xFFFFD800  }
0x3d5: {  	_ =	swait.ge [sflag:s22], $0x50  }
0x3d6: {  	[sflag:s22] =	ssyncset.done $0x0  }
0x3d7: {  	[sflag:s22] =	ssyncadd.s32 $0xFFFFFFB0  }
0x3d8: {  	_ =	swait.ge [sflag:s22], $0x50  }
0x3d9: {  	[sflag:s22] =	ssyncset.done $0x0  }
0x3da: {  	[sflag:s22] =	ssyncadd.s32 $0xFFFFFFB0  }
0x3db: {  	[tilespmem:s4], [sflag:$0xA] =	stream.indirect.gather [hbm4b:s3+s0], $0x80, s16, s0, $0xb8;
	[tilespmem:$0x1E800] =	vst v63  }
0x3dc: {  	_ =	swait.ge [sflag:s1], $0x2800  }
0x3dd: {  	[sflag:s1] =	ssyncset.done $0x0  }
0x3de: {  	[sflag:s1] =	ssyncadd.s32 $0xFFFFD800  }
0x3df: {  	v60 =	vld [tilespmem:$0x80]  }
0x3e0: {  	v61 =	vld [tilespmem:$0x380]  }
0x3e1: {  	v62 =	vld [tilespmem:$0x90]  }
0x3e2: {  	v63 =	vld [tilespmem:$0x390]  }
0x3e3: {  	v12 =	vld [tilespmem:$0xA0]  }
0x3e4: {  	v13 =	vld [tilespmem:$0x3A0]  }
0x3e5: {  	v14 =	vld [tilespmem:$0xB0]  }
0x3e6: {  	v15 =	vld [tilespmem:$0x3B0]  }
0x3e7: {  	v16 =	vld [tilespmem:$0xC0]  }
0x3e8: {  	v17 =	vld [tilespmem:$0x3C0]  }
0x3e9: {  	vm8 =	veq.s32 v60, v61  }
0x3ea: {  	vm9 =	veq.s32 v62, v63;
	v0 =	vsel vm8, $0x2710, v61  }
0x3eb: {  	vm10 =	veq.s32 v12, v13;
	v18 =	vsel vm9, $0x2710, v63;
	[tilespmem:$0x680] =	vst v0  }
0x3ec: {  	vm11 =	veq.s32 v14, v15;
	v19 =	vsel vm10, $0x2710, v13;
	[tilespmem:$0x690] =	vst v18  }
0x3ed: {  	vm12 =	veq.s32 v16, v17;
	v20 =	vsel vm11, $0x2710, v15;
	[tilespmem:$0x6A0] =	vst v19  }
0x3ee: {  	v21 =	vsel vm12, $0x2710, v17;
	[tilespmem:$0x6B0] =	vst v20  }
0x3ef: {  	s2 =	simm.s32 $0x680;
	s26 =	simm.s32 $0xB;
	[tilespmem:$0x6C0] =	vst v21  }
0x3f0: {  	[spmem:s13] =	stream.indirect.scatter.add.f32 [tilespmem:s19], [sflag:$0xC], $0x80, s2, s0, $0xb8;
	[tilespmem:$0x1E800] =	vst v63  }
0x3f1: {  	_ =	swait.ge [sflag:s26], $0x2800  }
0x3f2: {  	[sflag:s26] =	ssyncset.done $0x0  }
0x3f3: {  	s7 =	simm.s32 $0x5;
	[sflag:s26] =	ssyncadd.s32 $0xFFFFD800  }
0x3f4: {  	_ =	swait.ge [sflag:s7], $0x50  }
0x3f5: {  	[sflag:s7] =	ssyncset.done $0x0  }
0x3f6: {  	[sflag:s7] =	ssyncadd.s32 $0xFFFFFFB0  }
0x3f7: {  	_ =	swait.ge [sflag:s7], $0x50  }
0x3f8: {  	[sflag:s7] =	ssyncset.done $0x0  }
0x3f9: {  	[sflag:s7] =	ssyncadd.s32 $0xFFFFFFB0  }
0x3fa: {  	[tilespmem:s15], [sflag:$0x7] =	stream.indirect.gather [hbm4b:s3+s0], $0x80, s17, s0, $0xb8;
	[tilespmem:$0x1E800] =	vst v63  }
0x3fb: {  	_ =	swait.ge [sflag:s9], $0x2800  }
0x3fc: {  	[sflag:s9] =	ssyncset.done $0x0  }
0x3fd: {  	[sflag:s9] =	ssyncadd.s32 $0xFFFFD800  }
0x3fe: {  	v22 =	vld [tilespmem:$0x100]  }
0x3ff: {  	v23 =	vld [tilespmem:$0x400]  }
0x400: {  	v24 =	vld [tilespmem:$0x110]  }
0x401: {  	v25 =	vld [tilespmem:$0x410]  }
0x402: {  	v26 =	vld [tilespmem:$0x120]  }
0x403: {  	v27 =	vld [tilespmem:$0x420]  }
0x404: {  	v28 =	vld [tilespmem:$0x130]  }
0x405: {  	v29 =	vld [tilespmem:$0x430]  }
0x406: {  	v30 =	vld [tilespmem:$0x140]  }
0x407: {  	v31 =	vld [tilespmem:$0x440]  }
0x408: {  	vm13 =	veq.s32 v22, v23  }
0x409: {  	vm14 =	veq.s32 v24, v25;
	v0 =	vsel vm13, $0x2710, v23  }
0x40a: {  	vm15 =	veq.s32 v26, v27;
	v32 =	vsel vm14, $0x2710, v25;
	[tilespmem:$0x700] =	vst v0  }
0x40b: {  	vm4 =	veq.s32 v28, v29;
	v33 =	vsel vm15, $0x2710, v27;
	[tilespmem:$0x710] =	vst v32  }
0x40c: {  	vm5 =	veq.s32 v30, v31;
	v34 =	vsel vm4, $0x2710, v29;
	[tilespmem:$0x720] =	vst v33  }
0x40d: {  	v35 =	vsel vm5, $0x2710, v31;
	[tilespmem:$0x730] =	vst v34  }
0x40e: {  	s16 =	simm.s32 $0x700;
	[tilespmem:$0x740] =	vst v35  }
0x40f: {  	[spmem:s13] =	stream.indirect.scatter.add.f32 [tilespmem:s10], [sflag:$0xD], $0x80, s16, s0, $0xb8;
	[tilespmem:$0x1E800] =	vst v63  }
0x410: {  	_ =	swait.ge [sflag:s8], $0x2800  }
0x411: {  	[sflag:s8] =	ssyncset.done $0x0  }
0x412: {  	[sflag:s8] =	ssyncadd.s32 $0xFFFFD800  }
0x413: {  	_ =	swait.ge [sflag:s12], $0x2800  }
0x414: {  	[sflag:s12] =	ssyncset.done $0x0  }
0x415: {  	[sflag:s12] =	ssyncadd.s32 $0xFFFFD800  }
0x416: {  	v36 =	vld [tilespmem:$0x180]  }
0x417: {  	v37 =	vld [tilespmem:$0x480]  }
0x418: {  	v38 =	vld [tilespmem:$0x190]  }
0x419: {  	v39 =	vld [tilespmem:$0x490]  }
0x41a: {  	v40 =	vld [tilespmem:$0x1A0]  }
0x41b: {  	v41 =	vld [tilespmem:$0x4A0]  }
0x41c: {  	v42 =	vld [tilespmem:$0x1B0]  }
0x41d: {  	v43 =	vld [tilespmem:$0x4B0]  }
0x41e: {  	v44 =	vld [tilespmem:$0x1C0]  }
0x41f: {  	v45 =	vld [tilespmem:$0x4C0]  }
0x420: {  	vm6 =	veq.s32 v36, v37  }
0x421: {  	vm7 =	veq.s32 v38, v39;
	v0 =	vsel vm6, $0x2710, v37  }
0x422: {  	vm8 =	veq.s32 v40, v41;
	v46 =	vsel vm7, $0x2710, v39;
	[tilespmem:$0x780] =	vst v0  }
0x423: {  	vm9 =	veq.s32 v42, v43;
	v47 =	vsel vm8, $0x2710, v41;
	[tilespmem:$0x790] =	vst v46  }
0x424: {  	vm10 =	veq.s32 v44, v45;
	v48 =	vsel vm9, $0x2710, v43;
	[tilespmem:$0x7A0] =	vst v47  }
0x425: {  	v49 =	vsel vm10, $0x2710, v45;
	[tilespmem:$0x7B0] =	vst v48  }
0x426: {  	s30 =	simm.s32 $0x780;
	[tilespmem:$0x7C0] =	vst v49  }
0x427: {  	[spmem:s13] =	stream.indirect.scatter.add.f32 [tilespmem:s4], [sflag:$0xE], $0x80, s30, s0, $0xb8;
	[tilespmem:$0x1E800] =	vst v63  }
0x428: {  	_ =	swait.ge [sflag:s5], $0x2800  }
0x429: {  	[sflag:s5] =	ssyncset.done $0x0  }
0x42a: {  	[sflag:s5] =	ssyncadd.s32 $0xFFFFD800  }
0x42b: {  	_ =	swait.ge [sflag:s24], $0x2800  }
0x42c: {  	[sflag:s24] =	ssyncset.done $0x0  }
0x42d: {  	[sflag:s24] =	ssyncadd.s32 $0xFFFFD800  }
0x42e: {  	v50 =	vld [tilespmem:$0x200]  }
0x42f: {  	v51 =	vld [tilespmem:$0x500]  }
0x430: {  	v52 =	vld [tilespmem:$0x210]  }
0x431: {  	v53 =	vld [tilespmem:$0x510]  }
0x432: {  	v54 =	vld [tilespmem:$0x220]  }
0x433: {  	v55 =	vld [tilespmem:$0x520]  }
0x434: {  	v56 =	vld [tilespmem:$0x230]  }
0x435: {  	v57 =	vld [tilespmem:$0x530]  }
0x436: {  	v58 =	vld [tilespmem:$0x240]  }
0x437: {  	v59 =	vld [tilespmem:$0x540]  }
0x438: {  	vm11 =	veq.s32 v50, v51  }
0x439: {  	vm12 =	veq.s32 v52, v53;
	v0 =	vsel vm11, $0x2710, v51  }
0x43a: {  	vm13 =	veq.s32 v54, v55;
	v60 =	vsel vm12, $0x2710, v53;
	[tilespmem:$0x600] =	vst v0  }
0x43b: {  	vm14 =	veq.s32 v56, v57;
	v61 =	vsel vm13, $0x2710, v55;
	[tilespmem:$0x610] =	vst v60  }
0x43c: {  	vm15 =	veq.s32 v58, v59;
	v62 =	vsel vm14, $0x2710, v57;
	[tilespmem:$0x620] =	vst v61  }
0x43d: {  	v63 =	vsel vm15, $0x2710, v59;
	[tilespmem:$0x630] =	vst v62  }
0x43e: {  	[tilespmem:$0x640] =	vst v63  }
0x43f: {  	[spmem:s13] =	stream.indirect.scatter.add.f32 [tilespmem:s15], [sflag:$0xB], $0x80, s6, s0, $0xb8;
	[tilespmem:$0x1E800] =	vst v63  }
0x440: {  	_ =	swait.ge [sflag:s18], $0x2800  }
0x441: {  	[sflag:s18] =	ssyncset.done $0x0  }
0x442: {  	[sflag:s18] =	ssyncadd.s32 $0xFFFFD800  }
0x443: {  	_ =	swait.ge [sflag:s26], $0x2800  }
0x444: {  	[sflag:s26] =	ssyncset.done $0x0  }
0x445: {  	[sflag:s26] =	ssyncadd.s32 $0xFFFFD800  }
0x446: {  	[bflag:$0x0] =	sbarrier.arrive $0xFFFF  }
0x447: {  	s19 =	sld [smem:$0x7FB]  }
0x448: {  	s22 =	sld [smem:$0x7D9];
	_ =	sdelay $0x1  }
0x449: {  	s3 =	simm.s32 $0xF;
	s15 =	rddreg [dreg:$0x1e]  }
0x44a: {  	[hbm:s19], [sflag:s15] =	dma.local [spmem:s22], $0x2800  }
0x44b: {  	_ =	swait.ge [sflag:s3], $0x2800  }
0x44c: {  	s24 =	sld [smem:$0x7D8]  }
0x44d: {  	s30 =	sld [smem:$0x7FC];
	_ =	sdelay $0x1  }
0x44e: {  	s1 =	sadd.s32 $0x1, s24  }
0x44f: {  	p0 =	sne.s32 s1, s30  }
.Ltmp1:
0x450: {  	s21 =	simm.s32 $0x300;
	s11 =	simm.s32 $0x380;
	(pc) =	sbr.rel @p0 .LBB2_1-.Ltmp1, $4  }
0x451: {  	s25 =	simm.s32 $0x280;
	s28 =	simm.s32 $0x400;
	s31 =	simm.s32 $0x480  }
0x452: {  	s20 =	simm.s32 $0x500;
	s23 =	simm.s32 $0x680;
	s2 =	simm.s32 $0x200  }
0x453: {  	s17 =	simm.s32 $0x5800;
	s9 =	simm.s32 $0x8000;
	[sflag:s3] =	ssyncset.done $0x0  }
0x454: {  	s4 =	simm.s32 $0x6;
	s5 =	simm.s32 $0x600;
	[sflag:s3] =	ssyncadd.s32 $0xFFFFD800  }
0x455: {  	_ =	sfence.sel $0x180000  }
0x456: {  	[bflag:$0x0] =	sbarrier.arrive $0xFFFF  }
0x457: {  	_ =	strace $0x9000004A  }
0x458: {  	s0 =	stileid.u32;
	[bflag:$0x2] =	sbarrier.arrive $0xFFFF  }
0x459: {  	p0 =	sne.s32 s0, $0x0;
	s0 =	rddreg [dreg:$0x3]  }
0x45a: {  	s0 =	sadd.s32 @!p0 $0x100000, s0  }
0x45b: {  	[sflag:s0] =	ssyncadd.tile.s32 @!p0 $0x1;
	_ =	shalt  }
.Lfunc_end2:
_tile_overlayer_lowered:
.L_overlay_start_2:
0x45c: {  	(tag) =	ssettag $0x2  }
0x45d: {  	s0 =	rddreg [dreg:$0x0];
	s2 =	stileid.u32  }
0x45e: {  	s1 =	rddreg [dreg:$0x1];
	p0 =	sne.s32 s2, $0x0  }
0x45f: {  	s3 =	rddreg [dreg:$0x2];
	[bflag:$0x3] =	sbarrier.arrive $0xFFFF;
	s2 =	simm.s32 @!p0 $0x1C0F  }
0x460: {  	[timem:s3], [sflag:s2] =	dma.local @!p0 [hbm:s0], s1  }
0x461: {  	s0 =	simm.s32 @!p0 $0xF  }
0x462: {  	_ =	swait.ge @!p0 [sflag:s0], s1  }
0x463: {  	s1 =	ssub.s32 @!p0 $0x0, s1;
	[sflag:s0] =	ssyncset.done @!p0 $0x0  }
0x464: {  	[sflag:s0] =	ssyncadd.s32 @!p0 s1  }
0x465: {  	[bflag:$0x3] =	sbarrier.arrive $0xFFFF  }
0x466: {  	_ =	shalt  }

</sc_bundles>
